<compile_context>
chip_gen: v7x
topology: tpu7x:2x2x1
jax: 0.10.2.dev20260603
libtpu: 0.0.44.dev20260713+nightly
codegen_flags: <defaults>
</compile_context>

<pallas_src>
import functools

import jax
import jax.numpy as jnp
from jax import lax
from jax.experimental import pallas as pl
from jax.experimental.pallas import tpu as pltpu
from jax.experimental.pallas import tpu_sc as plsc

_NW = 32
_L = 16
_B = 4
_N = 4096
_M = 4096
_RPW = _N // _NW
_RG = _RPW // _L


def _sc_chamfer_call(gx2, gy2, gz2, g2, px, py, pz, p2):
    mesh = plsc.VectorSubcoreMesh(core_axis_name="c", subcore_axis_name="s")

    @functools.partial(
        pl.kernel,
        mesh=mesh,
        out_type=[
            jax.ShapeDtypeStruct((_NW, _L), jnp.float32),
            jax.ShapeDtypeStruct((_NW, _B * _M), jnp.float32),
        ],
        scratch_types=[
            pltpu.VMEM((_M,), jnp.float32),
            pltpu.VMEM((_M,), jnp.float32),
            pltpu.VMEM((_M,), jnp.float32),
            pltpu.VMEM((_M,), jnp.float32),
            pltpu.VMEM((_RPW,), jnp.float32),
            pltpu.VMEM((_RPW,), jnp.float32),
            pltpu.VMEM((_RPW,), jnp.float32),
            pltpu.VMEM((_RPW,), jnp.float32),
            pltpu.VMEM((_M,), jnp.float32),
            pltpu.VMEM((_L,), jnp.float32),
        ],
    )
    def sc_kernel(gx2_h, gy2_h, gz2_h, g2_h, px_h, py_h, pz_h, p2_h,
                  sumx_out, coly_out,
                  px_v, py_v, pz_v, p2_v, gx_v, gy_v, gz_v, g2_v,
                  colmin_v, sx_v):
        c = lax.axis_index("c")
        s = lax.axis_index("s")
        wid = s * 2 + c

        inf_vec = jnp.full((_L,), jnp.inf, jnp.float32)
        sx_acc = jnp.zeros((_L,), jnp.float32)

        def lane_min(v):
            for shift in (1, 2, 4, 8):
                perm = lax.iota(jnp.int32, _L) ^ shift
                g = lax.gather(
                    v, perm[:, None],
                    lax.GatherDimensionNumbers(
                        offset_dims=(), collapsed_slice_dims=(0,),
                        start_index_map=(0,)),
                    (1,), mode=lax.GatherScatterMode.PROMISE_IN_BOUNDS)
                v = jnp.minimum(v, g)
            return v

        for b in range(_B):
            pltpu.sync_copy(px_h.at[pl.ds(b * _M, _M)], px_v)
            pltpu.sync_copy(py_h.at[pl.ds(b * _M, _M)], py_v)
            pltpu.sync_copy(pz_h.at[pl.ds(b * _M, _M)], pz_v)
            pltpu.sync_copy(p2_h.at[pl.ds(b * _M, _M)], p2_v)
            base = b * _N + wid * _RPW
            pltpu.sync_copy(gx2_h.at[pl.ds(base, _RPW)], gx_v)
            pltpu.sync_copy(gy2_h.at[pl.ds(base, _RPW)], gy_v)
            pltpu.sync_copy(gz2_h.at[pl.ds(base, _RPW)], gz_v)
            pltpu.sync_copy(g2_h.at[pl.ds(base, _RPW)], g2_v)

            def init_chunk(k, carry):
                colmin_v[pl.ds(k * _L, _L)] = inf_vec
                return carry

            lax.fori_loop(0, _M // _L, init_chunk, 0)

            def row_group(rg, sxc):
                gxv = gx_v[pl.ds(rg * _L, _L)]
                gyv = gy_v[pl.ds(rg * _L, _L)]
                gzv = gz_v[pl.ds(rg * _L, _L)]
                g2v = g2_v[pl.ds(rg * _L, _L)]
                gxs = [gxv[u] for u in range(_L)]
                gys = [gyv[u] for u in range(_L)]
                gzs = [gzv[u] for u in range(_L)]
                g2s = [g2v[u] for u in range(_L)]

                def chunk(k, rms):
                    pxv = px_v[pl.ds(k * _L, _L)]
                    pyv = py_v[pl.ds(k * _L, _L)]
                    pzv = pz_v[pl.ds(k * _L, _L)]
                    p2v = p2_v[pl.ds(k * _L, _L)]
                    dvs = []
                    for u in range(_L):
                        dv = g2s[u] + (p2v + gxs[u] * pxv
                                       + gys[u] * pyv + gzs[u] * pzv)
                        dvs.append(dv)
                    cm = dvs[0]
                    for u in range(1, _L):
                        cm = jnp.minimum(cm, dvs[u])
                    colmin_v[pl.ds(k * _L, _L)] = jnp.minimum(
                        colmin_v[pl.ds(k * _L, _L)], cm)
                    return tuple(jnp.minimum(rms[u], dvs[u])
                                 for u in range(_L))

                rms = lax.fori_loop(0, _M // _L, chunk,
                                    tuple(inf_vec for _ in range(_L)))
                zero = jnp.zeros((_L,), jnp.float32)
                for u in range(_L):
                    sxc = sxc + jnp.maximum(lane_min(rms[u]), zero)
                return sxc

            sx_acc = lax.fori_loop(0, _RG, row_group, sx_acc)

            pltpu.sync_copy(colmin_v,
                            coly_out.at[wid, pl.ds(b * _M, _M)])

        sx_v[...] = sx_acc
        pltpu.sync_copy(sx_v, sumx_out.at[wid])

    return sc_kernel(gx2, gy2, gz2, g2, px, py, pz, p2)


def _round_bf16_f32(x):
    u = jax.lax.bitcast_convert_type(x, jnp.uint32)
    lsb = (u >> 16) & jnp.uint32(1)
    r = (u + jnp.uint32(0x7FFF) + lsb) & jnp.uint32(0xFFFF0000)
    return jax.lax.bitcast_convert_type(r, jnp.float32)


def kernel(gts, preds):
    b, n, _ = gts.shape
    m = preds.shape[1]
    f32 = jnp.float32

    gb = _round_bf16_f32(gts)
    pb = _round_bf16_f32(preds)
    g2 = jnp.sum(gts * gts, axis=-1)
    p2 = jnp.sum(preds * preds, axis=-1)

    gx2 = (-2.0 * gb[..., 0]).reshape(-1)
    gy2 = (-2.0 * gb[..., 1]).reshape(-1)
    gz2 = (-2.0 * gb[..., 2]).reshape(-1)
    px = pb[..., 0].reshape(-1)
    py = pb[..., 1].reshape(-1)
    pz = pb[..., 2].reshape(-1)

    sumx, coly = _sc_chamfer_call(
        gx2, gy2, gz2, g2.reshape(-1), px, py, pz, p2.reshape(-1))

    sum_x = jnp.sum(sumx[:, 0])
    miny = jnp.min(coly, axis=0)
    sum_y = jnp.sum(jnp.maximum(miny, 0.0))
    loss = sum_x / (b * n) + sum_y / (b * m)
    return loss

# --- scband reference (transcript-rebuilt; emitter-appended) ---
"""Pipeline reference for scband-chamfer-dist-27204322853517 (READ-ONLY COPY).

The authoritative reference and input builder live on the scoring server;
editing this copy changes nothing except your own understanding.
"""

import jax, jax.numpy as jnp
import numpy as np

def setup_inputs(seed=0) -> dict:
    key = jax.random.key(seed)
    k1, k2 = jax.random.split(key)
    gts = jax.random.normal(k1, (4, 4096, 3), dtype=jnp.float32)
    preds = jax.random.normal(k2, (4, 4096, 3), dtype=jnp.float32)
    return {"gts": gts, "preds": preds}

def reference(gts, preds):
    # pytorch3d.loss.chamfer_distance with default point_reduction='mean',
    # batch_reduction='mean'. Squared euclidean distances, nearest neighbor
    # each direction.
    # Pairwise squared distances [B, N, M] via ||x||^2 + ||y||^2 - 2 x.y
    g2 = jnp.sum(gts * gts, axis=-1)          # [B, N]
    p2 = jnp.sum(preds * preds, axis=-1)      # [B, M]
    cross = jnp.einsum('bnd,bmd->bnm', gts, preds)  # [B, N, M]
    d = g2[:, :, None] + p2[:, None, :] - 2.0 * cross
    d = jnp.maximum(d, 0.0)
    # nearest preds point for each gts point, and vice versa
    cham_x = jnp.min(d, axis=2)   # [B, N]
    cham_y = jnp.min(d, axis=1)   # [B, M]
    # point_reduction='mean'
    cham_x = jnp.mean(cham_x, axis=1)  # [B]
    cham_y = jnp.mean(cham_y, axis=1)  # [B]
    # batch_reduction='mean'
    loss = jnp.mean(cham_x + cham_y)
    return loss

if __name__ == "__main__":
    import jax
    _d = setup_inputs()
    print(jax.jit(kernel)(*tuple(_d.values())))

</pallas_src>

<mosaic_0001>
#map = affine_map<(d0, d1) -> (0)>
#map1 = affine_map<(d0, d1) -> (0, 0)>
module attributes {stable_mosaic.version = 14 : i64} {
  func.func @sc_kernel(%arg0: i32, %arg1: i32, %arg2: memref<16384xf32, #tpu.memory_space<hbm>>, %arg3: memref<16384xf32, #tpu.memory_space<hbm>>, %arg4: memref<16384xf32, #tpu.memory_space<hbm>>, %arg5: memref<16384xf32, #tpu.memory_space<hbm>>, %arg6: memref<16384xf32, #tpu.memory_space<hbm>>, %arg7: memref<16384xf32, #tpu.memory_space<hbm>>, %arg8: memref<16384xf32, #tpu.memory_space<hbm>>, %arg9: memref<16384xf32, #tpu.memory_space<hbm>>, %arg10: memref<32x16xf32, #tpu.memory_space<hbm>>, %arg11: memref<32x16384xf32, #tpu.memory_space<hbm>>, %arg12: memref<4096xf32, #tpu.memory_space<vmem>>, %arg13: memref<4096xf32, #tpu.memory_space<vmem>>, %arg14: memref<4096xf32, #tpu.memory_space<vmem>>, %arg15: memref<4096xf32, #tpu.memory_space<vmem>>, %arg16: memref<128xf32, #tpu.memory_space<vmem>>, %arg17: memref<128xf32, #tpu.memory_space<vmem>>, %arg18: memref<128xf32, #tpu.memory_space<vmem>>, %arg19: memref<128xf32, #tpu.memory_space<vmem>>, %arg20: memref<4096xf32, #tpu.memory_space<vmem>>, %arg21: memref<16xf32, #tpu.memory_space<vmem>>) attributes {dimension_semantics = [#tpu.dimension_semantics<core_parallel>, #tpu.dimension_semantics<subcore_parallel>], iteration_bounds = array<i64: 2, 16>, scalar_prefetch = 0 : i64, scratch_operands = 10 : i64, tpu.core_type = #tpu.core_type<sc_vector_subcore>, window_params = [{transform_indices = #map}, {transform_indices = #map}, {transform_indices = #map}, {transform_indices = #map}, {transform_indices = #map}, {transform_indices = #map}, {transform_indices = #map}, {transform_indices = #map}, {transform_indices = #map1}, {transform_indices = #map1}]} {
    %mul3A = arith.constant 2 : i32
    %mul3A_0 = arith.muli %arg1, %mul3A : i32
    %add3A = arith.addi %mul3A_0, %arg0 : i32
    %broadcast_in_dim3A = arith.constant 0x7F800000 : f32
    %broadcast_in_dim3A_1 = vector.broadcast %broadcast_in_dim3A : f32 to vector<16xf32>
    %broadcast_in_dim3A_2 = arith.constant 0.000000e+00 : f32
    %broadcast_in_dim3A_3 = vector.broadcast %broadcast_in_dim3A_2 : f32 to vector<16xf32>
    "tpu.region"() ({
      %run_scoped3A = tpu.sem_alloc : memref<!tpu.dma_semaphore, #tpu.memory_space<semaphore_mem>>
      %dma_start3A = arith.constant 0 : i32
      %dma_start3A_70 = tpu.memref_slice %arg6[%dma_start3A] : memref<16384xf32, #tpu.memory_space<hbm>> -> memref<4096xf32, #tpu.memory_space<hbm>>
      %dma_start3A_71 = arith.constant 0 : i32
      %dma_start3A_72 = tpu.memref_slice %arg6[%dma_start3A_71] : memref<16384xf32, #tpu.memory_space<hbm>> -> memref<4096xf32, #tpu.memory_space<hbm>>
      tpu.enqueue_dma source(%dma_start3A_72 : memref<4096xf32, #tpu.memory_space<hbm>>) target(%arg12 : memref<4096xf32, #tpu.memory_space<vmem>>) target_semaphore(%run_scoped3A : memref<!tpu.dma_semaphore, #tpu.memory_space<semaphore_mem>>)
      %dma_wait3A = arith.constant 0 : i32
      %dma_wait3A_73 = tpu.memref_slice %arg6[%dma_wait3A] : memref<16384xf32, #tpu.memory_space<hbm>> -> memref<4096xf32, #tpu.memory_space<hbm>>
      %dma_wait3A_74 = arith.constant 0 : i32
      %dma_wait3A_75 = tpu.memref_slice %arg6[%dma_wait3A_74] : memref<16384xf32, #tpu.memory_space<hbm>> -> memref<4096xf32, #tpu.memory_space<hbm>>
      tpu.wait_dma2 semaphore(%run_scoped3A : memref<!tpu.dma_semaphore, #tpu.memory_space<semaphore_mem>>) src(%dma_wait3A_75 : memref<4096xf32, #tpu.memory_space<hbm>>) dst(%arg12 : memref<4096xf32, #tpu.memory_space<vmem>>)
      tpu.yield
    }) : () -> ()
    "tpu.region"() ({
      %run_scoped3A = tpu.sem_alloc : memref<!tpu.dma_semaphore, #tpu.memory_space<semaphore_mem>>
      %dma_start3A = arith.constant 0 : i32
      %dma_start3A_70 = tpu.memref_slice %arg7[%dma_start3A] : memref<16384xf32, #tpu.memory_space<hbm>> -> memref<4096xf32, #tpu.memory_space<hbm>>
      %dma_start3A_71 = arith.constant 0 : i32
      %dma_start3A_72 = tpu.memref_slice %arg7[%dma_start3A_71] : memref<16384xf32, #tpu.memory_space<hbm>> -> memref<4096xf32, #tpu.memory_space<hbm>>
      tpu.enqueue_dma source(%dma_start3A_72 : memref<4096xf32, #tpu.memory_space<hbm>>) target(%arg13 : memref<4096xf32, #tpu.memory_space<vmem>>) target_semaphore(%run_scoped3A : memref<!tpu.dma_semaphore, #tpu.memory_space<semaphore_mem>>)
      %dma_wait3A = arith.constant 0 : i32
      %dma_wait3A_73 = tpu.memref_slice %arg7[%dma_wait3A] : memref<16384xf32, #tpu.memory_space<hbm>> -> memref<4096xf32, #tpu.memory_space<hbm>>
      %dma_wait3A_74 = arith.constant 0 : i32
      %dma_wait3A_75 = tpu.memref_slice %arg7[%dma_wait3A_74] : memref<16384xf32, #tpu.memory_space<hbm>> -> memref<4096xf32, #tpu.memory_space<hbm>>
      tpu.wait_dma2 semaphore(%run_scoped3A : memref<!tpu.dma_semaphore, #tpu.memory_space<semaphore_mem>>) src(%dma_wait3A_75 : memref<4096xf32, #tpu.memory_space<hbm>>) dst(%arg13 : memref<4096xf32, #tpu.memory_space<vmem>>)
      tpu.yield
    }) : () -> ()
    "tpu.region"() ({
      %run_scoped3A = tpu.sem_alloc : memref<!tpu.dma_semaphore, #tpu.memory_space<semaphore_mem>>
      %dma_start3A = arith.constant 0 : i32
      %dma_start3A_70 = tpu.memref_slice %arg8[%dma_start3A] : memref<16384xf32, #tpu.memory_space<hbm>> -> memref<4096xf32, #tpu.memory_space<hbm>>
      %dma_start3A_71 = arith.constant 0 : i32
      %dma_start3A_72 = tpu.memref_slice %arg8[%dma_start3A_71] : memref<16384xf32, #tpu.memory_space<hbm>> -> memref<4096xf32, #tpu.memory_space<hbm>>
      tpu.enqueue_dma source(%dma_start3A_72 : memref<4096xf32, #tpu.memory_space<hbm>>) target(%arg14 : memref<4096xf32, #tpu.memory_space<vmem>>) target_semaphore(%run_scoped3A : memref<!tpu.dma_semaphore, #tpu.memory_space<semaphore_mem>>)
      %dma_wait3A = arith.constant 0 : i32
      %dma_wait3A_73 = tpu.memref_slice %arg8[%dma_wait3A] : memref<16384xf32, #tpu.memory_space<hbm>> -> memref<4096xf32, #tpu.memory_space<hbm>>
      %dma_wait3A_74 = arith.constant 0 : i32
      %dma_wait3A_75 = tpu.memref_slice %arg8[%dma_wait3A_74] : memref<16384xf32, #tpu.memory_space<hbm>> -> memref<4096xf32, #tpu.memory_space<hbm>>
      tpu.wait_dma2 semaphore(%run_scoped3A : memref<!tpu.dma_semaphore, #tpu.memory_space<semaphore_mem>>) src(%dma_wait3A_75 : memref<4096xf32, #tpu.memory_space<hbm>>) dst(%arg14 : memref<4096xf32, #tpu.memory_space<vmem>>)
      tpu.yield
    }) : () -> ()
    "tpu.region"() ({
      %run_scoped3A = tpu.sem_alloc : memref<!tpu.dma_semaphore, #tpu.memory_space<semaphore_mem>>
      %dma_start3A = arith.constant 0 : i32
      %dma_start3A_70 = tpu.memref_slice %arg9[%dma_start3A] : memref<16384xf32, #tpu.memory_space<hbm>> -> memref<4096xf32, #tpu.memory_space<hbm>>
      %dma_start3A_71 = arith.constant 0 : i32
      %dma_start3A_72 = tpu.memref_slice %arg9[%dma_start3A_71] : memref<16384xf32, #tpu.memory_space<hbm>> -> memref<4096xf32, #tpu.memory_space<hbm>>
      tpu.enqueue_dma source(%dma_start3A_72 : memref<4096xf32, #tpu.memory_space<hbm>>) target(%arg15 : memref<4096xf32, #tpu.memory_space<vmem>>) target_semaphore(%run_scoped3A : memref<!tpu.dma_semaphore, #tpu.memory_space<semaphore_mem>>)
      %dma_wait3A = arith.constant 0 : i32
      %dma_wait3A_73 = tpu.memref_slice %arg9[%dma_wait3A] : memref<16384xf32, #tpu.memory_space<hbm>> -> memref<4096xf32, #tpu.memory_space<hbm>>
      %dma_wait3A_74 = arith.constant 0 : i32
      %dma_wait3A_75 = tpu.memref_slice %arg9[%dma_wait3A_74] : memref<16384xf32, #tpu.memory_space<hbm>> -> memref<4096xf32, #tpu.memory_space<hbm>>
      tpu.wait_dma2 semaphore(%run_scoped3A : memref<!tpu.dma_semaphore, #tpu.memory_space<semaphore_mem>>) src(%dma_wait3A_75 : memref<4096xf32, #tpu.memory_space<hbm>>) dst(%arg15 : memref<4096xf32, #tpu.memory_space<vmem>>)
      tpu.yield
    }) : () -> ()
    %mul3A_4 = arith.constant 128 : i32
    %mul3A_5 = arith.muli %add3A, %mul3A_4 : i32
    %add3A_6 = arith.constant 0 : i32
    %add3A_7 = arith.addi %add3A_6, %mul3A_5 : i32
    "tpu.region"() ({
      %run_scoped3A = tpu.sem_alloc : memref<!tpu.dma_semaphore, #tpu.memory_space<semaphore_mem>>
      %dma_start3A = tpu.memref_slice %arg2[%add3A_7] : memref<16384xf32, #tpu.memory_space<hbm>> -> memref<128xf32, #tpu.memory_space<hbm>>
      %dma_start3A_70 = tpu.memref_slice %arg2[%add3A_7] : memref<16384xf32, #tpu.memory_space<hbm>> -> memref<128xf32, #tpu.memory_space<hbm>>
      tpu.enqueue_dma source(%dma_start3A_70 : memref<128xf32, #tpu.memory_space<hbm>>) target(%arg16 : memref<128xf32, #tpu.memory_space<vmem>>) target_semaphore(%run_scoped3A : memref<!tpu.dma_semaphore, #tpu.memory_space<semaphore_mem>>)
      %dma_wait3A = tpu.memref_slice %arg2[%add3A_7] : memref<16384xf32, #tpu.memory_space<hbm>> -> memref<128xf32, #tpu.memory_space<hbm>>
      %dma_wait3A_71 = tpu.memref_slice %arg2[%add3A_7] : memref<16384xf32, #tpu.memory_space<hbm>> -> memref<128xf32, #tpu.memory_space<hbm>>
      tpu.wait_dma2 semaphore(%run_scoped3A : memref<!tpu.dma_semaphore, #tpu.memory_space<semaphore_mem>>) src(%dma_wait3A_71 : memref<128xf32, #tpu.memory_space<hbm>>) dst(%arg16 : memref<128xf32, #tpu.memory_space<vmem>>)
      tpu.yield
    }) : () -> ()
    "tpu.region"() ({
      %run_scoped3A = tpu.sem_alloc : memref<!tpu.dma_semaphore, #tpu.memory_space<semaphore_mem>>
      %dma_start3A = tpu.memref_slice %arg3[%add3A_7] : memref<16384xf32, #tpu.memory_space<hbm>> -> memref<128xf32, #tpu.memory_space<hbm>>
      %dma_start3A_70 = tpu.memref_slice %arg3[%add3A_7] : memref<16384xf32, #tpu.memory_space<hbm>> -> memref<128xf32, #tpu.memory_space<hbm>>
      tpu.enqueue_dma source(%dma_start3A_70 : memref<128xf32, #tpu.memory_space<hbm>>) target(%arg17 : memref<128xf32, #tpu.memory_space<vmem>>) target_semaphore(%run_scoped3A : memref<!tpu.dma_semaphore, #tpu.memory_space<semaphore_mem>>)
      %dma_wait3A = tpu.memref_slice %arg3[%add3A_7] : memref<16384xf32, #tpu.memory_space<hbm>> -> memref<128xf32, #tpu.memory_space<hbm>>
      %dma_wait3A_71 = tpu.memref_slice %arg3[%add3A_7] : memref<16384xf32, #tpu.memory_space<hbm>> -> memref<128xf32, #tpu.memory_space<hbm>>
      tpu.wait_dma2 semaphore(%run_scoped3A : memref<!tpu.dma_semaphore, #tpu.memory_space<semaphore_mem>>) src(%dma_wait3A_71 : memref<128xf32, #tpu.memory_space<hbm>>) dst(%arg17 : memref<128xf32, #tpu.memory_space<vmem>>)
      tpu.yield
    }) : () -> ()
    "tpu.region"() ({
      %run_scoped3A = tpu.sem_alloc : memref<!tpu.dma_semaphore, #tpu.memory_space<semaphore_mem>>
      %dma_start3A = tpu.memref_slice %arg4[%add3A_7] : memref<16384xf32, #tpu.memory_space<hbm>> -> memref<128xf32, #tpu.memory_space<hbm>>
      %dma_start3A_70 = tpu.memref_slice %arg4[%add3A_7] : memref<16384xf32, #tpu.memory_space<hbm>> -> memref<128xf32, #tpu.memory_space<hbm>>
      tpu.enqueue_dma source(%dma_start3A_70 : memref<128xf32, #tpu.memory_space<hbm>>) target(%arg18 : memref<128xf32, #tpu.memory_space<vmem>>) target_semaphore(%run_scoped3A : memref<!tpu.dma_semaphore, #tpu.memory_space<semaphore_mem>>)
      %dma_wait3A = tpu.memref_slice %arg4[%add3A_7] : memref<16384xf32, #tpu.memory_space<hbm>> -> memref<128xf32, #tpu.memory_space<hbm>>
      %dma_wait3A_71 = tpu.memref_slice %arg4[%add3A_7] : memref<16384xf32, #tpu.memory_space<hbm>> -> memref<128xf32, #tpu.memory_space<hbm>>
      tpu.wait_dma2 semaphore(%run_scoped3A : memref<!tpu.dma_semaphore, #tpu.memory_space<semaphore_mem>>) src(%dma_wait3A_71 : memref<128xf32, #tpu.memory_space<hbm>>) dst(%arg18 : memref<128xf32, #tpu.memory_space<vmem>>)
      tpu.yield
    }) : () -> ()
    "tpu.region"() ({
      %run_scoped3A = tpu.sem_alloc : memref<!tpu.dma_semaphore, #tpu.memory_space<semaphore_mem>>
      %dma_start3A = tpu.memref_slice %arg5[%add3A_7] : memref<16384xf32, #tpu.memory_space<hbm>> -> memref<128xf32, #tpu.memory_space<hbm>>
      %dma_start3A_70 = tpu.memref_slice %arg5[%add3A_7] : memref<16384xf32, #tpu.memory_space<hbm>> -> memref<128xf32, #tpu.memory_space<hbm>>
      tpu.enqueue_dma source(%dma_start3A_70 : memref<128xf32, #tpu.memory_space<hbm>>) target(%arg19 : memref<128xf32, #tpu.memory_space<vmem>>) target_semaphore(%run_scoped3A : memref<!tpu.dma_semaphore, #tpu.memory_space<semaphore_mem>>)
      %dma_wait3A = tpu.memref_slice %arg5[%add3A_7] : memref<16384xf32, #tpu.memory_space<hbm>> -> memref<128xf32, #tpu.memory_space<hbm>>
      %dma_wait3A_71 = tpu.memref_slice %arg5[%add3A_7] : memref<16384xf32, #tpu.memory_space<hbm>> -> memref<128xf32, #tpu.memory_space<hbm>>
      tpu.wait_dma2 semaphore(%run_scoped3A : memref<!tpu.dma_semaphore, #tpu.memory_space<semaphore_mem>>) src(%dma_wait3A_71 : memref<128xf32, #tpu.memory_space<hbm>>) dst(%arg19 : memref<128xf32, #tpu.memory_space<vmem>>)
      tpu.yield
    }) : () -> ()
    %scan3A = arith.constant 0 : i32
    %scan3A_8 = arith.constant 0 : i32
    %scan3A_9 = arith.constant 256 : i32
    %scan3A_10 = arith.addi %scan3A_8, %scan3A_9 : i32
    %scan3A_11 = arith.constant 1 : i32
    scf.for %scan3A_70 = %scan3A_8 to %scan3A_10 step %scan3A_11  : i32 {
      %mul3A_71 = arith.constant 16 : i32
      %mul3A_72 = arith.muli %scan3A_70, %mul3A_71 : i32
      %swap3A_73 = arith.index_cast %mul3A_72 : i32 to index
      %swap3A_74 = tpu.vector_load %arg20[%swap3A_73] {strides = array<i32>} : memref<4096xf32, #tpu.memory_space<vmem>>, vector<16xf32>,
      %swap3A_75 = vector.shape_cast %swap3A_74 : vector<16xf32> to vector<16xf32>
      %swap3A_76 = vector.shape_cast %broadcast_in_dim3A_1 : vector<16xf32> to vector<16xf32>
      tpu.vector_store %arg20[%swap3A_73], %swap3A_76 {strides = array<i32>} : memref<4096xf32, #tpu.memory_space<vmem>>, vector<16xf32>,
    }
    %scan3A_12 = arith.constant 256 : i32
    %scan3A_13 = arith.constant 0 : i32
    %scan3A_14 = arith.constant 8 : i32
    %scan3A_15 = arith.addi %scan3A_13, %scan3A_14 : i32
    %scan3A_16 = arith.constant 1 : i32
    %scan3A_17 = scf.for %scan3A_70 = %scan3A_13 to %scan3A_15 step %scan3A_16 iter_args(%scan3A_71 = %broadcast_in_dim3A_3) -> (vector<16xf32>)  : i32 {
      %mul3A_72 = arith.constant 16 : i32
      %mul3A_73 = arith.muli %scan3A_70, %mul3A_72 : i32
      %get3A = arith.index_cast %mul3A_73 : i32 to index
      %get3A_74 = tpu.vector_load %arg16[%get3A] {strides = array<i32>} : memref<128xf32, #tpu.memory_space<vmem>>, vector<16xf32>,
      %get3A_75 = vector.shape_cast %get3A_74 : vector<16xf32> to vector<16xf32>
      %mul3A_76 = arith.constant 16 : i32
      %mul3A_77 = arith.muli %scan3A_70, %mul3A_76 : i32
      %get3A_78 = arith.index_cast %mul3A_77 : i32 to index
      %get3A_79 = tpu.vector_load %arg17[%get3A_78] {strides = array<i32>} : memref<128xf32, #tpu.memory_space<vmem>>, vector<16xf32>,
      %get3A_80 = vector.shape_cast %get3A_79 : vector<16xf32> to vector<16xf32>
      %mul3A_81 = arith.constant 16 : i32
      %mul3A_82 = arith.muli %scan3A_70, %mul3A_81 : i32
      %get3A_83 = arith.index_cast %mul3A_82 : i32 to index
      %get3A_84 = tpu.vector_load %arg18[%get3A_83] {strides = array<i32>} : memref<128xf32, #tpu.memory_space<vmem>>, vector<16xf32>,
      %get3A_85 = vector.shape_cast %get3A_84 : vector<16xf32> to vector<16xf32>
      %mul3A_86 = arith.constant 16 : i32
      %mul3A_87 = arith.muli %scan3A_70, %mul3A_86 : i32
      %get3A_88 = arith.index_cast %mul3A_87 : i32 to index
      %get3A_89 = tpu.vector_load %arg19[%get3A_88] {strides = array<i32>} : memref<128xf32, #tpu.memory_space<vmem>>, vector<16xf32>,
      %get3A_90 = vector.shape_cast %get3A_89 : vector<16xf32> to vector<16xf32>
      %slice3A = vector.extract_strided_slice %get3A_75 {offsets = [0], sizes = [1], strides = [1]} : vector<16xf32> to vector<1xf32>
      %squeeze3A = vector.extract %slice3A[0] : f32 from vector<1xf32>
      %slice3A_91 = vector.extract_strided_slice %get3A_75 {offsets = [1], sizes = [1], strides = [1]} : vector<16xf32> to vector<1xf32>
      %squeeze3A_92 = vector.extract %slice3A_91[0] : f32 from vector<1xf32>
      %slice3A_93 = vector.extract_strided_slice %get3A_75 {offsets = [2], sizes = [1], strides = [1]} : vector<16xf32> to vector<1xf32>
      %squeeze3A_94 = vector.extract %slice3A_93[0] : f32 from vector<1xf32>
      %slice3A_95 = vector.extract_strided_slice %get3A_75 {offsets = [3], sizes = [1], strides = [1]} : vector<16xf32> to vector<1xf32>
      %squeeze3A_96 = vector.extract %slice3A_95[0] : f32 from vector<1xf32>
      %slice3A_97 = vector.extract_strided_slice %get3A_75 {offsets = [4], sizes = [1], strides = [1]} : vector<16xf32> to vector<1xf32>
      %squeeze3A_98 = vector.extract %slice3A_97[0] : f32 from vector<1xf32>
      %slice3A_99 = vector.extract_strided_slice %get3A_75 {offsets = [5], sizes = [1], strides = [1]} : vector<16xf32> to vector<1xf32>
      %squeeze3A_100 = vector.extract %slice3A_99[0] : f32 from vector<1xf32>
      %slice3A_101 = vector.extract_strided_slice %get3A_75 {offsets = [6], sizes = [1], strides = [1]} : vector<16xf32> to vector<1xf32>
      %squeeze3A_102 = vector.extract %slice3A_101[0] : f32 from vector<1xf32>
      %slice3A_103 = vector.extract_strided_slice %get3A_75 {offsets = [7], sizes = [1], strides = [1]} : vector<16xf32> to vector<1xf32>
      %squeeze3A_104 = vector.extract %slice3A_103[0] : f32 from vector<1xf32>
      %slice3A_105 = vector.extract_strided_slice %get3A_75 {offsets = [8], sizes = [1], strides = [1]} : vector<16xf32> to vector<1xf32>
      %squeeze3A_106 = vector.extract %slice3A_105[0] : f32 from vector<1xf32>
      %slice3A_107 = vector.extract_strided_slice %get3A_75 {offsets = [9], sizes = [1], strides = [1]} : vector<16xf32> to vector<1xf32>
      %squeeze3A_108 = vector.extract %slice3A_107[0] : f32 from vector<1xf32>
      %slice3A_109 = vector.extract_strided_slice %get3A_75 {offsets = [10], sizes = [1], strides = [1]} : vector<16xf32> to vector<1xf32>
      %squeeze3A_110 = vector.extract %slice3A_109[0] : f32 from vector<1xf32>
      %slice3A_111 = vector.extract_strided_slice %get3A_75 {offsets = [11], sizes = [1], strides = [1]} : vector<16xf32> to vector<1xf32>
      %squeeze3A_112 = vector.extract %slice3A_111[0] : f32 from vector<1xf32>
      %slice3A_113 = vector.extract_strided_slice %get3A_75 {offsets = [12], sizes = [1], strides = [1]} : vector<16xf32> to vector<1xf32>
      %squeeze3A_114 = vector.extract %slice3A_113[0] : f32 from vector<1xf32>
      %slice3A_115 = vector.extract_strided_slice %get3A_75 {offsets = [13], sizes = [1], strides = [1]} : vector<16xf32> to vector<1xf32>
      %squeeze3A_116 = vector.extract %slice3A_115[0] : f32 from vector<1xf32>
      %slice3A_117 = vector.extract_strided_slice %get3A_75 {offsets = [14], sizes = [1], strides = [1]} : vector<16xf32> to vector<1xf32>
      %squeeze3A_118 = vector.extract %slice3A_117[0] : f32 from vector<1xf32>
      %slice3A_119 = vector.extract_strided_slice %get3A_75 {offsets = [15], sizes = [1], strides = [1]} : vector<16xf32> to vector<1xf32>
      %squeeze3A_120 = vector.extract %slice3A_119[0] : f32 from vector<1xf32>
      %slice3A_121 = vector.extract_strided_slice %get3A_80 {offsets = [0], sizes = [1], strides = [1]} : vector<16xf32> to vector<1xf32>
      %squeeze3A_122 = vector.extract %slice3A_121[0] : f32 from vector<1xf32>
      %slice3A_123 = vector.extract_strided_slice %get3A_80 {offsets = [1], sizes = [1], strides = [1]} : vector<16xf32> to vector<1xf32>
      %squeeze3A_124 = vector.extract %slice3A_123[0] : f32 from vector<1xf32>
      %slice3A_125 = vector.extract_strided_slice %get3A_80 {offsets = [2], sizes = [1], strides = [1]} : vector<16xf32> to vector<1xf32>
      %squeeze3A_126 = vector.extract %slice3A_125[0] : f32 from vector<1xf32>
      %slice3A_127 = vector.extract_strided_slice %get3A_80 {offsets = [3], sizes = [1], strides = [1]} : vector<16xf32> to vector<1xf32>
      %squeeze3A_128 = vector.extract %slice3A_127[0] : f32 from vector<1xf32>
      %slice3A_129 = vector.extract_strided_slice %get3A_80 {offsets = [4], sizes = [1], strides = [1]} : vector<16xf32> to vector<1xf32>
      %squeeze3A_130 = vector.extract %slice3A_129[0] : f32 from vector<1xf32>
      %slice3A_131 = vector.extract_strided_slice %get3A_80 {offsets = [5], sizes = [1], strides = [1]} : vector<16xf32> to vector<1xf32>
      %squeeze3A_132 = vector.extract %slice3A_131[0] : f32 from vector<1xf32>
      %slice3A_133 = vector.extract_strided_slice %get3A_80 {offsets = [6], sizes = [1], strides = [1]} : vector<16xf32> to vector<1xf32>
      %squeeze3A_134 = vector.extract %slice3A_133[0] : f32 from vector<1xf32>
      %slice3A_135 = vector.extract_strided_slice %get3A_80 {offsets = [7], sizes = [1], strides = [1]} : vector<16xf32> to vector<1xf32>
      %squeeze3A_136 = vector.extract %slice3A_135[0] : f32 from vector<1xf32>
      %slice3A_137 = vector.extract_strided_slice %get3A_80 {offsets = [8], sizes = [1], strides = [1]} : vector<16xf32> to vector<1xf32>
      %squeeze3A_138 = vector.extract %slice3A_137[0] : f32 from vector<1xf32>
      %slice3A_139 = vector.extract_strided_slice %get3A_80 {offsets = [9], sizes = [1], strides = [1]} : vector<16xf32> to vector<1xf32>
      %squeeze3A_140 = vector.extract %slice3A_139[0] : f32 from vector<1xf32>
      %slice3A_141 = vector.extract_strided_slice %get3A_80 {offsets = [10], sizes = [1], strides = [1]} : vector<16xf32> to vector<1xf32>
      %squeeze3A_142 = vector.extract %slice3A_141[0] : f32 from vector<1xf32>
      %slice3A_143 = vector.extract_strided_slice %get3A_80 {offsets = [11], sizes = [1], strides = [1]} : vector<16xf32> to vector<1xf32>
      %squeeze3A_144 = vector.extract %slice3A_143[0] : f32 from vector<1xf32>
      %slice3A_145 = vector.extract_strided_slice %get3A_80 {offsets = [12], sizes = [1], strides = [1]} : vector<16xf32> to vector<1xf32>
      %squeeze3A_146 = vector.extract %slice3A_145[0] : f32 from vector<1xf32>
      %slice3A_147 = vector.extract_strided_slice %get3A_80 {offsets = [13], sizes = [1], strides = [1]} : vector<16xf32> to vector<1xf32>
      %squeeze3A_148 = vector.extract %slice3A_147[0] : f32 from vector<1xf32>
      %slice3A_149 = vector.extract_strided_slice %get3A_80 {offsets = [14], sizes = [1], strides = [1]} : vector<16xf32> to vector<1xf32>
      %squeeze3A_150 = vector.extract %slice3A_149[0] : f32 from vector<1xf32>
      %slice3A_151 = vector.extract_strided_slice %get3A_80 {offsets = [15], sizes = [1], strides = [1]} : vector<16xf32> to vector<1xf32>
      %squeeze3A_152 = vector.extract %slice3A_151[0] : f32 from vector<1xf32>
      %slice3A_153 = vector.extract_strided_slice %get3A_85 {offsets = [0], sizes = [1], strides = [1]} : vector<16xf32> to vector<1xf32>
      %squeeze3A_154 = vector.extract %slice3A_153[0] : f32 from vector<1xf32>
      %slice3A_155 = vector.extract_strided_slice %get3A_85 {offsets = [1], sizes = [1], strides = [1]} : vector<16xf32> to vector<1xf32>
      %squeeze3A_156 = vector.extract %slice3A_155[0] : f32 from vector<1xf32>
      %slice3A_157 = vector.extract_strided_slice %get3A_85 {offsets = [2], sizes = [1], strides = [1]} : vector<16xf32> to vector<1xf32>
      %squeeze3A_158 = vector.extract %slice3A_157[0] : f32 from vector<1xf32>
      %slice3A_159 = vector.extract_strided_slice %get3A_85 {offsets = [3], sizes = [1], strides = [1]} : vector<16xf32> to vector<1xf32>
      %squeeze3A_160 = vector.extract %slice3A_159[0] : f32 from vector<1xf32>
      %slice3A_161 = vector.extract_strided_slice %get3A_85 {offsets = [4], sizes = [1], strides = [1]} : vector<16xf32> to vector<1xf32>
      %squeeze3A_162 = vector.extract %slice3A_161[0] : f32 from vector<1xf32>
      %slice3A_163 = vector.extract_strided_slice %get3A_85 {offsets = [5], sizes = [1], strides = [1]} : vector<16xf32> to vector<1xf32>
      %squeeze3A_164 = vector.extract %slice3A_163[0] : f32 from vector<1xf32>
      %slice3A_165 = vector.extract_strided_slice %get3A_85 {offsets = [6], sizes = [1], strides = [1]} : vector<16xf32> to vector<1xf32>
      %squeeze3A_166 = vector.extract %slice3A_165[0] : f32 from vector<1xf32>
      %slice3A_167 = vector.extract_strided_slice %get3A_85 {offsets = [7], sizes = [1], strides = [1]} : vector<16xf32> to vector<1xf32>
      %squeeze3A_168 = vector.extract %slice3A_167[0] : f32 from vector<1xf32>
      %slice3A_169 = vector.extract_strided_slice %get3A_85 {offsets = [8], sizes = [1], strides = [1]} : vector<16xf32> to vector<1xf32>
      %squeeze3A_170 = vector.extract %slice3A_169[0] : f32 from vector<1xf32>
      %slice3A_171 = vector.extract_strided_slice %get3A_85 {offsets = [9], sizes = [1], strides = [1]} : vector<16xf32> to vector<1xf32>
      %squeeze3A_172 = vector.extract %slice3A_171[0] : f32 from vector<1xf32>
      %slice3A_173 = vector.extract_strided_slice %get3A_85 {offsets = [10], sizes = [1], strides = [1]} : vector<16xf32> to vector<1xf32>
      %squeeze3A_174 = vector.extract %slice3A_173[0] : f32 from vector<1xf32>
      %slice3A_175 = vector.extract_strided_slice %get3A_85 {offsets = [11], sizes = [1], strides = [1]} : vector<16xf32> to vector<1xf32>
      %squeeze3A_176 = vector.extract %slice3A_175[0] : f32 from vector<1xf32>
      %slice3A_177 = vector.extract_strided_slice %get3A_85 {offsets = [12], sizes = [1], strides = [1]} : vector<16xf32> to vector<1xf32>
      %squeeze3A_178 = vector.extract %slice3A_177[0] : f32 from vector<1xf32>
      %slice3A_179 = vector.extract_strided_slice %get3A_85 {offsets = [13], sizes = [1], strides = [1]} : vector<16xf32> to vector<1xf32>
      %squeeze3A_180 = vector.extract %slice3A_179[0] : f32 from vector<1xf32>
      %slice3A_181 = vector.extract_strided_slice %get3A_85 {offsets = [14], sizes = [1], strides = [1]} : vector<16xf32> to vector<1xf32>
      %squeeze3A_182 = vector.extract %slice3A_181[0] : f32 from vector<1xf32>
      %slice3A_183 = vector.extract_strided_slice %get3A_85 {offsets = [15], sizes = [1], strides = [1]} : vector<16xf32> to vector<1xf32>
      %squeeze3A_184 = vector.extract %slice3A_183[0] : f32 from vector<1xf32>
      %slice3A_185 = vector.extract_strided_slice %get3A_90 {offsets = [0], sizes = [1], strides = [1]} : vector<16xf32> to vector<1xf32>
      %squeeze3A_186 = vector.extract %slice3A_185[0] : f32 from vector<1xf32>
      %slice3A_187 = vector.extract_strided_slice %get3A_90 {offsets = [1], sizes = [1], strides = [1]} : vector<16xf32> to vector<1xf32>
      %squeeze3A_188 = vector.extract %slice3A_187[0] : f32 from vector<1xf32>
      %slice3A_189 = vector.extract_strided_slice %get3A_90 {offsets = [2], sizes = [1], strides = [1]} : vector<16xf32> to vector<1xf32>
      %squeeze3A_190 = vector.extract %slice3A_189[0] : f32 from vector<1xf32>
      %slice3A_191 = vector.extract_strided_slice %get3A_90 {offsets = [3], sizes = [1], strides = [1]} : vector<16xf32> to vector<1xf32>
      %squeeze3A_192 = vector.extract %slice3A_191[0] : f32 from vector<1xf32>
      %slice3A_193 = vector.extract_strided_slice %get3A_90 {offsets = [4], sizes = [1], strides = [1]} : vector<16xf32> to vector<1xf32>
      %squeeze3A_194 = vector.extract %slice3A_193[0] : f32 from vector<1xf32>
      %slice3A_195 = vector.extract_strided_slice %get3A_90 {offsets = [5], sizes = [1], strides = [1]} : vector<16xf32> to vector<1xf32>
      %squeeze3A_196 = vector.extract %slice3A_195[0] : f32 from vector<1xf32>
      %slice3A_197 = vector.extract_strided_slice %get3A_90 {offsets = [6], sizes = [1], strides = [1]} : vector<16xf32> to vector<1xf32>
      %squeeze3A_198 = vector.extract %slice3A_197[0] : f32 from vector<1xf32>
      %slice3A_199 = vector.extract_strided_slice %get3A_90 {offsets = [7], sizes = [1], strides = [1]} : vector<16xf32> to vector<1xf32>
      %squeeze3A_200 = vector.extract %slice3A_199[0] : f32 from vector<1xf32>
      %slice3A_201 = vector.extract_strided_slice %get3A_90 {offsets = [8], sizes = [1], strides = [1]} : vector<16xf32> to vector<1xf32>
      %squeeze3A_202 = vector.extract %slice3A_201[0] : f32 from vector<1xf32>
      %slice3A_203 = vector.extract_strided_slice %get3A_90 {offsets = [9], sizes = [1], strides = [1]} : vector<16xf32> to vector<1xf32>
      %squeeze3A_204 = vector.extract %slice3A_203[0] : f32 from vector<1xf32>
      %slice3A_205 = vector.extract_strided_slice %get3A_90 {offsets = [10], sizes = [1], strides = [1]} : vector<16xf32> to vector<1xf32>
      %squeeze3A_206 = vector.extract %slice3A_205[0] : f32 from vector<1xf32>
      %slice3A_207 = vector.extract_strided_slice %get3A_90 {offsets = [11], sizes = [1], strides = [1]} : vector<16xf32> to vector<1xf32>
      %squeeze3A_208 = vector.extract %slice3A_207[0] : f32 from vector<1xf32>
      %slice3A_209 = vector.extract_strided_slice %get3A_90 {offsets = [12], sizes = [1], strides = [1]} : vector<16xf32> to vector<1xf32>
      %squeeze3A_210 = vector.extract %slice3A_209[0] : f32 from vector<1xf32>
      %slice3A_211 = vector.extract_strided_slice %get3A_90 {offsets = [13], sizes = [1], strides = [1]} : vector<16xf32> to vector<1xf32>
      %squeeze3A_212 = vector.extract %slice3A_211[0] : f32 from vector<1xf32>
      %slice3A_213 = vector.extract_strided_slice %get3A_90 {offsets = [14], sizes = [1], strides = [1]} : vector<16xf32> to vector<1xf32>
      %squeeze3A_214 = vector.extract %slice3A_213[0] : f32 from vector<1xf32>
      %slice3A_215 = vector.extract_strided_slice %get3A_90 {offsets = [15], sizes = [1], strides = [1]} : vector<16xf32> to vector<1xf32>
      %squeeze3A_216 = vector.extract %slice3A_215[0] : f32 from vector<1xf32>
      %scan3A_217 = arith.constant 0 : i32
      %scan3A_218 = arith.constant 256 : i32
      %scan3A_219 = arith.addi %scan3A_217, %scan3A_218 : i32
      %scan3A_220 = arith.constant 1 : i32
      %scan3A_221:16 = scf.for %scan3A_764 = %scan3A_217 to %scan3A_219 step %scan3A_220 iter_args(%scan3A_765 = %broadcast_in_dim3A_1, %scan3A_766 = %broadcast_in_dim3A_1, %scan3A_767 = %broadcast_in_dim3A_1, %scan3A_768 = %broadcast_in_dim3A_1, %scan3A_769 = %broadcast_in_dim3A_1, %scan3A_770 = %broadcast_in_dim3A_1, %scan3A_771 = %broadcast_in_dim3A_1, %scan3A_772 = %broadcast_in_dim3A_1, %scan3A_773 = %broadcast_in_dim3A_1, %scan3A_774 = %broadcast_in_dim3A_1, %scan3A_775 = %broadcast_in_dim3A_1, %scan3A_776 = %broadcast_in_dim3A_1, %scan3A_777 = %broadcast_in_dim3A_1, %scan3A_778 = %broadcast_in_dim3A_1, %scan3A_779 = %broadcast_in_dim3A_1, %scan3A_780 = %broadcast_in_dim3A_1) -> (vector<16xf32>, vector<16xf32>, vector<16xf32>, vector<16xf32>, vector<16xf32>, vector<16xf32>, vector<16xf32>, vector<16xf32>, vector<16xf32>, vector<16xf32>, vector<16xf32>, vector<16xf32>, vector<16xf32>, vector<16xf32>, vector<16xf32>, vector<16xf32>)  : i32 {
        %mul3A_781 = arith.constant 16 : i32
        %mul3A_782 = arith.muli %scan3A_764, %mul3A_781 : i32
        %get3A_783 = arith.index_cast %mul3A_782 : i32 to index
        %get3A_784 = tpu.vector_load %arg12[%get3A_783] {strides = array<i32>} : memref<4096xf32, #tpu.memory_space<vmem>>, vector<16xf32>,
        %get3A_785 = vector.shape_cast %get3A_784 : vector<16xf32> to vector<16xf32>
        %mul3A_786 = arith.constant 16 : i32
        %mul3A_787 = arith.muli %scan3A_764, %mul3A_786 : i32
        %get3A_788 = arith.index_cast %mul3A_787 : i32 to index
        %get3A_789 = tpu.vector_load %arg13[%get3A_788] {strides = array<i32>} : memref<4096xf32, #tpu.memory_space<vmem>>, vector<16xf32>,
        %get3A_790 = vector.shape_cast %get3A_789 : vector<16xf32> to vector<16xf32>
        %mul3A_791 = arith.constant 16 : i32
        %mul3A_792 = arith.muli %scan3A_764, %mul3A_791 : i32
        %get3A_793 = arith.index_cast %mul3A_792 : i32 to index
        %get3A_794 = tpu.vector_load %arg14[%get3A_793] {strides = array<i32>} : memref<4096xf32, #tpu.memory_space<vmem>>, vector<16xf32>,
        %get3A_795 = vector.shape_cast %get3A_794 : vector<16xf32> to vector<16xf32>
        %mul3A_796 = arith.constant 16 : i32
        %mul3A_797 = arith.muli %scan3A_764, %mul3A_796 : i32
        %get3A_798 = arith.index_cast %mul3A_797 : i32 to index
        %get3A_799 = tpu.vector_load %arg15[%get3A_798] {strides = array<i32>} : memref<4096xf32, #tpu.memory_space<vmem>>, vector<16xf32>,
        %get3A_800 = vector.shape_cast %get3A_799 : vector<16xf32> to vector<16xf32>
        %mul3A_801 = vector.broadcast %squeeze3A : f32 to vector<16xf32>
        %mul3A_802 = arith.mulf %mul3A_801, %get3A_785 : vector<16xf32>
        %add3A_803 = arith.addf %get3A_800, %mul3A_802 : vector<16xf32>
        %mul3A_804 = vector.broadcast %squeeze3A_122 : f32 to vector<16xf32>
        %mul3A_805 = arith.mulf %mul3A_804, %get3A_790 : vector<16xf32>
        %add3A_806 = arith.addf %add3A_803, %mul3A_805 : vector<16xf32>
        %mul3A_807 = vector.broadcast %squeeze3A_154 : f32 to vector<16xf32>
        %mul3A_808 = arith.mulf %mul3A_807, %get3A_795 : vector<16xf32>
        %add3A_809 = arith.addf %add3A_806, %mul3A_808 : vector<16xf32>
        %add3A_810 = vector.broadcast %squeeze3A_186 : f32 to vector<16xf32>
        %add3A_811 = arith.addf %add3A_810, %add3A_809 : vector<16xf32>
        %mul3A_812 = vector.broadcast %squeeze3A_92 : f32 to vector<16xf32>
        %mul3A_813 = arith.mulf %mul3A_812, %get3A_785 : vector<16xf32>
        %add3A_814 = arith.addf %get3A_800, %mul3A_813 : vector<16xf32>
        %mul3A_815 = vector.broadcast %squeeze3A_124 : f32 to vector<16xf32>
        %mul3A_816 = arith.mulf %mul3A_815, %get3A_790 : vector<16xf32>
        %add3A_817 = arith.addf %add3A_814, %mul3A_816 : vector<16xf32>
        %mul3A_818 = vector.broadcast %squeeze3A_156 : f32 to vector<16xf32>
        %mul3A_819 = arith.mulf %mul3A_818, %get3A_795 : vector<16xf32>
        %add3A_820 = arith.addf %add3A_817, %mul3A_819 : vector<16xf32>
        %add3A_821 = vector.broadcast %squeeze3A_188 : f32 to vector<16xf32>
        %add3A_822 = arith.addf %add3A_821, %add3A_820 : vector<16xf32>
        %mul3A_823 = vector.broadcast %squeeze3A_94 : f32 to vector<16xf32>
        %mul3A_824 = arith.mulf %mul3A_823, %get3A_785 : vector<16xf32>
        %add3A_825 = arith.addf %get3A_800, %mul3A_824 : vector<16xf32>
        %mul3A_826 = vector.broadcast %squeeze3A_126 : f32 to vector<16xf32>
        %mul3A_827 = arith.mulf %mul3A_826, %get3A_790 : vector<16xf32>
        %add3A_828 = arith.addf %add3A_825, %mul3A_827 : vector<16xf32>
        %mul3A_829 = vector.broadcast %squeeze3A_158 : f32 to vector<16xf32>
        %mul3A_830 = arith.mulf %mul3A_829, %get3A_795 : vector<16xf32>
        %add3A_831 = arith.addf %add3A_828, %mul3A_830 : vector<16xf32>
        %add3A_832 = vector.broadcast %squeeze3A_190 : f32 to vector<16xf32>
        %add3A_833 = arith.addf %add3A_832, %add3A_831 : vector<16xf32>
        %mul3A_834 = vector.broadcast %squeeze3A_96 : f32 to vector<16xf32>
        %mul3A_835 = arith.mulf %mul3A_834, %get3A_785 : vector<16xf32>
        %add3A_836 = arith.addf %get3A_800, %mul3A_835 : vector<16xf32>
        %mul3A_837 = vector.broadcast %squeeze3A_128 : f32 to vector<16xf32>
        %mul3A_838 = arith.mulf %mul3A_837, %get3A_790 : vector<16xf32>
        %add3A_839 = arith.addf %add3A_836, %mul3A_838 : vector<16xf32>
        %mul3A_840 = vector.broadcast %squeeze3A_160 : f32 to vector<16xf32>
        %mul3A_841 = arith.mulf %mul3A_840, %get3A_795 : vector<16xf32>
        %add3A_842 = arith.addf %add3A_839, %mul3A_841 : vector<16xf32>
        %add3A_843 = vector.broadcast %squeeze3A_192 : f32 to vector<16xf32>
        %add3A_844 = arith.addf %add3A_843, %add3A_842 : vector<16xf32>
        %mul3A_845 = vector.broadcast %squeeze3A_98 : f32 to vector<16xf32>
        %mul3A_846 = arith.mulf %mul3A_845, %get3A_785 : vector<16xf32>
        %add3A_847 = arith.addf %get3A_800, %mul3A_846 : vector<16xf32>
        %mul3A_848 = vector.broadcast %squeeze3A_130 : f32 to vector<16xf32>
        %mul3A_849 = arith.mulf %mul3A_848, %get3A_790 : vector<16xf32>
        %add3A_850 = arith.addf %add3A_847, %mul3A_849 : vector<16xf32>
        %mul3A_851 = vector.broadcast %squeeze3A_162 : f32 to vector<16xf32>
        %mul3A_852 = arith.mulf %mul3A_851, %get3A_795 : vector<16xf32>
        %add3A_853 = arith.addf %add3A_850, %mul3A_852 : vector<16xf32>
        %add3A_854 = vector.broadcast %squeeze3A_194 : f32 to vector<16xf32>
        %add3A_855 = arith.addf %add3A_854, %add3A_853 : vector<16xf32>
        %mul3A_856 = vector.broadcast %squeeze3A_100 : f32 to vector<16xf32>
        %mul3A_857 = arith.mulf %mul3A_856, %get3A_785 : vector<16xf32>
        %add3A_858 = arith.addf %get3A_800, %mul3A_857 : vector<16xf32>
        %mul3A_859 = vector.broadcast %squeeze3A_132 : f32 to vector<16xf32>
        %mul3A_860 = arith.mulf %mul3A_859, %get3A_790 : vector<16xf32>
        %add3A_861 = arith.addf %add3A_858, %mul3A_860 : vector<16xf32>
        %mul3A_862 = vector.broadcast %squeeze3A_164 : f32 to vector<16xf32>
        %mul3A_863 = arith.mulf %mul3A_862, %get3A_795 : vector<16xf32>
        %add3A_864 = arith.addf %add3A_861, %mul3A_863 : vector<16xf32>
        %add3A_865 = vector.broadcast %squeeze3A_196 : f32 to vector<16xf32>
        %add3A_866 = arith.addf %add3A_865, %add3A_864 : vector<16xf32>
        %mul3A_867 = vector.broadcast %squeeze3A_102 : f32 to vector<16xf32>
        %mul3A_868 = arith.mulf %mul3A_867, %get3A_785 : vector<16xf32>
        %add3A_869 = arith.addf %get3A_800, %mul3A_868 : vector<16xf32>
        %mul3A_870 = vector.broadcast %squeeze3A_134 : f32 to vector<16xf32>
        %mul3A_871 = arith.mulf %mul3A_870, %get3A_790 : vector<16xf32>
        %add3A_872 = arith.addf %add3A_869, %mul3A_871 : vector<16xf32>
        %mul3A_873 = vector.broadcast %squeeze3A_166 : f32 to vector<16xf32>
        %mul3A_874 = arith.mulf %mul3A_873, %get3A_795 : vector<16xf32>
        %add3A_875 = arith.addf %add3A_872, %mul3A_874 : vector<16xf32>
        %add3A_876 = vector.broadcast %squeeze3A_198 : f32 to vector<16xf32>
        %add3A_877 = arith.addf %add3A_876, %add3A_875 : vector<16xf32>
        %mul3A_878 = vector.broadcast %squeeze3A_104 : f32 to vector<16xf32>
        %mul3A_879 = arith.mulf %mul3A_878, %get3A_785 : vector<16xf32>
        %add3A_880 = arith.addf %get3A_800, %mul3A_879 : vector<16xf32>
        %mul3A_881 = vector.broadcast %squeeze3A_136 : f32 to vector<16xf32>
        %mul3A_882 = arith.mulf %mul3A_881, %get3A_790 : vector<16xf32>
        %add3A_883 = arith.addf %add3A_880, %mul3A_882 : vector<16xf32>
        %mul3A_884 = vector.broadcast %squeeze3A_168 : f32 to vector<16xf32>
        %mul3A_885 = arith.mulf %mul3A_884, %get3A_795 : vector<16xf32>
        %add3A_886 = arith.addf %add3A_883, %mul3A_885 : vector<16xf32>
        %add3A_887 = vector.broadcast %squeeze3A_200 : f32 to vector<16xf32>
        %add3A_888 = arith.addf %add3A_887, %add3A_886 : vector<16xf32>
        %mul3A_889 = vector.broadcast %squeeze3A_106 : f32 to vector<16xf32>
        %mul3A_890 = arith.mulf %mul3A_889, %get3A_785 : vector<16xf32>
        %add3A_891 = arith.addf %get3A_800, %mul3A_890 : vector<16xf32>
        %mul3A_892 = vector.broadcast %squeeze3A_138 : f32 to vector<16xf32>
        %mul3A_893 = arith.mulf %mul3A_892, %get3A_790 : vector<16xf32>
        %add3A_894 = arith.addf %add3A_891, %mul3A_893 : vector<16xf32>
        %mul3A_895 = vector.broadcast %squeeze3A_170 : f32 to vector<16xf32>
        %mul3A_896 = arith.mulf %mul3A_895, %get3A_795 : vector<16xf32>
        %add3A_897 = arith.addf %add3A_894, %mul3A_896 : vector<16xf32>
        %add3A_898 = vector.broadcast %squeeze3A_202 : f32 to vector<16xf32>
        %add3A_899 = arith.addf %add3A_898, %add3A_897 : vector<16xf32>
        %mul3A_900 = vector.broadcast %squeeze3A_108 : f32 to vector<16xf32>
        %mul3A_901 = arith.mulf %mul3A_900, %get3A_785 : vector<16xf32>
        %add3A_902 = arith.addf %get3A_800, %mul3A_901 : vector<16xf32>
        %mul3A_903 = vector.broadcast %squeeze3A_140 : f32 to vector<16xf32>
        %mul3A_904 = arith.mulf %mul3A_903, %get3A_790 : vector<16xf32>
        %add3A_905 = arith.addf %add3A_902, %mul3A_904 : vector<16xf32>
        %mul3A_906 = vector.broadcast %squeeze3A_172 : f32 to vector<16xf32>
        %mul3A_907 = arith.mulf %mul3A_906, %get3A_795 : vector<16xf32>
        %add3A_908 = arith.addf %add3A_905, %mul3A_907 : vector<16xf32>
        %add3A_909 = vector.broadcast %squeeze3A_204 : f32 to vector<16xf32>
        %add3A_910 = arith.addf %add3A_909, %add3A_908 : vector<16xf32>
        %mul3A_911 = vector.broadcast %squeeze3A_110 : f32 to vector<16xf32>
        %mul3A_912 = arith.mulf %mul3A_911, %get3A_785 : vector<16xf32>
        %add3A_913 = arith.addf %get3A_800, %mul3A_912 : vector<16xf32>
        %mul3A_914 = vector.broadcast %squeeze3A_142 : f32 to vector<16xf32>
        %mul3A_915 = arith.mulf %mul3A_914, %get3A_790 : vector<16xf32>
        %add3A_916 = arith.addf %add3A_913, %mul3A_915 : vector<16xf32>
        %mul3A_917 = vector.broadcast %squeeze3A_174 : f32 to vector<16xf32>
        %mul3A_918 = arith.mulf %mul3A_917, %get3A_795 : vector<16xf32>
        %add3A_919 = arith.addf %add3A_916, %mul3A_918 : vector<16xf32>
        %add3A_920 = vector.broadcast %squeeze3A_206 : f32 to vector<16xf32>
        %add3A_921 = arith.addf %add3A_920, %add3A_919 : vector<16xf32>
        %mul3A_922 = vector.broadcast %squeeze3A_112 : f32 to vector<16xf32>
        %mul3A_923 = arith.mulf %mul3A_922, %get3A_785 : vector<16xf32>
        %add3A_924 = arith.addf %get3A_800, %mul3A_923 : vector<16xf32>
        %mul3A_925 = vector.broadcast %squeeze3A_144 : f32 to vector<16xf32>
        %mul3A_926 = arith.mulf %mul3A_925, %get3A_790 : vector<16xf32>
        %add3A_927 = arith.addf %add3A_924, %mul3A_926 : vector<16xf32>
        %mul3A_928 = vector.broadcast %squeeze3A_176 : f32 to vector<16xf32>
        %mul3A_929 = arith.mulf %mul3A_928, %get3A_795 : vector<16xf32>
        %add3A_930 = arith.addf %add3A_927, %mul3A_929 : vector<16xf32>
        %add3A_931 = vector.broadcast %squeeze3A_208 : f32 to vector<16xf32>
        %add3A_932 = arith.addf %add3A_931, %add3A_930 : vector<16xf32>
        %mul3A_933 = vector.broadcast %squeeze3A_114 : f32 to vector<16xf32>
        %mul3A_934 = arith.mulf %mul3A_933, %get3A_785 : vector<16xf32>
        %add3A_935 = arith.addf %get3A_800, %mul3A_934 : vector<16xf32>
        %mul3A_936 = vector.broadcast %squeeze3A_146 : f32 to vector<16xf32>
        %mul3A_937 = arith.mulf %mul3A_936, %get3A_790 : vector<16xf32>
        %add3A_938 = arith.addf %add3A_935, %mul3A_937 : vector<16xf32>
        %mul3A_939 = vector.broadcast %squeeze3A_178 : f32 to vector<16xf32>
        %mul3A_940 = arith.mulf %mul3A_939, %get3A_795 : vector<16xf32>
        %add3A_941 = arith.addf %add3A_938, %mul3A_940 : vector<16xf32>
        %add3A_942 = vector.broadcast %squeeze3A_210 : f32 to vector<16xf32>
        %add3A_943 = arith.addf %add3A_942, %add3A_941 : vector<16xf32>
        %mul3A_944 = vector.broadcast %squeeze3A_116 : f32 to vector<16xf32>
        %mul3A_945 = arith.mulf %mul3A_944, %get3A_785 : vector<16xf32>
        %add3A_946 = arith.addf %get3A_800, %mul3A_945 : vector<16xf32>
        %mul3A_947 = vector.broadcast %squeeze3A_148 : f32 to vector<16xf32>
        %mul3A_948 = arith.mulf %mul3A_947, %get3A_790 : vector<16xf32>
        %add3A_949 = arith.addf %add3A_946, %mul3A_948 : vector<16xf32>
        %mul3A_950 = vector.broadcast %squeeze3A_180 : f32 to vector<16xf32>
        %mul3A_951 = arith.mulf %mul3A_950, %get3A_795 : vector<16xf32>
        %add3A_952 = arith.addf %add3A_949, %mul3A_951 : vector<16xf32>
        %add3A_953 = vector.broadcast %squeeze3A_212 : f32 to vector<16xf32>
        %add3A_954 = arith.addf %add3A_953, %add3A_952 : vector<16xf32>
        %mul3A_955 = vector.broadcast %squeeze3A_118 : f32 to vector<16xf32>
        %mul3A_956 = arith.mulf %mul3A_955, %get3A_785 : vector<16xf32>
        %add3A_957 = arith.addf %get3A_800, %mul3A_956 : vector<16xf32>
        %mul3A_958 = vector.broadcast %squeeze3A_150 : f32 to vector<16xf32>
        %mul3A_959 = arith.mulf %mul3A_958, %get3A_790 : vector<16xf32>
        %add3A_960 = arith.addf %add3A_957, %mul3A_959 : vector<16xf32>
        %mul3A_961 = vector.broadcast %squeeze3A_182 : f32 to vector<16xf32>
        %mul3A_962 = arith.mulf %mul3A_961, %get3A_795 : vector<16xf32>
        %add3A_963 = arith.addf %add3A_960, %mul3A_962 : vector<16xf32>
        %add3A_964 = vector.broadcast %squeeze3A_214 : f32 to vector<16xf32>
        %add3A_965 = arith.addf %add3A_964, %add3A_963 : vector<16xf32>
        %mul3A_966 = vector.broadcast %squeeze3A_120 : f32 to vector<16xf32>
        %mul3A_967 = arith.mulf %mul3A_966, %get3A_785 : vector<16xf32>
        %add3A_968 = arith.addf %get3A_800, %mul3A_967 : vector<16xf32>
        %mul3A_969 = vector.broadcast %squeeze3A_152 : f32 to vector<16xf32>
        %mul3A_970 = arith.mulf %mul3A_969, %get3A_790 : vector<16xf32>
        %add3A_971 = arith.addf %add3A_968, %mul3A_970 : vector<16xf32>
        %mul3A_972 = vector.broadcast %squeeze3A_184 : f32 to vector<16xf32>
        %mul3A_973 = arith.mulf %mul3A_972, %get3A_795 : vector<16xf32>
        %add3A_974 = arith.addf %add3A_971, %mul3A_973 : vector<16xf32>
        %add3A_975 = vector.broadcast %squeeze3A_216 : f32 to vector<16xf32>
        %add3A_976 = arith.addf %add3A_975, %add3A_974 : vector<16xf32>
        %min3A_977 = arith.minimumf %add3A_811, %add3A_822 : vector<16xf32>
        %min3A_978 = arith.minimumf %min3A_977, %add3A_833 : vector<16xf32>
        %min3A_979 = arith.minimumf %min3A_978, %add3A_844 : vector<16xf32>
        %min3A_980 = arith.minimumf %min3A_979, %add3A_855 : vector<16xf32>
        %min3A_981 = arith.minimumf %min3A_980, %add3A_866 : vector<16xf32>
        %min3A_982 = arith.minimumf %min3A_981, %add3A_877 : vector<16xf32>
        %min3A_983 = arith.minimumf %min3A_982, %add3A_888 : vector<16xf32>
        %min3A_984 = arith.minimumf %min3A_983, %add3A_899 : vector<16xf32>
        %min3A_985 = arith.minimumf %min3A_984, %add3A_910 : vector<16xf32>
        %min3A_986 = arith.minimumf %min3A_985, %add3A_921 : vector<16xf32>
        %min3A_987 = arith.minimumf %min3A_986, %add3A_932 : vector<16xf32>
        %min3A_988 = arith.minimumf %min3A_987, %add3A_943 : vector<16xf32>
        %min3A_989 = arith.minimumf %min3A_988, %add3A_954 : vector<16xf32>
        %min3A_990 = arith.minimumf %min3A_989, %add3A_965 : vector<16xf32>
        %min3A_991 = arith.minimumf %min3A_990, %add3A_976 : vector<16xf32>
        %mul3A_992 = arith.constant 16 : i32
        %mul3A_993 = arith.muli %scan3A_764, %mul3A_992 : i32
        %get3A_994 = arith.index_cast %mul3A_993 : i32 to index
        %get3A_995 = tpu.vector_load %arg20[%get3A_994] {strides = array<i32>} : memref<4096xf32, #tpu.memory_space<vmem>>, vector<16xf32>,
        %get3A_996 = vector.shape_cast %get3A_995 : vector<16xf32> to vector<16xf32>
        %min3A_997 = arith.minimumf %get3A_996, %min3A_991 : vector<16xf32>
        %mul3A_998 = arith.constant 16 : i32
        %mul3A_999 = arith.muli %scan3A_764, %mul3A_998 : i32
        %swap3A_1000 = arith.index_cast %mul3A_999 : i32 to index
        %swap3A_1001 = tpu.vector_load %arg20[%swap3A_1000] {strides = array<i32>} : memref<4096xf32, #tpu.memory_space<vmem>>, vector<16xf32>,
        %swap3A_1002 = vector.shape_cast %swap3A_1001 : vector<16xf32> to vector<16xf32>
        %swap3A_1003 = vector.shape_cast %min3A_997 : vector<16xf32> to vector<16xf32>
        tpu.vector_store %arg20[%swap3A_1000], %swap3A_1003 {strides = array<i32>} : memref<4096xf32, #tpu.memory_space<vmem>>, vector<16xf32>,
        %min3A_1004 = arith.minimumf %scan3A_765, %add3A_811 : vector<16xf32>
        %min3A_1005 = arith.minimumf %scan3A_766, %add3A_822 : vector<16xf32>
        %min3A_1006 = arith.minimumf %scan3A_767, %add3A_833 : vector<16xf32>
        %min3A_1007 = arith.minimumf %scan3A_768, %add3A_844 : vector<16xf32>
        %min3A_1008 = arith.minimumf %scan3A_769, %add3A_855 : vector<16xf32>
        %min3A_1009 = arith.minimumf %scan3A_770, %add3A_866 : vector<16xf32>
        %min3A_1010 = arith.minimumf %scan3A_771, %add3A_877 : vector<16xf32>
        %min3A_1011 = arith.minimumf %scan3A_772, %add3A_888 : vector<16xf32>
        %min3A_1012 = arith.minimumf %scan3A_773, %add3A_899 : vector<16xf32>
        %min3A_1013 = arith.minimumf %scan3A_774, %add3A_910 : vector<16xf32>
        %min3A_1014 = arith.minimumf %scan3A_775, %add3A_921 : vector<16xf32>
        %min3A_1015 = arith.minimumf %scan3A_776, %add3A_932 : vector<16xf32>
        %min3A_1016 = arith.minimumf %scan3A_777, %add3A_943 : vector<16xf32>
        %min3A_1017 = arith.minimumf %scan3A_778, %add3A_954 : vector<16xf32>
        %min3A_1018 = arith.minimumf %scan3A_779, %add3A_965 : vector<16xf32>
        %min3A_1019 = arith.minimumf %scan3A_780, %add3A_976 : vector<16xf32>
        scf.yield %min3A_1004, %min3A_1005, %min3A_1006, %min3A_1007, %min3A_1008, %min3A_1009, %min3A_1010, %min3A_1011, %min3A_1012, %min3A_1013, %min3A_1014, %min3A_1015, %min3A_1016, %min3A_1017, %min3A_1018, %min3A_1019 : vector<16xf32>, vector<16xf32>, vector<16xf32>, vector<16xf32>, vector<16xf32>, vector<16xf32>, vector<16xf32>, vector<16xf32>, vector<16xf32>, vector<16xf32>, vector<16xf32>, vector<16xf32>, vector<16xf32>, vector<16xf32>, vector<16xf32>, vector<16xf32>
      }
      %scan3A_222 = arith.constant 256 : i32
      %broadcast_in_dim3A_223 = arith.constant 0.000000e+00 : f32
      %broadcast_in_dim3A_224 = vector.broadcast %broadcast_in_dim3A_223 : f32 to vector<16xf32>
      %iota3A = tpu.iota {dimensions = array<i32: 0>} : vector<16xi32>
      %xor3A = arith.constant 1 : i32
      %xor3A_225 = vector.broadcast %xor3A : i32 to vector<16xi32>
      %xor3A_226 = arith.xori %iota3A, %xor3A_225 : vector<16xi32>
      %broadcast_in_dim3A_227 = vector.shape_cast %xor3A_226 : vector<16xi32> to vector<16x1xi32>
      %gather3A = vector.shape_cast %broadcast_in_dim3A_227 : vector<16x1xi32> to vector<16xi32>
      %gather3A_228 = tpu.dynamic_gather %scan3A_221#0[%gather3A] in [0] : vector<16xf32>, vector<16xi32> -> vector<16xf32>
      %min3A = arith.minimumf %scan3A_221#0, %gather3A_228 : vector<16xf32>
      %iota3A_229 = tpu.iota {dimensions = array<i32: 0>} : vector<16xi32>
      %xor3A_230 = arith.constant 2 : i32
      %xor3A_231 = vector.broadcast %xor3A_230 : i32 to vector<16xi32>
      %xor3A_232 = arith.xori %iota3A_229, %xor3A_231 : vector<16xi32>
      %broadcast_in_dim3A_233 = vector.shape_cast %xor3A_232 : vector<16xi32> to vector<16x1xi32>
      %gather3A_234 = vector.shape_cast %broadcast_in_dim3A_233 : vector<16x1xi32> to vector<16xi32>
      %gather3A_235 = tpu.dynamic_gather %min3A[%gather3A_234] in [0] : vector<16xf32>, vector<16xi32> -> vector<16xf32>
      %min3A_236 = arith.minimumf %min3A, %gather3A_235 : vector<16xf32>
      %iota3A_237 = tpu.iota {dimensions = array<i32: 0>} : vector<16xi32>
      %xor3A_238 = arith.constant 4 : i32
      %xor3A_239 = vector.broadcast %xor3A_238 : i32 to vector<16xi32>
      %xor3A_240 = arith.xori %iota3A_237, %xor3A_239 : vector<16xi32>
      %broadcast_in_dim3A_241 = vector.shape_cast %xor3A_240 : vector<16xi32> to vector<16x1xi32>
      %gather3A_242 = vector.shape_cast %broadcast_in_dim3A_241 : vector<16x1xi32> to vector<16xi32>
      %gather3A_243 = tpu.dynamic_gather %min3A_236[%gather3A_242] in [0] : vector<16xf32>, vector<16xi32> -> vector<16xf32>
      %min3A_244 = arith.minimumf %min3A_236, %gather3A_243 : vector<16xf32>
      %iota3A_245 = tpu.iota {dimensions = array<i32: 0>} : vector<16xi32>
      %xor3A_246 = arith.constant 8 : i32
      %xor3A_247 = vector.broadcast %xor3A_246 : i32 to vector<16xi32>
      %xor3A_248 = arith.xori %iota3A_245, %xor3A_247 : vector<16xi32>
      %broadcast_in_dim3A_249 = vector.shape_cast %xor3A_248 : vector<16xi32> to vector<16x1xi32>
      %gather3A_250 = vector.shape_cast %broadcast_in_dim3A_249 : vector<16x1xi32> to vector<16xi32>
      %gather3A_251 = tpu.dynamic_gather %min3A_244[%gather3A_250] in [0] : vector<16xf32>, vector<16xi32> -> vector<16xf32>
      %min3A_252 = arith.minimumf %min3A_244, %gather3A_251 : vector<16xf32>
      %max3A = arith.maximumf %min3A_252, %broadcast_in_dim3A_224 : vector<16xf32>
      %add3A_253 = arith.addf %scan3A_71, %max3A : vector<16xf32>
      %iota3A_254 = tpu.iota {dimensions = array<i32: 0>} : vector<16xi32>
      %xor3A_255 = arith.constant 1 : i32
      %xor3A_256 = vector.broadcast %xor3A_255 : i32 to vector<16xi32>
      %xor3A_257 = arith.xori %iota3A_254, %xor3A_256 : vector<16xi32>
      %broadcast_in_dim3A_258 = vector.shape_cast %xor3A_257 : vector<16xi32> to vector<16x1xi32>
      %gather3A_259 = vector.shape_cast %broadcast_in_dim3A_258 : vector<16x1xi32> to vector<16xi32>
      %gather3A_260 = tpu.dynamic_gather %scan3A_221#1[%gather3A_259] in [0] : vector<16xf32>, vector<16xi32> -> vector<16xf32>
      %min3A_261 = arith.minimumf %scan3A_221#1, %gather3A_260 : vector<16xf32>
      %iota3A_262 = tpu.iota {dimensions = array<i32: 0>} : vector<16xi32>
      %xor3A_263 = arith.constant 2 : i32
      %xor3A_264 = vector.broadcast %xor3A_263 : i32 to vector<16xi32>
      %xor3A_265 = arith.xori %iota3A_262, %xor3A_264 : vector<16xi32>
      %broadcast_in_dim3A_266 = vector.shape_cast %xor3A_265 : vector<16xi32> to vector<16x1xi32>
      %gather3A_267 = vector.shape_cast %broadcast_in_dim3A_266 : vector<16x1xi32> to vector<16xi32>
      %gather3A_268 = tpu.dynamic_gather %min3A_261[%gather3A_267] in [0] : vector<16xf32>, vector<16xi32> -> vector<16xf32>
      %min3A_269 = arith.minimumf %min3A_261, %gather3A_268 : vector<16xf32>
      %iota3A_270 = tpu.iota {dimensions = array<i32: 0>} : vector<16xi32>
      %xor3A_271 = arith.constant 4 : i32
      %xor3A_272 = vector.broadcast %xor3A_271 : i32 to vector<16xi32>
      %xor3A_273 = arith.xori %iota3A_270, %xor3A_272 : vector<16xi32>
      %broadcast_in_dim3A_274 = vector.shape_cast %xor3A_273 : vector<16xi32> to vector<16x1xi32>
      %gather3A_275 = vector.shape_cast %broadcast_in_dim3A_274 : vector<16x1xi32> to vector<16xi32>
      %gather3A_276 = tpu.dynamic_gather %min3A_269[%gather3A_275] in [0] : vector<16xf32>, vector<16xi32> -> vector<16xf32>
      %min3A_277 = arith.minimumf %min3A_269, %gather3A_276 : vector<16xf32>
      %iota3A_278 = tpu.iota {dimensions = array<i32: 0>} : vector<16xi32>
      %xor3A_279 = arith.constant 8 : i32
      %xor3A_280 = vector.broadcast %xor3A_279 : i32 to vector<16xi32>
      %xor3A_281 = arith.xori %iota3A_278, %xor3A_280 : vector<16xi32>
      %broadcast_in_dim3A_282 = vector.shape_cast %xor3A_281 : vector<16xi32> to vector<16x1xi32>
      %gather3A_283 = vector.shape_cast %broadcast_in_dim3A_282 : vector<16x1xi32> to vector<16xi32>
      %gather3A_284 = tpu.dynamic_gather %min3A_277[%gather3A_283] in [0] : vector<16xf32>, vector<16xi32> -> vector<16xf32>
      %min3A_285 = arith.minimumf %min3A_277, %gather3A_284 : vector<16xf32>
      %max3A_286 = arith.maximumf %min3A_285, %broadcast_in_dim3A_224 : vector<16xf32>
      %add3A_287 = arith.addf %add3A_253, %max3A_286 : vector<16xf32>
      %iota3A_288 = tpu.iota {dimensions = array<i32: 0>} : vector<16xi32>
      %xor3A_289 = arith.constant 1 : i32
      %xor3A_290 = vector.broadcast %xor3A_289 : i32 to vector<16xi32>
      %xor3A_291 = arith.xori %iota3A_288, %xor3A_290 : vector<16xi32>
      %broadcast_in_dim3A_292 = vector.shape_cast %xor3A_291 : vector<16xi32> to vector<16x1xi32>
      %gather3A_293 = vector.shape_cast %broadcast_in_dim3A_292 : vector<16x1xi32> to vector<16xi32>
      %gather3A_294 = tpu.dynamic_gather %scan3A_221#2[%gather3A_293] in [0] : vector<16xf32>, vector<16xi32> -> vector<16xf32>
      %min3A_295 = arith.minimumf %scan3A_221#2, %gather3A_294 : vector<16xf32>
      %iota3A_296 = tpu.iota {dimensions = array<i32: 0>} : vector<16xi32>
      %xor3A_297 = arith.constant 2 : i32
      %xor3A_298 = vector.broadcast %xor3A_297 : i32 to vector<16xi32>
      %xor3A_299 = arith.xori %iota3A_296, %xor3A_298 : vector<16xi32>
      %broadcast_in_dim3A_300 = vector.shape_cast %xor3A_299 : vector<16xi32> to vector<16x1xi32>
      %gather3A_301 = vector.shape_cast %broadcast_in_dim3A_300 : vector<16x1xi32> to vector<16xi32>
      %gather3A_302 = tpu.dynamic_gather %min3A_295[%gather3A_301] in [0] : vector<16xf32>, vector<16xi32> -> vector<16xf32>
      %min3A_303 = arith.minimumf %min3A_295, %gather3A_302 : vector<16xf32>
      %iota3A_304 = tpu.iota {dimensions = array<i32: 0>} : vector<16xi32>
      %xor3A_305 = arith.constant 4 : i32
      %xor3A_306 = vector.broadcast %xor3A_305 : i32 to vector<16xi32>
      %xor3A_307 = arith.xori %iota3A_304, %xor3A_306 : vector<16xi32>
      %broadcast_in_dim3A_308 = vector.shape_cast %xor3A_307 : vector<16xi32> to vector<16x1xi32>
      %gather3A_309 = vector.shape_cast %broadcast_in_dim3A_308 : vector<16x1xi32> to vector<16xi32>
      %gather3A_310 = tpu.dynamic_gather %min3A_303[%gather3A_309] in [0] : vector<16xf32>, vector<16xi32> -> vector<16xf32>
      %min3A_311 = arith.minimumf %min3A_303, %gather3A_310 : vector<16xf32>
      %iota3A_312 = tpu.iota {dimensions = array<i32: 0>} : vector<16xi32>
      %xor3A_313 = arith.constant 8 : i32
      %xor3A_314 = vector.broadcast %xor3A_313 : i32 to vector<16xi32>
      %xor3A_315 = arith.xori %iota3A_312, %xor3A_314 : vector<16xi32>
      %broadcast_in_dim3A_316 = vector.shape_cast %xor3A_315 : vector<16xi32> to vector<16x1xi32>
      %gather3A_317 = vector.shape_cast %broadcast_in_dim3A_316 : vector<16x1xi32> to vector<16xi32>
      %gather3A_318 = tpu.dynamic_gather %min3A_311[%gather3A_317] in [0] : vector<16xf32>, vector<16xi32> -> vector<16xf32>
      %min3A_319 = arith.minimumf %min3A_311, %gather3A_318 : vector<16xf32>
      %max3A_320 = arith.maximumf %min3A_319, %broadcast_in_dim3A_224 : vector<16xf32>
      %add3A_321 = arith.addf %add3A_287, %max3A_320 : vector<16xf32>
      %iota3A_322 = tpu.iota {dimensions = array<i32: 0>} : vector<16xi32>
      %xor3A_323 = arith.constant 1 : i32
      %xor3A_324 = vector.broadcast %xor3A_323 : i32 to vector<16xi32>
      %xor3A_325 = arith.xori %iota3A_322, %xor3A_324 : vector<16xi32>
      %broadcast_in_dim3A_326 = vector.shape_cast %xor3A_325 : vector<16xi32> to vector<16x1xi32>
      %gather3A_327 = vector.shape_cast %broadcast_in_dim3A_326 : vector<16x1xi32> to vector<16xi32>
      %gather3A_328 = tpu.dynamic_gather %scan3A_221#3[%gather3A_327] in [0] : vector<16xf32>, vector<16xi32> -> vector<16xf32>
      %min3A_329 = arith.minimumf %scan3A_221#3, %gather3A_328 : vector<16xf32>
      %iota3A_330 = tpu.iota {dimensions = array<i32: 0>} : vector<16xi32>
      %xor3A_331 = arith.constant 2 : i32
      %xor3A_332 = vector.broadcast %xor3A_331 : i32 to vector<16xi32>
      %xor3A_333 = arith.xori %iota3A_330, %xor3A_332 : vector<16xi32>
      %broadcast_in_dim3A_334 = vector.shape_cast %xor3A_333 : vector<16xi32> to vector<16x1xi32>
      %gather3A_335 = vector.shape_cast %broadcast_in_dim3A_334 : vector<16x1xi32> to vector<16xi32>
      %gather3A_336 = tpu.dynamic_gather %min3A_329[%gather3A_335] in [0] : vector<16xf32>, vector<16xi32> -> vector<16xf32>
      %min3A_337 = arith.minimumf %min3A_329, %gather3A_336 : vector<16xf32>
      %iota3A_338 = tpu.iota {dimensions = array<i32: 0>} : vector<16xi32>
      %xor3A_339 = arith.constant 4 : i32
      %xor3A_340 = vector.broadcast %xor3A_339 : i32 to vector<16xi32>
      %xor3A_341 = arith.xori %iota3A_338, %xor3A_340 : vector<16xi32>
      %broadcast_in_dim3A_342 = vector.shape_cast %xor3A_341 : vector<16xi32> to vector<16x1xi32>
      %gather3A_343 = vector.shape_cast %broadcast_in_dim3A_342 : vector<16x1xi32> to vector<16xi32>
      %gather3A_344 = tpu.dynamic_gather %min3A_337[%gather3A_343] in [0] : vector<16xf32>, vector<16xi32> -> vector<16xf32>
      %min3A_345 = arith.minimumf %min3A_337, %gather3A_344 : vector<16xf32>
      %iota3A_346 = tpu.iota {dimensions = array<i32: 0>} : vector<16xi32>
      %xor3A_347 = arith.constant 8 : i32
      %xor3A_348 = vector.broadcast %xor3A_347 : i32 to vector<16xi32>
      %xor3A_349 = arith.xori %iota3A_346, %xor3A_348 : vector<16xi32>
      %broadcast_in_dim3A_350 = vector.shape_cast %xor3A_349 : vector<16xi32> to vector<16x1xi32>
      %gather3A_351 = vector.shape_cast %broadcast_in_dim3A_350 : vector<16x1xi32> to vector<16xi32>
      %gather3A_352 = tpu.dynamic_gather %min3A_345[%gather3A_351] in [0] : vector<16xf32>, vector<16xi32> -> vector<16xf32>
      %min3A_353 = arith.minimumf %min3A_345, %gather3A_352 : vector<16xf32>
      %max3A_354 = arith.maximumf %min3A_353, %broadcast_in_dim3A_224 : vector<16xf32>
      %add3A_355 = arith.addf %add3A_321, %max3A_354 : vector<16xf32>
      %iota3A_356 = tpu.iota {dimensions = array<i32: 0>} : vector<16xi32>
      %xor3A_357 = arith.constant 1 : i32
      %xor3A_358 = vector.broadcast %xor3A_357 : i32 to vector<16xi32>
      %xor3A_359 = arith.xori %iota3A_356, %xor3A_358 : vector<16xi32>
      %broadcast_in_dim3A_360 = vector.shape_cast %xor3A_359 : vector<16xi32> to vector<16x1xi32>
      %gather3A_361 = vector.shape_cast %broadcast_in_dim3A_360 : vector<16x1xi32> to vector<16xi32>
      %gather3A_362 = tpu.dynamic_gather %scan3A_221#4[%gather3A_361] in [0] : vector<16xf32>, vector<16xi32> -> vector<16xf32>
      %min3A_363 = arith.minimumf %scan3A_221#4, %gather3A_362 : vector<16xf32>
      %iota3A_364 = tpu.iota {dimensions = array<i32: 0>} : vector<16xi32>
      %xor3A_365 = arith.constant 2 : i32
      %xor3A_366 = vector.broadcast %xor3A_365 : i32 to vector<16xi32>
      %xor3A_367 = arith.xori %iota3A_364, %xor3A_366 : vector<16xi32>
      %broadcast_in_dim3A_368 = vector.shape_cast %xor3A_367 : vector<16xi32> to vector<16x1xi32>
      %gather3A_369 = vector.shape_cast %broadcast_in_dim3A_368 : vector<16x1xi32> to vector<16xi32>
      %gather3A_370 = tpu.dynamic_gather %min3A_363[%gather3A_369] in [0] : vector<16xf32>, vector<16xi32> -> vector<16xf32>
      %min3A_371 = arith.minimumf %min3A_363, %gather3A_370 : vector<16xf32>
      %iota3A_372 = tpu.iota {dimensions = array<i32: 0>} : vector<16xi32>
      %xor3A_373 = arith.constant 4 : i32
      %xor3A_374 = vector.broadcast %xor3A_373 : i32 to vector<16xi32>
      %xor3A_375 = arith.xori %iota3A_372, %xor3A_374 : vector<16xi32>
      %broadcast_in_dim3A_376 = vector.shape_cast %xor3A_375 : vector<16xi32> to vector<16x1xi32>
      %gather3A_377 = vector.shape_cast %broadcast_in_dim3A_376 : vector<16x1xi32> to vector<16xi32>
      %gather3A_378 = tpu.dynamic_gather %min3A_371[%gather3A_377] in [0] : vector<16xf32>, vector<16xi32> -> vector<16xf32>
      %min3A_379 = arith.minimumf %min3A_371, %gather3A_378 : vector<16xf32>
      %iota3A_380 = tpu.iota {dimensions = array<i32: 0>} : vector<16xi32>
      %xor3A_381 = arith.constant 8 : i32
      %xor3A_382 = vector.broadcast %xor3A_381 : i32 to vector<16xi32>
      %xor3A_383 = arith.xori %iota3A_380, %xor3A_382 : vector<16xi32>
      %broadcast_in_dim3A_384 = vector.shape_cast %xor3A_383 : vector<16xi32> to vector<16x1xi32>
      %gather3A_385 = vector.shape_cast %broadcast_in_dim3A_384 : vector<16x1xi32> to vector<16xi32>
      %gather3A_386 = tpu.dynamic_gather %min3A_379[%gather3A_385] in [0] : vector<16xf32>, vector<16xi32> -> vector<16xf32>
      %min3A_387 = arith.minimumf %min3A_379, %gather3A_386 : vector<16xf32>
      %max3A_388 = arith.maximumf %min3A_387, %broadcast_in_dim3A_224 : vector<16xf32>
      %add3A_389 = arith.addf %add3A_355, %max3A_388 : vector<16xf32>
      %iota3A_390 = tpu.iota {dimensions = array<i32: 0>} : vector<16xi32>
      %xor3A_391 = arith.constant 1 : i32
      %xor3A_392 = vector.broadcast %xor3A_391 : i32 to vector<16xi32>
      %xor3A_393 = arith.xori %iota3A_390, %xor3A_392 : vector<16xi32>
      %broadcast_in_dim3A_394 = vector.shape_cast %xor3A_393 : vector<16xi32> to vector<16x1xi32>
      %gather3A_395 = vector.shape_cast %broadcast_in_dim3A_394 : vector<16x1xi32> to vector<16xi32>
      %gather3A_396 = tpu.dynamic_gather %scan3A_221#5[%gather3A_395] in [0] : vector<16xf32>, vector<16xi32> -> vector<16xf32>
      %min3A_397 = arith.minimumf %scan3A_221#5, %gather3A_396 : vector<16xf32>
      %iota3A_398 = tpu.iota {dimensions = array<i32: 0>} : vector<16xi32>
      %xor3A_399 = arith.constant 2 : i32
      %xor3A_400 = vector.broadcast %xor3A_399 : i32 to vector<16xi32>
      %xor3A_401 = arith.xori %iota3A_398, %xor3A_400 : vector<16xi32>
      %broadcast_in_dim3A_402 = vector.shape_cast %xor3A_401 : vector<16xi32> to vector<16x1xi32>
      %gather3A_403 = vector.shape_cast %broadcast_in_dim3A_402 : vector<16x1xi32> to vector<16xi32>
      %gather3A_404 = tpu.dynamic_gather %min3A_397[%gather3A_403] in [0] : vector<16xf32>, vector<16xi32> -> vector<16xf32>
      %min3A_405 = arith.minimumf %min3A_397, %gather3A_404 : vector<16xf32>
      %iota3A_406 = tpu.iota {dimensions = array<i32: 0>} : vector<16xi32>
      %xor3A_407 = arith.constant 4 : i32
      %xor3A_408 = vector.broadcast %xor3A_407 : i32 to vector<16xi32>
      %xor3A_409 = arith.xori %iota3A_406, %xor3A_408 : vector<16xi32>
      %broadcast_in_dim3A_410 = vector.shape_cast %xor3A_409 : vector<16xi32> to vector<16x1xi32>
      %gather3A_411 = vector.shape_cast %broadcast_in_dim3A_410 : vector<16x1xi32> to vector<16xi32>
      %gather3A_412 = tpu.dynamic_gather %min3A_405[%gather3A_411] in [0] : vector<16xf32>, vector<16xi32> -> vector<16xf32>
      %min3A_413 = arith.minimumf %min3A_405, %gather3A_412 : vector<16xf32>
      %iota3A_414 = tpu.iota {dimensions = array<i32: 0>} : vector<16xi32>
      %xor3A_415 = arith.constant 8 : i32
      %xor3A_416 = vector.broadcast %xor3A_415 : i32 to vector<16xi32>
      %xor3A_417 = arith.xori %iota3A_414, %xor3A_416 : vector<16xi32>
      %broadcast_in_dim3A_418 = vector.shape_cast %xor3A_417 : vector<16xi32> to vector<16x1xi32>
      %gather3A_419 = vector.shape_cast %broadcast_in_dim3A_418 : vector<16x1xi32> to vector<16xi32>
      %gather3A_420 = tpu.dynamic_gather %min3A_413[%gather3A_419] in [0] : vector<16xf32>, vector<16xi32> -> vector<16xf32>
      %min3A_421 = arith.minimumf %min3A_413, %gather3A_420 : vector<16xf32>
      %max3A_422 = arith.maximumf %min3A_421, %broadcast_in_dim3A_224 : vector<16xf32>
      %add3A_423 = arith.addf %add3A_389, %max3A_422 : vector<16xf32>
      %iota3A_424 = tpu.iota {dimensions = array<i32: 0>} : vector<16xi32>
      %xor3A_425 = arith.constant 1 : i32
      %xor3A_426 = vector.broadcast %xor3A_425 : i32 to vector<16xi32>
      %xor3A_427 = arith.xori %iota3A_424, %xor3A_426 : vector<16xi32>
      %broadcast_in_dim3A_428 = vector.shape_cast %xor3A_427 : vector<16xi32> to vector<16x1xi32>
      %gather3A_429 = vector.shape_cast %broadcast_in_dim3A_428 : vector<16x1xi32> to vector<16xi32>
      %gather3A_430 = tpu.dynamic_gather %scan3A_221#6[%gather3A_429] in [0] : vector<16xf32>, vector<16xi32> -> vector<16xf32>
      %min3A_431 = arith.minimumf %scan3A_221#6, %gather3A_430 : vector<16xf32>
      %iota3A_432 = tpu.iota {dimensions = array<i32: 0>} : vector<16xi32>
      %xor3A_433 = arith.constant 2 : i32
      %xor3A_434 = vector.broadcast %xor3A_433 : i32 to vector<16xi32>
      %xor3A_435 = arith.xori %iota3A_432, %xor3A_434 : vector<16xi32>
      %broadcast_in_dim3A_436 = vector.shape_cast %xor3A_435 : vector<16xi32> to vector<16x1xi32>
      %gather3A_437 = vector.shape_cast %broadcast_in_dim3A_436 : vector<16x1xi32> to vector<16xi32>
      %gather3A_438 = tpu.dynamic_gather %min3A_431[%gather3A_437] in [0] : vector<16xf32>, vector<16xi32> -> vector<16xf32>
      %min3A_439 = arith.minimumf %min3A_431, %gather3A_438 : vector<16xf32>
      %iota3A_440 = tpu.iota {dimensions = array<i32: 0>} : vector<16xi32>
      %xor3A_441 = arith.constant 4 : i32
      %xor3A_442 = vector.broadcast %xor3A_441 : i32 to vector<16xi32>
      %xor3A_443 = arith.xori %iota3A_440, %xor3A_442 : vector<16xi32>
      %broadcast_in_dim3A_444 = vector.shape_cast %xor3A_443 : vector<16xi32> to vector<16x1xi32>
      %gather3A_445 = vector.shape_cast %broadcast_in_dim3A_444 : vector<16x1xi32> to vector<16xi32>
      %gather3A_446 = tpu.dynamic_gather %min3A_439[%gather3A_445] in [0] : vector<16xf32>, vector<16xi32> -> vector<16xf32>
      %min3A_447 = arith.minimumf %min3A_439, %gather3A_446 : vector<16xf32>
      %iota3A_448 = tpu.iota {dimensions = array<i32: 0>} : vector<16xi32>
      %xor3A_449 = arith.constant 8 : i32
      %xor3A_450 = vector.broadcast %xor3A_449 : i32 to vector<16xi32>
      %xor3A_451 = arith.xori %iota3A_448, %xor3A_450 : vector<16xi32>
      %broadcast_in_dim3A_452 = vector.shape_cast %xor3A_451 : vector<16xi32> to vector<16x1xi32>
      %gather3A_453 = vector.shape_cast %broadcast_in_dim3A_452 : vector<16x1xi32> to vector<16xi32>
      %gather3A_454 = tpu.dynamic_gather %min3A_447[%gather3A_453] in [0] : vector<16xf32>, vector<16xi32> -> vector<16xf32>
      %min3A_455 = arith.minimumf %min3A_447, %gather3A_454 : vector<16xf32>
      %max3A_456 = arith.maximumf %min3A_455, %broadcast_in_dim3A_224 : vector<16xf32>
      %add3A_457 = arith.addf %add3A_423, %max3A_456 : vector<16xf32>
      %iota3A_458 = tpu.iota {dimensions = array<i32: 0>} : vector<16xi32>
      %xor3A_459 = arith.constant 1 : i32
      %xor3A_460 = vector.broadcast %xor3A_459 : i32 to vector<16xi32>
      %xor3A_461 = arith.xori %iota3A_458, %xor3A_460 : vector<16xi32>
      %broadcast_in_dim3A_462 = vector.shape_cast %xor3A_461 : vector<16xi32> to vector<16x1xi32>
      %gather3A_463 = vector.shape_cast %broadcast_in_dim3A_462 : vector<16x1xi32> to vector<16xi32>
      %gather3A_464 = tpu.dynamic_gather %scan3A_221#7[%gather3A_463] in [0] : vector<16xf32>, vector<16xi32> -> vector<16xf32>
      %min3A_465 = arith.minimumf %scan3A_221#7, %gather3A_464 : vector<16xf32>
      %iota3A_466 = tpu.iota {dimensions = array<i32: 0>} : vector<16xi32>
      %xor3A_467 = arith.constant 2 : i32
      %xor3A_468 = vector.broadcast %xor3A_467 : i32 to vector<16xi32>
      %xor3A_469 = arith.xori %iota3A_466, %xor3A_468 : vector<16xi32>
      %broadcast_in_dim3A_470 = vector.shape_cast %xor3A_469 : vector<16xi32> to vector<16x1xi32>
      %gather3A_471 = vector.shape_cast %broadcast_in_dim3A_470 : vector<16x1xi32> to vector<16xi32>
      %gather3A_472 = tpu.dynamic_gather %min3A_465[%gather3A_471] in [0] : vector<16xf32>, vector<16xi32> -> vector<16xf32>
      %min3A_473 = arith.minimumf %min3A_465, %gather3A_472 : vector<16xf32>
      %iota3A_474 = tpu.iota {dimensions = array<i32: 0>} : vector<16xi32>
      %xor3A_475 = arith.constant 4 : i32
      %xor3A_476 = vector.broadcast %xor3A_475 : i32 to vector<16xi32>
      %xor3A_477 = arith.xori %iota3A_474, %xor3A_476 : vector<16xi32>
      %broadcast_in_dim3A_478 = vector.shape_cast %xor3A_477 : vector<16xi32> to vector<16x1xi32>
      %gather3A_479 = vector.shape_cast %broadcast_in_dim3A_478 : vector<16x1xi32> to vector<16xi32>
      %gather3A_480 = tpu.dynamic_gather %min3A_473[%gather3A_479] in [0] : vector<16xf32>, vector<16xi32> -> vector<16xf32>
      %min3A_481 = arith.minimumf %min3A_473, %gather3A_480 : vector<16xf32>
      %iota3A_482 = tpu.iota {dimensions = array<i32: 0>} : vector<16xi32>
      %xor3A_483 = arith.constant 8 : i32
      %xor3A_484 = vector.broadcast %xor3A_483 : i32 to vector<16xi32>
      %xor3A_485 = arith.xori %iota3A_482, %xor3A_484 : vector<16xi32>
      %broadcast_in_dim3A_486 = vector.shape_cast %xor3A_485 : vector<16xi32> to vector<16x1xi32>
      %gather3A_487 = vector.shape_cast %broadcast_in_dim3A_486 : vector<16x1xi32> to vector<16xi32>
      %gather3A_488 = tpu.dynamic_gather %min3A_481[%gather3A_487] in [0] : vector<16xf32>, vector<16xi32> -> vector<16xf32>
      %min3A_489 = arith.minimumf %min3A_481, %gather3A_488 : vector<16xf32>
      %max3A_490 = arith.maximumf %min3A_489, %broadcast_in_dim3A_224 : vector<16xf32>
      %add3A_491 = arith.addf %add3A_457, %max3A_490 : vector<16xf32>
      %iota3A_492 = tpu.iota {dimensions = array<i32: 0>} : vector<16xi32>
      %xor3A_493 = arith.constant 1 : i32
      %xor3A_494 = vector.broadcast %xor3A_493 : i32 to vector<16xi32>
      %xor3A_495 = arith.xori %iota3A_492, %xor3A_494 : vector<16xi32>
      %broadcast_in_dim3A_496 = vector.shape_cast %xor3A_495 : vector<16xi32> to vector<16x1xi32>
      %gather3A_497 = vector.shape_cast %broadcast_in_dim3A_496 : vector<16x1xi32> to vector<16xi32>
      %gather3A_498 = tpu.dynamic_gather %scan3A_221#8[%gather3A_497] in [0] : vector<16xf32>, vector<16xi32> -> vector<16xf32>
      %min3A_499 = arith.minimumf %scan3A_221#8, %gather3A_498 : vector<16xf32>
      %iota3A_500 = tpu.iota {dimensions = array<i32: 0>} : vector<16xi32>
      %xor3A_501 = arith.constant 2 : i32
      %xor3A_502 = vector.broadcast %xor3A_501 : i32 to vector<16xi32>
      %xor3A_503 = arith.xori %iota3A_500, %xor3A_502 : vector<16xi32>
      %broadcast_in_dim3A_504 = vector.shape_cast %xor3A_503 : vector<16xi32> to vector<16x1xi32>
      %gather3A_505 = vector.shape_cast %broadcast_in_dim3A_504 : vector<16x1xi32> to vector<16xi32>
      %gather3A_506 = tpu.dynamic_gather %min3A_499[%gather3A_505] in [0] : vector<16xf32>, vector<16xi32> -> vector<16xf32>
      %min3A_507 = arith.minimumf %min3A_499, %gather3A_506 : vector<16xf32>
      %iota3A_508 = tpu.iota {dimensions = array<i32: 0>} : vector<16xi32>
      %xor3A_509 = arith.constant 4 : i32
      %xor3A_510 = vector.broadcast %xor3A_509 : i32 to vector<16xi32>
      %xor3A_511 = arith.xori %iota3A_508, %xor3A_510 : vector<16xi32>
      %broadcast_in_dim3A_512 = vector.shape_cast %xor3A_511 : vector<16xi32> to vector<16x1xi32>
      %gather3A_513 = vector.shape_cast %broadcast_in_dim3A_512 : vector<16x1xi32> to vector<16xi32>
      %gather3A_514 = tpu.dynamic_gather %min3A_507[%gather3A_513] in [0] : vector<16xf32>, vector<16xi32> -> vector<16xf32>
      %min3A_515 = arith.minimumf %min3A_507, %gather3A_514 : vector<16xf32>
      %iota3A_516 = tpu.iota {dimensions = array<i32: 0>} : vector<16xi32>
      %xor3A_517 = arith.constant 8 : i32
      %xor3A_518 = vector.broadcast %xor3A_517 : i32 to vector<16xi32>
      %xor3A_519 = arith.xori %iota3A_516, %xor3A_518 : vector<16xi32>
      %broadcast_in_dim3A_520 = vector.shape_cast %xor3A_519 : vector<16xi32> to vector<16x1xi32>
      %gather3A_521 = vector.shape_cast %broadcast_in_dim3A_520 : vector<16x1xi32> to vector<16xi32>
      %gather3A_522 = tpu.dynamic_gather %min3A_515[%gather3A_521] in [0] : vector<16xf32>, vector<16xi32> -> vector<16xf32>
      %min3A_523 = arith.minimumf %min3A_515, %gather3A_522 : vector<16xf32>
      %max3A_524 = arith.maximumf %min3A_523, %broadcast_in_dim3A_224 : vector<16xf32>
      %add3A_525 = arith.addf %add3A_491, %max3A_524 : vector<16xf32>
      %iota3A_526 = tpu.iota {dimensions = array<i32: 0>} : vector<16xi32>
      %xor3A_527 = arith.constant 1 : i32
      %xor3A_528 = vector.broadcast %xor3A_527 : i32 to vector<16xi32>
      %xor3A_529 = arith.xori %iota3A_526, %xor3A_528 : vector<16xi32>
      %broadcast_in_dim3A_530 = vector.shape_cast %xor3A_529 : vector<16xi32> to vector<16x1xi32>
      %gather3A_531 = vector.shape_cast %broadcast_in_dim3A_530 : vector<16x1xi32> to vector<16xi32>
      %gather3A_532 = tpu.dynamic_gather %scan3A_221#9[%gather3A_531] in [0] : vector<16xf32>, vector<16xi32> -> vector<16xf32>
      %min3A_533 = arith.minimumf %scan3A_221#9, %gather3A_532 : vector<16xf32>
      %iota3A_534 = tpu.iota {dimensions = array<i32: 0>} : vector<16xi32>
      %xor3A_535 = arith.constant 2 : i32
      %xor3A_536 = vector.broadcast %xor3A_535 : i32 to vector<16xi32>
      %xor3A_537 = arith.xori %iota3A_534, %xor3A_536 : vector<16xi32>
      %broadcast_in_dim3A_538 = vector.shape_cast %xor3A_537 : vector<16xi32> to vector<16x1xi32>
      %gather3A_539 = vector.shape_cast %broadcast_in_dim3A_538 : vector<16x1xi32> to vector<16xi32>
      %gather3A_540 = tpu.dynamic_gather %min3A_533[%gather3A_539] in [0] : vector<16xf32>, vector<16xi32> -> vector<16xf32>
      %min3A_541 = arith.minimumf %min3A_533, %gather3A_540 : vector<16xf32>
      %iota3A_542 = tpu.iota {dimensions = array<i32: 0>} : vector<16xi32>
      %xor3A_543 = arith.constant 4 : i32
      %xor3A_544 = vector.broadcast %xor3A_543 : i32 to vector<16xi32>
      %xor3A_545 = arith.xori %iota3A_542, %xor3A_544 : vector<16xi32>
      %broadcast_in_dim3A_546 = vector.shape_cast %xor3A_545 : vector<16xi32> to vector<16x1xi32>
      %gather3A_547 = vector.shape_cast %broadcast_in_dim3A_546 : vector<16x1xi32> to vector<16xi32>
      %gather3A_548 = tpu.dynamic_gather %min3A_541[%gather3A_547] in [0] : vector<16xf32>, vector<16xi32> -> vector<16xf32>
      %min3A_549 = arith.minimumf %min3A_541, %gather3A_548 : vector<16xf32>
      %iota3A_550 = tpu.iota {dimensions = array<i32: 0>} : vector<16xi32>
      %xor3A_551 = arith.constant 8 : i32
      %xor3A_552 = vector.broadcast %xor3A_551 : i32 to vector<16xi32>
      %xor3A_553 = arith.xori %iota3A_550, %xor3A_552 : vector<16xi32>
      %broadcast_in_dim3A_554 = vector.shape_cast %xor3A_553 : vector<16xi32> to vector<16x1xi32>
      %gather3A_555 = vector.shape_cast %broadcast_in_dim3A_554 : vector<16x1xi32> to vector<16xi32>
      %gather3A_556 = tpu.dynamic_gather %min3A_549[%gather3A_555] in [0] : vector<16xf32>, vector<16xi32> -> vector<16xf32>
      %min3A_557 = arith.minimumf %min3A_549, %gather3A_556 : vector<16xf32>
      %max3A_558 = arith.maximumf %min3A_557, %broadcast_in_dim3A_224 : vector<16xf32>
      %add3A_559 = arith.addf %add3A_525, %max3A_558 : vector<16xf32>
      %iota3A_560 = tpu.iota {dimensions = array<i32: 0>} : vector<16xi32>
      %xor3A_561 = arith.constant 1 : i32
      %xor3A_562 = vector.broadcast %xor3A_561 : i32 to vector<16xi32>
      %xor3A_563 = arith.xori %iota3A_560, %xor3A_562 : vector<16xi32>
      %broadcast_in_dim3A_564 = vector.shape_cast %xor3A_563 : vector<16xi32> to vector<16x1xi32>
      %gather3A_565 = vector.shape_cast %broadcast_in_dim3A_564 : vector<16x1xi32> to vector<16xi32>
      %gather3A_566 = tpu.dynamic_gather %scan3A_221#10[%gather3A_565] in [0] : vector<16xf32>, vector<16xi32> -> vector<16xf32>
      %min3A_567 = arith.minimumf %scan3A_221#10, %gather3A_566 : vector<16xf32>
      %iota3A_568 = tpu.iota {dimensions = array<i32: 0>} : vector<16xi32>
      %xor3A_569 = arith.constant 2 : i32
      %xor3A_570 = vector.broadcast %xor3A_569 : i32 to vector<16xi32>
      %xor3A_571 = arith.xori %iota3A_568, %xor3A_570 : vector<16xi32>
      %broadcast_in_dim3A_572 = vector.shape_cast %xor3A_571 : vector<16xi32> to vector<16x1xi32>
      %gather3A_573 = vector.shape_cast %broadcast_in_dim3A_572 : vector<16x1xi32> to vector<16xi32>
      %gather3A_574 = tpu.dynamic_gather %min3A_567[%gather3A_573] in [0] : vector<16xf32>, vector<16xi32> -> vector<16xf32>
      %min3A_575 = arith.minimumf %min3A_567, %gather3A_574 : vector<16xf32>
      %iota3A_576 = tpu.iota {dimensions = array<i32: 0>} : vector<16xi32>
      %xor3A_577 = arith.constant 4 : i32
      %xor3A_578 = vector.broadcast %xor3A_577 : i32 to vector<16xi32>
      %xor3A_579 = arith.xori %iota3A_576, %xor3A_578 : vector<16xi32>
      %broadcast_in_dim3A_580 = vector.shape_cast %xor3A_579 : vector<16xi32> to vector<16x1xi32>
      %gather3A_581 = vector.shape_cast %broadcast_in_dim3A_580 : vector<16x1xi32> to vector<16xi32>
      %gather3A_582 = tpu.dynamic_gather %min3A_575[%gather3A_581] in [0] : vector<16xf32>, vector<16xi32> -> vector<16xf32>
      %min3A_583 = arith.minimumf %min3A_575, %gather3A_582 : vector<16xf32>
      %iota3A_584 = tpu.iota {dimensions = array<i32: 0>} : vector<16xi32>
      %xor3A_585 = arith.constant 8 : i32
      %xor3A_586 = vector.broadcast %xor3A_585 : i32 to vector<16xi32>
      %xor3A_587 = arith.xori %iota3A_584, %xor3A_586 : vector<16xi32>
      %broadcast_in_dim3A_588 = vector.shape_cast %xor3A_587 : vector<16xi32> to vector<16x1xi32>
      %gather3A_589 = vector.shape_cast %broadcast_in_dim3A_588 : vector<16x1xi32> to vector<16xi32>
      %gather3A_590 = tpu.dynamic_gather %min3A_583[%gather3A_589] in [0] : vector<16xf32>, vector<16xi32> -> vector<16xf32>
      %min3A_591 = arith.minimumf %min3A_583, %gather3A_590 : vector<16xf32>
      %max3A_592 = arith.maximumf %min3A_591, %broadcast_in_dim3A_224 : vector<16xf32>
      %add3A_593 = arith.addf %add3A_559, %max3A_592 : vector<16xf32>
      %iota3A_594 = tpu.iota {dimensions = array<i32: 0>} : vector<16xi32>
      %xor3A_595 = arith.constant 1 : i32
      %xor3A_596 = vector.broadcast %xor3A_595 : i32 to vector<16xi32>
      %xor3A_597 = arith.xori %iota3A_594, %xor3A_596 : vector<16xi32>
      %broadcast_in_dim3A_598 = vector.shape_cast %xor3A_597 : vector<16xi32> to vector<16x1xi32>
      %gather3A_599 = vector.shape_cast %broadcast_in_dim3A_598 : vector<16x1xi32> to vector<16xi32>
      %gather3A_600 = tpu.dynamic_gather %scan3A_221#11[%gather3A_599] in [0] : vector<16xf32>, vector<16xi32> -> vector<16xf32>
      %min3A_601 = arith.minimumf %scan3A_221#11, %gather3A_600 : vector<16xf32>
      %iota3A_602 = tpu.iota {dimensions = array<i32: 0>} : vector<16xi32>
      %xor3A_603 = arith.constant 2 : i32
      %xor3A_604 = vector.broadcast %xor3A_603 : i32 to vector<16xi32>
      %xor3A_605 = arith.xori %iota3A_602, %xor3A_604 : vector<16xi32>
      %broadcast_in_dim3A_606 = vector.shape_cast %xor3A_605 : vector<16xi32> to vector<16x1xi32>
      %gather3A_607 = vector.shape_cast %broadcast_in_dim3A_606 : vector<16x1xi32> to vector<16xi32>
      %gather3A_608 = tpu.dynamic_gather %min3A_601[%gather3A_607] in [0] : vector<16xf32>, vector<16xi32> -> vector<16xf32>
      %min3A_609 = arith.minimumf %min3A_601, %gather3A_608 : vector<16xf32>
      %iota3A_610 = tpu.iota {dimensions = array<i32: 0>} : vector<16xi32>
      %xor3A_611 = arith.constant 4 : i32
      %xor3A_612 = vector.broadcast %xor3A_611 : i32 to vector<16xi32>
      %xor3A_613 = arith.xori %iota3A_610, %xor3A_612 : vector<16xi32>
      %broadcast_in_dim3A_614 = vector.shape_cast %xor3A_613 : vector<16xi32> to vector<16x1xi32>
      %gather3A_615 = vector.shape_cast %broadcast_in_dim3A_614 : vector<16x1xi32> to vector<16xi32>
      %gather3A_616 = tpu.dynamic_gather %min3A_609[%gather3A_615] in [0] : vector<16xf32>, vector<16xi32> -> vector<16xf32>
      %min3A_617 = arith.minimumf %min3A_609, %gather3A_616 : vector<16xf32>
      %iota3A_618 = tpu.iota {dimensions = array<i32: 0>} : vector<16xi32>
      %xor3A_619 = arith.constant 8 : i32
      %xor3A_620 = vector.broadcast %xor3A_619 : i32 to vector<16xi32>
      %xor3A_621 = arith.xori %iota3A_618, %xor3A_620 : vector<16xi32>
      %broadcast_in_dim3A_622 = vector.shape_cast %xor3A_621 : vector<16xi32> to vector<16x1xi32>
      %gather3A_623 = vector.shape_cast %broadcast_in_dim3A_622 : vector<16x1xi32> to vector<16xi32>
      %gather3A_624 = tpu.dynamic_gather %min3A_617[%gather3A_623] in [0] : vector<16xf32>, vector<16xi32> -> vector<16xf32>
      %min3A_625 = arith.minimumf %min3A_617, %gather3A_624 : vector<16xf32>
      %max3A_626 = arith.maximumf %min3A_625, %broadcast_in_dim3A_224 : vector<16xf32>
      %add3A_627 = arith.addf %add3A_593, %max3A_626 : vector<16xf32>
      %iota3A_628 = tpu.iota {dimensions = array<i32: 0>} : vector<16xi32>
      %xor3A_629 = arith.constant 1 : i32
      %xor3A_630 = vector.broadcast %xor3A_629 : i32 to vector<16xi32>
      %xor3A_631 = arith.xori %iota3A_628, %xor3A_630 : vector<16xi32>
      %broadcast_in_dim3A_632 = vector.shape_cast %xor3A_631 : vector<16xi32> to vector<16x1xi32>
      %gather3A_633 = vector.shape_cast %broadcast_in_dim3A_632 : vector<16x1xi32> to vector<16xi32>
      %gather3A_634 = tpu.dynamic_gather %scan3A_221#12[%gather3A_633] in [0] : vector<16xf32>, vector<16xi32> -> vector<16xf32>
      %min3A_635 = arith.minimumf %scan3A_221#12, %gather3A_634 : vector<16xf32>
      %iota3A_636 = tpu.iota {dimensions = array<i32: 0>} : vector<16xi32>
      %xor3A_637 = arith.constant 2 : i32
      %xor3A_638 = vector.broadcast %xor3A_637 : i32 to vector<16xi32>
      %xor3A_639 = arith.xori %iota3A_636, %xor3A_638 : vector<16xi32>
      %broadcast_in_dim3A_640 = vector.shape_cast %xor3A_639 : vector<16xi32> to vector<16x1xi32>
      %gather3A_641 = vector.shape_cast %broadcast_in_dim3A_640 : vector<16x1xi32> to vector<16xi32>
      %gather3A_642 = tpu.dynamic_gather %min3A_635[%gather3A_641] in [0] : vector<16xf32>, vector<16xi32> -> vector<16xf32>
      %min3A_643 = arith.minimumf %min3A_635, %gather3A_642 : vector<16xf32>
      %iota3A_644 = tpu.iota {dimensions = array<i32: 0>} : vector<16xi32>
      %xor3A_645 = arith.constant 4 : i32
      %xor3A_646 = vector.broadcast %xor3A_645 : i32 to vector<16xi32>
      %xor3A_647 = arith.xori %iota3A_644, %xor3A_646 : vector<16xi32>
      %broadcast_in_dim3A_648 = vector.shape_cast %xor3A_647 : vector<16xi32> to vector<16x1xi32>
      %gather3A_649 = vector.shape_cast %broadcast_in_dim3A_648 : vector<16x1xi32> to vector<16xi32>
      %gather3A_650 = tpu.dynamic_gather %min3A_643[%gather3A_649] in [0] : vector<16xf32>, vector<16xi32> -> vector<16xf32>
      %min3A_651 = arith.minimumf %min3A_643, %gather3A_650 : vector<16xf32>
      %iota3A_652 = tpu.iota {dimensions = array<i32: 0>} : vector<16xi32>
      %xor3A_653 = arith.constant 8 : i32
      %xor3A_654 = vector.broadcast %xor3A_653 : i32 to vector<16xi32>
      %xor3A_655 = arith.xori %iota3A_652, %xor3A_654 : vector<16xi32>
      %broadcast_in_dim3A_656 = vector.shape_cast %xor3A_655 : vector<16xi32> to vector<16x1xi32>
      %gather3A_657 = vector.shape_cast %broadcast_in_dim3A_656 : vector<16x1xi32> to vector<16xi32>
      %gather3A_658 = tpu.dynamic_gather %min3A_651[%gather3A_657] in [0] : vector<16xf32>, vector<16xi32> -> vector<16xf32>
      %min3A_659 = arith.minimumf %min3A_651, %gather3A_658 : vector<16xf32>
      %max3A_660 = arith.maximumf %min3A_659, %broadcast_in_dim3A_224 : vector<16xf32>
      %add3A_661 = arith.addf %add3A_627, %max3A_660 : vector<16xf32>
      %iota3A_662 = tpu.iota {dimensions = array<i32: 0>} : vector<16xi32>
      %xor3A_663 = arith.constant 1 : i32
      %xor3A_664 = vector.broadcast %xor3A_663 : i32 to vector<16xi32>
      %xor3A_665 = arith.xori %iota3A_662, %xor3A_664 : vector<16xi32>
      %broadcast_in_dim3A_666 = vector.shape_cast %xor3A_665 : vector<16xi32> to vector<16x1xi32>
      %gather3A_667 = vector.shape_cast %broadcast_in_dim3A_666 : vector<16x1xi32> to vector<16xi32>
      %gather3A_668 = tpu.dynamic_gather %scan3A_221#13[%gather3A_667] in [0] : vector<16xf32>, vector<16xi32> -> vector<16xf32>
      %min3A_669 = arith.minimumf %scan3A_221#13, %gather3A_668 : vector<16xf32>
      %iota3A_670 = tpu.iota {dimensions = array<i32: 0>} : vector<16xi32>
      %xor3A_671 = arith.constant 2 : i32
      %xor3A_672 = vector.broadcast %xor3A_671 : i32 to vector<16xi32>
      %xor3A_673 = arith.xori %iota3A_670, %xor3A_672 : vector<16xi32>
      %broadcast_in_dim3A_674 = vector.shape_cast %xor3A_673 : vector<16xi32> to vector<16x1xi32>
      %gather3A_675 = vector.shape_cast %broadcast_in_dim3A_674 : vector<16x1xi32> to vector<16xi32>
      %gather3A_676 = tpu.dynamic_gather %min3A_669[%gather3A_675] in [0] : vector<16xf32>, vector<16xi32> -> vector<16xf32>
      %min3A_677 = arith.minimumf %min3A_669, %gather3A_676 : vector<16xf32>
      %iota3A_678 = tpu.iota {dimensions = array<i32: 0>} : vector<16xi32>
      %xor3A_679 = arith.constant 4 : i32
      %xor3A_680 = vector.broadcast %xor3A_679 : i32 to vector<16xi32>
      %xor3A_681 = arith.xori %iota3A_678, %xor3A_680 : vector<16xi32>
      %broadcast_in_dim3A_682 = vector.shape_cast %xor3A_681 : vector<16xi32> to vector<16x1xi32>
      %gather3A_683 = vector.shape_cast %broadcast_in_dim3A_682 : vector<16x1xi32> to vector<16xi32>
      %gather3A_684 = tpu.dynamic_gather %min3A_677[%gather3A_683] in [0] : vector<16xf32>, vector<16xi32> -> vector<16xf32>
      %min3A_685 = arith.minimumf %min3A_677, %gather3A_684 : vector<16xf32>
      %iota3A_686 = tpu.iota {dimensions = array<i32: 0>} : vector<16xi32>
      %xor3A_687 = arith.constant 8 : i32
      %xor3A_688 = vector.broadcast %xor3A_687 : i32 to vector<16xi32>
      %xor3A_689 = arith.xori %iota3A_686, %xor3A_688 : vector<16xi32>
      %broadcast_in_dim3A_690 = vector.shape_cast %xor3A_689 : vector<16xi32> to vector<16x1xi32>
      %gather3A_691 = vector.shape_cast %broadcast_in_dim3A_690 : vector<16x1xi32> to vector<16xi32>
      %gather3A_692 = tpu.dynamic_gather %min3A_685[%gather3A_691] in [0] : vector<16xf32>, vector<16xi32> -> vector<16xf32>
      %min3A_693 = arith.minimumf %min3A_685, %gather3A_692 : vector<16xf32>
      %max3A_694 = arith.maximumf %min3A_693, %broadcast_in_dim3A_224 : vector<16xf32>
      %add3A_695 = arith.addf %add3A_661, %max3A_694 : vector<16xf32>
      %iota3A_696 = tpu.iota {dimensions = array<i32: 0>} : vector<16xi32>
      %xor3A_697 = arith.constant 1 : i32
      %xor3A_698 = vector.broadcast %xor3A_697 : i32 to vector<16xi32>
      %xor3A_699 = arith.xori %iota3A_696, %xor3A_698 : vector<16xi32>
      %broadcast_in_dim3A_700 = vector.shape_cast %xor3A_699 : vector<16xi32> to vector<16x1xi32>
      %gather3A_701 = vector.shape_cast %broadcast_in_dim3A_700 : vector<16x1xi32> to vector<16xi32>
      %gather3A_702 = tpu.dynamic_gather %scan3A_221#14[%gather3A_701] in [0] : vector<16xf32>, vector<16xi32> -> vector<16xf32>
      %min3A_703 = arith.minimumf %scan3A_221#14, %gather3A_702 : vector<16xf32>
      %iota3A_704 = tpu.iota {dimensions = array<i32: 0>} : vector<16xi32>
      %xor3A_705 = arith.constant 2 : i32
      %xor3A_706 = vector.broadcast %xor3A_705 : i32 to vector<16xi32>
      %xor3A_707 = arith.xori %iota3A_704, %xor3A_706 : vector<16xi32>
      %broadcast_in_dim3A_708 = vector.shape_cast %xor3A_707 : vector<16xi32> to vector<16x1xi32>
      %gather3A_709 = vector.shape_cast %broadcast_in_dim3A_708 : vector<16x1xi32> to vector<16xi32>
      %gather3A_710 = tpu.dynamic_gather %min3A_703[%gather3A_709] in [0] : vector<16xf32>, vector<16xi32> -> vector<16xf32>
      %min3A_711 = arith.minimumf %min3A_703, %gather3A_710 : vector<16xf32>
      %iota3A_712 = tpu.iota {dimensions = array<i32: 0>} : vector<16xi32>
      %xor3A_713 = arith.constant 4 : i32
      %xor3A_714 = vector.broadcast %xor3A_713 : i32 to vector<16xi32>
      %xor3A_715 = arith.xori %iota3A_712, %xor3A_714 : vector<16xi32>
      %broadcast_in_dim3A_716 = vector.shape_cast %xor3A_715 : vector<16xi32> to vector<16x1xi32>
      %gather3A_717 = vector.shape_cast %broadcast_in_dim3A_716 : vector<16x1xi32> to vector<16xi32>
      %gather3A_718 = tpu.dynamic_gather %min3A_711[%gather3A_717] in [0] : vector<16xf32>, vector<16xi32> -> vector<16xf32>
      %min3A_719 = arith.minimumf %min3A_711, %gather3A_718 : vector<16xf32>
      %iota3A_720 = tpu.iota {dimensions = array<i32: 0>} : vector<16xi32>
      %xor3A_721 = arith.constant 8 : i32
      %xor3A_722 = vector.broadcast %xor3A_721 : i32 to vector<16xi32>
      %xor3A_723 = arith.xori %iota3A_720, %xor3A_722 : vector<16xi32>
      %broadcast_in_dim3A_724 = vector.shape_cast %xor3A_723 : vector<16xi32> to vector<16x1xi32>
      %gather3A_725 = vector.shape_cast %broadcast_in_dim3A_724 : vector<16x1xi32> to vector<16xi32>
      %gather3A_726 = tpu.dynamic_gather %min3A_719[%gather3A_725] in [0] : vector<16xf32>, vector<16xi32> -> vector<16xf32>
      %min3A_727 = arith.minimumf %min3A_719, %gather3A_726 : vector<16xf32>
      %max3A_728 = arith.maximumf %min3A_727, %broadcast_in_dim3A_224 : vector<16xf32>
      %add3A_729 = arith.addf %add3A_695, %max3A_728 : vector<16xf32>
      %iota3A_730 = tpu.iota {dimensions = array<i32: 0>} : vector<16xi32>
      %xor3A_731 = arith.constant 1 : i32
      %xor3A_732 = vector.broadcast %xor3A_731 : i32 to vector<16xi32>
      %xor3A_733 = arith.xori %iota3A_730, %xor3A_732 : vector<16xi32>
      %broadcast_in_dim3A_734 = vector.shape_cast %xor3A_733 : vector<16xi32> to vector<16x1xi32>
      %gather3A_735 = vector.shape_cast %broadcast_in_dim3A_734 : vector<16x1xi32> to vector<16xi32>
      %gather3A_736 = tpu.dynamic_gather %scan3A_221#15[%gather3A_735] in [0] : vector<16xf32>, vector<16xi32> -> vector<16xf32>
      %min3A_737 = arith.minimumf %scan3A_221#15, %gather3A_736 : vector<16xf32>
      %iota3A_738 = tpu.iota {dimensions = array<i32: 0>} : vector<16xi32>
      %xor3A_739 = arith.constant 2 : i32
      %xor3A_740 = vector.broadcast %xor3A_739 : i32 to vector<16xi32>
      %xor3A_741 = arith.xori %iota3A_738, %xor3A_740 : vector<16xi32>
      %broadcast_in_dim3A_742 = vector.shape_cast %xor3A_741 : vector<16xi32> to vector<16x1xi32>
      %gather3A_743 = vector.shape_cast %broadcast_in_dim3A_742 : vector<16x1xi32> to vector<16xi32>
      %gather3A_744 = tpu.dynamic_gather %min3A_737[%gather3A_743] in [0] : vector<16xf32>, vector<16xi32> -> vector<16xf32>
      %min3A_745 = arith.minimumf %min3A_737, %gather3A_744 : vector<16xf32>
      %iota3A_746 = tpu.iota {dimensions = array<i32: 0>} : vector<16xi32>
      %xor3A_747 = arith.constant 4 : i32
      %xor3A_748 = vector.broadcast %xor3A_747 : i32 to vector<16xi32>
      %xor3A_749 = arith.xori %iota3A_746, %xor3A_748 : vector<16xi32>
      %broadcast_in_dim3A_750 = vector.shape_cast %xor3A_749 : vector<16xi32> to vector<16x1xi32>
      %gather3A_751 = vector.shape_cast %broadcast_in_dim3A_750 : vector<16x1xi32> to vector<16xi32>
      %gather3A_752 = tpu.dynamic_gather %min3A_745[%gather3A_751] in [0] : vector<16xf32>, vector<16xi32> -> vector<16xf32>
      %min3A_753 = arith.minimumf %min3A_745, %gather3A_752 : vector<16xf32>
      %iota3A_754 = tpu.iota {dimensions = array<i32: 0>} : vector<16xi32>
      %xor3A_755 = arith.constant 8 : i32
      %xor3A_756 = vector.broadcast %xor3A_755 : i32 to vector<16xi32>
      %xor3A_757 = arith.xori %iota3A_754, %xor3A_756 : vector<16xi32>
      %broadcast_in_dim3A_758 = vector.shape_cast %xor3A_757 : vector<16xi32> to vector<16x1xi32>
      %gather3A_759 = vector.shape_cast %broadcast_in_dim3A_758 : vector<16x1xi32> to vector<16xi32>
      %gather3A_760 = tpu.dynamic_gather %min3A_753[%gather3A_759] in [0] : vector<16xf32>, vector<16xi32> -> vector<16xf32>
      %min3A_761 = arith.minimumf %min3A_753, %gather3A_760 : vector<16xf32>
      %max3A_762 = arith.maximumf %min3A_761, %broadcast_in_dim3A_224 : vector<16xf32>
      %add3A_763 = arith.addf %add3A_729, %max3A_762 : vector<16xf32>
      scf.yield %add3A_763 : vector<16xf32>
    }
    %scan3A_18 = arith.constant 8 : i32
    "tpu.region"() ({
      %run_scoped3A = tpu.sem_alloc : memref<!tpu.dma_semaphore, #tpu.memory_space<semaphore_mem>>
      %dma_start3A = arith.constant 0 : i32
      %dma_start3A_70 = tpu.memref_slice %arg11[%add3A, %dma_start3A] : memref<32x16384xf32, #tpu.memory_space<hbm>> -> memref<1x4096xf32, #tpu.memory_space<hbm>>
      %dma_start3A_71 = tpu.memref_squeeze %dma_start3A_70 : memref<1x4096xf32, #tpu.memory_space<hbm>> -> memref<4096xf32, #tpu.memory_space<hbm>>
      %dma_start3A_72 = arith.constant 0 : i32
      %dma_start3A_73 = tpu.memref_slice %arg11[%add3A, %dma_start3A_72] : memref<32x16384xf32, #tpu.memory_space<hbm>> -> memref<1x4096xf32, #tpu.memory_space<hbm>>
      %dma_start3A_74 = tpu.memref_squeeze %dma_start3A_73 : memref<1x4096xf32, #tpu.memory_space<hbm>> -> memref<4096xf32, #tpu.memory_space<hbm>>
      tpu.enqueue_dma source(%arg20 : memref<4096xf32, #tpu.memory_space<vmem>>) target(%dma_start3A_74 : memref<4096xf32, #tpu.memory_space<hbm>>) target_semaphore(%run_scoped3A : memref<!tpu.dma_semaphore, #tpu.memory_space<semaphore_mem>>)
      %dma_wait3A = arith.constant 0 : i32
      %dma_wait3A_75 = tpu.memref_slice %arg11[%add3A, %dma_wait3A] : memref<32x16384xf32, #tpu.memory_space<hbm>> -> memref<1x4096xf32, #tpu.memory_space<hbm>>
      %dma_wait3A_76 = tpu.memref_squeeze %dma_wait3A_75 : memref<1x4096xf32, #tpu.memory_space<hbm>> -> memref<4096xf32, #tpu.memory_space<hbm>>
      %dma_wait3A_77 = arith.constant 0 : i32
      %dma_wait3A_78 = tpu.memref_slice %arg11[%add3A, %dma_wait3A_77] : memref<32x16384xf32, #tpu.memory_space<hbm>> -> memref<1x4096xf32, #tpu.memory_space<hbm>>
      %dma_wait3A_79 = tpu.memref_squeeze %dma_wait3A_78 : memref<1x4096xf32, #tpu.memory_space<hbm>> -> memref<4096xf32, #tpu.memory_space<hbm>>
      tpu.wait_dma2 semaphore(%run_scoped3A : memref<!tpu.dma_semaphore, #tpu.memory_space<semaphore_mem>>) src(%arg20 : memref<4096xf32, #tpu.memory_space<vmem>>) dst(%dma_wait3A_79 : memref<4096xf32, #tpu.memory_space<hbm>>)
      tpu.yield
    }) : () -> ()
    "tpu.region"() ({
      %run_scoped3A = tpu.sem_alloc : memref<!tpu.dma_semaphore, #tpu.memory_space<semaphore_mem>>
      %dma_start3A = arith.constant 4096 : i32
      %dma_start3A_70 = tpu.memref_slice %arg6[%dma_start3A] : memref<16384xf32, #tpu.memory_space<hbm>> -> memref<4096xf32, #tpu.memory_space<hbm>>
      %dma_start3A_71 = arith.constant 4096 : i32
      %dma_start3A_72 = tpu.memref_slice %arg6[%dma_start3A_71] : memref<16384xf32, #tpu.memory_space<hbm>> -> memref<4096xf32, #tpu.memory_space<hbm>>
      tpu.enqueue_dma source(%dma_start3A_72 : memref<4096xf32, #tpu.memory_space<hbm>>) target(%arg12 : memref<4096xf32, #tpu.memory_space<vmem>>) target_semaphore(%run_scoped3A : memref<!tpu.dma_semaphore, #tpu.memory_space<semaphore_mem>>)
      %dma_wait3A = arith.constant 4096 : i32
      %dma_wait3A_73 = tpu.memref_slice %arg6[%dma_wait3A] : memref<16384xf32, #tpu.memory_space<hbm>> -> memref<4096xf32, #tpu.memory_space<hbm>>
      %dma_wait3A_74 = arith.constant 4096 : i32
      %dma_wait3A_75 = tpu.memref_slice %arg6[%dma_wait3A_74] : memref<16384xf32, #tpu.memory_space<hbm>> -> memref<4096xf32, #tpu.memory_space<hbm>>
      tpu.wait_dma2 semaphore(%run_scoped3A : memref<!tpu.dma_semaphore, #tpu.memory_space<semaphore_mem>>) src(%dma_wait3A_75 : memref<4096xf32, #tpu.memory_space<hbm>>) dst(%arg12 : memref<4096xf32, #tpu.memory_space<vmem>>)
      tpu.yield
    }) : () -> ()
    "tpu.region"() ({
      %run_scoped3A = tpu.sem_alloc : memref<!tpu.dma_semaphore, #tpu.memory_space<semaphore_mem>>
      %dma_start3A = arith.constant 4096 : i32
      %dma_start3A_70 = tpu.memref_slice %arg7[%dma_start3A] : memref<16384xf32, #tpu.memory_space<hbm>> -> memref<4096xf32, #tpu.memory_space<hbm>>
      %dma_start3A_71 = arith.constant 4096 : i32
      %dma_start3A_72 = tpu.memref_slice %arg7[%dma_start3A_71] : memref<16384xf32, #tpu.memory_space<hbm>> -> memref<4096xf32, #tpu.memory_space<hbm>>
      tpu.enqueue_dma source(%dma_start3A_72 : memref<4096xf32, #tpu.memory_space<hbm>>) target(%arg13 : memref<4096xf32, #tpu.memory_space<vmem>>) target_semaphore(%run_scoped3A : memref<!tpu.dma_semaphore, #tpu.memory_space<semaphore_mem>>)
      %dma_wait3A = arith.constant 4096 : i32
      %dma_wait3A_73 = tpu.memref_slice %arg7[%dma_wait3A] : memref<16384xf32, #tpu.memory_space<hbm>> -> memref<4096xf32, #tpu.memory_space<hbm>>
      %dma_wait3A_74 = arith.constant 4096 : i32
      %dma_wait3A_75 = tpu.memref_slice %arg7[%dma_wait3A_74] : memref<16384xf32, #tpu.memory_space<hbm>> -> memref<4096xf32, #tpu.memory_space<hbm>>
      tpu.wait_dma2 semaphore(%run_scoped3A : memref<!tpu.dma_semaphore, #tpu.memory_space<semaphore_mem>>) src(%dma_wait3A_75 : memref<4096xf32, #tpu.memory_space<hbm>>) dst(%arg13 : memref<4096xf32, #tpu.memory_space<vmem>>)
      tpu.yield
    }) : () -> ()
    "tpu.region"() ({
      %run_scoped3A = tpu.sem_alloc : memref<!tpu.dma_semaphore, #tpu.memory_space<semaphore_mem>>
      %dma_start3A = arith.constant 4096 : i32
      %dma_start3A_70 = tpu.memref_slice %arg8[%dma_start3A] : memref<16384xf32, #tpu.memory_space<hbm>> -> memref<4096xf32, #tpu.memory_space<hbm>>
      %dma_start3A_71 = arith.constant 4096 : i32
      %dma_start3A_72 = tpu.memref_slice %arg8[%dma_start3A_71] : memref<16384xf32, #tpu.memory_space<hbm>> -> memref<4096xf32, #tpu.memory_space<hbm>>
      tpu.enqueue_dma source(%dma_start3A_72 : memref<4096xf32, #tpu.memory_space<hbm>>) target(%arg14 : memref<4096xf32, #tpu.memory_space<vmem>>) target_semaphore(%run_scoped3A : memref<!tpu.dma_semaphore, #tpu.memory_space<semaphore_mem>>)
      %dma_wait3A = arith.constant 4096 : i32
      %dma_wait3A_73 = tpu.memref_slice %arg8[%dma_wait3A] : memref<16384xf32, #tpu.memory_space<hbm>> -> memref<4096xf32, #tpu.memory_space<hbm>>
      %dma_wait3A_74 = arith.constant 4096 : i32
      %dma_wait3A_75 = tpu.memref_slice %arg8[%dma_wait3A_74] : memref<16384xf32, #tpu.memory_space<hbm>> -> memref<4096xf32, #tpu.memory_space<hbm>>
      tpu.wait_dma2 semaphore(%run_scoped3A : memref<!tpu.dma_semaphore, #tpu.memory_space<semaphore_mem>>) src(%dma_wait3A_75 : memref<4096xf32, #tpu.memory_space<hbm>>) dst(%arg14 : memref<4096xf32, #tpu.memory_space<vmem>>)
      tpu.yield
    }) : () -> ()
    "tpu.region"() ({
      %run_scoped3A = tpu.sem_alloc : memref<!tpu.dma_semaphore, #tpu.memory_space<semaphore_mem>>
      %dma_start3A = arith.constant 4096 : i32
      %dma_start3A_70 = tpu.memref_slice %arg9[%dma_start3A] : memref<16384xf32, #tpu.memory_space<hbm>> -> memref<4096xf32, #tpu.memory_space<hbm>>
      %dma_start3A_71 = arith.constant 4096 : i32
      %dma_start3A_72 = tpu.memref_slice %arg9[%dma_start3A_71] : memref<16384xf32, #tpu.memory_space<hbm>> -> memref<4096xf32, #tpu.memory_space<hbm>>
      tpu.enqueue_dma source(%dma_start3A_72 : memref<4096xf32, #tpu.memory_space<hbm>>) target(%arg15 : memref<4096xf32, #tpu.memory_space<vmem>>) target_semaphore(%run_scoped3A : memref<!tpu.dma_semaphore, #tpu.memory_space<semaphore_mem>>)
      %dma_wait3A = arith.constant 4096 : i32
      %dma_wait3A_73 = tpu.memref_slice %arg9[%dma_wait3A] : memref<16384xf32, #tpu.memory_space<hbm>> -> memref<4096xf32, #tpu.memory_space<hbm>>
      %dma_wait3A_74 = arith.constant 4096 : i32
      %dma_wait3A_75 = tpu.memref_slice %arg9[%dma_wait3A_74] : memref<16384xf32, #tpu.memory_space<hbm>> -> memref<4096xf32, #tpu.memory_space<hbm>>
      tpu.wait_dma2 semaphore(%run_scoped3A : memref<!tpu.dma_semaphore, #tpu.memory_space<semaphore_mem>>) src(%dma_wait3A_75 : memref<4096xf32, #tpu.memory_space<hbm>>) dst(%arg15 : memref<4096xf32, #tpu.memory_space<vmem>>)
      tpu.yield
    }) : () -> ()
    %mul3A_19 = arith.constant 128 : i32
    %mul3A_20 = arith.muli %add3A, %mul3A_19 : i32
    %add3A_21 = arith.constant 4096 : i32
    %add3A_22 = arith.addi %add3A_21, %mul3A_20 : i32
    "tpu.region"() ({
      %run_scoped3A = tpu.sem_alloc : memref<!tpu.dma_semaphore, #tpu.memory_space<semaphore_mem>>
      %dma_start3A = tpu.memref_slice %arg2[%add3A_22] : memref<16384xf32, #tpu.memory_space<hbm>> -> memref<128xf32, #tpu.memory_space<hbm>>
      %dma_start3A_70 = tpu.memref_slice %arg2[%add3A_22] : memref<16384xf32, #tpu.memory_space<hbm>> -> memref<128xf32, #tpu.memory_space<hbm>>
      tpu.enqueue_dma source(%dma_start3A_70 : memref<128xf32, #tpu.memory_space<hbm>>) target(%arg16 : memref<128xf32, #tpu.memory_space<vmem>>) target_semaphore(%run_scoped3A : memref<!tpu.dma_semaphore, #tpu.memory_space<semaphore_mem>>)
      %dma_wait3A = tpu.memref_slice %arg2[%add3A_22] : memref<16384xf32, #tpu.memory_space<hbm>> -> memref<128xf32, #tpu.memory_space<hbm>>
      %dma_wait3A_71 = tpu.memref_slice %arg2[%add3A_22] : memref<16384xf32, #tpu.memory_space<hbm>> -> memref<128xf32, #tpu.memory_space<hbm>>
      tpu.wait_dma2 semaphore(%run_scoped3A : memref<!tpu.dma_semaphore, #tpu.memory_space<semaphore_mem>>) src(%dma_wait3A_71 : memref<128xf32, #tpu.memory_space<hbm>>) dst(%arg16 : memref<128xf32, #tpu.memory_space<vmem>>)
      tpu.yield
    }) : () -> ()
    "tpu.region"() ({
      %run_scoped3A = tpu.sem_alloc : memref<!tpu.dma_semaphore, #tpu.memory_space<semaphore_mem>>
      %dma_start3A = tpu.memref_slice %arg3[%add3A_22] : memref<16384xf32, #tpu.memory_space<hbm>> -> memref<128xf32, #tpu.memory_space<hbm>>
      %dma_start3A_70 = tpu.memref_slice %arg3[%add3A_22] : memref<16384xf32, #tpu.memory_space<hbm>> -> memref<128xf32, #tpu.memory_space<hbm>>
      tpu.enqueue_dma source(%dma_start3A_70 : memref<128xf32, #tpu.memory_space<hbm>>) target(%arg17 : memref<128xf32, #tpu.memory_space<vmem>>) target_semaphore(%run_scoped3A : memref<!tpu.dma_semaphore, #tpu.memory_space<semaphore_mem>>)
      %dma_wait3A = tpu.memref_slice %arg3[%add3A_22] : memref<16384xf32, #tpu.memory_space<hbm>> -> memref<128xf32, #tpu.memory_space<hbm>>
      %dma_wait3A_71 = tpu.memref_slice %arg3[%add3A_22] : memref<16384xf32, #tpu.memory_space<hbm>> -> memref<128xf32, #tpu.memory_space<hbm>>
      tpu.wait_dma2 semaphore(%run_scoped3A : memref<!tpu.dma_semaphore, #tpu.memory_space<semaphore_mem>>) src(%dma_wait3A_71 : memref<128xf32, #tpu.memory_space<hbm>>) dst(%arg17 : memref<128xf32, #tpu.memory_space<vmem>>)
      tpu.yield
    }) : () -> ()
    "tpu.region"() ({
      %run_scoped3A = tpu.sem_alloc : memref<!tpu.dma_semaphore, #tpu.memory_space<semaphore_mem>>
      %dma_start3A = tpu.memref_slice %arg4[%add3A_22] : memref<16384xf32, #tpu.memory_space<hbm>> -> memref<128xf32, #tpu.memory_space<hbm>>
      %dma_start3A_70 = tpu.memref_slice %arg4[%add3A_22] : memref<16384xf32, #tpu.memory_space<hbm>> -> memref<128xf32, #tpu.memory_space<hbm>>
      tpu.enqueue_dma source(%dma_start3A_70 : memref<128xf32, #tpu.memory_space<hbm>>) target(%arg18 : memref<128xf32, #tpu.memory_space<vmem>>) target_semaphore(%run_scoped3A : memref<!tpu.dma_semaphore, #tpu.memory_space<semaphore_mem>>)
      %dma_wait3A = tpu.memref_slice %arg4[%add3A_22] : memref<16384xf32, #tpu.memory_space<hbm>> -> memref<128xf32, #tpu.memory_space<hbm>>
      %dma_wait3A_71 = tpu.memref_slice %arg4[%add3A_22] : memref<16384xf32, #tpu.memory_space<hbm>> -> memref<128xf32, #tpu.memory_space<hbm>>
      tpu.wait_dma2 semaphore(%run_scoped3A : memref<!tpu.dma_semaphore, #tpu.memory_space<semaphore_mem>>) src(%dma_wait3A_71 : memref<128xf32, #tpu.memory_space<hbm>>) dst(%arg18 : memref<128xf32, #tpu.memory_space<vmem>>)
      tpu.yield
    }) : () -> ()
    "tpu.region"() ({
      %run_scoped3A = tpu.sem_alloc : memref<!tpu.dma_semaphore, #tpu.memory_space<semaphore_mem>>
      %dma_start3A = tpu.memref_slice %arg5[%add3A_22] : memref<16384xf32, #tpu.memory_space<hbm>> -> memref<128xf32, #tpu.memory_space<hbm>>
      %dma_start3A_70 = tpu.memref_slice %arg5[%add3A_22] : memref<16384xf32, #tpu.memory_space<hbm>> -> memref<128xf32, #tpu.memory_space<hbm>>
      tpu.enqueue_dma source(%dma_start3A_70 : memref<128xf32, #tpu.memory_space<hbm>>) target(%arg19 : memref<128xf32, #tpu.memory_space<vmem>>) target_semaphore(%run_scoped3A : memref<!tpu.dma_semaphore, #tpu.memory_space<semaphore_mem>>)
      %dma_wait3A = tpu.memref_slice %arg5[%add3A_22] : memref<16384xf32, #tpu.memory_space<hbm>> -> memref<128xf32, #tpu.memory_space<hbm>>
      %dma_wait3A_71 = tpu.memref_slice %arg5[%add3A_22] : memref<16384xf32, #tpu.memory_space<hbm>> -> memref<128xf32, #tpu.memory_space<hbm>>
      tpu.wait_dma2 semaphore(%run_scoped3A : memref<!tpu.dma_semaphore, #tpu.memory_space<semaphore_mem>>) src(%dma_wait3A_71 : memref<128xf32, #tpu.memory_space<hbm>>) dst(%arg19 : memref<128xf32, #tpu.memory_space<vmem>>)
      tpu.yield
    }) : () -> ()
    %scan3A_23 = arith.constant 0 : i32
    %scan3A_24 = arith.constant 0 : i32
    %scan3A_25 = arith.constant 256 : i32
    %scan3A_26 = arith.addi %scan3A_24, %scan3A_25 : i32
    %scan3A_27 = arith.constant 1 : i32
    scf.for %scan3A_70 = %scan3A_24 to %scan3A_26 step %scan3A_27  : i32 {
      %mul3A_71 = arith.constant 16 : i32
      %mul3A_72 = arith.muli %scan3A_70, %mul3A_71 : i32
      %swap3A_73 = arith.index_cast %mul3A_72 : i32 to index
      %swap3A_74 = tpu.vector_load %arg20[%swap3A_73] {strides = array<i32>} : memref<4096xf32, #tpu.memory_space<vmem>>, vector<16xf32>,
      %swap3A_75 = vector.shape_cast %swap3A_74 : vector<16xf32> to vector<16xf32>
      %swap3A_76 = vector.shape_cast %broadcast_in_dim3A_1 : vector<16xf32> to vector<16xf32>
      tpu.vector_store %arg20[%swap3A_73], %swap3A_76 {strides = array<i32>} : memref<4096xf32, #tpu.memory_space<vmem>>, vector<16xf32>,
    }
    %scan3A_28 = arith.constant 256 : i32
    %scan3A_29 = arith.constant 0 : i32
    %scan3A_30 = arith.constant 8 : i32
    %scan3A_31 = arith.addi %scan3A_29, %scan3A_30 : i32
    %scan3A_32 = arith.constant 1 : i32
    %scan3A_33 = scf.for %scan3A_70 = %scan3A_29 to %scan3A_31 step %scan3A_32 iter_args(%scan3A_71 = %scan3A_17) -> (vector<16xf32>)  : i32 {
      %mul3A_72 = arith.constant 16 : i32
      %mul3A_73 = arith.muli %scan3A_70, %mul3A_72 : i32
      %get3A = arith.index_cast %mul3A_73 : i32 to index
      %get3A_74 = tpu.vector_load %arg16[%get3A] {strides = array<i32>} : memref<128xf32, #tpu.memory_space<vmem>>, vector<16xf32>,
      %get3A_75 = vector.shape_cast %get3A_74 : vector<16xf32> to vector<16xf32>
      %mul3A_76 = arith.constant 16 : i32
      %mul3A_77 = arith.muli %scan3A_70, %mul3A_76 : i32
      %get3A_78 = arith.index_cast %mul3A_77 : i32 to index
      %get3A_79 = tpu.vector_load %arg17[%get3A_78] {strides = array<i32>} : memref<128xf32, #tpu.memory_space<vmem>>, vector<16xf32>,
      %get3A_80 = vector.shape_cast %get3A_79 : vector<16xf32> to vector<16xf32>
      %mul3A_81 = arith.constant 16 : i32
      %mul3A_82 = arith.muli %scan3A_70, %mul3A_81 : i32
      %get3A_83 = arith.index_cast %mul3A_82 : i32 to index
      %get3A_84 = tpu.vector_load %arg18[%get3A_83] {strides = array<i32>} : memref<128xf32, #tpu.memory_space<vmem>>, vector<16xf32>,
      %get3A_85 = vector.shape_cast %get3A_84 : vector<16xf32> to vector<16xf32>
      %mul3A_86 = arith.constant 16 : i32
      %mul3A_87 = arith.muli %scan3A_70, %mul3A_86 : i32
      %get3A_88 = arith.index_cast %mul3A_87 : i32 to index
      %get3A_89 = tpu.vector_load %arg19[%get3A_88] {strides = array<i32>} : memref<128xf32, #tpu.memory_space<vmem>>, vector<16xf32>,
      %get3A_90 = vector.shape_cast %get3A_89 : vector<16xf32> to vector<16xf32>
      %slice3A = vector.extract_strided_slice %get3A_75 {offsets = [0], sizes = [1], strides = [1]} : vector<16xf32> to vector<1xf32>
      %squeeze3A = vector.extract %slice3A[0] : f32 from vector<1xf32>
      %slice3A_91 = vector.extract_strided_slice %get3A_75 {offsets = [1], sizes = [1], strides = [1]} : vector<16xf32> to vector<1xf32>
      %squeeze3A_92 = vector.extract %slice3A_91[0] : f32 from vector<1xf32>
      %slice3A_93 = vector.extract_strided_slice %get3A_75 {offsets = [2], sizes = [1], strides = [1]} : vector<16xf32> to vector<1xf32>
      %squeeze3A_94 = vector.extract %slice3A_93[0] : f32 from vector<1xf32>
      %slice3A_95 = vector.extract_strided_slice %get3A_75 {offsets = [3], sizes = [1], strides = [1]} : vector<16xf32> to vector<1xf32>
      %squeeze3A_96 = vector.extract %slice3A_95[0] : f32 from vector<1xf32>
      %slice3A_97 = vector.extract_strided_slice %get3A_75 {offsets = [4], sizes = [1], strides = [1]} : vector<16xf32> to vector<1xf32>
      %squeeze3A_98 = vector.extract %slice3A_97[0] : f32 from vector<1xf32>
      %slice3A_99 = vector.extract_strided_slice %get3A_75 {offsets = [5], sizes = [1], strides = [1]} : vector<16xf32> to vector<1xf32>
      %squeeze3A_100 = vector.extract %slice3A_99[0] : f32 from vector<1xf32>
      %slice3A_101 = vector.extract_strided_slice %get3A_75 {offsets = [6], sizes = [1], strides = [1]} : vector<16xf32> to vector<1xf32>
      %squeeze3A_102 = vector.extract %slice3A_101[0] : f32 from vector<1xf32>
      %slice3A_103 = vector.extract_strided_slice %get3A_75 {offsets = [7], sizes = [1], strides = [1]} : vector<16xf32> to vector<1xf32>
      %squeeze3A_104 = vector.extract %slice3A_103[0] : f32 from vector<1xf32>
      %slice3A_105 = vector.extract_strided_slice %get3A_75 {offsets = [8], sizes = [1], strides = [1]} : vector<16xf32> to vector<1xf32>
      %squeeze3A_106 = vector.extract %slice3A_105[0] : f32 from vector<1xf32>
      %slice3A_107 = vector.extract_strided_slice %get3A_75 {offsets = [9], sizes = [1], strides = [1]} : vector<16xf32> to vector<1xf32>
      %squeeze3A_108 = vector.extract %slice3A_107[0] : f32 from vector<1xf32>
      %slice3A_109 = vector.extract_strided_slice %get3A_75 {offsets = [10], sizes = [1], strides = [1]} : vector<16xf32> to vector<1xf32>
      %squeeze3A_110 = vector.extract %slice3A_109[0] : f32 from vector<1xf32>
      %slice3A_111 = vector.extract_strided_slice %get3A_75 {offsets = [11], sizes = [1], strides = [1]} : vector<16xf32> to vector<1xf32>
      %squeeze3A_112 = vector.extract %slice3A_111[0] : f32 from vector<1xf32>
      %slice3A_113 = vector.extract_strided_slice %get3A_75 {offsets = [12], sizes = [1], strides = [1]} : vector<16xf32> to vector<1xf32>
      %squeeze3A_114 = vector.extract %slice3A_113[0] : f32 from vector<1xf32>
      %slice3A_115 = vector.extract_strided_slice %get3A_75 {offsets = [13], sizes = [1], strides = [1]} : vector<16xf32> to vector<1xf32>
      %squeeze3A_116 = vector.extract %slice3A_115[0] : f32 from vector<1xf32>
      %slice3A_117 = vector.extract_strided_slice %get3A_75 {offsets = [14], sizes = [1], strides = [1]} : vector<16xf32> to vector<1xf32>
      %squeeze3A_118 = vector.extract %slice3A_117[0] : f32 from vector<1xf32>
      %slice3A_119 = vector.extract_strided_slice %get3A_75 {offsets = [15], sizes = [1], strides = [1]} : vector<16xf32> to vector<1xf32>
      %squeeze3A_120 = vector.extract %slice3A_119[0] : f32 from vector<1xf32>
      %slice3A_121 = vector.extract_strided_slice %get3A_80 {offsets = [0], sizes = [1], strides = [1]} : vector<16xf32> to vector<1xf32>
      %squeeze3A_122 = vector.extract %slice3A_121[0] : f32 from vector<1xf32>
      %slice3A_123 = vector.extract_strided_slice %get3A_80 {offsets = [1], sizes = [1], strides = [1]} : vector<16xf32> to vector<1xf32>
      %squeeze3A_124 = vector.extract %slice3A_123[0] : f32 from vector<1xf32>
      %slice3A_125 = vector.extract_strided_slice %get3A_80 {offsets = [2], sizes = [1], strides = [1]} : vector<16xf32> to vector<1xf32>
      %squeeze3A_126 = vector.extract %slice3A_125[0] : f32 from vector<1xf32>
      %slice3A_127 = vector.extract_strided_slice %get3A_80 {offsets = [3], sizes = [1], strides = [1]} : vector<16xf32> to vector<1xf32>
      %squeeze3A_128 = vector.extract %slice3A_127[0] : f32 from vector<1xf32>
      %slice3A_129 = vector.extract_strided_slice %get3A_80 {offsets = [4], sizes = [1], strides = [1]} : vector<16xf32> to vector<1xf32>
      %squeeze3A_130 = vector.extract %slice3A_129[0] : f32 from vector<1xf32>
      %slice3A_131 = vector.extract_strided_slice %get3A_80 {offsets = [5], sizes = [1], strides = [1]} : vector<16xf32> to vector<1xf32>
      %squeeze3A_132 = vector.extract %slice3A_131[0] : f32 from vector<1xf32>
      %slice3A_133 = vector.extract_strided_slice %get3A_80 {offsets = [6], sizes = [1], strides = [1]} : vector<16xf32> to vector<1xf32>
      %squeeze3A_134 = vector.extract %slice3A_133[0] : f32 from vector<1xf32>
      %slice3A_135 = vector.extract_strided_slice %get3A_80 {offsets = [7], sizes = [1], strides = [1]} : vector<16xf32> to vector<1xf32>
      %squeeze3A_136 = vector.extract %slice3A_135[0] : f32 from vector<1xf32>
      %slice3A_137 = vector.extract_strided_slice %get3A_80 {offsets = [8], sizes = [1], strides = [1]} : vector<16xf32> to vector<1xf32>
      %squeeze3A_138 = vector.extract %slice3A_137[0] : f32 from vector<1xf32>
      %slice3A_139 = vector.extract_strided_slice %get3A_80 {offsets = [9], sizes = [1], strides = [1]} : vector<16xf32> to vector<1xf32>
      %squeeze3A_140 = vector.extract %slice3A_139[0] : f32 from vector<1xf32>
      %slice3A_141 = vector.extract_strided_slice %get3A_80 {offsets = [10], sizes = [1], strides = [1]} : vector<16xf32> to vector<1xf32>
      %squeeze3A_142 = vector.extract %slice3A_141[0] : f32 from vector<1xf32>
      %slice3A_143 = vector.extract_strided_slice %get3A_80 {offsets = [11], sizes = [1], strides = [1]} : vector<16xf32> to vector<1xf32>
      %squeeze3A_144 = vector.extract %slice3A_143[0] : f32 from vector<1xf32>
      %slice3A_145 = vector.extract_strided_slice %get3A_80 {offsets = [12], sizes = [1], strides = [1]} : vector<16xf32> to vector<1xf32>
      %squeeze3A_146 = vector.extract %slice3A_145[0] : f32 from vector<1xf32>
      %slice3A_147 = vector.extract_strided_slice %get3A_80 {offsets = [13], sizes = [1], strides = [1]} : vector<16xf32> to vector<1xf32>
      %squeeze3A_148 = vector.extract %slice3A_147[0] : f32 from vector<1xf32>
      %slice3A_149 = vector.extract_strided_slice %get3A_80 {offsets = [14], sizes = [1], strides = [1]} : vector<16xf32> to vector<1xf32>
      %squeeze3A_150 = vector.extract %slice3A_149[0] : f32 from vector<1xf32>
      %slice3A_151 = vector.extract_strided_slice %get3A_80 {offsets = [15], sizes = [1], strides = [1]} : vector<16xf32> to vector<1xf32>
      %squeeze3A_152 = vector.extract %slice3A_151[0] : f32 from vector<1xf32>
      %slice3A_153 = vector.extract_strided_slice %get3A_85 {offsets = [0], sizes = [1], strides = [1]} : vector<16xf32> to vector<1xf32>
      %squeeze3A_154 = vector.extract %slice3A_153[0] : f32 from vector<1xf32>
      %slice3A_155 = vector.extract_strided_slice %get3A_85 {offsets = [1], sizes = [1], strides = [1]} : vector<16xf32> to vector<1xf32>
      %squeeze3A_156 = vector.extract %slice3A_155[0] : f32 from vector<1xf32>
      %slice3A_157 = vector.extract_strided_slice %get3A_85 {offsets = [2], sizes = [1], strides = [1]} : vector<16xf32> to vector<1xf32>
      %squeeze3A_158 = vector.extract %slice3A_157[0] : f32 from vector<1xf32>
      %slice3A_159 = vector.extract_strided_slice %get3A_85 {offsets = [3], sizes = [1], strides = [1]} : vector<16xf32> to vector<1xf32>
      %squeeze3A_160 = vector.extract %slice3A_159[0] : f32 from vector<1xf32>
      %slice3A_161 = vector.extract_strided_slice %get3A_85 {offsets = [4], sizes = [1], strides = [1]} : vector<16xf32> to vector<1xf32>
      %squeeze3A_162 = vector.extract %slice3A_161[0] : f32 from vector<1xf32>
      %slice3A_163 = vector.extract_strided_slice %get3A_85 {offsets = [5], sizes = [1], strides = [1]} : vector<16xf32> to vector<1xf32>
      %squeeze3A_164 = vector.extract %slice3A_163[0] : f32 from vector<1xf32>
      %slice3A_165 = vector.extract_strided_slice %get3A_85 {offsets = [6], sizes = [1], strides = [1]} : vector<16xf32> to vector<1xf32>
      %squeeze3A_166 = vector.extract %slice3A_165[0] : f32 from vector<1xf32>
      %slice3A_167 = vector.extract_strided_slice %get3A_85 {offsets = [7], sizes = [1], strides = [1]} : vector<16xf32> to vector<1xf32>
      %squeeze3A_168 = vector.extract %slice3A_167[0] : f32 from vector<1xf32>
      %slice3A_169 = vector.extract_strided_slice %get3A_85 {offsets = [8], sizes = [1], strides = [1]} : vector<16xf32> to vector<1xf32>
      %squeeze3A_170 = vector.extract %slice3A_169[0] : f32 from vector<1xf32>
      %slice3A_171 = vector.extract_strided_slice %get3A_85 {offsets = [9], sizes = [1], strides = [1]} : vector<16xf32> to vector<1xf32>
      %squeeze3A_172 = vector.extract %slice3A_171[0] : f32 from vector<1xf32>
      %slice3A_173 = vector.extract_strided_slice %get3A_85 {offsets = [10], sizes = [1], strides = [1]} : vector<16xf32> to vector<1xf32>
      %squeeze3A_174 = vector.extract %slice3A_173[0] : f32 from vector<1xf32>
      %slice3A_175 = vector.extract_strided_slice %get3A_85 {offsets = [11], sizes = [1], strides = [1]} : vector<16xf32> to vector<1xf32>
      %squeeze3A_176 = vector.extract %slice3A_175[0] : f32 from vector<1xf32>
      %slice3A_177 = vector.extract_strided_slice %get3A_85 {offsets = [12], sizes = [1], strides = [1]} : vector<16xf32> to vector<1xf32>
      %squeeze3A_178 = vector.extract %slice3A_177[0] : f32 from vector<1xf32>
      %slice3A_179 = vector.extract_strided_slice %get3A_85 {offsets = [13], sizes = [1], strides = [1]} : vector<16xf32> to vector<1xf32>
      %squeeze3A_180 = vector.extract %slice3A_179[0] : f32 from vector<1xf32>
      %slice3A_181 = vector.extract_strided_slice %get3A_85 {offsets = [14], sizes = [1], strides = [1]} : vector<16xf32> to vector<1xf32>
      %squeeze3A_182 = vector.extract %slice3A_181[0] : f32 from vector<1xf32>
      %slice3A_183 = vector.extract_strided_slice %get3A_85 {offsets = [15], sizes = [1], strides = [1]} : vector<16xf32> to vector<1xf32>
      %squeeze3A_184 = vector.extract %slice3A_183[0] : f32 from vector<1xf32>
      %slice3A_185 = vector.extract_strided_slice %get3A_90 {offsets = [0], sizes = [1], strides = [1]} : vector<16xf32> to vector<1xf32>
      %squeeze3A_186 = vector.extract %slice3A_185[0] : f32 from vector<1xf32>
      %slice3A_187 = vector.extract_strided_slice %get3A_90 {offsets = [1], sizes = [1], strides = [1]} : vector<16xf32> to vector<1xf32>
      %squeeze3A_188 = vector.extract %slice3A_187[0] : f32 from vector<1xf32>
      %slice3A_189 = vector.extract_strided_slice %get3A_90 {offsets = [2], sizes = [1], strides = [1]} : vector<16xf32> to vector<1xf32>
      %squeeze3A_190 = vector.extract %slice3A_189[0] : f32 from vector<1xf32>
      %slice3A_191 = vector.extract_strided_slice %get3A_90 {offsets = [3], sizes = [1], strides = [1]} : vector<16xf32> to vector<1xf32>
      %squeeze3A_192 = vector.extract %slice3A_191[0] : f32 from vector<1xf32>
      %slice3A_193 = vector.extract_strided_slice %get3A_90 {offsets = [4], sizes = [1], strides = [1]} : vector<16xf32> to vector<1xf32>
      %squeeze3A_194 = vector.extract %slice3A_193[0] : f32 from vector<1xf32>
      %slice3A_195 = vector.extract_strided_slice %get3A_90 {offsets = [5], sizes = [1], strides = [1]} : vector<16xf32> to vector<1xf32>
      %squeeze3A_196 = vector.extract %slice3A_195[0] : f32 from vector<1xf32>
      %slice3A_197 = vector.extract_strided_slice %get3A_90 {offsets = [6], sizes = [1], strides = [1]} : vector<16xf32> to vector<1xf32>
      %squeeze3A_198 = vector.extract %slice3A_197[0] : f32 from vector<1xf32>
      %slice3A_199 = vector.extract_strided_slice %get3A_90 {offsets = [7], sizes = [1], strides = [1]} : vector<16xf32> to vector<1xf32>
      %squeeze3A_200 = vector.extract %slice3A_199[0] : f32 from vector<1xf32>
      %slice3A_201 = vector.extract_strided_slice %get3A_90 {offsets = [8], sizes = [1], strides = [1]} : vector<16xf32> to vector<1xf32>
      %squeeze3A_202 = vector.extract %slice3A_201[0] : f32 from vector<1xf32>
      %slice3A_203 = vector.extract_strided_slice %get3A_90 {offsets = [9], sizes = [1], strides = [1]} : vector<16xf32> to vector<1xf32>
      %squeeze3A_204 = vector.extract %slice3A_203[0] : f32 from vector<1xf32>
      %slice3A_205 = vector.extract_strided_slice %get3A_90 {offsets = [10], sizes = [1], strides = [1]} : vector<16xf32> to vector<1xf32>
      %squeeze3A_206 = vector.extract %slice3A_205[0] : f32 from vector<1xf32>
      %slice3A_207 = vector.extract_strided_slice %get3A_90 {offsets = [11], sizes = [1], strides = [1]} : vector<16xf32> to vector<1xf32>
      %squeeze3A_208 = vector.extract %slice3A_207[0] : f32 from vector<1xf32>
      %slice3A_209 = vector.extract_strided_slice %get3A_90 {offsets = [12], sizes = [1], strides = [1]} : vector<16xf32> to vector<1xf32>
      %squeeze3A_210 = vector.extract %slice3A_209[0] : f32 from vector<1xf32>
      %slice3A_211 = vector.extract_strided_slice %get3A_90 {offsets = [13], sizes = [1], strides = [1]} : vector<16xf32> to vector<1xf32>
      %squeeze3A_212 = vector.extract %slice3A_211[0] : f32 from vector<1xf32>
      %slice3A_213 = vector.extract_strided_slice %get3A_90 {offsets = [14], sizes = [1], strides = [1]} : vector<16xf32> to vector<1xf32>
      %squeeze3A_214 = vector.extract %slice3A_213[0] : f32 from vector<1xf32>
      %slice3A_215 = vector.extract_strided_slice %get3A_90 {offsets = [15], sizes = [1], strides = [1]} : vector<16xf32> to vector<1xf32>
      %squeeze3A_216 = vector.extract %slice3A_215[0] : f32 from vector<1xf32>
      %scan3A_217 = arith.constant 0 : i32
      %scan3A_218 = arith.constant 256 : i32
      %scan3A_219 = arith.addi %scan3A_217, %scan3A_218 : i32
      %scan3A_220 = arith.constant 1 : i32
      %scan3A_221:16 = scf.for %scan3A_764 = %scan3A_217 to %scan3A_219 step %scan3A_220 iter_args(%scan3A_765 = %broadcast_in_dim3A_1, %scan3A_766 = %broadcast_in_dim3A_1, %scan3A_767 = %broadcast_in_dim3A_1, %scan3A_768 = %broadcast_in_dim3A_1, %scan3A_769 = %broadcast_in_dim3A_1, %scan3A_770 = %broadcast_in_dim3A_1, %scan3A_771 = %broadcast_in_dim3A_1, %scan3A_772 = %broadcast_in_dim3A_1, %scan3A_773 = %broadcast_in_dim3A_1, %scan3A_774 = %broadcast_in_dim3A_1, %scan3A_775 = %broadcast_in_dim3A_1, %scan3A_776 = %broadcast_in_dim3A_1, %scan3A_777 = %broadcast_in_dim3A_1, %scan3A_778 = %broadcast_in_dim3A_1, %scan3A_779 = %broadcast_in_dim3A_1, %scan3A_780 = %broadcast_in_dim3A_1) -> (vector<16xf32>, vector<16xf32>, vector<16xf32>, vector<16xf32>, vector<16xf32>, vector<16xf32>, vector<16xf32>, vector<16xf32>, vector<16xf32>, vector<16xf32>, vector<16xf32>, vector<16xf32>, vector<16xf32>, vector<16xf32>, vector<16xf32>, vector<16xf32>)  : i32 {
        %mul3A_781 = arith.constant 16 : i32
        %mul3A_782 = arith.muli %scan3A_764, %mul3A_781 : i32
        %get3A_783 = arith.index_cast %mul3A_782 : i32 to index
        %get3A_784 = tpu.vector_load %arg12[%get3A_783] {strides = array<i32>} : memref<4096xf32, #tpu.memory_space<vmem>>, vector<16xf32>,
        %get3A_785 = vector.shape_cast %get3A_784 : vector<16xf32> to vector<16xf32>
        %mul3A_786 = arith.constant 16 : i32
        %mul3A_787 = arith.muli %scan3A_764, %mul3A_786 : i32
        %get3A_788 = arith.index_cast %mul3A_787 : i32 to index
        %get3A_789 = tpu.vector_load %arg13[%get3A_788] {strides = array<i32>} : memref<4096xf32, #tpu.memory_space<vmem>>, vector<16xf32>,
        %get3A_790 = vector.shape_cast %get3A_789 : vector<16xf32> to vector<16xf32>
        %mul3A_791 = arith.constant 16 : i32
        %mul3A_792 = arith.muli %scan3A_764, %mul3A_791 : i32
        %get3A_793 = arith.index_cast %mul3A_792 : i32 to index
        %get3A_794 = tpu.vector_load %arg14[%get3A_793] {strides = array<i32>} : memref<4096xf32, #tpu.memory_space<vmem>>, vector<16xf32>,
        %get3A_795 = vector.shape_cast %get3A_794 : vector<16xf32> to vector<16xf32>
        %mul3A_796 = arith.constant 16 : i32
        %mul3A_797 = arith.muli %scan3A_764, %mul3A_796 : i32
        %get3A_798 = arith.index_cast %mul3A_797 : i32 to index
        %get3A_799 = tpu.vector_load %arg15[%get3A_798] {strides = array<i32>} : memref<4096xf32, #tpu.memory_space<vmem>>, vector<16xf32>,
        %get3A_800 = vector.shape_cast %get3A_799 : vector<16xf32> to vector<16xf32>
        %mul3A_801 = vector.broadcast %squeeze3A : f32 to vector<16xf32>
        %mul3A_802 = arith.mulf %mul3A_801, %get3A_785 : vector<16xf32>
        %add3A_803 = arith.addf %get3A_800, %mul3A_802 : vector<16xf32>
        %mul3A_804 = vector.broadcast %squeeze3A_122 : f32 to vector<16xf32>
        %mul3A_805 = arith.mulf %mul3A_804, %get3A_790 : vector<16xf32>
        %add3A_806 = arith.addf %add3A_803, %mul3A_805 : vector<16xf32>
        %mul3A_807 = vector.broadcast %squeeze3A_154 : f32 to vector<16xf32>
        %mul3A_808 = arith.mulf %mul3A_807, %get3A_795 : vector<16xf32>
        %add3A_809 = arith.addf %add3A_806, %mul3A_808 : vector<16xf32>
        %add3A_810 = vector.broadcast %squeeze3A_186 : f32 to vector<16xf32>
        %add3A_811 = arith.addf %add3A_810, %add3A_809 : vector<16xf32>
        %mul3A_812 = vector.broadcast %squeeze3A_92 : f32 to vector<16xf32>
        %mul3A_813 = arith.mulf %mul3A_812, %get3A_785 : vector<16xf32>
        %add3A_814 = arith.addf %get3A_800, %mul3A_813 : vector<16xf32>
        %mul3A_815 = vector.broadcast %squeeze3A_124 : f32 to vector<16xf32>
        %mul3A_816 = arith.mulf %mul3A_815, %get3A_790 : vector<16xf32>
        %add3A_817 = arith.addf %add3A_814, %mul3A_816 : vector<16xf32>
        %mul3A_818 = vector.broadcast %squeeze3A_156 : f32 to vector<16xf32>
        %mul3A_819 = arith.mulf %mul3A_818, %get3A_795 : vector<16xf32>
        %add3A_820 = arith.addf %add3A_817, %mul3A_819 : vector<16xf32>
        %add3A_821 = vector.broadcast %squeeze3A_188 : f32 to vector<16xf32>
        %add3A_822 = arith.addf %add3A_821, %add3A_820 : vector<16xf32>
        %mul3A_823 = vector.broadcast %squeeze3A_94 : f32 to vector<16xf32>
        %mul3A_824 = arith.mulf %mul3A_823, %get3A_785 : vector<16xf32>
        %add3A_825 = arith.addf %get3A_800, %mul3A_824 : vector<16xf32>
        %mul3A_826 = vector.broadcast %squeeze3A_126 : f32 to vector<16xf32>
        %mul3A_827 = arith.mulf %mul3A_826, %get3A_790 : vector<16xf32>
        %add3A_828 = arith.addf %add3A_825, %mul3A_827 : vector<16xf32>
        %mul3A_829 = vector.broadcast %squeeze3A_158 : f32 to vector<16xf32>
        %mul3A_830 = arith.mulf %mul3A_829, %get3A_795 : vector<16xf32>
        %add3A_831 = arith.addf %add3A_828, %mul3A_830 : vector<16xf32>
        %add3A_832 = vector.broadcast %squeeze3A_190 : f32 to vector<16xf32>
        %add3A_833 = arith.addf %add3A_832, %add3A_831 : vector<16xf32>
        %mul3A_834 = vector.broadcast %squeeze3A_96 : f32 to vector<16xf32>
        %mul3A_835 = arith.mulf %mul3A_834, %get3A_785 : vector<16xf32>
        %add3A_836 = arith.addf %get3A_800, %mul3A_835 : vector<16xf32>
        %mul3A_837 = vector.broadcast %squeeze3A_128 : f32 to vector<16xf32>
        %mul3A_838 = arith.mulf %mul3A_837, %get3A_790 : vector<16xf32>
        %add3A_839 = arith.addf %add3A_836, %mul3A_838 : vector<16xf32>
        %mul3A_840 = vector.broadcast %squeeze3A_160 : f32 to vector<16xf32>
        %mul3A_841 = arith.mulf %mul3A_840, %get3A_795 : vector<16xf32>
        %add3A_842 = arith.addf %add3A_839, %mul3A_841 : vector<16xf32>
        %add3A_843 = vector.broadcast %squeeze3A_192 : f32 to vector<16xf32>
        %add3A_844 = arith.addf %add3A_843, %add3A_842 : vector<16xf32>
        %mul3A_845 = vector.broadcast %squeeze3A_98 : f32 to vector<16xf32>
        %mul3A_846 = arith.mulf %mul3A_845, %get3A_785 : vector<16xf32>
        %add3A_847 = arith.addf %get3A_800, %mul3A_846 : vector<16xf32>
        %mul3A_848 = vector.broadcast %squeeze3A_130 : f32 to vector<16xf32>
        %mul3A_849 = arith.mulf %mul3A_848, %get3A_790 : vector<16xf32>
        %add3A_850 = arith.addf %add3A_847, %mul3A_849 : vector<16xf32>
        %mul3A_851 = vector.broadcast %squeeze3A_162 : f32 to vector<16xf32>
        %mul3A_852 = arith.mulf %mul3A_851, %get3A_795 : vector<16xf32>
        %add3A_853 = arith.addf %add3A_850, %mul3A_852 : vector<16xf32>
        %add3A_854 = vector.broadcast %squeeze3A_194 : f32 to vector<16xf32>
        %add3A_855 = arith.addf %add3A_854, %add3A_853 : vector<16xf32>
        %mul3A_856 = vector.broadcast %squeeze3A_100 : f32 to vector<16xf32>
        %mul3A_857 = arith.mulf %mul3A_856, %get3A_785 : vector<16xf32>
        %add3A_858 = arith.addf %get3A_800, %mul3A_857 : vector<16xf32>
        %mul3A_859 = vector.broadcast %squeeze3A_132 : f32 to vector<16xf32>
        %mul3A_860 = arith.mulf %mul3A_859, %get3A_790 : vector<16xf32>
        %add3A_861 = arith.addf %add3A_858, %mul3A_860 : vector<16xf32>
        %mul3A_862 = vector.broadcast %squeeze3A_164 : f32 to vector<16xf32>
        %mul3A_863 = arith.mulf %mul3A_862, %get3A_795 : vector<16xf32>
        %add3A_864 = arith.addf %add3A_861, %mul3A_863 : vector<16xf32>
        %add3A_865 = vector.broadcast %squeeze3A_196 : f32 to vector<16xf32>
        %add3A_866 = arith.addf %add3A_865, %add3A_864 : vector<16xf32>
        %mul3A_867 = vector.broadcast %squeeze3A_102 : f32 to vector<16xf32>
        %mul3A_868 = arith.mulf %mul3A_867, %get3A_785 : vector<16xf32>
        %add3A_869 = arith.addf %get3A_800, %mul3A_868 : vector<16xf32>
        %mul3A_870 = vector.broadcast %squeeze3A_134 : f32 to vector<16xf32>
        %mul3A_871 = arith.mulf %mul3A_870, %get3A_790 : vector<16xf32>
        %add3A_872 = arith.addf %add3A_869, %mul3A_871 : vector<16xf32>
        %mul3A_873 = vector.broadcast %squeeze3A_166 : f32 to vector<16xf32>
        %mul3A_874 = arith.mulf %mul3A_873, %get3A_795 : vector<16xf32>
        %add3A_875 = arith.addf %add3A_872, %mul3A_874 : vector<16xf32>
        %add3A_876 = vector.broadcast %squeeze3A_198 : f32 to vector<16xf32>
        %add3A_877 = arith.addf %add3A_876, %add3A_875 : vector<16xf32>
        %mul3A_878 = vector.broadcast %squeeze3A_104 : f32 to vector<16xf32>
        %mul3A_879 = arith.mulf %mul3A_878, %get3A_785 : vector<16xf32>
        %add3A_880 = arith.addf %get3A_800, %mul3A_879 : vector<16xf32>
        %mul3A_881 = vector.broadcast %squeeze3A_136 : f32 to vector<16xf32>
        %mul3A_882 = arith.mulf %mul3A_881, %get3A_790 : vector<16xf32>
        %add3A_883 = arith.addf %add3A_880, %mul3A_882 : vector<16xf32>
        %mul3A_884 = vector.broadcast %squeeze3A_168 : f32 to vector<16xf32>
        %mul3A_885 = arith.mulf %mul3A_884, %get3A_795 : vector<16xf32>
        %add3A_886 = arith.addf %add3A_883, %mul3A_885 : vector<16xf32>
        %add3A_887 = vector.broadcast %squeeze3A_200 : f32 to vector<16xf32>
        %add3A_888 = arith.addf %add3A_887, %add3A_886 : vector<16xf32>
        %mul3A_889 = vector.broadcast %squeeze3A_106 : f32 to vector<16xf32>
        %mul3A_890 = arith.mulf %mul3A_889, %get3A_785 : vector<16xf32>
        %add3A_891 = arith.addf %get3A_800, %mul3A_890 : vector<16xf32>
        %mul3A_892 = vector.broadcast %squeeze3A_138 : f32 to vector<16xf32>
        %mul3A_893 = arith.mulf %mul3A_892, %get3A_790 : vector<16xf32>
        %add3A_894 = arith.addf %add3A_891, %mul3A_893 : vector<16xf32>
        %mul3A_895 = vector.broadcast %squeeze3A_170 : f32 to vector<16xf32>
        %mul3A_896 = arith.mulf %mul3A_895, %get3A_795 : vector<16xf32>
        %add3A_897 = arith.addf %add3A_894, %mul3A_896 : vector<16xf32>
        %add3A_898 = vector.broadcast %squeeze3A_202 : f32 to vector<16xf32>
        %add3A_899 = arith.addf %add3A_898, %add3A_897 : vector<16xf32>
        %mul3A_900 = vector.broadcast %squeeze3A_108 : f32 to vector<16xf32>
        %mul3A_901 = arith.mulf %mul3A_900, %get3A_785 : vector<16xf32>
        %add3A_902 = arith.addf %get3A_800, %mul3A_901 : vector<16xf32>
        %mul3A_903 = vector.broadcast %squeeze3A_140 : f32 to vector<16xf32>
        %mul3A_904 = arith.mulf %mul3A_903, %get3A_790 : vector<16xf32>
        %add3A_905 = arith.addf %add3A_902, %mul3A_904 : vector<16xf32>
        %mul3A_906 = vector.broadcast %squeeze3A_172 : f32 to vector<16xf32>
        %mul3A_907 = arith.mulf %mul3A_906, %get3A_795 : vector<16xf32>
        %add3A_908 = arith.addf %add3A_905, %mul3A_907 : vector<16xf32>
        %add3A_909 = vector.broadcast %squeeze3A_204 : f32 to vector<16xf32>
        %add3A_910 = arith.addf %add3A_909, %add3A_908 : vector<16xf32>
        %mul3A_911 = vector.broadcast %squeeze3A_110 : f32 to vector<16xf32>
        %mul3A_912 = arith.mulf %mul3A_911, %get3A_785 : vector<16xf32>
        %add3A_913 = arith.addf %get3A_800, %mul3A_912 : vector<16xf32>
        %mul3A_914 = vector.broadcast %squeeze3A_142 : f32 to vector<16xf32>
        %mul3A_915 = arith.mulf %mul3A_914, %get3A_790 : vector<16xf32>
        %add3A_916 = arith.addf %add3A_913, %mul3A_915 : vector<16xf32>
        %mul3A_917 = vector.broadcast %squeeze3A_174 : f32 to vector<16xf32>
        %mul3A_918 = arith.mulf %mul3A_917, %get3A_795 : vector<16xf32>
        %add3A_919 = arith.addf %add3A_916, %mul3A_918 : vector<16xf32>
        %add3A_920 = vector.broadcast %squeeze3A_206 : f32 to vector<16xf32>
        %add3A_921 = arith.addf %add3A_920, %add3A_919 : vector<16xf32>
        %mul3A_922 = vector.broadcast %squeeze3A_112 : f32 to vector<16xf32>
        %mul3A_923 = arith.mulf %mul3A_922, %get3A_785 : vector<16xf32>
        %add3A_924 = arith.addf %get3A_800, %mul3A_923 : vector<16xf32>
        %mul3A_925 = vector.broadcast %squeeze3A_144 : f32 to vector<16xf32>
        %mul3A_926 = arith.mulf %mul3A_925, %get3A_790 : vector<16xf32>
        %add3A_927 = arith.addf %add3A_924, %mul3A_926 : vector<16xf32>
        %mul3A_928 = vector.broadcast %squeeze3A_176 : f32 to vector<16xf32>
        %mul3A_929 = arith.mulf %mul3A_928, %get3A_795 : vector<16xf32>
        %add3A_930 = arith.addf %add3A_927, %mul3A_929 : vector<16xf32>
        %add3A_931 = vector.broadcast %squeeze3A_208 : f32 to vector<16xf32>
        %add3A_932 = arith.addf %add3A_931, %add3A_930 : vector<16xf32>
        %mul3A_933 = vector.broadcast %squeeze3A_114 : f32 to vector<16xf32>
        %mul3A_934 = arith.mulf %mul3A_933, %get3A_785 : vector<16xf32>
        %add3A_935 = arith.addf %get3A_800, %mul3A_934 : vector<16xf32>
        %mul3A_936 = vector.broadcast %squeeze3A_146 : f32 to vector<16xf32>
        %mul3A_937 = arith.mulf %mul3A_936, %get3A_790 : vector<16xf32>
        %add3A_938 = arith.addf %add3A_935, %mul3A_937 : vector<16xf32>
        %mul3A_939 = vector.broadcast %squeeze3A_178 : f32 to vector<16xf32>
        %mul3A_940 = arith.mulf %mul3A_939, %get3A_795 : vector<16xf32>
        %add3A_941 = arith.addf %add3A_938, %mul3A_940 : vector<16xf32>
        %add3A_942 = vector.broadcast %squeeze3A_210 : f32 to vector<16xf32>
        %add3A_943 = arith.addf %add3A_942, %add3A_941 : vector<16xf32>
        %mul3A_944 = vector.broadcast %squeeze3A_116 : f32 to vector<16xf32>
        %mul3A_945 = arith.mulf %mul3A_944, %get3A_785 : vector<16xf32>
        %add3A_946 = arith.addf %get3A_800, %mul3A_945 : vector<16xf32>
        %mul3A_947 = vector.broadcast %squeeze3A_148 : f32 to vector<16xf32>
        %mul3A_948 = arith.mulf %mul3A_947, %get3A_790 : vector<16xf32>
        %add3A_949 = arith.addf %add3A_946, %mul3A_948 : vector<16xf32>
        %mul3A_950 = vector.broadcast %squeeze3A_180 : f32 to vector<16xf32>
        %mul3A_951 = arith.mulf %mul3A_950, %get3A_795 : vector<16xf32>
        %add3A_952 = arith.addf %add3A_949, %mul3A_951 : vector<16xf32>
        %add3A_953 = vector.broadcast %squeeze3A_212 : f32 to vector<16xf32>
        %add3A_954 = arith.addf %add3A_953, %add3A_952 : vector<16xf32>
        %mul3A_955 = vector.broadcast %squeeze3A_118 : f32 to vector<16xf32>
        %mul3A_956 = arith.mulf %mul3A_955, %get3A_785 : vector<16xf32>
        %add3A_957 = arith.addf %get3A_800, %mul3A_956 : vector<16xf32>
        %mul3A_958 = vector.broadcast %squeeze3A_150 : f32 to vector<16xf32>
        %mul3A_959 = arith.mulf %mul3A_958, %get3A_790 : vector<16xf32>
        %add3A_960 = arith.addf %add3A_957, %mul3A_959 : vector<16xf32>
        %mul3A_961 = vector.broadcast %squeeze3A_182 : f32 to vector<16xf32>
        %mul3A_962 = arith.mulf %mul3A_961, %get3A_795 : vector<16xf32>
        %add3A_963 = arith.addf %add3A_960, %mul3A_962 : vector<16xf32>
        %add3A_964 = vector.broadcast %squeeze3A_214 : f32 to vector<16xf32>
        %add3A_965 = arith.addf %add3A_964, %add3A_963 : vector<16xf32>
        %mul3A_966 = vector.broadcast %squeeze3A_120 : f32 to vector<16xf32>
        %mul3A_967 = arith.mulf %mul3A_966, %get3A_785 : vector<16xf32>
        %add3A_968 = arith.addf %get3A_800, %mul3A_967 : vector<16xf32>
        %mul3A_969 = vector.broadcast %squeeze3A_152 : f32 to vector<16xf32>
        %mul3A_970 = arith.mulf %mul3A_969, %get3A_790 : vector<16xf32>
        %add3A_971 = arith.addf %add3A_968, %mul3A_970 : vector<16xf32>
        %mul3A_972 = vector.broadcast %squeeze3A_184 : f32 to vector<16xf32>
        %mul3A_973 = arith.mulf %mul3A_972, %get3A_795 : vector<16xf32>
        %add3A_974 = arith.addf %add3A_971, %mul3A_973 : vector<16xf32>
        %add3A_975 = vector.broadcast %squeeze3A_216 : f32 to vector<16xf32>
        %add3A_976 = arith.addf %add3A_975, %add3A_974 : vector<16xf32>
        %min3A_977 = arith.minimumf %add3A_811, %add3A_822 : vector<16xf32>
        %min3A_978 = arith.minimumf %min3A_977, %add3A_833 : vector<16xf32>
        %min3A_979 = arith.minimumf %min3A_978, %add3A_844 : vector<16xf32>
        %min3A_980 = arith.minimumf %min3A_979, %add3A_855 : vector<16xf32>
        %min3A_981 = arith.minimumf %min3A_980, %add3A_866 : vector<16xf32>
        %min3A_982 = arith.minimumf %min3A_981, %add3A_877 : vector<16xf32>
        %min3A_983 = arith.minimumf %min3A_982, %add3A_888 : vector<16xf32>
        %min3A_984 = arith.minimumf %min3A_983, %add3A_899 : vector<16xf32>
        %min3A_985 = arith.minimumf %min3A_984, %add3A_910 : vector<16xf32>
        %min3A_986 = arith.minimumf %min3A_985, %add3A_921 : vector<16xf32>
        %min3A_987 = arith.minimumf %min3A_986, %add3A_932 : vector<16xf32>
        %min3A_988 = arith.minimumf %min3A_987, %add3A_943 : vector<16xf32>
        %min3A_989 = arith.minimumf %min3A_988, %add3A_954 : vector<16xf32>
        %min3A_990 = arith.minimumf %min3A_989, %add3A_965 : vector<16xf32>
        %min3A_991 = arith.minimumf %min3A_990, %add3A_976 : vector<16xf32>
        %mul3A_992 = arith.constant 16 : i32
        %mul3A_993 = arith.muli %scan3A_764, %mul3A_992 : i32
        %get3A_994 = arith.index_cast %mul3A_993 : i32 to index
        %get3A_995 = tpu.vector_load %arg20[%get3A_994] {strides = array<i32>} : memref<4096xf32, #tpu.memory_space<vmem>>, vector<16xf32>,
        %get3A_996 = vector.shape_cast %get3A_995 : vector<16xf32> to vector<16xf32>
        %min3A_997 = arith.minimumf %get3A_996, %min3A_991 : vector<16xf32>
        %mul3A_998 = arith.constant 16 : i32
        %mul3A_999 = arith.muli %scan3A_764, %mul3A_998 : i32
        %swap3A_1000 = arith.index_cast %mul3A_999 : i32 to index
        %swap3A_1001 = tpu.vector_load %arg20[%swap3A_1000] {strides = array<i32>} : memref<4096xf32, #tpu.memory_space<vmem>>, vector<16xf32>,
        %swap3A_1002 = vector.shape_cast %swap3A_1001 : vector<16xf32> to vector<16xf32>
        %swap3A_1003 = vector.shape_cast %min3A_997 : vector<16xf32> to vector<16xf32>
        tpu.vector_store %arg20[%swap3A_1000], %swap3A_1003 {strides = array<i32>} : memref<4096xf32, #tpu.memory_space<vmem>>, vector<16xf32>,
        %min3A_1004 = arith.minimumf %scan3A_765, %add3A_811 : vector<16xf32>
        %min3A_1005 = arith.minimumf %scan3A_766, %add3A_822 : vector<16xf32>
        %min3A_1006 = arith.minimumf %scan3A_767, %add3A_833 : vector<16xf32>
        %min3A_1007 = arith.minimumf %scan3A_768, %add3A_844 : vector<16xf32>
        %min3A_1008 = arith.minimumf %scan3A_769, %add3A_855 : vector<16xf32>
        %min3A_1009 = arith.minimumf %scan3A_770, %add3A_866 : vector<16xf32>
        %min3A_1010 = arith.minimumf %scan3A_771, %add3A_877 : vector<16xf32>
        %min3A_1011 = arith.minimumf %scan3A_772, %add3A_888 : vector<16xf32>
        %min3A_1012 = arith.minimumf %scan3A_773, %add3A_899 : vector<16xf32>
        %min3A_1013 = arith.minimumf %scan3A_774, %add3A_910 : vector<16xf32>
        %min3A_1014 = arith.minimumf %scan3A_775, %add3A_921 : vector<16xf32>
        %min3A_1015 = arith.minimumf %scan3A_776, %add3A_932 : vector<16xf32>
        %min3A_1016 = arith.minimumf %scan3A_777, %add3A_943 : vector<16xf32>
        %min3A_1017 = arith.minimumf %scan3A_778, %add3A_954 : vector<16xf32>
        %min3A_1018 = arith.minimumf %scan3A_779, %add3A_965 : vector<16xf32>
        %min3A_1019 = arith.minimumf %scan3A_780, %add3A_976 : vector<16xf32>
        scf.yield %min3A_1004, %min3A_1005, %min3A_1006, %min3A_1007, %min3A_1008, %min3A_1009, %min3A_1010, %min3A_1011, %min3A_1012, %min3A_1013, %min3A_1014, %min3A_1015, %min3A_1016, %min3A_1017, %min3A_1018, %min3A_1019 : vector<16xf32>, vector<16xf32>, vector<16xf32>, vector<16xf32>, vector<16xf32>, vector<16xf32>, vector<16xf32>, vector<16xf32>, vector<16xf32>, vector<16xf32>, vector<16xf32>, vector<16xf32>, vector<16xf32>, vector<16xf32>, vector<16xf32>, vector<16xf32>
      }
      %scan3A_222 = arith.constant 256 : i32
      %broadcast_in_dim3A_223 = arith.constant 0.000000e+00 : f32
      %broadcast_in_dim3A_224 = vector.broadcast %broadcast_in_dim3A_223 : f32 to vector<16xf32>
      %iota3A = tpu.iota {dimensions = array<i32: 0>} : vector<16xi32>
      %xor3A = arith.constant 1 : i32
      %xor3A_225 = vector.broadcast %xor3A : i32 to vector<16xi32>
      %xor3A_226 = arith.xori %iota3A, %xor3A_225 : vector<16xi32>
      %broadcast_in_dim3A_227 = vector.shape_cast %xor3A_226 : vector<16xi32> to vector<16x1xi32>
      %gather3A = vector.shape_cast %broadcast_in_dim3A_227 : vector<16x1xi32> to vector<16xi32>
      %gather3A_228 = tpu.dynamic_gather %scan3A_221#0[%gather3A] in [0] : vector<16xf32>, vector<16xi32> -> vector<16xf32>
      %min3A = arith.minimumf %scan3A_221#0, %gather3A_228 : vector<16xf32>
      %iota3A_229 = tpu.iota {dimensions = array<i32: 0>} : vector<16xi32>
      %xor3A_230 = arith.constant 2 : i32
      %xor3A_231 = vector.broadcast %xor3A_230 : i32 to vector<16xi32>
      %xor3A_232 = arith.xori %iota3A_229, %xor3A_231 : vector<16xi32>
      %broadcast_in_dim3A_233 = vector.shape_cast %xor3A_232 : vector<16xi32> to vector<16x1xi32>
      %gather3A_234 = vector.shape_cast %broadcast_in_dim3A_233 : vector<16x1xi32> to vector<16xi32>
      %gather3A_235 = tpu.dynamic_gather %min3A[%gather3A_234] in [0] : vector<16xf32>, vector<16xi32> -> vector<16xf32>
      %min3A_236 = arith.minimumf %min3A, %gather3A_235 : vector<16xf32>
      %iota3A_237 = tpu.iota {dimensions = array<i32: 0>} : vector<16xi32>
      %xor3A_238 = arith.constant 4 : i32
      %xor3A_239 = vector.broadcast %xor3A_238 : i32 to vector<16xi32>
      %xor3A_240 = arith.xori %iota3A_237, %xor3A_239 : vector<16xi32>
      %broadcast_in_dim3A_241 = vector.shape_cast %xor3A_240 : vector<16xi32> to vector<16x1xi32>
      %gather3A_242 = vector.shape_cast %broadcast_in_dim3A_241 : vector<16x1xi32> to vector<16xi32>
      %gather3A_243 = tpu.dynamic_gather %min3A_236[%gather3A_242] in [0] : vector<16xf32>, vector<16xi32> -> vector<16xf32>
      %min3A_244 = arith.minimumf %min3A_236, %gather3A_243 : vector<16xf32>
      %iota3A_245 = tpu.iota {dimensions = array<i32: 0>} : vector<16xi32>
      %xor3A_246 = arith.constant 8 : i32
      %xor3A_247 = vector.broadcast %xor3A_246 : i32 to vector<16xi32>
      %xor3A_248 = arith.xori %iota3A_245, %xor3A_247 : vector<16xi32>
      %broadcast_in_dim3A_249 = vector.shape_cast %xor3A_248 : vector<16xi32> to vector<16x1xi32>
      %gather3A_250 = vector.shape_cast %broadcast_in_dim3A_249 : vector<16x1xi32> to vector<16xi32>
      %gather3A_251 = tpu.dynamic_gather %min3A_244[%gather3A_250] in [0] : vector<16xf32>, vector<16xi32> -> vector<16xf32>
      %min3A_252 = arith.minimumf %min3A_244, %gather3A_251 : vector<16xf32>
      %max3A = arith.maximumf %min3A_252, %broadcast_in_dim3A_224 : vector<16xf32>
      %add3A_253 = arith.addf %scan3A_71, %max3A : vector<16xf32>
      %iota3A_254 = tpu.iota {dimensions = array<i32: 0>} : vector<16xi32>
      %xor3A_255 = arith.constant 1 : i32
      %xor3A_256 = vector.broadcast %xor3A_255 : i32 to vector<16xi32>
      %xor3A_257 = arith.xori %iota3A_254, %xor3A_256 : vector<16xi32>
      %broadcast_in_dim3A_258 = vector.shape_cast %xor3A_257 : vector<16xi32> to vector<16x1xi32>
      %gather3A_259 = vector.shape_cast %broadcast_in_dim3A_258 : vector<16x1xi32> to vector<16xi32>
      %gather3A_260 = tpu.dynamic_gather %scan3A_221#1[%gather3A_259] in [0] : vector<16xf32>, vector<16xi32> -> vector<16xf32>
      %min3A_261 = arith.minimumf %scan3A_221#1, %gather3A_260 : vector<16xf32>
      %iota3A_262 = tpu.iota {dimensions = array<i32: 0>} : vector<16xi32>
      %xor3A_263 = arith.constant 2 : i32
      %xor3A_264 = vector.broadcast %xor3A_263 : i32 to vector<16xi32>
      %xor3A_265 = arith.xori %iota3A_262, %xor3A_264 : vector<16xi32>
      %broadcast_in_dim3A_266 = vector.shape_cast %xor3A_265 : vector<16xi32> to vector<16x1xi32>
      %gather3A_267 = vector.shape_cast %broadcast_in_dim3A_266 : vector<16x1xi32> to vector<16xi32>
      %gather3A_268 = tpu.dynamic_gather %min3A_261[%gather3A_267] in [0] : vector<16xf32>, vector<16xi32> -> vector<16xf32>
      %min3A_269 = arith.minimumf %min3A_261, %gather3A_268 : vector<16xf32>
      %iota3A_270 = tpu.iota {dimensions = array<i32: 0>} : vector<16xi32>
      %xor3A_271 = arith.constant 4 : i32
      %xor3A_272 = vector.broadcast %xor3A_271 : i32 to vector<16xi32>
      %xor3A_273 = arith.xori %iota3A_270, %xor3A_272 : vector<16xi32>
      %broadcast_in_dim3A_274 = vector.shape_cast %xor3A_273 : vector<16xi32> to vector<16x1xi32>
      %gather3A_275 = vector.shape_cast %broadcast_in_dim3A_274 : vector<16x1xi32> to vector<16xi32>
      %gather3A_276 = tpu.dynamic_gather %min3A_269[%gather3A_275] in [0] : vector<16xf32>, vector<16xi32> -> vector<16xf32>
      %min3A_277 = arith.minimumf %min3A_269, %gather3A_276 : vector<16xf32>
      %iota3A_278 = tpu.iota {dimensions = array<i32: 0>} : vector<16xi32>
      %xor3A_279 = arith.constant 8 : i32
      %xor3A_280 = vector.broadcast %xor3A_279 : i32 to vector<16xi32>
      %xor3A_281 = arith.xori %iota3A_278, %xor3A_280 : vector<16xi32>
      %broadcast_in_dim3A_282 = vector.shape_cast %xor3A_281 : vector<16xi32> to vector<16x1xi32>
      %gather3A_283 = vector.shape_cast %broadcast_in_dim3A_282 : vector<16x1xi32> to vector<16xi32>
      %gather3A_284 = tpu.dynamic_gather %min3A_277[%gather3A_283] in [0] : vector<16xf32>, vector<16xi32> -> vector<16xf32>
      %min3A_285 = arith.minimumf %min3A_277, %gather3A_284 : vector<16xf32>
      %max3A_286 = arith.maximumf %min3A_285, %broadcast_in_dim3A_224 : vector<16xf32>
      %add3A_287 = arith.addf %add3A_253, %max3A_286 : vector<16xf32>
      %iota3A_288 = tpu.iota {dimensions = array<i32: 0>} : vector<16xi32>
      %xor3A_289 = arith.constant 1 : i32
      %xor3A_290 = vector.broadcast %xor3A_289 : i32 to vector<16xi32>
      %xor3A_291 = arith.xori %iota3A_288, %xor3A_290 : vector<16xi32>
      %broadcast_in_dim3A_292 = vector.shape_cast %xor3A_291 : vector<16xi32> to vector<16x1xi32>
      %gather3A_293 = vector.shape_cast %broadcast_in_dim3A_292 : vector<16x1xi32> to vector<16xi32>
      %gather3A_294 = tpu.dynamic_gather %scan3A_221#2[%gather3A_293] in [0] : vector<16xf32>, vector<16xi32> -> vector<16xf32>
      %min3A_295 = arith.minimumf %scan3A_221#2, %gather3A_294 : vector<16xf32>
      %iota3A_296 = tpu.iota {dimensions = array<i32: 0>} : vector<16xi32>
      %xor3A_297 = arith.constant 2 : i32
      %xor3A_298 = vector.broadcast %xor3A_297 : i32 to vector<16xi32>
      %xor3A_299 = arith.xori %iota3A_296, %xor3A_298 : vector<16xi32>
      %broadcast_in_dim3A_300 = vector.shape_cast %xor3A_299 : vector<16xi32> to vector<16x1xi32>
      %gather3A_301 = vector.shape_cast %broadcast_in_dim3A_300 : vector<16x1xi32> to vector<16xi32>
      %gather3A_302 = tpu.dynamic_gather %min3A_295[%gather3A_301] in [0] : vector<16xf32>, vector<16xi32> -> vector<16xf32>
      %min3A_303 = arith.minimumf %min3A_295, %gather3A_302 : vector<16xf32>
      %iota3A_304 = tpu.iota {dimensions = array<i32: 0>} : vector<16xi32>
      %xor3A_305 = arith.constant 4 : i32
      %xor3A_306 = vector.broadcast %xor3A_305 : i32 to vector<16xi32>
      %xor3A_307 = arith.xori %iota3A_304, %xor3A_306 : vector<16xi32>
      %broadcast_in_dim3A_308 = vector.shape_cast %xor3A_307 : vector<16xi32> to vector<16x1xi32>
      %gather3A_309 = vector.shape_cast %broadcast_in_dim3A_308 : vector<16x1xi32> to vector<16xi32>
      %gather3A_310 = tpu.dynamic_gather %min3A_303[%gather3A_309] in [0] : vector<16xf32>, vector<16xi32> -> vector<16xf32>
      %min3A_311 = arith.minimumf %min3A_303, %gather3A_310 : vector<16xf32>
      %iota3A_312 = tpu.iota {dimensions = array<i32: 0>} : vector<16xi32>
      %xor3A_313 = arith.constant 8 : i32
      %xor3A_314 = vector.broadcast %xor3A_313 : i32 to vector<16xi32>
      %xor3A_315 = arith.xori %iota3A_312, %xor3A_314 : vector<16xi32>
      %broadcast_in_dim3A_316 = vector.shape_cast %xor3A_315 : vector<16xi32> to vector<16x1xi32>
      %gather3A_317 = vector.shape_cast %broadcast_in_dim3A_316 : vector<16x1xi32> to vector<16xi32>
      %gather3A_318 = tpu.dynamic_gather %min3A_311[%gather3A_317] in [0] : vector<16xf32>, vector<16xi32> -> vector<16xf32>
      %min3A_319 = arith.minimumf %min3A_311, %gather3A_318 : vector<16xf32>
      %max3A_320 = arith.maximumf %min3A_319, %broadcast_in_dim3A_224 : vector<16xf32>
      %add3A_321 = arith.addf %add3A_287, %max3A_320 : vector<16xf32>
      %iota3A_322 = tpu.iota {dimensions = array<i32: 0>} : vector<16xi32>
      %xor3A_323 = arith.constant 1 : i32
      %xor3A_324 = vector.broadcast %xor3A_323 : i32 to vector<16xi32>
      %xor3A_325 = arith.xori %iota3A_322, %xor3A_324 : vector<16xi32>
      %broadcast_in_dim3A_326 = vector.shape_cast %xor3A_325 : vector<16xi32> to vector<16x1xi32>
      %gather3A_327 = vector.shape_cast %broadcast_in_dim3A_326 : vector<16x1xi32> to vector<16xi32>
      %gather3A_328 = tpu.dynamic_gather %scan3A_221#3[%gather3A_327] in [0] : vector<16xf32>, vector<16xi32> -> vector<16xf32>
      %min3A_329 = arith.minimumf %scan3A_221#3, %gather3A_328 : vector<16xf32>
      %iota3A_330 = tpu.iota {dimensions = array<i32: 0>} : vector<16xi32>
      %xor3A_331 = arith.constant 2 : i32
      %xor3A_332 = vector.broadcast %xor3A_331 : i32 to vector<16xi32>
      %xor3A_333 = arith.xori %iota3A_330, %xor3A_332 : vector<16xi32>
      %broadcast_in_dim3A_334 = vector.shape_cast %xor3A_333 : vector<16xi32> to vector<16x1xi32>
      %gather3A_335 = vector.shape_cast %broadcast_in_dim3A_334 : vector<16x1xi32> to vector<16xi32>
      %gather3A_336 = tpu.dynamic_gather %min3A_329[%gather3A_335] in [0] : vector<16xf32>, vector<16xi32> -> vector<16xf32>
      %min3A_337 = arith.minimumf %min3A_329, %gather3A_336 : vector<16xf32>
      %iota3A_338 = tpu.iota {dimensions = array<i32: 0>} : vector<16xi32>
      %xor3A_339 = arith.constant 4 : i32
      %xor3A_340 = vector.broadcast %xor3A_339 : i32 to vector<16xi32>
      %xor3A_341 = arith.xori %iota3A_338, %xor3A_340 : vector<16xi32>
      %broadcast_in_dim3A_342 = vector.shape_cast %xor3A_341 : vector<16xi32> to vector<16x1xi32>
      %gather3A_343 = vector.shape_cast %broadcast_in_dim3A_342 : vector<16x1xi32> to vector<16xi32>
      %gather3A_344 = tpu.dynamic_gather %min3A_337[%gather3A_343] in [0] : vector<16xf32>, vector<16xi32> -> vector<16xf32>
      %min3A_345 = arith.minimumf %min3A_337, %gather3A_344 : vector<16xf32>
      %iota3A_346 = tpu.iota {dimensions = array<i32: 0>} : vector<16xi32>
      %xor3A_347 = arith.constant 8 : i32
      %xor3A_348 = vector.broadcast %xor3A_347 : i32 to vector<16xi32>
      %xor3A_349 = arith.xori %iota3A_346, %xor3A_348 : vector<16xi32>
      %broadcast_in_dim3A_350 = vector.shape_cast %xor3A_349 : vector<16xi32> to vector<16x1xi32>
      %gather3A_351 = vector.shape_cast %broadcast_in_dim3A_350 : vector<16x1xi32> to vector<16xi32>
      %gather3A_352 = tpu.dynamic_gather %min3A_345[%gather3A_351] in [0] : vector<16xf32>, vector<16xi32> -> vector<16xf32>
      %min3A_353 = arith.minimumf %min3A_345, %gather3A_352 : vector<16xf32>
      %max3A_354 = arith.maximumf %min3A_353, %broadcast_in_dim3A_224 : vector<16xf32>
      %add3A_355 = arith.addf %add3A_321, %max3A_354 : vector<16xf32>
      %iota3A_356 = tpu.iota {dimensions = array<i32: 0>} : vector<16xi32>
      %xor3A_357 = arith.constant 1 : i32
      %xor3A_358 = vector.broadcast %xor3A_357 : i32 to vector<16xi32>
      %xor3A_359 = arith.xori %iota3A_356, %xor3A_358 : vector<16xi32>
      %broadcast_in_dim3A_360 = vector.shape_cast %xor3A_359 : vector<16xi32> to vector<16x1xi32>
      %gather3A_361 = vector.shape_cast %broadcast_in_dim3A_360 : vector<16x1xi32> to vector<16xi32>
      %gather3A_362 = tpu.dynamic_gather %scan3A_221#4[%gather3A_361] in [0] : vector<16xf32>, vector<16xi32> -> vector<16xf32>
      %min3A_363 = arith.minimumf %scan3A_221#4, %gather3A_362 : vector<16xf32>
      %iota3A_364 = tpu.iota {dimensions = array<i32: 0>} : vector<16xi32>
      %xor3A_365 = arith.constant 2 : i32
      %xor3A_366 = vector.broadcast %xor3A_365 : i32 to vector<16xi32>
      %xor3A_367 = arith.xori %iota3A_364, %xor3A_366 : vector<16xi32>
      %broadcast_in_dim3A_368 = vector.shape_cast %xor3A_367 : vector<16xi32> to vector<16x1xi32>
      %gather3A_369 = vector.shape_cast %broadcast_in_dim3A_368 : vector<16x1xi32> to vector<16xi32>
      %gather3A_370 = tpu.dynamic_gather %min3A_363[%gather3A_369] in [0] : vector<16xf32>, vector<16xi32> -> vector<16xf32>
      %min3A_371 = arith.minimumf %min3A_363, %gather3A_370 : vector<16xf32>
      %iota3A_372 = tpu.iota {dimensions = array<i32: 0>} : vector<16xi32>
      %xor3A_373 = arith.constant 4 : i32
      %xor3A_374 = vector.broadcast %xor3A_373 : i32 to vector<16xi32>
      %xor3A_375 = arith.xori %iota3A_372, %xor3A_374 : vector<16xi32>
      %broadcast_in_dim3A_376 = vector.shape_cast %xor3A_375 : vector<16xi32> to vector<16x1xi32>
      %gather3A_377 = vector.shape_cast %broadcast_in_dim3A_376 : vector<16x1xi32> to vector<16xi32>
      %gather3A_378 = tpu.dynamic_gather %min3A_371[%gather3A_377] in [0] : vector<16xf32>, vector<16xi32> -> vector<16xf32>
      %min3A_379 = arith.minimumf %min3A_371, %gather3A_378 : vector<16xf32>
      %iota3A_380 = tpu.iota {dimensions = array<i32: 0>} : vector<16xi32>
      %xor3A_381 = arith.constant 8 : i32
      %xor3A_382 = vector.broadcast %xor3A_381 : i32 to vector<16xi32>
      %xor3A_383 = arith.xori %iota3A_380, %xor3A_382 : vector<16xi32>
      %broadcast_in_dim3A_384 = vector.shape_cast %xor3A_383 : vector<16xi32> to vector<16x1xi32>
      %gather3A_385 = vector.shape_cast %broadcast_in_dim3A_384 : vector<16x1xi32> to vector<16xi32>
      %gather3A_386 = tpu.dynamic_gather %min3A_379[%gather3A_385] in [0] : vector<16xf32>, vector<16xi32> -> vector<16xf32>
      %min3A_387 = arith.minimumf %min3A_379, %gather3A_386 : vector<16xf32>
      %max3A_388 = arith.maximumf %min3A_387, %broadcast_in_dim3A_224 : vector<16xf32>
      %add3A_389 = arith.addf %add3A_355, %max3A_388 : vector<16xf32>
      %iota3A_390 = tpu.iota {dimensions = array<i32: 0>} : vector<16xi32>
      %xor3A_391 = arith.constant 1 : i32
      %xor3A_392 = vector.broadcast %xor3A_391 : i32 to vector<16xi32>
      %xor3A_393 = arith.xori %iota3A_390, %xor3A_392 : vector<16xi32>
      %broadcast_in_dim3A_394 = vector.shape_cast %xor3A_393 : vector<16xi32> to vector<16x1xi32>
      %gather3A_395 = vector.shape_cast %broadcast_in_dim3A_394 : vector<16x1xi32> to vector<16xi32>
      %gather3A_396 = tpu.dynamic_gather %scan3A_221#5[%gather3A_395] in [0] : vector<16xf32>, vector<16xi32> -> vector<16xf32>
      %min3A_397 = arith.minimumf %scan3A_221#5, %gather3A_396 : vector<16xf32>
      %iota3A_398 = tpu.iota {dimensions = array<i32: 0>} : vector<16xi32>
      %xor3A_399 = arith.constant 2 : i32
      %xor3A_400 = vector.broadcast %xor3A_399 : i32 to vector<16xi32>
      %xor3A_401 = arith.xori %iota3A_398, %xor3A_400 : vector<16xi32>
      %broadcast_in_dim3A_402 = vector.shape_cast %xor3A_401 : vector<16xi32> to vector<16x1xi32>
      %gather3A_403 = vector.shape_cast %broadcast_in_dim3A_402 : vector<16x1xi32> to vector<16xi32>
      %gather3A_404 = tpu.dynamic_gather %min3A_397[%gather3A_403] in [0] : vector<16xf32>, vector<16xi32> -> vector<16xf32>
      %min3A_405 = arith.minimumf %min3A_397, %gather3A_404 : vector<16xf32>
      %iota3A_406 = tpu.iota {dimensions = array<i32: 0>} : vector<16xi32>
      %xor3A_407 = arith.constant 4 : i32
      %xor3A_408 = vector.broadcast %xor3A_407 : i32 to vector<16xi32>
      %xor3A_409 = arith.xori %iota3A_406, %xor3A_408 : vector<16xi32>
      %broadcast_in_dim3A_410 = vector.shape_cast %xor3A_409 : vector<16xi32> to vector<16x1xi32>
      %gather3A_411 = vector.shape_cast %broadcast_in_dim3A_410 : vector<16x1xi32> to vector<16xi32>
      %gather3A_412 = tpu.dynamic_gather %min3A_405[%gather3A_411] in [0] : vector<16xf32>, vector<16xi32> -> vector<16xf32>
      %min3A_413 = arith.minimumf %min3A_405, %gather3A_412 : vector<16xf32>
      %iota3A_414 = tpu.iota {dimensions = array<i32: 0>} : vector<16xi32>
      %xor3A_415 = arith.constant 8 : i32
      %xor3A_416 = vector.broadcast %xor3A_415 : i32 to vector<16xi32>
      %xor3A_417 = arith.xori %iota3A_414, %xor3A_416 : vector<16xi32>
      %broadcast_in_dim3A_418 = vector.shape_cast %xor3A_417 : vector<16xi32> to vector<16x1xi32>
      %gather3A_419 = vector.shape_cast %broadcast_in_dim3A_418 : vector<16x1xi32> to vector<16xi32>
      %gather3A_420 = tpu.dynamic_gather %min3A_413[%gather3A_419] in [0] : vector<16xf32>, vector<16xi32> -> vector<16xf32>
      %min3A_421 = arith.minimumf %min3A_413, %gather3A_420 : vector<16xf32>
      %max3A_422 = arith.maximumf %min3A_421, %broadcast_in_dim3A_224 : vector<16xf32>
      %add3A_423 = arith.addf %add3A_389, %max3A_422 : vector<16xf32>
      %iota3A_424 = tpu.iota {dimensions = array<i32: 0>} : vector<16xi32>
      %xor3A_425 = arith.constant 1 : i32
      %xor3A_426 = vector.broadcast %xor3A_425 : i32 to vector<16xi32>
      %xor3A_427 = arith.xori %iota3A_424, %xor3A_426 : vector<16xi32>
      %broadcast_in_dim3A_428 = vector.shape_cast %xor3A_427 : vector<16xi32> to vector<16x1xi32>
      %gather3A_429 = vector.shape_cast %broadcast_in_dim3A_428 : vector<16x1xi32> to vector<16xi32>
      %gather3A_430 = tpu.dynamic_gather %scan3A_221#6[%gather3A_429] in [0] : vector<16xf32>, vector<16xi32> -> vector<16xf32>
      %min3A_431 = arith.minimumf %scan3A_221#6, %gather3A_430 : vector<16xf32>
      %iota3A_432 = tpu.iota {dimensions = array<i32: 0>} : vector<16xi32>
      %xor3A_433 = arith.constant 2 : i32
      %xor3A_434 = vector.broadcast %xor3A_433 : i32 to vector<16xi32>
      %xor3A_435 = arith.xori %iota3A_432, %xor3A_434 : vector<16xi32>
      %broadcast_in_dim3A_436 = vector.shape_cast %xor3A_435 : vector<16xi32> to vector<16x1xi32>
      %gather3A_437 = vector.shape_cast %broadcast_in_dim3A_436 : vector<16x1xi32> to vector<16xi32>
      %gather3A_438 = tpu.dynamic_gather %min3A_431[%gather3A_437] in [0] : vector<16xf32>, vector<16xi32> -> vector<16xf32>
      %min3A_439 = arith.minimumf %min3A_431, %gather3A_438 : vector<16xf32>
      %iota3A_440 = tpu.iota {dimensions = array<i32: 0>} : vector<16xi32>
      %xor3A_441 = arith.constant 4 : i32
      %xor3A_442 = vector.broadcast %xor3A_441 : i32 to vector<16xi32>
      %xor3A_443 = arith.xori %iota3A_440, %xor3A_442 : vector<16xi32>
      %broadcast_in_dim3A_444 = vector.shape_cast %xor3A_443 : vector<16xi32> to vector<16x1xi32>
      %gather3A_445 = vector.shape_cast %broadcast_in_dim3A_444 : vector<16x1xi32> to vector<16xi32>
      %gather3A_446 = tpu.dynamic_gather %min3A_439[%gather3A_445] in [0] : vector<16xf32>, vector<16xi32> -> vector<16xf32>
      %min3A_447 = arith.minimumf %min3A_439, %gather3A_446 : vector<16xf32>
      %iota3A_448 = tpu.iota {dimensions = array<i32: 0>} : vector<16xi32>
      %xor3A_449 = arith.constant 8 : i32
      %xor3A_450 = vector.broadcast %xor3A_449 : i32 to vector<16xi32>
      %xor3A_451 = arith.xori %iota3A_448, %xor3A_450 : vector<16xi32>
      %broadcast_in_dim3A_452 = vector.shape_cast %xor3A_451 : vector<16xi32> to vector<16x1xi32>
      %gather3A_453 = vector.shape_cast %broadcast_in_dim3A_452 : vector<16x1xi32> to vector<16xi32>
      %gather3A_454 = tpu.dynamic_gather %min3A_447[%gather3A_453] in [0] : vector<16xf32>, vector<16xi32> -> vector<16xf32>
      %min3A_455 = arith.minimumf %min3A_447, %gather3A_454 : vector<16xf32>
      %max3A_456 = arith.maximumf %min3A_455, %broadcast_in_dim3A_224 : vector<16xf32>
      %add3A_457 = arith.addf %add3A_423, %max3A_456 : vector<16xf32>
      %iota3A_458 = tpu.iota {dimensions = array<i32: 0>} : vector<16xi32>
      %xor3A_459 = arith.constant 1 : i32
      %xor3A_460 = vector.broadcast %xor3A_459 : i32 to vector<16xi32>
      %xor3A_461 = arith.xori %iota3A_458, %xor3A_460 : vector<16xi32>
      %broadcast_in_dim3A_462 = vector.shape_cast %xor3A_461 : vector<16xi32> to vector<16x1xi32>
      %gather3A_463 = vector.shape_cast %broadcast_in_dim3A_462 : vector<16x1xi32> to vector<16xi32>
      %gather3A_464 = tpu.dynamic_gather %scan3A_221#7[%gather3A_463] in [0] : vector<16xf32>, vector<16xi32> -> vector<16xf32>
      %min3A_465 = arith.minimumf %scan3A_221#7, %gather3A_464 : vector<16xf32>
      %iota3A_466 = tpu.iota {dimensions = array<i32: 0>} : vector<16xi32>
      %xor3A_467 = arith.constant 2 : i32
      %xor3A_468 = vector.broadcast %xor3A_467 : i32 to vector<16xi32>
      %xor3A_469 = arith.xori %iota3A_466, %xor3A_468 : vector<16xi32>
      %broadcast_in_dim3A_470 = vector.shape_cast %xor3A_469 : vector<16xi32> to vector<16x1xi32>
      %gather3A_471 = vector.shape_cast %broadcast_in_dim3A_470 : vector<16x1xi32> to vector<16xi32>
      %gather3A_472 = tpu.dynamic_gather %min3A_465[%gather3A_471] in [0] : vector<16xf32>, vector<16xi32> -> vector<16xf32>
      %min3A_473 = arith.minimumf %min3A_465, %gather3A_472 : vector<16xf32>
      %iota3A_474 = tpu.iota {dimensions = array<i32: 0>} : vector<16xi32>
      %xor3A_475 = arith.constant 4 : i32
      %xor3A_476 = vector.broadcast %xor3A_475 : i32 to vector<16xi32>
      %xor3A_477 = arith.xori %iota3A_474, %xor3A_476 : vector<16xi32>
      %broadcast_in_dim3A_478 = vector.shape_cast %xor3A_477 : vector<16xi32> to vector<16x1xi32>
      %gather3A_479 = vector.shape_cast %broadcast_in_dim3A_478 : vector<16x1xi32> to vector<16xi32>
      %gather3A_480 = tpu.dynamic_gather %min3A_473[%gather3A_479] in [0] : vector<16xf32>, vector<16xi32> -> vector<16xf32>
      %min3A_481 = arith.minimumf %min3A_473, %gather3A_480 : vector<16xf32>
      %iota3A_482 = tpu.iota {dimensions = array<i32: 0>} : vector<16xi32>
      %xor3A_483 = arith.constant 8 : i32
      %xor3A_484 = vector.broadcast %xor3A_483 : i32 to vector<16xi32>
      %xor3A_485 = arith.xori %iota3A_482, %xor3A_484 : vector<16xi32>
      %broadcast_in_dim3A_486 = vector.shape_cast %xor3A_485 : vector<16xi32> to vector<16x1xi32>
      %gather3A_487 = vector.shape_cast %broadcast_in_dim3A_486 : vector<16x1xi32> to vector<16xi32>
      %gather3A_488 = tpu.dynamic_gather %min3A_481[%gather3A_487] in [0] : vector<16xf32>, vector<16xi32> -> vector<16xf32>
      %min3A_489 = arith.minimumf %min3A_481, %gather3A_488 : vector<16xf32>
      %max3A_490 = arith.maximumf %min3A_489, %broadcast_in_dim3A_224 : vector<16xf32>
      %add3A_491 = arith.addf %add3A_457, %max3A_490 : vector<16xf32>
      %iota3A_492 = tpu.iota {dimensions = array<i32: 0>} : vector<16xi32>
      %xor3A_493 = arith.constant 1 : i32
      %xor3A_494 = vector.broadcast %xor3A_493 : i32 to vector<16xi32>
      %xor3A_495 = arith.xori %iota3A_492, %xor3A_494 : vector<16xi32>
      %broadcast_in_dim3A_496 = vector.shape_cast %xor3A_495 : vector<16xi32> to vector<16x1xi32>
      %gather3A_497 = vector.shape_cast %broadcast_in_dim3A_496 : vector<16x1xi32> to vector<16xi32>
      %gather3A_498 = tpu.dynamic_gather %scan3A_221#8[%gather3A_497] in [0] : vector<16xf32>, vector<16xi32> -> vector<16xf32>
      %min3A_499 = arith.minimumf %scan3A_221#8, %gather3A_498 : vector<16xf32>
      %iota3A_500 = tpu.iota {dimensions = array<i32: 0>} : vector<16xi32>
      %xor3A_501 = arith.constant 2 : i32
      %xor3A_502 = vector.broadcast %xor3A_501 : i32 to vector<16xi32>
      %xor3A_503 = arith.xori %iota3A_500, %xor3A_502 : vector<16xi32>
      %broadcast_in_dim3A_504 = vector.shape_cast %xor3A_503 : vector<16xi32> to vector<16x1xi32>
      %gather3A_505 = vector.shape_cast %broadcast_in_dim3A_504 : vector<16x1xi32> to vector<16xi32>
      %gather3A_506 = tpu.dynamic_gather %min3A_499[%gather3A_505] in [0] : vector<16xf32>, vector<16xi32> -> vector<16xf32>
      %min3A_507 = arith.minimumf %min3A_499, %gather3A_506 : vector<16xf32>
      %iota3A_508 = tpu.iota {dimensions = array<i32: 0>} : vector<16xi32>
      %xor3A_509 = arith.constant 4 : i32
      %xor3A_510 = vector.broadcast %xor3A_509 : i32 to vector<16xi32>
      %xor3A_511 = arith.xori %iota3A_508, %xor3A_510 : vector<16xi32>
      %broadcast_in_dim3A_512 = vector.shape_cast %xor3A_511 : vector<16xi32> to vector<16x1xi32>
      %gather3A_513 = vector.shape_cast %broadcast_in_dim3A_512 : vector<16x1xi32> to vector<16xi32>
      %gather3A_514 = tpu.dynamic_gather %min3A_507[%gather3A_513] in [0] : vector<16xf32>, vector<16xi32> -> vector<16xf32>
      %min3A_515 = arith.minimumf %min3A_507, %gather3A_514 : vector<16xf32>
      %iota3A_516 = tpu.iota {dimensions = array<i32: 0>} : vector<16xi32>
      %xor3A_517 = arith.constant 8 : i32
      %xor3A_518 = vector.broadcast %xor3A_517 : i32 to vector<16xi32>
      %xor3A_519 = arith.xori %iota3A_516, %xor3A_518 : vector<16xi32>
      %broadcast_in_dim3A_520 = vector.shape_cast %xor3A_519 : vector<16xi32> to vector<16x1xi32>
      %gather3A_521 = vector.shape_cast %broadcast_in_dim3A_520 : vector<16x1xi32> to vector<16xi32>
      %gather3A_522 = tpu.dynamic_gather %min3A_515[%gather3A_521] in [0] : vector<16xf32>, vector<16xi32> -> vector<16xf32>
      %min3A_523 = arith.minimumf %min3A_515, %gather3A_522 : vector<16xf32>
      %max3A_524 = arith.maximumf %min3A_523, %broadcast_in_dim3A_224 : vector<16xf32>
      %add3A_525 = arith.addf %add3A_491, %max3A_524 : vector<16xf32>
      %iota3A_526 = tpu.iota {dimensions = array<i32: 0>} : vector<16xi32>
      %xor3A_527 = arith.constant 1 : i32
      %xor3A_528 = vector.broadcast %xor3A_527 : i32 to vector<16xi32>
      %xor3A_529 = arith.xori %iota3A_526, %xor3A_528 : vector<16xi32>
      %broadcast_in_dim3A_530 = vector.shape_cast %xor3A_529 : vector<16xi32> to vector<16x1xi32>
      %gather3A_531 = vector.shape_cast %broadcast_in_dim3A_530 : vector<16x1xi32> to vector<16xi32>
      %gather3A_532 = tpu.dynamic_gather %scan3A_221#9[%gather3A_531] in [0] : vector<16xf32>, vector<16xi32> -> vector<16xf32>
      %min3A_533 = arith.minimumf %scan3A_221#9, %gather3A_532 : vector<16xf32>
      %iota3A_534 = tpu.iota {dimensions = array<i32: 0>} : vector<16xi32>
      %xor3A_535 = arith.constant 2 : i32
      %xor3A_536 = vector.broadcast %xor3A_535 : i32 to vector<16xi32>
      %xor3A_537 = arith.xori %iota3A_534, %xor3A_536 : vector<16xi32>
      %broadcast_in_dim3A_538 = vector.shape_cast %xor3A_537 : vector<16xi32> to vector<16x1xi32>
      %gather3A_539 = vector.shape_cast %broadcast_in_dim3A_538 : vector<16x1xi32> to vector<16xi32>
      %gather3A_540 = tpu.dynamic_gather %min3A_533[%gather3A_539] in [0] : vector<16xf32>, vector<16xi32> -> vector<16xf32>
      %min3A_541 = arith.minimumf %min3A_533, %gather3A_540 : vector<16xf32>
      %iota3A_542 = tpu.iota {dimensions = array<i32: 0>} : vector<16xi32>
      %xor3A_543 = arith.constant 4 : i32
      %xor3A_544 = vector.broadcast %xor3A_543 : i32 to vector<16xi32>
      %xor3A_545 = arith.xori %iota3A_542, %xor3A_544 : vector<16xi32>
      %broadcast_in_dim3A_546 = vector.shape_cast %xor3A_545 : vector<16xi32> to vector<16x1xi32>
      %gather3A_547 = vector.shape_cast %broadcast_in_dim3A_546 : vector<16x1xi32> to vector<16xi32>
      %gather3A_548 = tpu.dynamic_gather %min3A_541[%gather3A_547] in [0] : vector<16xf32>, vector<16xi32> -> vector<16xf32>
      %min3A_549 = arith.minimumf %min3A_541, %gather3A_548 : vector<16xf32>
      %iota3A_550 = tpu.iota {dimensions = array<i32: 0>} : vector<16xi32>
      %xor3A_551 = arith.constant 8 : i32
      %xor3A_552 = vector.broadcast %xor3A_551 : i32 to vector<16xi32>
      %xor3A_553 = arith.xori %iota3A_550, %xor3A_552 : vector<16xi32>
      %broadcast_in_dim3A_554 = vector.shape_cast %xor3A_553 : vector<16xi32> to vector<16x1xi32>
      %gather3A_555 = vector.shape_cast %broadcast_in_dim3A_554 : vector<16x1xi32> to vector<16xi32>
      %gather3A_556 = tpu.dynamic_gather %min3A_549[%gather3A_555] in [0] : vector<16xf32>, vector<16xi32> -> vector<16xf32>
      %min3A_557 = arith.minimumf %min3A_549, %gather3A_556 : vector<16xf32>
      %max3A_558 = arith.maximumf %min3A_557, %broadcast_in_dim3A_224 : vector<16xf32>
      %add3A_559 = arith.addf %add3A_525, %max3A_558 : vector<16xf32>
      %iota3A_560 = tpu.iota {dimensions = array<i32: 0>} : vector<16xi32>
      %xor3A_561 = arith.constant 1 : i32
      %xor3A_562 = vector.broadcast %xor3A_561 : i32 to vector<16xi32>
      %xor3A_563 = arith.xori %iota3A_560, %xor3A_562 : vector<16xi32>
      %broadcast_in_dim3A_564 = vector.shape_cast %xor3A_563 : vector<16xi32> to vector<16x1xi32>
      %gather3A_565 = vector.shape_cast %broadcast_in_dim3A_564 : vector<16x1xi32> to vector<16xi32>
      %gather3A_566 = tpu.dynamic_gather %scan3A_221#10[%gather3A_565] in [0] : vector<16xf32>, vector<16xi32> -> vector<16xf32>
      %min3A_567 = arith.minimumf %scan3A_221#10, %gather3A_566 : vector<16xf32>
      %iota3A_568 = tpu.iota {dimensions = array<i32: 0>} : vector<16xi32>
      %xor3A_569 = arith.constant 2 : i32
      %xor3A_570 = vector.broadcast %xor3A_569 : i32 to vector<16xi32>
      %xor3A_571 = arith.xori %iota3A_568, %xor3A_570 : vector<16xi32>
      %broadcast_in_dim3A_572 = vector.shape_cast %xor3A_571 : vector<16xi32> to vector<16x1xi32>
      %gather3A_573 = vector.shape_cast %broadcast_in_dim3A_572 : vector<16x1xi32> to vector<16xi32>
      %gather3A_574 = tpu.dynamic_gather %min3A_567[%gather3A_573] in [0] : vector<16xf32>, vector<16xi32> -> vector<16xf32>
      %min3A_575 = arith.minimumf %min3A_567, %gather3A_574 : vector<16xf32>
      %iota3A_576 = tpu.iota {dimensions = array<i32: 0>} : vector<16xi32>
      %xor3A_577 = arith.constant 4 : i32
      %xor3A_578 = vector.broadcast %xor3A_577 : i32 to vector<16xi32>
      %xor3A_579 = arith.xori %iota3A_576, %xor3A_578 : vector<16xi32>
      %broadcast_in_dim3A_580 = vector.shape_cast %xor3A_579 : vector<16xi32> to vector<16x1xi32>
      %gather3A_581 = vector.shape_cast %broadcast_in_dim3A_580 : vector<16x1xi32> to vector<16xi32>
      %gather3A_582 = tpu.dynamic_gather %min3A_575[%gather3A_581] in [0] : vector<16xf32>, vector<16xi32> -> vector<16xf32>
      %min3A_583 = arith.minimumf %min3A_575, %gather3A_582 : vector<16xf32>
      %iota3A_584 = tpu.iota {dimensions = array<i32: 0>} : vector<16xi32>
      %xor3A_585 = arith.constant 8 : i32
      %xor3A_586 = vector.broadcast %xor3A_585 : i32 to vector<16xi32>
      %xor3A_587 = arith.xori %iota3A_584, %xor3A_586 : vector<16xi32>
      %broadcast_in_dim3A_588 = vector.shape_cast %xor3A_587 : vector<16xi32> to vector<16x1xi32>
      %gather3A_589 = vector.shape_cast %broadcast_in_dim3A_588 : vector<16x1xi32> to vector<16xi32>
      %gather3A_590 = tpu.dynamic_gather %min3A_583[%gather3A_589] in [0] : vector<16xf32>, vector<16xi32> -> vector<16xf32>
      %min3A_591 = arith.minimumf %min3A_583, %gather3A_590 : vector<16xf32>
      %max3A_592 = arith.maximumf %min3A_591, %broadcast_in_dim3A_224 : vector<16xf32>
      %add3A_593 = arith.addf %add3A_559, %max3A_592 : vector<16xf32>
      %iota3A_594 = tpu.iota {dimensions = array<i32: 0>} : vector<16xi32>
      %xor3A_595 = arith.constant 1 : i32
      %xor3A_596 = vector.broadcast %xor3A_595 : i32 to vector<16xi32>
      %xor3A_597 = arith.xori %iota3A_594, %xor3A_596 : vector<16xi32>
      %broadcast_in_dim3A_598 = vector.shape_cast %xor3A_597 : vector<16xi32> to vector<16x1xi32>
      %gather3A_599 = vector.shape_cast %broadcast_in_dim3A_598 : vector<16x1xi32> to vector<16xi32>
      %gather3A_600 = tpu.dynamic_gather %scan3A_221#11[%gather3A_599] in [0] : vector<16xf32>, vector<16xi32> -> vector<16xf32>
      %min3A_601 = arith.minimumf %scan3A_221#11, %gather3A_600 : vector<16xf32>
      %iota3A_602 = tpu.iota {dimensions = array<i32: 0>} : vector<16xi32>
      %xor3A_603 = arith.constant 2 : i32
      %xor3A_604 = vector.broadcast %xor3A_603 : i32 to vector<16xi32>
      %xor3A_605 = arith.xori %iota3A_602, %xor3A_604 : vector<16xi32>
      %broadcast_in_dim3A_606 = vector.shape_cast %xor3A_605 : vector<16xi32> to vector<16x1xi32>
      %gather3A_607 = vector.shape_cast %broadcast_in_dim3A_606 : vector<16x1xi32> to vector<16xi32>
      %gather3A_608 = tpu.dynamic_gather %min3A_601[%gather3A_607] in [0] : vector<16xf32>, vector<16xi32> -> vector<16xf32>
      %min3A_609 = arith.minimumf %min3A_601, %gather3A_608 : vector<16xf32>
      %iota3A_610 = tpu.iota {dimensions = array<i32: 0>} : vector<16xi32>
      %xor3A_611 = arith.constant 4 : i32
      %xor3A_612 = vector.broadcast %xor3A_611 : i32 to vector<16xi32>
      %xor3A_613 = arith.xori %iota3A_610, %xor3A_612 : vector<16xi32>
      %broadcast_in_dim3A_614 = vector.shape_cast %xor3A_613 : vector<16xi32> to vector<16x1xi32>
      %gather3A_615 = vector.shape_cast %broadcast_in_dim3A_614 : vector<16x1xi32> to vector<16xi32>
      %gather3A_616 = tpu.dynamic_gather %min3A_609[%gather3A_615] in [0] : vector<16xf32>, vector<16xi32> -> vector<16xf32>
      %min3A_617 = arith.minimumf %min3A_609, %gather3A_616 : vector<16xf32>
      %iota3A_618 = tpu.iota {dimensions = array<i32: 0>} : vector<16xi32>
      %xor3A_619 = arith.constant 8 : i32
      %xor3A_620 = vector.broadcast %xor3A_619 : i32 to vector<16xi32>
      %xor3A_621 = arith.xori %iota3A_618, %xor3A_620 : vector<16xi32>
      %broadcast_in_dim3A_622 = vector.shape_cast %xor3A_621 : vector<16xi32> to vector<16x1xi32>
      %gather3A_623 = vector.shape_cast %broadcast_in_dim3A_622 : vector<16x1xi32> to vector<16xi32>
      %gather3A_624 = tpu.dynamic_gather %min3A_617[%gather3A_623] in [0] : vector<16xf32>, vector<16xi32> -> vector<16xf32>
      %min3A_625 = arith.minimumf %min3A_617, %gather3A_624 : vector<16xf32>
      %max3A_626 = arith.maximumf %min3A_625, %broadcast_in_dim3A_224 : vector<16xf32>
      %add3A_627 = arith.addf %add3A_593, %max3A_626 : vector<16xf32>
      %iota3A_628 = tpu.iota {dimensions = array<i32: 0>} : vector<16xi32>
      %xor3A_629 = arith.constant 1 : i32
      %xor3A_630 = vector.broadcast %xor3A_629 : i32 to vector<16xi32>
      %xor3A_631 = arith.xori %iota3A_628, %xor3A_630 : vector<16xi32>
      %broadcast_in_dim3A_632 = vector.shape_cast %xor3A_631 : vector<16xi32> to vector<16x1xi32>
      %gather3A_633 = vector.shape_cast %broadcast_in_dim3A_632 : vector<16x1xi32> to vector<16xi32>
      %gather3A_634 = tpu.dynamic_gather %scan3A_221#12[%gather3A_633] in [0] : vector<16xf32>, vector<16xi32> -> vector<16xf32>
      %min3A_635 = arith.minimumf %scan3A_221#12, %gather3A_634 : vector<16xf32>
      %iota3A_636 = tpu.iota {dimensions = array<i32: 0>} : vector<16xi32>
      %xor3A_637 = arith.constant 2 : i32
      %xor3A_638 = vector.broadcast %xor3A_637 : i32 to vector<16xi32>
      %xor3A_639 = arith.xori %iota3A_636, %xor3A_638 : vector<16xi32>
      %broadcast_in_dim3A_640 = vector.shape_cast %xor3A_639 : vector<16xi32> to vector<16x1xi32>
      %gather3A_641 = vector.shape_cast %broadcast_in_dim3A_640 : vector<16x1xi32> to vector<16xi32>
      %gather3A_642 = tpu.dynamic_gather %min3A_635[%gather3A_641] in [0] : vector<16xf32>, vector<16xi32> -> vector<16xf32>
      %min3A_643 = arith.minimumf %min3A_635, %gather3A_642 : vector<16xf32>
      %iota3A_644 = tpu.iota {dimensions = array<i32: 0>} : vector<16xi32>
      %xor3A_645 = arith.constant 4 : i32
      %xor3A_646 = vector.broadcast %xor3A_645 : i32 to vector<16xi32>
      %xor3A_647 = arith.xori %iota3A_644, %xor3A_646 : vector<16xi32>
      %broadcast_in_dim3A_648 = vector.shape_cast %xor3A_647 : vector<16xi32> to vector<16x1xi32>
      %gather3A_649 = vector.shape_cast %broadcast_in_dim3A_648 : vector<16x1xi32> to vector<16xi32>
      %gather3A_650 = tpu.dynamic_gather %min3A_643[%gather3A_649] in [0] : vector<16xf32>, vector<16xi32> -> vector<16xf32>
      %min3A_651 = arith.minimumf %min3A_643, %gather3A_650 : vector<16xf32>
      %iota3A_652 = tpu.iota {dimensions = array<i32: 0>} : vector<16xi32>
      %xor3A_653 = arith.constant 8 : i32
      %xor3A_654 = vector.broadcast %xor3A_653 : i32 to vector<16xi32>
      %xor3A_655 = arith.xori %iota3A_652, %xor3A_654 : vector<16xi32>
      %broadcast_in_dim3A_656 = vector.shape_cast %xor3A_655 : vector<16xi32> to vector<16x1xi32>
      %gather3A_657 = vector.shape_cast %broadcast_in_dim3A_656 : vector<16x1xi32> to vector<16xi32>
      %gather3A_658 = tpu.dynamic_gather %min3A_651[%gather3A_657] in [0] : vector<16xf32>, vector<16xi32> -> vector<16xf32>
      %min3A_659 = arith.minimumf %min3A_651, %gather3A_658 : vector<16xf32>
      %max3A_660 = arith.maximumf %min3A_659, %broadcast_in_dim3A_224 : vector<16xf32>
      %add3A_661 = arith.addf %add3A_627, %max3A_660 : vector<16xf32>
      %iota3A_662 = tpu.iota {dimensions = array<i32: 0>} : vector<16xi32>
      %xor3A_663 = arith.constant 1 : i32
      %xor3A_664 = vector.broadcast %xor3A_663 : i32 to vector<16xi32>
      %xor3A_665 = arith.xori %iota3A_662, %xor3A_664 : vector<16xi32>
      %broadcast_in_dim3A_666 = vector.shape_cast %xor3A_665 : vector<16xi32> to vector<16x1xi32>
      %gather3A_667 = vector.shape_cast %broadcast_in_dim3A_666 : vector<16x1xi32> to vector<16xi32>
      %gather3A_668 = tpu.dynamic_gather %scan3A_221#13[%gather3A_667] in [0] : vector<16xf32>, vector<16xi32> -> vector<16xf32>
      %min3A_669 = arith.minimumf %scan3A_221#13, %gather3A_668 : vector<16xf32>
      %iota3A_670 = tpu.iota {dimensions = array<i32: 0>} : vector<16xi32>
      %xor3A_671 = arith.constant 2 : i32
      %xor3A_672 = vector.broadcast %xor3A_671 : i32 to vector<16xi32>
      %xor3A_673 = arith.xori %iota3A_670, %xor3A_672 : vector<16xi32>
      %broadcast_in_dim3A_674 = vector.shape_cast %xor3A_673 : vector<16xi32> to vector<16x1xi32>
      %gather3A_675 = vector.shape_cast %broadcast_in_dim3A_674 : vector<16x1xi32> to vector<16xi32>
      %gather3A_676 = tpu.dynamic_gather %min3A_669[%gather3A_675] in [0] : vector<16xf32>, vector<16xi32> -> vector<16xf32>
      %min3A_677 = arith.minimumf %min3A_669, %gather3A_676 : vector<16xf32>
      %iota3A_678 = tpu.iota {dimensions = array<i32: 0>} : vector<16xi32>
      %xor3A_679 = arith.constant 4 : i32
      %xor3A_680 = vector.broadcast %xor3A_679 : i32 to vector<16xi32>
      %xor3A_681 = arith.xori %iota3A_678, %xor3A_680 : vector<16xi32>
      %broadcast_in_dim3A_682 = vector.shape_cast %xor3A_681 : vector<16xi32> to vector<16x1xi32>
      %gather3A_683 = vector.shape_cast %broadcast_in_dim3A_682 : vector<16x1xi32> to vector<16xi32>
      %gather3A_684 = tpu.dynamic_gather %min3A_677[%gather3A_683] in [0] : vector<16xf32>, vector<16xi32> -> vector<16xf32>
      %min3A_685 = arith.minimumf %min3A_677, %gather3A_684 : vector<16xf32>
      %iota3A_686 = tpu.iota {dimensions = array<i32: 0>} : vector<16xi32>
      %xor3A_687 = arith.constant 8 : i32
      %xor3A_688 = vector.broadcast %xor3A_687 : i32 to vector<16xi32>
      %xor3A_689 = arith.xori %iota3A_686, %xor3A_688 : vector<16xi32>
      %broadcast_in_dim3A_690 = vector.shape_cast %xor3A_689 : vector<16xi32> to vector<16x1xi32>
      %gather3A_691 = vector.shape_cast %broadcast_in_dim3A_690 : vector<16x1xi32> to vector<16xi32>
      %gather3A_692 = tpu.dynamic_gather %min3A_685[%gather3A_691] in [0] : vector<16xf32>, vector<16xi32> -> vector<16xf32>
      %min3A_693 = arith.minimumf %min3A_685, %gather3A_692 : vector<16xf32>
      %max3A_694 = arith.maximumf %min3A_693, %broadcast_in_dim3A_224 : vector<16xf32>
      %add3A_695 = arith.addf %add3A_661, %max3A_694 : vector<16xf32>
      %iota3A_696 = tpu.iota {dimensions = array<i32: 0>} : vector<16xi32>
      %xor3A_697 = arith.constant 1 : i32
      %xor3A_698 = vector.broadcast %xor3A_697 : i32 to vector<16xi32>
      %xor3A_699 = arith.xori %iota3A_696, %xor3A_698 : vector<16xi32>
      %broadcast_in_dim3A_700 = vector.shape_cast %xor3A_699 : vector<16xi32> to vector<16x1xi32>
      %gather3A_701 = vector.shape_cast %broadcast_in_dim3A_700 : vector<16x1xi32> to vector<16xi32>
      %gather3A_702 = tpu.dynamic_gather %scan3A_221#14[%gather3A_701] in [0] : vector<16xf32>, vector<16xi32> -> vector<16xf32>
      %min3A_703 = arith.minimumf %scan3A_221#14, %gather3A_702 : vector<16xf32>
      %iota3A_704 = tpu.iota {dimensions = array<i32: 0>} : vector<16xi32>
      %xor3A_705 = arith.constant 2 : i32
      %xor3A_706 = vector.broadcast %xor3A_705 : i32 to vector<16xi32>
      %xor3A_707 = arith.xori %iota3A_704, %xor3A_706 : vector<16xi32>
      %broadcast_in_dim3A_708 = vector.shape_cast %xor3A_707 : vector<16xi32> to vector<16x1xi32>
      %gather3A_709 = vector.shape_cast %broadcast_in_dim3A_708 : vector<16x1xi32> to vector<16xi32>
      %gather3A_710 = tpu.dynamic_gather %min3A_703[%gather3A_709] in [0] : vector<16xf32>, vector<16xi32> -> vector<16xf32>
      %min3A_711 = arith.minimumf %min3A_703, %gather3A_710 : vector<16xf32>
      %iota3A_712 = tpu.iota {dimensions = array<i32: 0>} : vector<16xi32>
      %xor3A_713 = arith.constant 4 : i32
      %xor3A_714 = vector.broadcast %xor3A_713 : i32 to vector<16xi32>
      %xor3A_715 = arith.xori %iota3A_712, %xor3A_714 : vector<16xi32>
      %broadcast_in_dim3A_716 = vector.shape_cast %xor3A_715 : vector<16xi32> to vector<16x1xi32>
      %gather3A_717 = vector.shape_cast %broadcast_in_dim3A_716 : vector<16x1xi32> to vector<16xi32>
      %gather3A_718 = tpu.dynamic_gather %min3A_711[%gather3A_717] in [0] : vector<16xf32>, vector<16xi32> -> vector<16xf32>
      %min3A_719 = arith.minimumf %min3A_711, %gather3A_718 : vector<16xf32>
      %iota3A_720 = tpu.iota {dimensions = array<i32: 0>} : vector<16xi32>
      %xor3A_721 = arith.constant 8 : i32
      %xor3A_722 = vector.broadcast %xor3A_721 : i32 to vector<16xi32>
      %xor3A_723 = arith.xori %iota3A_720, %xor3A_722 : vector<16xi32>
      %broadcast_in_dim3A_724 = vector.shape_cast %xor3A_723 : vector<16xi32> to vector<16x1xi32>
      %gather3A_725 = vector.shape_cast %broadcast_in_dim3A_724 : vector<16x1xi32> to vector<16xi32>
      %gather3A_726 = tpu.dynamic_gather %min3A_719[%gather3A_725] in [0] : vector<16xf32>, vector<16xi32> -> vector<16xf32>
      %min3A_727 = arith.minimumf %min3A_719, %gather3A_726 : vector<16xf32>
      %max3A_728 = arith.maximumf %min3A_727, %broadcast_in_dim3A_224 : vector<16xf32>
      %add3A_729 = arith.addf %add3A_695, %max3A_728 : vector<16xf32>
      %iota3A_730 = tpu.iota {dimensions = array<i32: 0>} : vector<16xi32>
      %xor3A_731 = arith.constant 1 : i32
      %xor3A_732 = vector.broadcast %xor3A_731 : i32 to vector<16xi32>
      %xor3A_733 = arith.xori %iota3A_730, %xor3A_732 : vector<16xi32>
      %broadcast_in_dim3A_734 = vector.shape_cast %xor3A_733 : vector<16xi32> to vector<16x1xi32>
      %gather3A_735 = vector.shape_cast %broadcast_in_dim3A_734 : vector<16x1xi32> to vector<16xi32>
      %gather3A_736 = tpu.dynamic_gather %scan3A_221#15[%gather3A_735] in [0] : vector<16xf32>, vector<16xi32> -> vector<16xf32>
      %min3A_737 = arith.minimumf %scan3A_221#15, %gather3A_736 : vector<16xf32>
      %iota3A_738 = tpu.iota {dimensions = array<i32: 0>} : vector<16xi32>
      %xor3A_739 = arith.constant 2 : i32
      %xor3A_740 = vector.broadcast %xor3A_739 : i32 to vector<16xi32>
      %xor3A_741 = arith.xori %iota3A_738, %xor3A_740 : vector<16xi32>
      %broadcast_in_dim3A_742 = vector.shape_cast %xor3A_741 : vector<16xi32> to vector<16x1xi32>
      %gather3A_743 = vector.shape_cast %broadcast_in_dim3A_742 : vector<16x1xi32> to vector<16xi32>
      %gather3A_744 = tpu.dynamic_gather %min3A_737[%gather3A_743] in [0] : vector<16xf32>, vector<16xi32> -> vector<16xf32>
      %min3A_745 = arith.minimumf %min3A_737, %gather3A_744 : vector<16xf32>
      %iota3A_746 = tpu.iota {dimensions = array<i32: 0>} : vector<16xi32>
      %xor3A_747 = arith.constant 4 : i32
      %xor3A_748 = vector.broadcast %xor3A_747 : i32 to vector<16xi32>
      %xor3A_749 = arith.xori %iota3A_746, %xor3A_748 : vector<16xi32>
      %broadcast_in_dim3A_750 = vector.shape_cast %xor3A_749 : vector<16xi32> to vector<16x1xi32>
      %gather3A_751 = vector.shape_cast %broadcast_in_dim3A_750 : vector<16x1xi32> to vector<16xi32>
      %gather3A_752 = tpu.dynamic_gather %min3A_745[%gather3A_751] in [0] : vector<16xf32>, vector<16xi32> -> vector<16xf32>
      %min3A_753 = arith.minimumf %min3A_745, %gather3A_752 : vector<16xf32>
      %iota3A_754 = tpu.iota {dimensions = array<i32: 0>} : vector<16xi32>
      %xor3A_755 = arith.constant 8 : i32
      %xor3A_756 = vector.broadcast %xor3A_755 : i32 to vector<16xi32>
      %xor3A_757 = arith.xori %iota3A_754, %xor3A_756 : vector<16xi32>
      %broadcast_in_dim3A_758 = vector.shape_cast %xor3A_757 : vector<16xi32> to vector<16x1xi32>
      %gather3A_759 = vector.shape_cast %broadcast_in_dim3A_758 : vector<16x1xi32> to vector<16xi32>
      %gather3A_760 = tpu.dynamic_gather %min3A_753[%gather3A_759] in [0] : vector<16xf32>, vector<16xi32> -> vector<16xf32>
      %min3A_761 = arith.minimumf %min3A_753, %gather3A_760 : vector<16xf32>
      %max3A_762 = arith.maximumf %min3A_761, %broadcast_in_dim3A_224 : vector<16xf32>
      %add3A_763 = arith.addf %add3A_729, %max3A_762 : vector<16xf32>
      scf.yield %add3A_763 : vector<16xf32>
    }
    %scan3A_34 = arith.constant 8 : i32
    "tpu.region"() ({
      %run_scoped3A = tpu.sem_alloc : memref<!tpu.dma_semaphore, #tpu.memory_space<semaphore_mem>>
      %dma_start3A = arith.constant 4096 : i32
      %dma_start3A_70 = tpu.memref_slice %arg11[%add3A, %dma_start3A] : memref<32x16384xf32, #tpu.memory_space<hbm>> -> memref<1x4096xf32, #tpu.memory_space<hbm>>
      %dma_start3A_71 = tpu.memref_squeeze %dma_start3A_70 : memref<1x4096xf32, #tpu.memory_space<hbm>> -> memref<4096xf32, #tpu.memory_space<hbm>>
      %dma_start3A_72 = arith.constant 4096 : i32
      %dma_start3A_73 = tpu.memref_slice %arg11[%add3A, %dma_start3A_72] : memref<32x16384xf32, #tpu.memory_space<hbm>> -> memref<1x4096xf32, #tpu.memory_space<hbm>>
      %dma_start3A_74 = tpu.memref_squeeze %dma_start3A_73 : memref<1x4096xf32, #tpu.memory_space<hbm>> -> memref<4096xf32, #tpu.memory_space<hbm>>
      tpu.enqueue_dma source(%arg20 : memref<4096xf32, #tpu.memory_space<vmem>>) target(%dma_start3A_74 : memref<4096xf32, #tpu.memory_space<hbm>>) target_semaphore(%run_scoped3A : memref<!tpu.dma_semaphore, #tpu.memory_space<semaphore_mem>>)
      %dma_wait3A = arith.constant 4096 : i32
      %dma_wait3A_75 = tpu.memref_slice %arg11[%add3A, %dma_wait3A] : memref<32x16384xf32, #tpu.memory_space<hbm>> -> memref<1x4096xf32, #tpu.memory_space<hbm>>
      %dma_wait3A_76 = tpu.memref_squeeze %dma_wait3A_75 : memref<1x4096xf32, #tpu.memory_space<hbm>> -> memref<4096xf32, #tpu.memory_space<hbm>>
      %dma_wait3A_77 = arith.constant 4096 : i32
      %dma_wait3A_78 = tpu.memref_slice %arg11[%add3A, %dma_wait3A_77] : memref<32x16384xf32, #tpu.memory_space<hbm>> -> memref<1x4096xf32, #tpu.memory_space<hbm>>
      %dma_wait3A_79 = tpu.memref_squeeze %dma_wait3A_78 : memref<1x4096xf32, #tpu.memory_space<hbm>> -> memref<4096xf32, #tpu.memory_space<hbm>>
      tpu.wait_dma2 semaphore(%run_scoped3A : memref<!tpu.dma_semaphore, #tpu.memory_space<semaphore_mem>>) src(%arg20 : memref<4096xf32, #tpu.memory_space<vmem>>) dst(%dma_wait3A_79 : memref<4096xf32, #tpu.memory_space<hbm>>)
      tpu.yield
    }) : () -> ()
    "tpu.region"() ({
      %run_scoped3A = tpu.sem_alloc : memref<!tpu.dma_semaphore, #tpu.memory_space<semaphore_mem>>
      %dma_start3A = arith.constant 8192 : i32
      %dma_start3A_70 = tpu.memref_slice %arg6[%dma_start3A] : memref<16384xf32, #tpu.memory_space<hbm>> -> memref<4096xf32, #tpu.memory_space<hbm>>
      %dma_start3A_71 = arith.constant 8192 : i32
      %dma_start3A_72 = tpu.memref_slice %arg6[%dma_start3A_71] : memref<16384xf32, #tpu.memory_space<hbm>> -> memref<4096xf32, #tpu.memory_space<hbm>>
      tpu.enqueue_dma source(%dma_start3A_72 : memref<4096xf32, #tpu.memory_space<hbm>>) target(%arg12 : memref<4096xf32, #tpu.memory_space<vmem>>) target_semaphore(%run_scoped3A : memref<!tpu.dma_semaphore, #tpu.memory_space<semaphore_mem>>)
      %dma_wait3A = arith.constant 8192 : i32
      %dma_wait3A_73 = tpu.memref_slice %arg6[%dma_wait3A] : memref<16384xf32, #tpu.memory_space<hbm>> -> memref<4096xf32, #tpu.memory_space<hbm>>
      %dma_wait3A_74 = arith.constant 8192 : i32
      %dma_wait3A_75 = tpu.memref_slice %arg6[%dma_wait3A_74] : memref<16384xf32, #tpu.memory_space<hbm>> -> memref<4096xf32, #tpu.memory_space<hbm>>
      tpu.wait_dma2 semaphore(%run_scoped3A : memref<!tpu.dma_semaphore, #tpu.memory_space<semaphore_mem>>) src(%dma_wait3A_75 : memref<4096xf32, #tpu.memory_space<hbm>>) dst(%arg12 : memref<4096xf32, #tpu.memory_space<vmem>>)
      tpu.yield
    }) : () -> ()
    "tpu.region"() ({
      %run_scoped3A = tpu.sem_alloc : memref<!tpu.dma_semaphore, #tpu.memory_space<semaphore_mem>>
      %dma_start3A = arith.constant 8192 : i32
      %dma_start3A_70 = tpu.memref_slice %arg7[%dma_start3A] : memref<16384xf32, #tpu.memory_space<hbm>> -> memref<4096xf32, #tpu.memory_space<hbm>>
      %dma_start3A_71 = arith.constant 8192 : i32
      %dma_start3A_72 = tpu.memref_slice %arg7[%dma_start3A_71] : memref<16384xf32, #tpu.memory_space<hbm>> -> memref<4096xf32, #tpu.memory_space<hbm>>
      tpu.enqueue_dma source(%dma_start3A_72 : memref<4096xf32, #tpu.memory_space<hbm>>) target(%arg13 : memref<4096xf32, #tpu.memory_space<vmem>>) target_semaphore(%run_scoped3A : memref<!tpu.dma_semaphore, #tpu.memory_space<semaphore_mem>>)
      %dma_wait3A = arith.constant 8192 : i32
      %dma_wait3A_73 = tpu.memref_slice %arg7[%dma_wait3A] : memref<16384xf32, #tpu.memory_space<hbm>> -> memref<4096xf32, #tpu.memory_space<hbm>>
      %dma_wait3A_74 = arith.constant 8192 : i32
      %dma_wait3A_75 = tpu.memref_slice %arg7[%dma_wait3A_74] : memref<16384xf32, #tpu.memory_space<hbm>> -> memref<4096xf32, #tpu.memory_space<hbm>>
      tpu.wait_dma2 semaphore(%run_scoped3A : memref<!tpu.dma_semaphore, #tpu.memory_space<semaphore_mem>>) src(%dma_wait3A_75 : memref<4096xf32, #tpu.memory_space<hbm>>) dst(%arg13 : memref<4096xf32, #tpu.memory_space<vmem>>)
      tpu.yield
    }) : () -> ()
    "tpu.region"() ({
      %run_scoped3A = tpu.sem_alloc : memref<!tpu.dma_semaphore, #tpu.memory_space<semaphore_mem>>
      %dma_start3A = arith.constant 8192 : i32
      %dma_start3A_70 = tpu.memref_slice %arg8[%dma_start3A] : memref<16384xf32, #tpu.memory_space<hbm>> -> memref<4096xf32, #tpu.memory_space<hbm>>
      %dma_start3A_71 = arith.constant 8192 : i32
      %dma_start3A_72 = tpu.memref_slice %arg8[%dma_start3A_71] : memref<16384xf32, #tpu.memory_space<hbm>> -> memref<4096xf32, #tpu.memory_space<hbm>>
      tpu.enqueue_dma source(%dma_start3A_72 : memref<4096xf32, #tpu.memory_space<hbm>>) target(%arg14 : memref<4096xf32, #tpu.memory_space<vmem>>) target_semaphore(%run_scoped3A : memref<!tpu.dma_semaphore, #tpu.memory_space<semaphore_mem>>)
      %dma_wait3A = arith.constant 8192 : i32
      %dma_wait3A_73 = tpu.memref_slice %arg8[%dma_wait3A] : memref<16384xf32, #tpu.memory_space<hbm>> -> memref<4096xf32, #tpu.memory_space<hbm>>
      %dma_wait3A_74 = arith.constant 8192 : i32
      %dma_wait3A_75 = tpu.memref_slice %arg8[%dma_wait3A_74] : memref<16384xf32, #tpu.memory_space<hbm>> -> memref<4096xf32, #tpu.memory_space<hbm>>
      tpu.wait_dma2 semaphore(%run_scoped3A : memref<!tpu.dma_semaphore, #tpu.memory_space<semaphore_mem>>) src(%dma_wait3A_75 : memref<4096xf32, #tpu.memory_space<hbm>>) dst(%arg14 : memref<4096xf32, #tpu.memory_space<vmem>>)
      tpu.yield
    }) : () -> ()
    "tpu.region"() ({
      %run_scoped3A = tpu.sem_alloc : memref<!tpu.dma_semaphore, #tpu.memory_space<semaphore_mem>>
      %dma_start3A = arith.constant 8192 : i32
      %dma_start3A_70 = tpu.memref_slice %arg9[%dma_start3A] : memref<16384xf32, #tpu.memory_space<hbm>> -> memref<4096xf32, #tpu.memory_space<hbm>>
      %dma_start3A_71 = arith.constant 8192 : i32
      %dma_start3A_72 = tpu.memref_slice %arg9[%dma_start3A_71] : memref<16384xf32, #tpu.memory_space<hbm>> -> memref<4096xf32, #tpu.memory_space<hbm>>
      tpu.enqueue_dma source(%dma_start3A_72 : memref<4096xf32, #tpu.memory_space<hbm>>) target(%arg15 : memref<4096xf32, #tpu.memory_space<vmem>>) target_semaphore(%run_scoped3A : memref<!tpu.dma_semaphore, #tpu.memory_space<semaphore_mem>>)
      %dma_wait3A = arith.constant 8192 : i32
      %dma_wait3A_73 = tpu.memref_slice %arg9[%dma_wait3A] : memref<16384xf32, #tpu.memory_space<hbm>> -> memref<4096xf32, #tpu.memory_space<hbm>>
      %dma_wait3A_74 = arith.constant 8192 : i32
      %dma_wait3A_75 = tpu.memref_slice %arg9[%dma_wait3A_74] : memref<16384xf32, #tpu.memory_space<hbm>> -> memref<4096xf32, #tpu.memory_space<hbm>>
      tpu.wait_dma2 semaphore(%run_scoped3A : memref<!tpu.dma_semaphore, #tpu.memory_space<semaphore_mem>>) src(%dma_wait3A_75 : memref<4096xf32, #tpu.memory_space<hbm>>) dst(%arg15 : memref<4096xf32, #tpu.memory_space<vmem>>)
      tpu.yield
    }) : () -> ()
    %mul3A_35 = arith.constant 128 : i32
    %mul3A_36 = arith.muli %add3A, %mul3A_35 : i32
    %add3A_37 = arith.constant 8192 : i32
    %add3A_38 = arith.addi %add3A_37, %mul3A_36 : i32
    "tpu.region"() ({
      %run_scoped3A = tpu.sem_alloc : memref<!tpu.dma_semaphore, #tpu.memory_space<semaphore_mem>>
      %dma_start3A = tpu.memref_slice %arg2[%add3A_38] : memref<16384xf32, #tpu.memory_space<hbm>> -> memref<128xf32, #tpu.memory_space<hbm>>
      %dma_start3A_70 = tpu.memref_slice %arg2[%add3A_38] : memref<16384xf32, #tpu.memory_space<hbm>> -> memref<128xf32, #tpu.memory_space<hbm>>
      tpu.enqueue_dma source(%dma_start3A_70 : memref<128xf32, #tpu.memory_space<hbm>>) target(%arg16 : memref<128xf32, #tpu.memory_space<vmem>>) target_semaphore(%run_scoped3A : memref<!tpu.dma_semaphore, #tpu.memory_space<semaphore_mem>>)
      %dma_wait3A = tpu.memref_slice %arg2[%add3A_38] : memref<16384xf32, #tpu.memory_space<hbm>> -> memref<128xf32, #tpu.memory_space<hbm>>
      %dma_wait3A_71 = tpu.memref_slice %arg2[%add3A_38] : memref<16384xf32, #tpu.memory_space<hbm>> -> memref<128xf32, #tpu.memory_space<hbm>>
      tpu.wait_dma2 semaphore(%run_scoped3A : memref<!tpu.dma_semaphore, #tpu.memory_space<semaphore_mem>>) src(%dma_wait3A_71 : memref<128xf32, #tpu.memory_space<hbm>>) dst(%arg16 : memref<128xf32, #tpu.memory_space<vmem>>)
      tpu.yield
    }) : () -> ()
    "tpu.region"() ({
      %run_scoped3A = tpu.sem_alloc : memref<!tpu.dma_semaphore, #tpu.memory_space<semaphore_mem>>
      %dma_start3A = tpu.memref_slice %arg3[%add3A_38] : memref<16384xf32, #tpu.memory_space<hbm>> -> memref<128xf32, #tpu.memory_space<hbm>>
      %dma_start3A_70 = tpu.memref_slice %arg3[%add3A_38] : memref<16384xf32, #tpu.memory_space<hbm>> -> memref<128xf32, #tpu.memory_space<hbm>>
      tpu.enqueue_dma source(%dma_start3A_70 : memref<128xf32, #tpu.memory_space<hbm>>) target(%arg17 : memref<128xf32, #tpu.memory_space<vmem>>) target_semaphore(%run_scoped3A : memref<!tpu.dma_semaphore, #tpu.memory_space<semaphore_mem>>)
      %dma_wait3A = tpu.memref_slice %arg3[%add3A_38] : memref<16384xf32, #tpu.memory_space<hbm>> -> memref<128xf32, #tpu.memory_space<hbm>>
      %dma_wait3A_71 = tpu.memref_slice %arg3[%add3A_38] : memref<16384xf32, #tpu.memory_space<hbm>> -> memref<128xf32, #tpu.memory_space<hbm>>
      tpu.wait_dma2 semaphore(%run_scoped3A : memref<!tpu.dma_semaphore, #tpu.memory_space<semaphore_mem>>) src(%dma_wait3A_71 : memref<128xf32, #tpu.memory_space<hbm>>) dst(%arg17 : memref<128xf32, #tpu.memory_space<vmem>>)
      tpu.yield
    }) : () -> ()
    "tpu.region"() ({
      %run_scoped3A = tpu.sem_alloc : memref<!tpu.dma_semaphore, #tpu.memory_space<semaphore_mem>>
      %dma_start3A = tpu.memref_slice %arg4[%add3A_38] : memref<16384xf32, #tpu.memory_space<hbm>> -> memref<128xf32, #tpu.memory_space<hbm>>
      %dma_start3A_70 = tpu.memref_slice %arg4[%add3A_38] : memref<16384xf32, #tpu.memory_space<hbm>> -> memref<128xf32, #tpu.memory_space<hbm>>
      tpu.enqueue_dma source(%dma_start3A_70 : memref<128xf32, #tpu.memory_space<hbm>>) target(%arg18 : memref<128xf32, #tpu.memory_space<vmem>>) target_semaphore(%run_scoped3A : memref<!tpu.dma_semaphore, #tpu.memory_space<semaphore_mem>>)
      %dma_wait3A = tpu.memref_slice %arg4[%add3A_38] : memref<16384xf32, #tpu.memory_space<hbm>> -> memref<128xf32, #tpu.memory_space<hbm>>
      %dma_wait3A_71 = tpu.memref_slice %arg4[%add3A_38] : memref<16384xf32, #tpu.memory_space<hbm>> -> memref<128xf32, #tpu.memory_space<hbm>>
      tpu.wait_dma2 semaphore(%run_scoped3A : memref<!tpu.dma_semaphore, #tpu.memory_space<semaphore_mem>>) src(%dma_wait3A_71 : memref<128xf32, #tpu.memory_space<hbm>>) dst(%arg18 : memref<128xf32, #tpu.memory_space<vmem>>)
      tpu.yield
    }) : () -> ()
    "tpu.region"() ({
      %run_scoped3A = tpu.sem_alloc : memref<!tpu.dma_semaphore, #tpu.memory_space<semaphore_mem>>
      %dma_start3A = tpu.memref_slice %arg5[%add3A_38] : memref<16384xf32, #tpu.memory_space<hbm>> -> memref<128xf32, #tpu.memory_space<hbm>>
      %dma_start3A_70 = tpu.memref_slice %arg5[%add3A_38] : memref<16384xf32, #tpu.memory_space<hbm>> -> memref<128xf32, #tpu.memory_space<hbm>>
      tpu.enqueue_dma source(%dma_start3A_70 : memref<128xf32, #tpu.memory_space<hbm>>) target(%arg19 : memref<128xf32, #tpu.memory_space<vmem>>) target_semaphore(%run_scoped3A : memref<!tpu.dma_semaphore, #tpu.memory_space<semaphore_mem>>)
      %dma_wait3A = tpu.memref_slice %arg5[%add3A_38] : memref<16384xf32, #tpu.memory_space<hbm>> -> memref<128xf32, #tpu.memory_space<hbm>>
      %dma_wait3A_71 = tpu.memref_slice %arg5[%add3A_38] : memref<16384xf32, #tpu.memory_space<hbm>> -> memref<128xf32, #tpu.memory_space<hbm>>
      tpu.wait_dma2 semaphore(%run_scoped3A : memref<!tpu.dma_semaphore, #tpu.memory_space<semaphore_mem>>) src(%dma_wait3A_71 : memref<128xf32, #tpu.memory_space<hbm>>) dst(%arg19 : memref<128xf32, #tpu.memory_space<vmem>>)
      tpu.yield
    }) : () -> ()
    %scan3A_39 = arith.constant 0 : i32
    %scan3A_40 = arith.constant 0 : i32
    %scan3A_41 = arith.constant 256 : i32
    %scan3A_42 = arith.addi %scan3A_40, %scan3A_41 : i32
    %scan3A_43 = arith.constant 1 : i32
    scf.for %scan3A_70 = %scan3A_40 to %scan3A_42 step %scan3A_43  : i32 {
      %mul3A_71 = arith.constant 16 : i32
      %mul3A_72 = arith.muli %scan3A_70, %mul3A_71 : i32
      %swap3A_73 = arith.index_cast %mul3A_72 : i32 to index
      %swap3A_74 = tpu.vector_load %arg20[%swap3A_73] {strides = array<i32>} : memref<4096xf32, #tpu.memory_space<vmem>>, vector<16xf32>,
      %swap3A_75 = vector.shape_cast %swap3A_74 : vector<16xf32> to vector<16xf32>
      %swap3A_76 = vector.shape_cast %broadcast_in_dim3A_1 : vector<16xf32> to vector<16xf32>
      tpu.vector_store %arg20[%swap3A_73], %swap3A_76 {strides = array<i32>} : memref<4096xf32, #tpu.memory_space<vmem>>, vector<16xf32>,
    }
    %scan3A_44 = arith.constant 256 : i32
    %scan3A_45 = arith.constant 0 : i32
    %scan3A_46 = arith.constant 8 : i32
    %scan3A_47 = arith.addi %scan3A_45, %scan3A_46 : i32
    %scan3A_48 = arith.constant 1 : i32
    %scan3A_49 = scf.for %scan3A_70 = %scan3A_45 to %scan3A_47 step %scan3A_48 iter_args(%scan3A_71 = %scan3A_33) -> (vector<16xf32>)  : i32 {
      %mul3A_72 = arith.constant 16 : i32
      %mul3A_73 = arith.muli %scan3A_70, %mul3A_72 : i32
      %get3A = arith.index_cast %mul3A_73 : i32 to index
      %get3A_74 = tpu.vector_load %arg16[%get3A] {strides = array<i32>} : memref<128xf32, #tpu.memory_space<vmem>>, vector<16xf32>,
      %get3A_75 = vector.shape_cast %get3A_74 : vector<16xf32> to vector<16xf32>
      %mul3A_76 = arith.constant 16 : i32
      %mul3A_77 = arith.muli %scan3A_70, %mul3A_76 : i32
      %get3A_78 = arith.index_cast %mul3A_77 : i32 to index
      %get3A_79 = tpu.vector_load %arg17[%get3A_78] {strides = array<i32>} : memref<128xf32, #tpu.memory_space<vmem>>, vector<16xf32>,
      %get3A_80 = vector.shape_cast %get3A_79 : vector<16xf32> to vector<16xf32>
      %mul3A_81 = arith.constant 16 : i32
      %mul3A_82 = arith.muli %scan3A_70, %mul3A_81 : i32
      %get3A_83 = arith.index_cast %mul3A_82 : i32 to index
      %get3A_84 = tpu.vector_load %arg18[%get3A_83] {strides = array<i32>} : memref<128xf32, #tpu.memory_space<vmem>>, vector<16xf32>,
      %get3A_85 = vector.shape_cast %get3A_84 : vector<16xf32> to vector<16xf32>
      %mul3A_86 = arith.constant 16 : i32
      %mul3A_87 = arith.muli %scan3A_70, %mul3A_86 : i32
      %get3A_88 = arith.index_cast %mul3A_87 : i32 to index
      %get3A_89 = tpu.vector_load %arg19[%get3A_88] {strides = array<i32>} : memref<128xf32, #tpu.memory_space<vmem>>, vector<16xf32>,
      %get3A_90 = vector.shape_cast %get3A_89 : vector<16xf32> to vector<16xf32>
      %slice3A = vector.extract_strided_slice %get3A_75 {offsets = [0], sizes = [1], strides = [1]} : vector<16xf32> to vector<1xf32>
      %squeeze3A = vector.extract %slice3A[0] : f32 from vector<1xf32>
      %slice3A_91 = vector.extract_strided_slice %get3A_75 {offsets = [1], sizes = [1], strides = [1]} : vector<16xf32> to vector<1xf32>
      %squeeze3A_92 = vector.extract %slice3A_91[0] : f32 from vector<1xf32>
      %slice3A_93 = vector.extract_strided_slice %get3A_75 {offsets = [2], sizes = [1], strides = [1]} : vector<16xf32> to vector<1xf32>
      %squeeze3A_94 = vector.extract %slice3A_93[0] : f32 from vector<1xf32>
      %slice3A_95 = vector.extract_strided_slice %get3A_75 {offsets = [3], sizes = [1], strides = [1]} : vector<16xf32> to vector<1xf32>
      %squeeze3A_96 = vector.extract %slice3A_95[0] : f32 from vector<1xf32>
      %slice3A_97 = vector.extract_strided_slice %get3A_75 {offsets = [4], sizes = [1], strides = [1]} : vector<16xf32> to vector<1xf32>
      %squeeze3A_98 = vector.extract %slice3A_97[0] : f32 from vector<1xf32>
      %slice3A_99 = vector.extract_strided_slice %get3A_75 {offsets = [5], sizes = [1], strides = [1]} : vector<16xf32> to vector<1xf32>
      %squeeze3A_100 = vector.extract %slice3A_99[0] : f32 from vector<1xf32>
      %slice3A_101 = vector.extract_strided_slice %get3A_75 {offsets = [6], sizes = [1], strides = [1]} : vector<16xf32> to vector<1xf32>
      %squeeze3A_102 = vector.extract %slice3A_101[0] : f32 from vector<1xf32>
      %slice3A_103 = vector.extract_strided_slice %get3A_75 {offsets = [7], sizes = [1], strides = [1]} : vector<16xf32> to vector<1xf32>
      %squeeze3A_104 = vector.extract %slice3A_103[0] : f32 from vector<1xf32>
      %slice3A_105 = vector.extract_strided_slice %get3A_75 {offsets = [8], sizes = [1], strides = [1]} : vector<16xf32> to vector<1xf32>
      %squeeze3A_106 = vector.extract %slice3A_105[0] : f32 from vector<1xf32>
      %slice3A_107 = vector.extract_strided_slice %get3A_75 {offsets = [9], sizes = [1], strides = [1]} : vector<16xf32> to vector<1xf32>
      %squeeze3A_108 = vector.extract %slice3A_107[0] : f32 from vector<1xf32>
      %slice3A_109 = vector.extract_strided_slice %get3A_75 {offsets = [10], sizes = [1], strides = [1]} : vector<16xf32> to vector<1xf32>
      %squeeze3A_110 = vector.extract %slice3A_109[0] : f32 from vector<1xf32>
      %slice3A_111 = vector.extract_strided_slice %get3A_75 {offsets = [11], sizes = [1], strides = [1]} : vector<16xf32> to vector<1xf32>
      %squeeze3A_112 = vector.extract %slice3A_111[0] : f32 from vector<1xf32>
      %slice3A_113 = vector.extract_strided_slice %get3A_75 {offsets = [12], sizes = [1], strides = [1]} : vector<16xf32> to vector<1xf32>
      %squeeze3A_114 = vector.extract %slice3A_113[0] : f32 from vector<1xf32>
      %slice3A_115 = vector.extract_strided_slice %get3A_75 {offsets = [13], sizes = [1], strides = [1]} : vector<16xf32> to vector<1xf32>
      %squeeze3A_116 = vector.extract %slice3A_115[0] : f32 from vector<1xf32>
      %slice3A_117 = vector.extract_strided_slice %get3A_75 {offsets = [14], sizes = [1], strides = [1]} : vector<16xf32> to vector<1xf32>
      %squeeze3A_118 = vector.extract %slice3A_117[0] : f32 from vector<1xf32>
      %slice3A_119 = vector.extract_strided_slice %get3A_75 {offsets = [15], sizes = [1], strides = [1]} : vector<16xf32> to vector<1xf32>
      %squeeze3A_120 = vector.extract %slice3A_119[0] : f32 from vector<1xf32>
      %slice3A_121 = vector.extract_strided_slice %get3A_80 {offsets = [0], sizes = [1], strides = [1]} : vector<16xf32> to vector<1xf32>
      %squeeze3A_122 = vector.extract %slice3A_121[0] : f32 from vector<1xf32>
      %slice3A_123 = vector.extract_strided_slice %get3A_80 {offsets = [1], sizes = [1], strides = [1]} : vector<16xf32> to vector<1xf32>
      %squeeze3A_124 = vector.extract %slice3A_123[0] : f32 from vector<1xf32>
      %slice3A_125 = vector.extract_strided_slice %get3A_80 {offsets = [2], sizes = [1], strides = [1]} : vector<16xf32> to vector<1xf32>
      %squeeze3A_126 = vector.extract %slice3A_125[0] : f32 from vector<1xf32>
      %slice3A_127 = vector.extract_strided_slice %get3A_80 {offsets = [3], sizes = [1], strides = [1]} : vector<16xf32> to vector<1xf32>
      %squeeze3A_128 = vector.extract %slice3A_127[0] : f32 from vector<1xf32>
      %slice3A_129 = vector.extract_strided_slice %get3A_80 {offsets = [4], sizes = [1], strides = [1]} : vector<16xf32> to vector<1xf32>
      %squeeze3A_130 = vector.extract %slice3A_129[0] : f32 from vector<1xf32>
      %slice3A_131 = vector.extract_strided_slice %get3A_80 {offsets = [5], sizes = [1], strides = [1]} : vector<16xf32> to vector<1xf32>
      %squeeze3A_132 = vector.extract %slice3A_131[0] : f32 from vector<1xf32>
      %slice3A_133 = vector.extract_strided_slice %get3A_80 {offsets = [6], sizes = [1], strides = [1]} : vector<16xf32> to vector<1xf32>
      %squeeze3A_134 = vector.extract %slice3A_133[0] : f32 from vector<1xf32>
      %slice3A_135 = vector.extract_strided_slice %get3A_80 {offsets = [7], sizes = [1], strides = [1]} : vector<16xf32> to vector<1xf32>
      %squeeze3A_136 = vector.extract %slice3A_135[0] : f32 from vector<1xf32>
      %slice3A_137 = vector.extract_strided_slice %get3A_80 {offsets = [8], sizes = [1], strides = [1]} : vector<16xf32> to vector<1xf32>
      %squeeze3A_138 = vector.extract %slice3A_137[0] : f32 from vector<1xf32>
      %slice3A_139 = vector.extract_strided_slice %get3A_80 {offsets = [9], sizes = [1], strides = [1]} : vector<16xf32> to vector<1xf32>
      %squeeze3A_140 = vector.extract %slice3A_139[0] : f32 from vector<1xf32>
      %slice3A_141 = vector.extract_strided_slice %get3A_80 {offsets = [10], sizes = [1], strides = [1]} : vector<16xf32> to vector<1xf32>
      %squeeze3A_142 = vector.extract %slice3A_141[0] : f32 from vector<1xf32>
      %slice3A_143 = vector.extract_strided_slice %get3A_80 {offsets = [11], sizes = [1], strides = [1]} : vector<16xf32> to vector<1xf32>
      %squeeze3A_144 = vector.extract %slice3A_143[0] : f32 from vector<1xf32>
      %slice3A_145 = vector.extract_strided_slice %get3A_80 {offsets = [12], sizes = [1], strides = [1]} : vector<16xf32> to vector<1xf32>
      %squeeze3A_146 = vector.extract %slice3A_145[0] : f32 from vector<1xf32>
      %slice3A_147 = vector.extract_strided_slice %get3A_80 {offsets = [13], sizes = [1], strides = [1]} : vector<16xf32> to vector<1xf32>
      %squeeze3A_148 = vector.extract %slice3A_147[0] : f32 from vector<1xf32>
      %slice3A_149 = vector.extract_strided_slice %get3A_80 {offsets = [14], sizes = [1], strides = [1]} : vector<16xf32> to vector<1xf32>
      %squeeze3A_150 = vector.extract %slice3A_149[0] : f32 from vector<1xf32>
      %slice3A_151 = vector.extract_strided_slice %get3A_80 {offsets = [15], sizes = [1], strides = [1]} : vector<16xf32> to vector<1xf32>
      %squeeze3A_152 = vector.extract %slice3A_151[0] : f32 from vector<1xf32>
      %slice3A_153 = vector.extract_strided_slice %get3A_85 {offsets = [0], sizes = [1], strides = [1]} : vector<16xf32> to vector<1xf32>
      %squeeze3A_154 = vector.extract %slice3A_153[0] : f32 from vector<1xf32>
      %slice3A_155 = vector.extract_strided_slice %get3A_85 {offsets = [1], sizes = [1], strides = [1]} : vector<16xf32> to vector<1xf32>
      %squeeze3A_156 = vector.extract %slice3A_155[0] : f32 from vector<1xf32>
      %slice3A_157 = vector.extract_strided_slice %get3A_85 {offsets = [2], sizes = [1], strides = [1]} : vector<16xf32> to vector<1xf32>
      %squeeze3A_158 = vector.extract %slice3A_157[0] : f32 from vector<1xf32>
      %slice3A_159 = vector.extract_strided_slice %get3A_85 {offsets = [3], sizes = [1], strides = [1]} : vector<16xf32> to vector<1xf32>
      %squeeze3A_160 = vector.extract %slice3A_159[0] : f32 from vector<1xf32>
      %slice3A_161 = vector.extract_strided_slice %get3A_85 {offsets = [4], sizes = [1], strides = [1]} : vector<16xf32> to vector<1xf32>
      %squeeze3A_162 = vector.extract %slice3A_161[0] : f32 from vector<1xf32>
      %slice3A_163 = vector.extract_strided_slice %get3A_85 {offsets = [5], sizes = [1], strides = [1]} : vector<16xf32> to vector<1xf32>
      %squeeze3A_164 = vector.extract %slice3A_163[0] : f32 from vector<1xf32>
      %slice3A_165 = vector.extract_strided_slice %get3A_85 {offsets = [6], sizes = [1], strides = [1]} : vector<16xf32> to vector<1xf32>
      %squeeze3A_166 = vector.extract %slice3A_165[0] : f32 from vector<1xf32>
      %slice3A_167 = vector.extract_strided_slice %get3A_85 {offsets = [7], sizes = [1], strides = [1]} : vector<16xf32> to vector<1xf32>
      %squeeze3A_168 = vector.extract %slice3A_167[0] : f32 from vector<1xf32>
      %slice3A_169 = vector.extract_strided_slice %get3A_85 {offsets = [8], sizes = [1], strides = [1]} : vector<16xf32> to vector<1xf32>
      %squeeze3A_170 = vector.extract %slice3A_169[0] : f32 from vector<1xf32>
      %slice3A_171 = vector.extract_strided_slice %get3A_85 {offsets = [9], sizes = [1], strides = [1]} : vector<16xf32> to vector<1xf32>
      %squeeze3A_172 = vector.extract %slice3A_171[0] : f32 from vector<1xf32>
      %slice3A_173 = vector.extract_strided_slice %get3A_85 {offsets = [10], sizes = [1], strides = [1]} : vector<16xf32> to vector<1xf32>
      %squeeze3A_174 = vector.extract %slice3A_173[0] : f32 from vector<1xf32>
      %slice3A_175 = vector.extract_strided_slice %get3A_85 {offsets = [11], sizes = [1], strides = [1]} : vector<16xf32> to vector<1xf32>
      %squeeze3A_176 = vector.extract %slice3A_175[0] : f32 from vector<1xf32>
      %slice3A_177 = vector.extract_strided_slice %get3A_85 {offsets = [12], sizes = [1], strides = [1]} : vector<16xf32> to vector<1xf32>
      %squeeze3A_178 = vector.extract %slice3A_177[0] : f32 from vector<1xf32>
      %slice3A_179 = vector.extract_strided_slice %get3A_85 {offsets = [13], sizes = [1], strides = [1]} : vector<16xf32> to vector<1xf32>
      %squeeze3A_180 = vector.extract %slice3A_179[0] : f32 from vector<1xf32>
      %slice3A_181 = vector.extract_strided_slice %get3A_85 {offsets = [14], sizes = [1], strides = [1]} : vector<16xf32> to vector<1xf32>
      %squeeze3A_182 = vector.extract %slice3A_181[0] : f32 from vector<1xf32>
      %slice3A_183 = vector.extract_strided_slice %get3A_85 {offsets = [15], sizes = [1], strides = [1]} : vector<16xf32> to vector<1xf32>
      %squeeze3A_184 = vector.extract %slice3A_183[0] : f32 from vector<1xf32>
      %slice3A_185 = vector.extract_strided_slice %get3A_90 {offsets = [0], sizes = [1], strides = [1]} : vector<16xf32> to vector<1xf32>
      %squeeze3A_186 = vector.extract %slice3A_185[0] : f32 from vector<1xf32>
      %slice3A_187 = vector.extract_strided_slice %get3A_90 {offsets = [1], sizes = [1], strides = [1]} : vector<16xf32> to vector<1xf32>
      %squeeze3A_188 = vector.extract %slice3A_187[0] : f32 from vector<1xf32>
      %slice3A_189 = vector.extract_strided_slice %get3A_90 {offsets = [2], sizes = [1], strides = [1]} : vector<16xf32> to vector<1xf32>
      %squeeze3A_190 = vector.extract %slice3A_189[0] : f32 from vector<1xf32>
      %slice3A_191 = vector.extract_strided_slice %get3A_90 {offsets = [3], sizes = [1], strides = [1]} : vector<16xf32> to vector<1xf32>
      %squeeze3A_192 = vector.extract %slice3A_191[0] : f32 from vector<1xf32>
      %slice3A_193 = vector.extract_strided_slice %get3A_90 {offsets = [4], sizes = [1], strides = [1]} : vector<16xf32> to vector<1xf32>
      %squeeze3A_194 = vector.extract %slice3A_193[0] : f32 from vector<1xf32>
      %slice3A_195 = vector.extract_strided_slice %get3A_90 {offsets = [5], sizes = [1], strides = [1]} : vector<16xf32> to vector<1xf32>
      %squeeze3A_196 = vector.extract %slice3A_195[0] : f32 from vector<1xf32>
      %slice3A_197 = vector.extract_strided_slice %get3A_90 {offsets = [6], sizes = [1], strides = [1]} : vector<16xf32> to vector<1xf32>
      %squeeze3A_198 = vector.extract %slice3A_197[0] : f32 from vector<1xf32>
      %slice3A_199 = vector.extract_strided_slice %get3A_90 {offsets = [7], sizes = [1], strides = [1]} : vector<16xf32> to vector<1xf32>
      %squeeze3A_200 = vector.extract %slice3A_199[0] : f32 from vector<1xf32>
      %slice3A_201 = vector.extract_strided_slice %get3A_90 {offsets = [8], sizes = [1], strides = [1]} : vector<16xf32> to vector<1xf32>
      %squeeze3A_202 = vector.extract %slice3A_201[0] : f32 from vector<1xf32>
      %slice3A_203 = vector.extract_strided_slice %get3A_90 {offsets = [9], sizes = [1], strides = [1]} : vector<16xf32> to vector<1xf32>
      %squeeze3A_204 = vector.extract %slice3A_203[0] : f32 from vector<1xf32>
      %slice3A_205 = vector.extract_strided_slice %get3A_90 {offsets = [10], sizes = [1], strides = [1]} : vector<16xf32> to vector<1xf32>
      %squeeze3A_206 = vector.extract %slice3A_205[0] : f32 from vector<1xf32>
      %slice3A_207 = vector.extract_strided_slice %get3A_90 {offsets = [11], sizes = [1], strides = [1]} : vector<16xf32> to vector<1xf32>
      %squeeze3A_208 = vector.extract %slice3A_207[0] : f32 from vector<1xf32>
      %slice3A_209 = vector.extract_strided_slice %get3A_90 {offsets = [12], sizes = [1], strides = [1]} : vector<16xf32> to vector<1xf32>
      %squeeze3A_210 = vector.extract %slice3A_209[0] : f32 from vector<1xf32>
      %slice3A_211 = vector.extract_strided_slice %get3A_90 {offsets = [13], sizes = [1], strides = [1]} : vector<16xf32> to vector<1xf32>
      %squeeze3A_212 = vector.extract %slice3A_211[0] : f32 from vector<1xf32>
      %slice3A_213 = vector.extract_strided_slice %get3A_90 {offsets = [14], sizes = [1], strides = [1]} : vector<16xf32> to vector<1xf32>
      %squeeze3A_214 = vector.extract %slice3A_213[0] : f32 from vector<1xf32>
      %slice3A_215 = vector.extract_strided_slice %get3A_90 {offsets = [15], sizes = [1], strides = [1]} : vector<16xf32> to vector<1xf32>
      %squeeze3A_216 = vector.extract %slice3A_215[0] : f32 from vector<1xf32>
      %scan3A_217 = arith.constant 0 : i32
      %scan3A_218 = arith.constant 256 : i32
      %scan3A_219 = arith.addi %scan3A_217, %scan3A_218 : i32
      %scan3A_220 = arith.constant 1 : i32
      %scan3A_221:16 = scf.for %scan3A_764 = %scan3A_217 to %scan3A_219 step %scan3A_220 iter_args(%scan3A_765 = %broadcast_in_dim3A_1, %scan3A_766 = %broadcast_in_dim3A_1, %scan3A_767 = %broadcast_in_dim3A_1, %scan3A_768 = %broadcast_in_dim3A_1, %scan3A_769 = %broadcast_in_dim3A_1, %scan3A_770 = %broadcast_in_dim3A_1, %scan3A_771 = %broadcast_in_dim3A_1, %scan3A_772 = %broadcast_in_dim3A_1, %scan3A_773 = %broadcast_in_dim3A_1, %scan3A_774 = %broadcast_in_dim3A_1, %scan3A_775 = %broadcast_in_dim3A_1, %scan3A_776 = %broadcast_in_dim3A_1, %scan3A_777 = %broadcast_in_dim3A_1, %scan3A_778 = %broadcast_in_dim3A_1, %scan3A_779 = %broadcast_in_dim3A_1, %scan3A_780 = %broadcast_in_dim3A_1) -> (vector<16xf32>, vector<16xf32>, vector<16xf32>, vector<16xf32>, vector<16xf32>, vector<16xf32>, vector<16xf32>, vector<16xf32>, vector<16xf32>, vector<16xf32>, vector<16xf32>, vector<16xf32>, vector<16xf32>, vector<16xf32>, vector<16xf32>, vector<16xf32>)  : i32 {
        %mul3A_781 = arith.constant 16 : i32
        %mul3A_782 = arith.muli %scan3A_764, %mul3A_781 : i32
        %get3A_783 = arith.index_cast %mul3A_782 : i32 to index
        %get3A_784 = tpu.vector_load %arg12[%get3A_783] {strides = array<i32>} : memref<4096xf32, #tpu.memory_space<vmem>>, vector<16xf32>,
        %get3A_785 = vector.shape_cast %get3A_784 : vector<16xf32> to vector<16xf32>
        %mul3A_786 = arith.constant 16 : i32
        %mul3A_787 = arith.muli %scan3A_764, %mul3A_786 : i32
        %get3A_788 = arith.index_cast %mul3A_787 : i32 to index
        %get3A_789 = tpu.vector_load %arg13[%get3A_788] {strides = array<i32>} : memref<4096xf32, #tpu.memory_space<vmem>>, vector<16xf32>,
        %get3A_790 = vector.shape_cast %get3A_789 : vector<16xf32> to vector<16xf32>
        %mul3A_791 = arith.constant 16 : i32
        %mul3A_792 = arith.muli %scan3A_764, %mul3A_791 : i32
        %get3A_793 = arith.index_cast %mul3A_792 : i32 to index
        %get3A_794 = tpu.vector_load %arg14[%get3A_793] {strides = array<i32>} : memref<4096xf32, #tpu.memory_space<vmem>>, vector<16xf32>,
        %get3A_795 = vector.shape_cast %get3A_794 : vector<16xf32> to vector<16xf32>
        %mul3A_796 = arith.constant 16 : i32
        %mul3A_797 = arith.muli %scan3A_764, %mul3A_796 : i32
        %get3A_798 = arith.index_cast %mul3A_797 : i32 to index
        %get3A_799 = tpu.vector_load %arg15[%get3A_798] {strides = array<i32>} : memref<4096xf32, #tpu.memory_space<vmem>>, vector<16xf32>,
        %get3A_800 = vector.shape_cast %get3A_799 : vector<16xf32> to vector<16xf32>
        %mul3A_801 = vector.broadcast %squeeze3A : f32 to vector<16xf32>
        %mul3A_802 = arith.mulf %mul3A_801, %get3A_785 : vector<16xf32>
        %add3A_803 = arith.addf %get3A_800, %mul3A_802 : vector<16xf32>
        %mul3A_804 = vector.broadcast %squeeze3A_122 : f32 to vector<16xf32>
        %mul3A_805 = arith.mulf %mul3A_804, %get3A_790 : vector<16xf32>
        %add3A_806 = arith.addf %add3A_803, %mul3A_805 : vector<16xf32>
        %mul3A_807 = vector.broadcast %squeeze3A_154 : f32 to vector<16xf32>
        %mul3A_808 = arith.mulf %mul3A_807, %get3A_795 : vector<16xf32>
        %add3A_809 = arith.addf %add3A_806, %mul3A_808 : vector<16xf32>
        %add3A_810 = vector.broadcast %squeeze3A_186 : f32 to vector<16xf32>
        %add3A_811 = arith.addf %add3A_810, %add3A_809 : vector<16xf32>
        %mul3A_812 = vector.broadcast %squeeze3A_92 : f32 to vector<16xf32>
        %mul3A_813 = arith.mulf %mul3A_812, %get3A_785 : vector<16xf32>
        %add3A_814 = arith.addf %get3A_800, %mul3A_813 : vector<16xf32>
        %mul3A_815 = vector.broadcast %squeeze3A_124 : f32 to vector<16xf32>
        %mul3A_816 = arith.mulf %mul3A_815, %get3A_790 : vector<16xf32>
        %add3A_817 = arith.addf %add3A_814, %mul3A_816 : vector<16xf32>
        %mul3A_818 = vector.broadcast %squeeze3A_156 : f32 to vector<16xf32>
        %mul3A_819 = arith.mulf %mul3A_818, %get3A_795 : vector<16xf32>
        %add3A_820 = arith.addf %add3A_817, %mul3A_819 : vector<16xf32>
        %add3A_821 = vector.broadcast %squeeze3A_188 : f32 to vector<16xf32>
        %add3A_822 = arith.addf %add3A_821, %add3A_820 : vector<16xf32>
        %mul3A_823 = vector.broadcast %squeeze3A_94 : f32 to vector<16xf32>
        %mul3A_824 = arith.mulf %mul3A_823, %get3A_785 : vector<16xf32>
        %add3A_825 = arith.addf %get3A_800, %mul3A_824 : vector<16xf32>
        %mul3A_826 = vector.broadcast %squeeze3A_126 : f32 to vector<16xf32>
        %mul3A_827 = arith.mulf %mul3A_826, %get3A_790 : vector<16xf32>
        %add3A_828 = arith.addf %add3A_825, %mul3A_827 : vector<16xf32>
        %mul3A_829 = vector.broadcast %squeeze3A_158 : f32 to vector<16xf32>
        %mul3A_830 = arith.mulf %mul3A_829, %get3A_795 : vector<16xf32>
        %add3A_831 = arith.addf %add3A_828, %mul3A_830 : vector<16xf32>
        %add3A_832 = vector.broadcast %squeeze3A_190 : f32 to vector<16xf32>
        %add3A_833 = arith.addf %add3A_832, %add3A_831 : vector<16xf32>
        %mul3A_834 = vector.broadcast %squeeze3A_96 : f32 to vector<16xf32>
        %mul3A_835 = arith.mulf %mul3A_834, %get3A_785 : vector<16xf32>
        %add3A_836 = arith.addf %get3A_800, %mul3A_835 : vector<16xf32>
        %mul3A_837 = vector.broadcast %squeeze3A_128 : f32 to vector<16xf32>
        %mul3A_838 = arith.mulf %mul3A_837, %get3A_790 : vector<16xf32>
        %add3A_839 = arith.addf %add3A_836, %mul3A_838 : vector<16xf32>
        %mul3A_840 = vector.broadcast %squeeze3A_160 : f32 to vector<16xf32>
        %mul3A_841 = arith.mulf %mul3A_840, %get3A_795 : vector<16xf32>
        %add3A_842 = arith.addf %add3A_839, %mul3A_841 : vector<16xf32>
        %add3A_843 = vector.broadcast %squeeze3A_192 : f32 to vector<16xf32>
        %add3A_844 = arith.addf %add3A_843, %add3A_842 : vector<16xf32>
        %mul3A_845 = vector.broadcast %squeeze3A_98 : f32 to vector<16xf32>
        %mul3A_846 = arith.mulf %mul3A_845, %get3A_785 : vector<16xf32>
        %add3A_847 = arith.addf %get3A_800, %mul3A_846 : vector<16xf32>
        %mul3A_848 = vector.broadcast %squeeze3A_130 : f32 to vector<16xf32>
        %mul3A_849 = arith.mulf %mul3A_848, %get3A_790 : vector<16xf32>
        %add3A_850 = arith.addf %add3A_847, %mul3A_849 : vector<16xf32>
        %mul3A_851 = vector.broadcast %squeeze3A_162 : f32 to vector<16xf32>
        %mul3A_852 = arith.mulf %mul3A_851, %get3A_795 : vector<16xf32>
        %add3A_853 = arith.addf %add3A_850, %mul3A_852 : vector<16xf32>
        %add3A_854 = vector.broadcast %squeeze3A_194 : f32 to vector<16xf32>
        %add3A_855 = arith.addf %add3A_854, %add3A_853 : vector<16xf32>
        %mul3A_856 = vector.broadcast %squeeze3A_100 : f32 to vector<16xf32>
        %mul3A_857 = arith.mulf %mul3A_856, %get3A_785 : vector<16xf32>
        %add3A_858 = arith.addf %get3A_800, %mul3A_857 : vector<16xf32>
        %mul3A_859 = vector.broadcast %squeeze3A_132 : f32 to vector<16xf32>
        %mul3A_860 = arith.mulf %mul3A_859, %get3A_790 : vector<16xf32>
        %add3A_861 = arith.addf %add3A_858, %mul3A_860 : vector<16xf32>
        %mul3A_862 = vector.broadcast %squeeze3A_164 : f32 to vector<16xf32>
        %mul3A_863 = arith.mulf %mul3A_862, %get3A_795 : vector<16xf32>
        %add3A_864 = arith.addf %add3A_861, %mul3A_863 : vector<16xf32>
        %add3A_865 = vector.broadcast %squeeze3A_196 : f32 to vector<16xf32>
        %add3A_866 = arith.addf %add3A_865, %add3A_864 : vector<16xf32>
        %mul3A_867 = vector.broadcast %squeeze3A_102 : f32 to vector<16xf32>
        %mul3A_868 = arith.mulf %mul3A_867, %get3A_785 : vector<16xf32>
        %add3A_869 = arith.addf %get3A_800, %mul3A_868 : vector<16xf32>
        %mul3A_870 = vector.broadcast %squeeze3A_134 : f32 to vector<16xf32>
        %mul3A_871 = arith.mulf %mul3A_870, %get3A_790 : vector<16xf32>
        %add3A_872 = arith.addf %add3A_869, %mul3A_871 : vector<16xf32>
        %mul3A_873 = vector.broadcast %squeeze3A_166 : f32 to vector<16xf32>
        %mul3A_874 = arith.mulf %mul3A_873, %get3A_795 : vector<16xf32>
        %add3A_875 = arith.addf %add3A_872, %mul3A_874 : vector<16xf32>
        %add3A_876 = vector.broadcast %squeeze3A_198 : f32 to vector<16xf32>
        %add3A_877 = arith.addf %add3A_876, %add3A_875 : vector<16xf32>
        %mul3A_878 = vector.broadcast %squeeze3A_104 : f32 to vector<16xf32>
        %mul3A_879 = arith.mulf %mul3A_878, %get3A_785 : vector<16xf32>
        %add3A_880 = arith.addf %get3A_800, %mul3A_879 : vector<16xf32>
        %mul3A_881 = vector.broadcast %squeeze3A_136 : f32 to vector<16xf32>
        %mul3A_882 = arith.mulf %mul3A_881, %get3A_790 : vector<16xf32>
        %add3A_883 = arith.addf %add3A_880, %mul3A_882 : vector<16xf32>
        %mul3A_884 = vector.broadcast %squeeze3A_168 : f32 to vector<16xf32>
        %mul3A_885 = arith.mulf %mul3A_884, %get3A_795 : vector<16xf32>
        %add3A_886 = arith.addf %add3A_883, %mul3A_885 : vector<16xf32>
        %add3A_887 = vector.broadcast %squeeze3A_200 : f32 to vector<16xf32>
        %add3A_888 = arith.addf %add3A_887, %add3A_886 : vector<16xf32>
        %mul3A_889 = vector.broadcast %squeeze3A_106 : f32 to vector<16xf32>
        %mul3A_890 = arith.mulf %mul3A_889, %get3A_785 : vector<16xf32>
        %add3A_891 = arith.addf %get3A_800, %mul3A_890 : vector<16xf32>
        %mul3A_892 = vector.broadcast %squeeze3A_138 : f32 to vector<16xf32>
        %mul3A_893 = arith.mulf %mul3A_892, %get3A_790 : vector<16xf32>
        %add3A_894 = arith.addf %add3A_891, %mul3A_893 : vector<16xf32>
        %mul3A_895 = vector.broadcast %squeeze3A_170 : f32 to vector<16xf32>
        %mul3A_896 = arith.mulf %mul3A_895, %get3A_795 : vector<16xf32>
        %add3A_897 = arith.addf %add3A_894, %mul3A_896 : vector<16xf32>
        %add3A_898 = vector.broadcast %squeeze3A_202 : f32 to vector<16xf32>
        %add3A_899 = arith.addf %add3A_898, %add3A_897 : vector<16xf32>
        %mul3A_900 = vector.broadcast %squeeze3A_108 : f32 to vector<16xf32>
        %mul3A_901 = arith.mulf %mul3A_900, %get3A_785 : vector<16xf32>
        %add3A_902 = arith.addf %get3A_800, %mul3A_901 : vector<16xf32>
        %mul3A_903 = vector.broadcast %squeeze3A_140 : f32 to vector<16xf32>
        %mul3A_904 = arith.mulf %mul3A_903, %get3A_790 : vector<16xf32>
        %add3A_905 = arith.addf %add3A_902, %mul3A_904 : vector<16xf32>
        %mul3A_906 = vector.broadcast %squeeze3A_172 : f32 to vector<16xf32>
        %mul3A_907 = arith.mulf %mul3A_906, %get3A_795 : vector<16xf32>
        %add3A_908 = arith.addf %add3A_905, %mul3A_907 : vector<16xf32>
        %add3A_909 = vector.broadcast %squeeze3A_204 : f32 to vector<16xf32>
        %add3A_910 = arith.addf %add3A_909, %add3A_908 : vector<16xf32>
        %mul3A_911 = vector.broadcast %squeeze3A_110 : f32 to vector<16xf32>
        %mul3A_912 = arith.mulf %mul3A_911, %get3A_785 : vector<16xf32>
        %add3A_913 = arith.addf %get3A_800, %mul3A_912 : vector<16xf32>
        %mul3A_914 = vector.broadcast %squeeze3A_142 : f32 to vector<16xf32>
        %mul3A_915 = arith.mulf %mul3A_914, %get3A_790 : vector<16xf32>
        %add3A_916 = arith.addf %add3A_913, %mul3A_915 : vector<16xf32>
        %mul3A_917 = vector.broadcast %squeeze3A_174 : f32 to vector<16xf32>
        %mul3A_918 = arith.mulf %mul3A_917, %get3A_795 : vector<16xf32>
        %add3A_919 = arith.addf %add3A_916, %mul3A_918 : vector<16xf32>
        %add3A_920 = vector.broadcast %squeeze3A_206 : f32 to vector<16xf32>
        %add3A_921 = arith.addf %add3A_920, %add3A_919 : vector<16xf32>
        %mul3A_922 = vector.broadcast %squeeze3A_112 : f32 to vector<16xf32>
        %mul3A_923 = arith.mulf %mul3A_922, %get3A_785 : vector<16xf32>
        %add3A_924 = arith.addf %get3A_800, %mul3A_923 : vector<16xf32>
        %mul3A_925 = vector.broadcast %squeeze3A_144 : f32 to vector<16xf32>
        %mul3A_926 = arith.mulf %mul3A_925, %get3A_790 : vector<16xf32>
        %add3A_927 = arith.addf %add3A_924, %mul3A_926 : vector<16xf32>
        %mul3A_928 = vector.broadcast %squeeze3A_176 : f32 to vector<16xf32>
        %mul3A_929 = arith.mulf %mul3A_928, %get3A_795 : vector<16xf32>
        %add3A_930 = arith.addf %add3A_927, %mul3A_929 : vector<16xf32>
        %add3A_931 = vector.broadcast %squeeze3A_208 : f32 to vector<16xf32>
        %add3A_932 = arith.addf %add3A_931, %add3A_930 : vector<16xf32>
        %mul3A_933 = vector.broadcast %squeeze3A_114 : f32 to vector<16xf32>
        %mul3A_934 = arith.mulf %mul3A_933, %get3A_785 : vector<16xf32>
        %add3A_935 = arith.addf %get3A_800, %mul3A_934 : vector<16xf32>
        %mul3A_936 = vector.broadcast %squeeze3A_146 : f32 to vector<16xf32>
        %mul3A_937 = arith.mulf %mul3A_936, %get3A_790 : vector<16xf32>
        %add3A_938 = arith.addf %add3A_935, %mul3A_937 : vector<16xf32>
        %mul3A_939 = vector.broadcast %squeeze3A_178 : f32 to vector<16xf32>
        %mul3A_940 = arith.mulf %mul3A_939, %get3A_795 : vector<16xf32>
        %add3A_941 = arith.addf %add3A_938, %mul3A_940 : vector<16xf32>
        %add3A_942 = vector.broadcast %squeeze3A_210 : f32 to vector<16xf32>
        %add3A_943 = arith.addf %add3A_942, %add3A_941 : vector<16xf32>
        %mul3A_944 = vector.broadcast %squeeze3A_116 : f32 to vector<16xf32>
        %mul3A_945 = arith.mulf %mul3A_944, %get3A_785 : vector<16xf32>
        %add3A_946 = arith.addf %get3A_800, %mul3A_945 : vector<16xf32>
        %mul3A_947 = vector.broadcast %squeeze3A_148 : f32 to vector<16xf32>
        %mul3A_948 = arith.mulf %mul3A_947, %get3A_790 : vector<16xf32>
        %add3A_949 = arith.addf %add3A_946, %mul3A_948 : vector<16xf32>
        %mul3A_950 = vector.broadcast %squeeze3A_180 : f32 to vector<16xf32>
        %mul3A_951 = arith.mulf %mul3A_950, %get3A_795 : vector<16xf32>
        %add3A_952 = arith.addf %add3A_949, %mul3A_951 : vector<16xf32>
        %add3A_953 = vector.broadcast %squeeze3A_212 : f32 to vector<16xf32>
        %add3A_954 = arith.addf %add3A_953, %add3A_952 : vector<16xf32>
        %mul3A_955 = vector.broadcast %squeeze3A_118 : f32 to vector<16xf32>
        %mul3A_956 = arith.mulf %mul3A_955, %get3A_785 : vector<16xf32>
        %add3A_957 = arith.addf %get3A_800, %mul3A_956 : vector<16xf32>
        %mul3A_958 = vector.broadcast %squeeze3A_150 : f32 to vector<16xf32>
        %mul3A_959 = arith.mulf %mul3A_958, %get3A_790 : vector<16xf32>
        %add3A_960 = arith.addf %add3A_957, %mul3A_959 : vector<16xf32>
        %mul3A_961 = vector.broadcast %squeeze3A_182 : f32 to vector<16xf32>
        %mul3A_962 = arith.mulf %mul3A_961, %get3A_795 : vector<16xf32>
        %add3A_963 = arith.addf %add3A_960, %mul3A_962 : vector<16xf32>
        %add3A_964 = vector.broadcast %squeeze3A_214 : f32 to vector<16xf32>
        %add3A_965 = arith.addf %add3A_964, %add3A_963 : vector<16xf32>
        %mul3A_966 = vector.broadcast %squeeze3A_120 : f32 to vector<16xf32>
        %mul3A_967 = arith.mulf %mul3A_966, %get3A_785 : vector<16xf32>
        %add3A_968 = arith.addf %get3A_800, %mul3A_967 : vector<16xf32>
        %mul3A_969 = vector.broadcast %squeeze3A_152 : f32 to vector<16xf32>
        %mul3A_970 = arith.mulf %mul3A_969, %get3A_790 : vector<16xf32>
        %add3A_971 = arith.addf %add3A_968, %mul3A_970 : vector<16xf32>
        %mul3A_972 = vector.broadcast %squeeze3A_184 : f32 to vector<16xf32>
        %mul3A_973 = arith.mulf %mul3A_972, %get3A_795 : vector<16xf32>
        %add3A_974 = arith.addf %add3A_971, %mul3A_973 : vector<16xf32>
        %add3A_975 = vector.broadcast %squeeze3A_216 : f32 to vector<16xf32>
        %add3A_976 = arith.addf %add3A_975, %add3A_974 : vector<16xf32>
        %min3A_977 = arith.minimumf %add3A_811, %add3A_822 : vector<16xf32>
        %min3A_978 = arith.minimumf %min3A_977, %add3A_833 : vector<16xf32>
        %min3A_979 = arith.minimumf %min3A_978, %add3A_844 : vector<16xf32>
        %min3A_980 = arith.minimumf %min3A_979, %add3A_855 : vector<16xf32>
        %min3A_981 = arith.minimumf %min3A_980, %add3A_866 : vector<16xf32>
        %min3A_982 = arith.minimumf %min3A_981, %add3A_877 : vector<16xf32>
        %min3A_983 = arith.minimumf %min3A_982, %add3A_888 : vector<16xf32>
        %min3A_984 = arith.minimumf %min3A_983, %add3A_899 : vector<16xf32>
        %min3A_985 = arith.minimumf %min3A_984, %add3A_910 : vector<16xf32>
        %min3A_986 = arith.minimumf %min3A_985, %add3A_921 : vector<16xf32>
        %min3A_987 = arith.minimumf %min3A_986, %add3A_932 : vector<16xf32>
        %min3A_988 = arith.minimumf %min3A_987, %add3A_943 : vector<16xf32>
        %min3A_989 = arith.minimumf %min3A_988, %add3A_954 : vector<16xf32>
        %min3A_990 = arith.minimumf %min3A_989, %add3A_965 : vector<16xf32>
        %min3A_991 = arith.minimumf %min3A_990, %add3A_976 : vector<16xf32>
        %mul3A_992 = arith.constant 16 : i32
        %mul3A_993 = arith.muli %scan3A_764, %mul3A_992 : i32
        %get3A_994 = arith.index_cast %mul3A_993 : i32 to index
        %get3A_995 = tpu.vector_load %arg20[%get3A_994] {strides = array<i32>} : memref<4096xf32, #tpu.memory_space<vmem>>, vector<16xf32>,
        %get3A_996 = vector.shape_cast %get3A_995 : vector<16xf32> to vector<16xf32>
        %min3A_997 = arith.minimumf %get3A_996, %min3A_991 : vector<16xf32>
        %mul3A_998 = arith.constant 16 : i32
        %mul3A_999 = arith.muli %scan3A_764, %mul3A_998 : i32
        %swap3A_1000 = arith.index_cast %mul3A_999 : i32 to index
        %swap3A_1001 = tpu.vector_load %arg20[%swap3A_1000] {strides = array<i32>} : memref<4096xf32, #tpu.memory_space<vmem>>, vector<16xf32>,
        %swap3A_1002 = vector.shape_cast %swap3A_1001 : vector<16xf32> to vector<16xf32>
        %swap3A_1003 = vector.shape_cast %min3A_997 : vector<16xf32> to vector<16xf32>
        tpu.vector_store %arg20[%swap3A_1000], %swap3A_1003 {strides = array<i32>} : memref<4096xf32, #tpu.memory_space<vmem>>, vector<16xf32>,
        %min3A_1004 = arith.minimumf %scan3A_765, %add3A_811 : vector<16xf32>
        %min3A_1005 = arith.minimumf %scan3A_766, %add3A_822 : vector<16xf32>
        %min3A_1006 = arith.minimumf %scan3A_767, %add3A_833 : vector<16xf32>
        %min3A_1007 = arith.minimumf %scan3A_768, %add3A_844 : vector<16xf32>
        %min3A_1008 = arith.minimumf %scan3A_769, %add3A_855 : vector<16xf32>
        %min3A_1009 = arith.minimumf %scan3A_770, %add3A_866 : vector<16xf32>
        %min3A_1010 = arith.minimumf %scan3A_771, %add3A_877 : vector<16xf32>
        %min3A_1011 = arith.minimumf %scan3A_772, %add3A_888 : vector<16xf32>
        %min3A_1012 = arith.minimumf %scan3A_773, %add3A_899 : vector<16xf32>
        %min3A_1013 = arith.minimumf %scan3A_774, %add3A_910 : vector<16xf32>
        %min3A_1014 = arith.minimumf %scan3A_775, %add3A_921 : vector<16xf32>
        %min3A_1015 = arith.minimumf %scan3A_776, %add3A_932 : vector<16xf32>
        %min3A_1016 = arith.minimumf %scan3A_777, %add3A_943 : vector<16xf32>
        %min3A_1017 = arith.minimumf %scan3A_778, %add3A_954 : vector<16xf32>
        %min3A_1018 = arith.minimumf %scan3A_779, %add3A_965 : vector<16xf32>
        %min3A_1019 = arith.minimumf %scan3A_780, %add3A_976 : vector<16xf32>
        scf.yield %min3A_1004, %min3A_1005, %min3A_1006, %min3A_1007, %min3A_1008, %min3A_1009, %min3A_1010, %min3A_1011, %min3A_1012, %min3A_1013, %min3A_1014, %min3A_1015, %min3A_1016, %min3A_1017, %min3A_1018, %min3A_1019 : vector<16xf32>, vector<16xf32>, vector<16xf32>, vector<16xf32>, vector<16xf32>, vector<16xf32>, vector<16xf32>, vector<16xf32>, vector<16xf32>, vector<16xf32>, vector<16xf32>, vector<16xf32>, vector<16xf32>, vector<16xf32>, vector<16xf32>, vector<16xf32>
      }
      %scan3A_222 = arith.constant 256 : i32
      %broadcast_in_dim3A_223 = arith.constant 0.000000e+00 : f32
      %broadcast_in_dim3A_224 = vector.broadcast %broadcast_in_dim3A_223 : f32 to vector<16xf32>
      %iota3A = tpu.iota {dimensions = array<i32: 0>} : vector<16xi32>
      %xor3A = arith.constant 1 : i32
      %xor3A_225 = vector.broadcast %xor3A : i32 to vector<16xi32>
      %xor3A_226 = arith.xori %iota3A, %xor3A_225 : vector<16xi32>
      %broadcast_in_dim3A_227 = vector.shape_cast %xor3A_226 : vector<16xi32> to vector<16x1xi32>
      %gather3A = vector.shape_cast %broadcast_in_dim3A_227 : vector<16x1xi32> to vector<16xi32>
      %gather3A_228 = tpu.dynamic_gather %scan3A_221#0[%gather3A] in [0] : vector<16xf32>, vector<16xi32> -> vector<16xf32>
      %min3A = arith.minimumf %scan3A_221#0, %gather3A_228 : vector<16xf32>
      %iota3A_229 = tpu.iota {dimensions = array<i32: 0>} : vector<16xi32>
      %xor3A_230 = arith.constant 2 : i32
      %xor3A_231 = vector.broadcast %xor3A_230 : i32 to vector<16xi32>
      %xor3A_232 = arith.xori %iota3A_229, %xor3A_231 : vector<16xi32>
      %broadcast_in_dim3A_233 = vector.shape_cast %xor3A_232 : vector<16xi32> to vector<16x1xi32>
      %gather3A_234 = vector.shape_cast %broadcast_in_dim3A_233 : vector<16x1xi32> to vector<16xi32>
      %gather3A_235 = tpu.dynamic_gather %min3A[%gather3A_234] in [0] : vector<16xf32>, vector<16xi32> -> vector<16xf32>
      %min3A_236 = arith.minimumf %min3A, %gather3A_235 : vector<16xf32>
      %iota3A_237 = tpu.iota {dimensions = array<i32: 0>} : vector<16xi32>
      %xor3A_238 = arith.constant 4 : i32
      %xor3A_239 = vector.broadcast %xor3A_238 : i32 to vector<16xi32>
      %xor3A_240 = arith.xori %iota3A_237, %xor3A_239 : vector<16xi32>
      %broadcast_in_dim3A_241 = vector.shape_cast %xor3A_240 : vector<16xi32> to vector<16x1xi32>
      %gather3A_242 = vector.shape_cast %broadcast_in_dim3A_241 : vector<16x1xi32> to vector<16xi32>
      %gather3A_243 = tpu.dynamic_gather %min3A_236[%gather3A_242] in [0] : vector<16xf32>, vector<16xi32> -> vector<16xf32>
      %min3A_244 = arith.minimumf %min3A_236, %gather3A_243 : vector<16xf32>
      %iota3A_245 = tpu.iota {dimensions = array<i32: 0>} : vector<16xi32>
      %xor3A_246 = arith.constant 8 : i32
      %xor3A_247 = vector.broadcast %xor3A_246 : i32 to vector<16xi32>
      %xor3A_248 = arith.xori %iota3A_245, %xor3A_247 : vector<16xi32>
      %broadcast_in_dim3A_249 = vector.shape_cast %xor3A_248 : vector<16xi32> to vector<16x1xi32>
      %gather3A_250 = vector.shape_cast %broadcast_in_dim3A_249 : vector<16x1xi32> to vector<16xi32>
      %gather3A_251 = tpu.dynamic_gather %min3A_244[%gather3A_250] in [0] : vector<16xf32>, vector<16xi32> -> vector<16xf32>
      %min3A_252 = arith.minimumf %min3A_244, %gather3A_251 : vector<16xf32>
      %max3A = arith.maximumf %min3A_252, %broadcast_in_dim3A_224 : vector<16xf32>
      %add3A_253 = arith.addf %scan3A_71, %max3A : vector<16xf32>
      %iota3A_254 = tpu.iota {dimensions = array<i32: 0>} : vector<16xi32>
      %xor3A_255 = arith.constant 1 : i32
      %xor3A_256 = vector.broadcast %xor3A_255 : i32 to vector<16xi32>
      %xor3A_257 = arith.xori %iota3A_254, %xor3A_256 : vector<16xi32>
      %broadcast_in_dim3A_258 = vector.shape_cast %xor3A_257 : vector<16xi32> to vector<16x1xi32>
      %gather3A_259 = vector.shape_cast %broadcast_in_dim3A_258 : vector<16x1xi32> to vector<16xi32>
      %gather3A_260 = tpu.dynamic_gather %scan3A_221#1[%gather3A_259] in [0] : vector<16xf32>, vector<16xi32> -> vector<16xf32>
      %min3A_261 = arith.minimumf %scan3A_221#1, %gather3A_260 : vector<16xf32>
      %iota3A_262 = tpu.iota {dimensions = array<i32: 0>} : vector<16xi32>
      %xor3A_263 = arith.constant 2 : i32
      %xor3A_264 = vector.broadcast %xor3A_263 : i32 to vector<16xi32>
      %xor3A_265 = arith.xori %iota3A_262, %xor3A_264 : vector<16xi32>
      %broadcast_in_dim3A_266 = vector.shape_cast %xor3A_265 : vector<16xi32> to vector<16x1xi32>
      %gather3A_267 = vector.shape_cast %broadcast_in_dim3A_266 : vector<16x1xi32> to vector<16xi32>
      %gather3A_268 = tpu.dynamic_gather %min3A_261[%gather3A_267] in [0] : vector<16xf32>, vector<16xi32> -> vector<16xf32>
      %min3A_269 = arith.minimumf %min3A_261, %gather3A_268 : vector<16xf32>
      %iota3A_270 = tpu.iota {dimensions = array<i32: 0>} : vector<16xi32>
      %xor3A_271 = arith.constant 4 : i32
      %xor3A_272 = vector.broadcast %xor3A_271 : i32 to vector<16xi32>
      %xor3A_273 = arith.xori %iota3A_270, %xor3A_272 : vector<16xi32>
      %broadcast_in_dim3A_274 = vector.shape_cast %xor3A_273 : vector<16xi32> to vector<16x1xi32>
      %gather3A_275 = vector.shape_cast %broadcast_in_dim3A_274 : vector<16x1xi32> to vector<16xi32>
      %gather3A_276 = tpu.dynamic_gather %min3A_269[%gather3A_275] in [0] : vector<16xf32>, vector<16xi32> -> vector<16xf32>
      %min3A_277 = arith.minimumf %min3A_269, %gather3A_276 : vector<16xf32>
      %iota3A_278 = tpu.iota {dimensions = array<i32: 0>} : vector<16xi32>
      %xor3A_279 = arith.constant 8 : i32
      %xor3A_280 = vector.broadcast %xor3A_279 : i32 to vector<16xi32>
      %xor3A_281 = arith.xori %iota3A_278, %xor3A_280 : vector<16xi32>
      %broadcast_in_dim3A_282 = vector.shape_cast %xor3A_281 : vector<16xi32> to vector<16x1xi32>
      %gather3A_283 = vector.shape_cast %broadcast_in_dim3A_282 : vector<16x1xi32> to vector<16xi32>
      %gather3A_284 = tpu.dynamic_gather %min3A_277[%gather3A_283] in [0] : vector<16xf32>, vector<16xi32> -> vector<16xf32>
      %min3A_285 = arith.minimumf %min3A_277, %gather3A_284 : vector<16xf32>
      %max3A_286 = arith.maximumf %min3A_285, %broadcast_in_dim3A_224 : vector<16xf32>
      %add3A_287 = arith.addf %add3A_253, %max3A_286 : vector<16xf32>
      %iota3A_288 = tpu.iota {dimensions = array<i32: 0>} : vector<16xi32>
      %xor3A_289 = arith.constant 1 : i32
      %xor3A_290 = vector.broadcast %xor3A_289 : i32 to vector<16xi32>
      %xor3A_291 = arith.xori %iota3A_288, %xor3A_290 : vector<16xi32>
      %broadcast_in_dim3A_292 = vector.shape_cast %xor3A_291 : vector<16xi32> to vector<16x1xi32>
      %gather3A_293 = vector.shape_cast %broadcast_in_dim3A_292 : vector<16x1xi32> to vector<16xi32>
      %gather3A_294 = tpu.dynamic_gather %scan3A_221#2[%gather3A_293] in [0] : vector<16xf32>, vector<16xi32> -> vector<16xf32>
      %min3A_295 = arith.minimumf %scan3A_221#2, %gather3A_294 : vector<16xf32>
      %iota3A_296 = tpu.iota {dimensions = array<i32: 0>} : vector<16xi32>
      %xor3A_297 = arith.constant 2 : i32
      %xor3A_298 = vector.broadcast %xor3A_297 : i32 to vector<16xi32>
      %xor3A_299 = arith.xori %iota3A_296, %xor3A_298 : vector<16xi32>
      %broadcast_in_dim3A_300 = vector.shape_cast %xor3A_299 : vector<16xi32> to vector<16x1xi32>
      %gather3A_301 = vector.shape_cast %broadcast_in_dim3A_300 : vector<16x1xi32> to vector<16xi32>
      %gather3A_302 = tpu.dynamic_gather %min3A_295[%gather3A_301] in [0] : vector<16xf32>, vector<16xi32> -> vector<16xf32>
      %min3A_303 = arith.minimumf %min3A_295, %gather3A_302 : vector<16xf32>
      %iota3A_304 = tpu.iota {dimensions = array<i32: 0>} : vector<16xi32>
      %xor3A_305 = arith.constant 4 : i32
      %xor3A_306 = vector.broadcast %xor3A_305 : i32 to vector<16xi32>
      %xor3A_307 = arith.xori %iota3A_304, %xor3A_306 : vector<16xi32>
      %broadcast_in_dim3A_308 = vector.shape_cast %xor3A_307 : vector<16xi32> to vector<16x1xi32>
      %gather3A_309 = vector.shape_cast %broadcast_in_dim3A_308 : vector<16x1xi32> to vector<16xi32>
      %gather3A_310 = tpu.dynamic_gather %min3A_303[%gather3A_309] in [0] : vector<16xf32>, vector<16xi32> -> vector<16xf32>
      %min3A_311 = arith.minimumf %min3A_303, %gather3A_310 : vector<16xf32>
      %iota3A_312 = tpu.iota {dimensions = array<i32: 0>} : vector<16xi32>
      %xor3A_313 = arith.constant 8 : i32
      %xor3A_314 = vector.broadcast %xor3A_313 : i32 to vector<16xi32>
      %xor3A_315 = arith.xori %iota3A_312, %xor3A_314 : vector<16xi32>
      %broadcast_in_dim3A_316 = vector.shape_cast %xor3A_315 : vector<16xi32> to vector<16x1xi32>
      %gather3A_317 = vector.shape_cast %broadcast_in_dim3A_316 : vector<16x1xi32> to vector<16xi32>
      %gather3A_318 = tpu.dynamic_gather %min3A_311[%gather3A_317] in [0] : vector<16xf32>, vector<16xi32> -> vector<16xf32>
      %min3A_319 = arith.minimumf %min3A_311, %gather3A_318 : vector<16xf32>
      %max3A_320 = arith.maximumf %min3A_319, %broadcast_in_dim3A_224 : vector<16xf32>
      %add3A_321 = arith.addf %add3A_287, %max3A_320 : vector<16xf32>
      %iota3A_322 = tpu.iota {dimensions = array<i32: 0>} : vector<16xi32>
      %xor3A_323 = arith.constant 1 : i32
      %xor3A_324 = vector.broadcast %xor3A_323 : i32 to vector<16xi32>
      %xor3A_325 = arith.xori %iota3A_322, %xor3A_324 : vector<16xi32>
      %broadcast_in_dim3A_326 = vector.shape_cast %xor3A_325 : vector<16xi32> to vector<16x1xi32>
      %gather3A_327 = vector.shape_cast %broadcast_in_dim3A_326 : vector<16x1xi32> to vector<16xi32>
      %gather3A_328 = tpu.dynamic_gather %scan3A_221#3[%gather3A_327] in [0] : vector<16xf32>, vector<16xi32> -> vector<16xf32>
      %min3A_329 = arith.minimumf %scan3A_221#3, %gather3A_328 : vector<16xf32>
      %iota3A_330 = tpu.iota {dimensions = array<i32: 0>} : vector<16xi32>
      %xor3A_331 = arith.constant 2 : i32
      %xor3A_332 = vector.broadcast %xor3A_331 : i32 to vector<16xi32>
      %xor3A_333 = arith.xori %iota3A_330, %xor3A_332 : vector<16xi32>
      %broadcast_in_dim3A_334 = vector.shape_cast %xor3A_333 : vector<16xi32> to vector<16x1xi32>
      %gather3A_335 = vector.shape_cast %broadcast_in_dim3A_334 : vector<16x1xi32> to vector<16xi32>
      %gather3A_336 = tpu.dynamic_gather %min3A_329[%gather3A_335] in [0] : vector<16xf32>, vector<16xi32> -> vector<16xf32>
      %min3A_337 = arith.minimumf %min3A_329, %gather3A_336 : vector<16xf32>
      %iota3A_338 = tpu.iota {dimensions = array<i32: 0>} : vector<16xi32>
      %xor3A_339 = arith.constant 4 : i32
      %xor3A_340 = vector.broadcast %xor3A_339 : i32 to vector<16xi32>
      %xor3A_341 = arith.xori %iota3A_338, %xor3A_340 : vector<16xi32>
      %broadcast_in_dim3A_342 = vector.shape_cast %xor3A_341 : vector<16xi32> to vector<16x1xi32>
      %gather3A_343 = vector.shape_cast %broadcast_in_dim3A_342 : vector<16x1xi32> to vector<16xi32>
      %gather3A_344 = tpu.dynamic_gather %min3A_337[%gather3A_343] in [0] : vector<16xf32>, vector<16xi32> -> vector<16xf32>
      %min3A_345 = arith.minimumf %min3A_337, %gather3A_344 : vector<16xf32>
      %iota3A_346 = tpu.iota {dimensions = array<i32: 0>} : vector<16xi32>
      %xor3A_347 = arith.constant 8 : i32
      %xor3A_348 = vector.broadcast %xor3A_347 : i32 to vector<16xi32>
      %xor3A_349 = arith.xori %iota3A_346, %xor3A_348 : vector<16xi32>
      %broadcast_in_dim3A_350 = vector.shape_cast %xor3A_349 : vector<16xi32> to vector<16x1xi32>
      %gather3A_351 = vector.shape_cast %broadcast_in_dim3A_350 : vector<16x1xi32> to vector<16xi32>
      %gather3A_352 = tpu.dynamic_gather %min3A_345[%gather3A_351] in [0] : vector<16xf32>, vector<16xi32> -> vector<16xf32>
      %min3A_353 = arith.minimumf %min3A_345, %gather3A_352 : vector<16xf32>
      %max3A_354 = arith.maximumf %min3A_353, %broadcast_in_dim3A_224 : vector<16xf32>
      %add3A_355 = arith.addf %add3A_321, %max3A_354 : vector<16xf32>
      %iota3A_356 = tpu.iota {dimensions = array<i32: 0>} : vector<16xi32>
      %xor3A_357 = arith.constant 1 : i32
      %xor3A_358 = vector.broadcast %xor3A_357 : i32 to vector<16xi32>
      %xor3A_359 = arith.xori %iota3A_356, %xor3A_358 : vector<16xi32>
      %broadcast_in_dim3A_360 = vector.shape_cast %xor3A_359 : vector<16xi32> to vector<16x1xi32>
      %gather3A_361 = vector.shape_cast %broadcast_in_dim3A_360 : vector<16x1xi32> to vector<16xi32>
      %gather3A_362 = tpu.dynamic_gather %scan3A_221#4[%gather3A_361] in [0] : vector<16xf32>, vector<16xi32> -> vector<16xf32>
      %min3A_363 = arith.minimumf %scan3A_221#4, %gather3A_362 : vector<16xf32>
      %iota3A_364 = tpu.iota {dimensions = array<i32: 0>} : vector<16xi32>
      %xor3A_365 = arith.constant 2 : i32
      %xor3A_366 = vector.broadcast %xor3A_365 : i32 to vector<16xi32>
      %xor3A_367 = arith.xori %iota3A_364, %xor3A_366 : vector<16xi32>
      %broadcast_in_dim3A_368 = vector.shape_cast %xor3A_367 : vector<16xi32> to vector<16x1xi32>
      %gather3A_369 = vector.shape_cast %broadcast_in_dim3A_368 : vector<16x1xi32> to vector<16xi32>
      %gather3A_370 = tpu.dynamic_gather %min3A_363[%gather3A_369] in [0] : vector<16xf32>, vector<16xi32> -> vector<16xf32>
      %min3A_371 = arith.minimumf %min3A_363, %gather3A_370 : vector<16xf32>
      %iota3A_372 = tpu.iota {dimensions = array<i32: 0>} : vector<16xi32>
      %xor3A_373 = arith.constant 4 : i32
      %xor3A_374 = vector.broadcast %xor3A_373 : i32 to vector<16xi32>
      %xor3A_375 = arith.xori %iota3A_372, %xor3A_374 : vector<16xi32>
      %broadcast_in_dim3A_376 = vector.shape_cast %xor3A_375 : vector<16xi32> to vector<16x1xi32>
      %gather3A_377 = vector.shape_cast %broadcast_in_dim3A_376 : vector<16x1xi32> to vector<16xi32>
      %gather3A_378 = tpu.dynamic_gather %min3A_371[%gather3A_377] in [0] : vector<16xf32>, vector<16xi32> -> vector<16xf32>
      %min3A_379 = arith.minimumf %min3A_371, %gather3A_378 : vector<16xf32>
      %iota3A_380 = tpu.iota {dimensions = array<i32: 0>} : vector<16xi32>
      %xor3A_381 = arith.constant 8 : i32
      %xor3A_382 = vector.broadcast %xor3A_381 : i32 to vector<16xi32>
      %xor3A_383 = arith.xori %iota3A_380, %xor3A_382 : vector<16xi32>
      %broadcast_in_dim3A_384 = vector.shape_cast %xor3A_383 : vector<16xi32> to vector<16x1xi32>
      %gather3A_385 = vector.shape_cast %broadcast_in_dim3A_384 : vector<16x1xi32> to vector<16xi32>
      %gather3A_386 = tpu.dynamic_gather %min3A_379[%gather3A_385] in [0] : vector<16xf32>, vector<16xi32> -> vector<16xf32>
      %min3A_387 = arith.minimumf %min3A_379, %gather3A_386 : vector<16xf32>
      %max3A_388 = arith.maximumf %min3A_387, %broadcast_in_dim3A_224 : vector<16xf32>
      %add3A_389 = arith.addf %add3A_355, %max3A_388 : vector<16xf32>
      %iota3A_390 = tpu.iota {dimensions = array<i32: 0>} : vector<16xi32>
      %xor3A_391 = arith.constant 1 : i32
      %xor3A_392 = vector.broadcast %xor3A_391 : i32 to vector<16xi32>
      %xor3A_393 = arith.xori %iota3A_390, %xor3A_392 : vector<16xi32>
      %broadcast_in_dim3A_394 = vector.shape_cast %xor3A_393 : vector<16xi32> to vector<16x1xi32>
      %gather3A_395 = vector.shape_cast %broadcast_in_dim3A_394 : vector<16x1xi32> to vector<16xi32>
      %gather3A_396 = tpu.dynamic_gather %scan3A_221#5[%gather3A_395] in [0] : vector<16xf32>, vector<16xi32> -> vector<16xf32>
      %min3A_397 = arith.minimumf %scan3A_221#5, %gather3A_396 : vector<16xf32>
      %iota3A_398 = tpu.iota {dimensions = array<i32: 0>} : vector<16xi32>
      %xor3A_399 = arith.constant 2 : i32
      %xor3A_400 = vector.broadcast %xor3A_399 : i32 to vector<16xi32>
      %xor3A_401 = arith.xori %iota3A_398, %xor3A_400 : vector<16xi32>
      %broadcast_in_dim3A_402 = vector.shape_cast %xor3A_401 : vector<16xi32> to vector<16x1xi32>
      %gather3A_403 = vector.shape_cast %broadcast_in_dim3A_402 : vector<16x1xi32> to vector<16xi32>
      %gather3A_404 = tpu.dynamic_gather %min3A_397[%gather3A_403] in [0] : vector<16xf32>, vector<16xi32> -> vector<16xf32>
      %min3A_405 = arith.minimumf %min3A_397, %gather3A_404 : vector<16xf32>
      %iota3A_406 = tpu.iota {dimensions = array<i32: 0>} : vector<16xi32>
      %xor3A_407 = arith.constant 4 : i32
      %xor3A_408 = vector.broadcast %xor3A_407 : i32 to vector<16xi32>
      %xor3A_409 = arith.xori %iota3A_406, %xor3A_408 : vector<16xi32>
      %broadcast_in_dim3A_410 = vector.shape_cast %xor3A_409 : vector<16xi32> to vector<16x1xi32>
      %gather3A_411 = vector.shape_cast %broadcast_in_dim3A_410 : vector<16x1xi32> to vector<16xi32>
      %gather3A_412 = tpu.dynamic_gather %min3A_405[%gather3A_411] in [0] : vector<16xf32>, vector<16xi32> -> vector<16xf32>
      %min3A_413 = arith.minimumf %min3A_405, %gather3A_412 : vector<16xf32>
      %iota3A_414 = tpu.iota {dimensions = array<i32: 0>} : vector<16xi32>
      %xor3A_415 = arith.constant 8 : i32
      %xor3A_416 = vector.broadcast %xor3A_415 : i32 to vector<16xi32>
      %xor3A_417 = arith.xori %iota3A_414, %xor3A_416 : vector<16xi32>
      %broadcast_in_dim3A_418 = vector.shape_cast %xor3A_417 : vector<16xi32> to vector<16x1xi32>
      %gather3A_419 = vector.shape_cast %broadcast_in_dim3A_418 : vector<16x1xi32> to vector<16xi32>
      %gather3A_420 = tpu.dynamic_gather %min3A_413[%gather3A_419] in [0] : vector<16xf32>, vector<16xi32> -> vector<16xf32>
      %min3A_421 = arith.minimumf %min3A_413, %gather3A_420 : vector<16xf32>
      %max3A_422 = arith.maximumf %min3A_421, %broadcast_in_dim3A_224 : vector<16xf32>
      %add3A_423 = arith.addf %add3A_389, %max3A_422 : vector<16xf32>
      %iota3A_424 = tpu.iota {dimensions = array<i32: 0>} : vector<16xi32>
      %xor3A_425 = arith.constant 1 : i32
      %xor3A_426 = vector.broadcast %xor3A_425 : i32 to vector<16xi32>
      %xor3A_427 = arith.xori %iota3A_424, %xor3A_426 : vector<16xi32>
      %broadcast_in_dim3A_428 = vector.shape_cast %xor3A_427 : vector<16xi32> to vector<16x1xi32>
      %gather3A_429 = vector.shape_cast %broadcast_in_dim3A_428 : vector<16x1xi32> to vector<16xi32>
      %gather3A_430 = tpu.dynamic_gather %scan3A_221#6[%gather3A_429] in [0] : vector<16xf32>, vector<16xi32> -> vector<16xf32>
      %min3A_431 = arith.minimumf %scan3A_221#6, %gather3A_430 : vector<16xf32>
      %iota3A_432 = tpu.iota {dimensions = array<i32: 0>} : vector<16xi32>
      %xor3A_433 = arith.constant 2 : i32
      %xor3A_434 = vector.broadcast %xor3A_433 : i32 to vector<16xi32>
      %xor3A_435 = arith.xori %iota3A_432, %xor3A_434 : vector<16xi32>
      %broadcast_in_dim3A_436 = vector.shape_cast %xor3A_435 : vector<16xi32> to vector<16x1xi32>
      %gather3A_437 = vector.shape_cast %broadcast_in_dim3A_436 : vector<16x1xi32> to vector<16xi32>
      %gather3A_438 = tpu.dynamic_gather %min3A_431[%gather3A_437] in [0] : vector<16xf32>, vector<16xi32> -> vector<16xf32>
      %min3A_439 = arith.minimumf %min3A_431, %gather3A_438 : vector<16xf32>
      %iota3A_440 = tpu.iota {dimensions = array<i32: 0>} : vector<16xi32>
      %xor3A_441 = arith.constant 4 : i32
      %xor3A_442 = vector.broadcast %xor3A_441 : i32 to vector<16xi32>
      %xor3A_443 = arith.xori %iota3A_440, %xor3A_442 : vector<16xi32>
      %broadcast_in_dim3A_444 = vector.shape_cast %xor3A_443 : vector<16xi32> to vector<16x1xi32>
      %gather3A_445 = vector.shape_cast %broadcast_in_dim3A_444 : vector<16x1xi32> to vector<16xi32>
      %gather3A_446 = tpu.dynamic_gather %min3A_439[%gather3A_445] in [0] : vector<16xf32>, vector<16xi32> -> vector<16xf32>
      %min3A_447 = arith.minimumf %min3A_439, %gather3A_446 : vector<16xf32>
      %iota3A_448 = tpu.iota {dimensions = array<i32: 0>} : vector<16xi32>
      %xor3A_449 = arith.constant 8 : i32
      %xor3A_450 = vector.broadcast %xor3A_449 : i32 to vector<16xi32>
      %xor3A_451 = arith.xori %iota3A_448, %xor3A_450 : vector<16xi32>
      %broadcast_in_dim3A_452 = vector.shape_cast %xor3A_451 : vector<16xi32> to vector<16x1xi32>
      %gather3A_453 = vector.shape_cast %broadcast_in_dim3A_452 : vector<16x1xi32> to vector<16xi32>
      %gather3A_454 = tpu.dynamic_gather %min3A_447[%gather3A_453] in [0] : vector<16xf32>, vector<16xi32> -> vector<16xf32>
      %min3A_455 = arith.minimumf %min3A_447, %gather3A_454 : vector<16xf32>
      %max3A_456 = arith.maximumf %min3A_455, %broadcast_in_dim3A_224 : vector<16xf32>
      %add3A_457 = arith.addf %add3A_423, %max3A_456 : vector<16xf32>
      %iota3A_458 = tpu.iota {dimensions = array<i32: 0>} : vector<16xi32>
      %xor3A_459 = arith.constant 1 : i32
      %xor3A_460 = vector.broadcast %xor3A_459 : i32 to vector<16xi32>
      %xor3A_461 = arith.xori %iota3A_458, %xor3A_460 : vector<16xi32>
      %broadcast_in_dim3A_462 = vector.shape_cast %xor3A_461 : vector<16xi32> to vector<16x1xi32>
      %gather3A_463 = vector.shape_cast %broadcast_in_dim3A_462 : vector<16x1xi32> to vector<16xi32>
      %gather3A_464 = tpu.dynamic_gather %scan3A_221#7[%gather3A_463] in [0] : vector<16xf32>, vector<16xi32> -> vector<16xf32>
      %min3A_465 = arith.minimumf %scan3A_221#7, %gather3A_464 : vector<16xf32>
      %iota3A_466 = tpu.iota {dimensions = array<i32: 0>} : vector<16xi32>
      %xor3A_467 = arith.constant 2 : i32
      %xor3A_468 = vector.broadcast %xor3A_467 : i32 to vector<16xi32>
      %xor3A_469 = arith.xori %iota3A_466, %xor3A_468 : vector<16xi32>
      %broadcast_in_dim3A_470 = vector.shape_cast %xor3A_469 : vector<16xi32> to vector<16x1xi32>
      %gather3A_471 = vector.shape_cast %broadcast_in_dim3A_470 : vector<16x1xi32> to vector<16xi32>
      %gather3A_472 = tpu.dynamic_gather %min3A_465[%gather3A_471] in [0] : vector<16xf32>, vector<16xi32> -> vector<16xf32>
      %min3A_473 = arith.minimumf %min3A_465, %gather3A_472 : vector<16xf32>
      %iota3A_474 = tpu.iota {dimensions = array<i32: 0>} : vector<16xi32>
      %xor3A_475 = arith.constant 4 : i32
      %xor3A_476 = vector.broadcast %xor3A_475 : i32 to vector<16xi32>
      %xor3A_477 = arith.xori %iota3A_474, %xor3A_476 : vector<16xi32>
      %broadcast_in_dim3A_478 = vector.shape_cast %xor3A_477 : vector<16xi32> to vector<16x1xi32>
      %gather3A_479 = vector.shape_cast %broadcast_in_dim3A_478 : vector<16x1xi32> to vector<16xi32>
      %gather3A_480 = tpu.dynamic_gather %min3A_473[%gather3A_479] in [0] : vector<16xf32>, vector<16xi32> -> vector<16xf32>
      %min3A_481 = arith.minimumf %min3A_473, %gather3A_480 : vector<16xf32>
      %iota3A_482 = tpu.iota {dimensions = array<i32: 0>} : vector<16xi32>
      %xor3A_483 = arith.constant 8 : i32
      %xor3A_484 = vector.broadcast %xor3A_483 : i32 to vector<16xi32>
      %xor3A_485 = arith.xori %iota3A_482, %xor3A_484 : vector<16xi32>
      %broadcast_in_dim3A_486 = vector.shape_cast %xor3A_485 : vector<16xi32> to vector<16x1xi32>
      %gather3A_487 = vector.shape_cast %broadcast_in_dim3A_486 : vector<16x1xi32> to vector<16xi32>
      %gather3A_488 = tpu.dynamic_gather %min3A_481[%gather3A_487] in [0] : vector<16xf32>, vector<16xi32> -> vector<16xf32>
      %min3A_489 = arith.minimumf %min3A_481, %gather3A_488 : vector<16xf32>
      %max3A_490 = arith.maximumf %min3A_489, %broadcast_in_dim3A_224 : vector<16xf32>
      %add3A_491 = arith.addf %add3A_457, %max3A_490 : vector<16xf32>
      %iota3A_492 = tpu.iota {dimensions = array<i32: 0>} : vector<16xi32>
      %xor3A_493 = arith.constant 1 : i32
      %xor3A_494 = vector.broadcast %xor3A_493 : i32 to vector<16xi32>
      %xor3A_495 = arith.xori %iota3A_492, %xor3A_494 : vector<16xi32>
      %broadcast_in_dim3A_496 = vector.shape_cast %xor3A_495 : vector<16xi32> to vector<16x1xi32>
      %gather3A_497 = vector.shape_cast %broadcast_in_dim3A_496 : vector<16x1xi32> to vector<16xi32>
      %gather3A_498 = tpu.dynamic_gather %scan3A_221#8[%gather3A_497] in [0] : vector<16xf32>, vector<16xi32> -> vector<16xf32>
      %min3A_499 = arith.minimumf %scan3A_221#8, %gather3A_498 : vector<16xf32>
      %iota3A_500 = tpu.iota {dimensions = array<i32: 0>} : vector<16xi32>
      %xor3A_501 = arith.constant 2 : i32
      %xor3A_502 = vector.broadcast %xor3A_501 : i32 to vector<16xi32>
      %xor3A_503 = arith.xori %iota3A_500, %xor3A_502 : vector<16xi32>
      %broadcast_in_dim3A_504 = vector.shape_cast %xor3A_503 : vector<16xi32> to vector<16x1xi32>
      %gather3A_505 = vector.shape_cast %broadcast_in_dim3A_504 : vector<16x1xi32> to vector<16xi32>
      %gather3A_506 = tpu.dynamic_gather %min3A_499[%gather3A_505] in [0] : vector<16xf32>, vector<16xi32> -> vector<16xf32>
      %min3A_507 = arith.minimumf %min3A_499, %gather3A_506 : vector<16xf32>
      %iota3A_508 = tpu.iota {dimensions = array<i32: 0>} : vector<16xi32>
      %xor3A_509 = arith.constant 4 : i32
      %xor3A_510 = vector.broadcast %xor3A_509 : i32 to vector<16xi32>
      %xor3A_511 = arith.xori %iota3A_508, %xor3A_510 : vector<16xi32>
      %broadcast_in_dim3A_512 = vector.shape_cast %xor3A_511 : vector<16xi32> to vector<16x1xi32>
      %gather3A_513 = vector.shape_cast %broadcast_in_dim3A_512 : vector<16x1xi32> to vector<16xi32>
      %gather3A_514 = tpu.dynamic_gather %min3A_507[%gather3A_513] in [0] : vector<16xf32>, vector<16xi32> -> vector<16xf32>
      %min3A_515 = arith.minimumf %min3A_507, %gather3A_514 : vector<16xf32>
      %iota3A_516 = tpu.iota {dimensions = array<i32: 0>} : vector<16xi32>
      %xor3A_517 = arith.constant 8 : i32
      %xor3A_518 = vector.broadcast %xor3A_517 : i32 to vector<16xi32>
      %xor3A_519 = arith.xori %iota3A_516, %xor3A_518 : vector<16xi32>
      %broadcast_in_dim3A_520 = vector.shape_cast %xor3A_519 : vector<16xi32> to vector<16x1xi32>
      %gather3A_521 = vector.shape_cast %broadcast_in_dim3A_520 : vector<16x1xi32> to vector<16xi32>
      %gather3A_522 = tpu.dynamic_gather %min3A_515[%gather3A_521] in [0] : vector<16xf32>, vector<16xi32> -> vector<16xf32>
      %min3A_523 = arith.minimumf %min3A_515, %gather3A_522 : vector<16xf32>
      %max3A_524 = arith.maximumf %min3A_523, %broadcast_in_dim3A_224 : vector<16xf32>
      %add3A_525 = arith.addf %add3A_491, %max3A_524 : vector<16xf32>
      %iota3A_526 = tpu.iota {dimensions = array<i32: 0>} : vector<16xi32>
      %xor3A_527 = arith.constant 1 : i32
      %xor3A_528 = vector.broadcast %xor3A_527 : i32 to vector<16xi32>
      %xor3A_529 = arith.xori %iota3A_526, %xor3A_528 : vector<16xi32>
      %broadcast_in_dim3A_530 = vector.shape_cast %xor3A_529 : vector<16xi32> to vector<16x1xi32>
      %gather3A_531 = vector.shape_cast %broadcast_in_dim3A_530 : vector<16x1xi32> to vector<16xi32>
      %gather3A_532 = tpu.dynamic_gather %scan3A_221#9[%gather3A_531] in [0] : vector<16xf32>, vector<16xi32> -> vector<16xf32>
      %min3A_533 = arith.minimumf %scan3A_221#9, %gather3A_532 : vector<16xf32>
      %iota3A_534 = tpu.iota {dimensions = array<i32: 0>} : vector<16xi32>
      %xor3A_535 = arith.constant 2 : i32
      %xor3A_536 = vector.broadcast %xor3A_535 : i32 to vector<16xi32>
      %xor3A_537 = arith.xori %iota3A_534, %xor3A_536 : vector<16xi32>
      %broadcast_in_dim3A_538 = vector.shape_cast %xor3A_537 : vector<16xi32> to vector<16x1xi32>
      %gather3A_539 = vector.shape_cast %broadcast_in_dim3A_538 : vector<16x1xi32> to vector<16xi32>
      %gather3A_540 = tpu.dynamic_gather %min3A_533[%gather3A_539] in [0] : vector<16xf32>, vector<16xi32> -> vector<16xf32>
      %min3A_541 = arith.minimumf %min3A_533, %gather3A_540 : vector<16xf32>
      %iota3A_542 = tpu.iota {dimensions = array<i32: 0>} : vector<16xi32>
      %xor3A_543 = arith.constant 4 : i32
      %xor3A_544 = vector.broadcast %xor3A_543 : i32 to vector<16xi32>
      %xor3A_545 = arith.xori %iota3A_542, %xor3A_544 : vector<16xi32>
      %broadcast_in_dim3A_546 = vector.shape_cast %xor3A_545 : vector<16xi32> to vector<16x1xi32>
      %gather3A_547 = vector.shape_cast %broadcast_in_dim3A_546 : vector<16x1xi32> to vector<16xi32>
      %gather3A_548 = tpu.dynamic_gather %min3A_541[%gather3A_547] in [0] : vector<16xf32>, vector<16xi32> -> vector<16xf32>
      %min3A_549 = arith.minimumf %min3A_541, %gather3A_548 : vector<16xf32>
      %iota3A_550 = tpu.iota {dimensions = array<i32: 0>} : vector<16xi32>
      %xor3A_551 = arith.constant 8 : i32
      %xor3A_552 = vector.broadcast %xor3A_551 : i32 to vector<16xi32>
      %xor3A_553 = arith.xori %iota3A_550, %xor3A_552 : vector<16xi32>
      %broadcast_in_dim3A_554 = vector.shape_cast %xor3A_553 : vector<16xi32> to vector<16x1xi32>
      %gather3A_555 = vector.shape_cast %broadcast_in_dim3A_554 : vector<16x1xi32> to vector<16xi32>
      %gather3A_556 = tpu.dynamic_gather %min3A_549[%gather3A_555] in [0] : vector<16xf32>, vector<16xi32> -> vector<16xf32>
      %min3A_557 = arith.minimumf %min3A_549, %gather3A_556 : vector<16xf32>
      %max3A_558 = arith.maximumf %min3A_557, %broadcast_in_dim3A_224 : vector<16xf32>
      %add3A_559 = arith.addf %add3A_525, %max3A_558 : vector<16xf32>
      %iota3A_560 = tpu.iota {dimensions = array<i32: 0>} : vector<16xi32>
      %xor3A_561 = arith.constant 1 : i32
      %xor3A_562 = vector.broadcast %xor3A_561 : i32 to vector<16xi32>
      %xor3A_563 = arith.xori %iota3A_560, %xor3A_562 : vector<16xi32>
      %broadcast_in_dim3A_564 = vector.shape_cast %xor3A_563 : vector<16xi32> to vector<16x1xi32>
      %gather3A_565 = vector.shape_cast %broadcast_in_dim3A_564 : vector<16x1xi32> to vector<16xi32>
      %gather3A_566 = tpu.dynamic_gather %scan3A_221#10[%gather3A_565] in [0] : vector<16xf32>, vector<16xi32> -> vector<16xf32>
      %min3A_567 = arith.minimumf %scan3A_221#10, %gather3A_566 : vector<16xf32>
      %iota3A_568 = tpu.iota {dimensions = array<i32: 0>} : vector<16xi32>
      %xor3A_569 = arith.constant 2 : i32
      %xor3A_570 = vector.broadcast %xor3A_569 : i32 to vector<16xi32>
      %xor3A_571 = arith.xori %iota3A_568, %xor3A_570 : vector<16xi32>
      %broadcast_in_dim3A_572 = vector.shape_cast %xor3A_571 : vector<16xi32> to vector<16x1xi32>
      %gather3A_573 = vector.shape_cast %broadcast_in_dim3A_572 : vector<16x1xi32> to vector<16xi32>
      %gather3A_574 = tpu.dynamic_gather %min3A_567[%gather3A_573] in [0] : vector<16xf32>, vector<16xi32> -> vector<16xf32>
      %min3A_575 = arith.minimumf %min3A_567, %gather3A_574 : vector<16xf32>
      %iota3A_576 = tpu.iota {dimensions = array<i32: 0>} : vector<16xi32>
      %xor3A_577 = arith.constant 4 : i32
      %xor3A_578 = vector.broadcast %xor3A_577 : i32 to vector<16xi32>
      %xor3A_579 = arith.xori %iota3A_576, %xor3A_578 : vector<16xi32>
      %broadcast_in_dim3A_580 = vector.shape_cast %xor3A_579 : vector<16xi32> to vector<16x1xi32>
      %gather3A_581 = vector.shape_cast %broadcast_in_dim3A_580 : vector<16x1xi32> to vector<16xi32>
      %gather3A_582 = tpu.dynamic_gather %min3A_575[%gather3A_581] in [0] : vector<16xf32>, vector<16xi32> -> vector<16xf32>
      %min3A_583 = arith.minimumf %min3A_575, %gather3A_582 : vector<16xf32>
      %iota3A_584 = tpu.iota {dimensions = array<i32: 0>} : vector<16xi32>
      %xor3A_585 = arith.constant 8 : i32
      %xor3A_586 = vector.broadcast %xor3A_585 : i32 to vector<16xi32>
      %xor3A_587 = arith.xori %iota3A_584, %xor3A_586 : vector<16xi32>
      %broadcast_in_dim3A_588 = vector.shape_cast %xor3A_587 : vector<16xi32> to vector<16x1xi32>
      %gather3A_589 = vector.shape_cast %broadcast_in_dim3A_588 : vector<16x1xi32> to vector<16xi32>
      %gather3A_590 = tpu.dynamic_gather %min3A_583[%gather3A_589] in [0] : vector<16xf32>, vector<16xi32> -> vector<16xf32>
      %min3A_591 = arith.minimumf %min3A_583, %gather3A_590 : vector<16xf32>
      %max3A_592 = arith.maximumf %min3A_591, %broadcast_in_dim3A_224 : vector<16xf32>
      %add3A_593 = arith.addf %add3A_559, %max3A_592 : vector<16xf32>
      %iota3A_594 = tpu.iota {dimensions = array<i32: 0>} : vector<16xi32>
      %xor3A_595 = arith.constant 1 : i32
      %xor3A_596 = vector.broadcast %xor3A_595 : i32 to vector<16xi32>
      %xor3A_597 = arith.xori %iota3A_594, %xor3A_596 : vector<16xi32>
      %broadcast_in_dim3A_598 = vector.shape_cast %xor3A_597 : vector<16xi32> to vector<16x1xi32>
      %gather3A_599 = vector.shape_cast %broadcast_in_dim3A_598 : vector<16x1xi32> to vector<16xi32>
      %gather3A_600 = tpu.dynamic_gather %scan3A_221#11[%gather3A_599] in [0] : vector<16xf32>, vector<16xi32> -> vector<16xf32>
      %min3A_601 = arith.minimumf %scan3A_221#11, %gather3A_600 : vector<16xf32>
      %iota3A_602 = tpu.iota {dimensions = array<i32: 0>} : vector<16xi32>
      %xor3A_603 = arith.constant 2 : i32
      %xor3A_604 = vector.broadcast %xor3A_603 : i32 to vector<16xi32>
      %xor3A_605 = arith.xori %iota3A_602, %xor3A_604 : vector<16xi32>
      %broadcast_in_dim3A_606 = vector.shape_cast %xor3A_605 : vector<16xi32> to vector<16x1xi32>
      %gather3A_607 = vector.shape_cast %broadcast_in_dim3A_606 : vector<16x1xi32> to vector<16xi32>
      %gather3A_608 = tpu.dynamic_gather %min3A_601[%gather3A_607] in [0] : vector<16xf32>, vector<16xi32> -> vector<16xf32>
      %min3A_609 = arith.minimumf %min3A_601, %gather3A_608 : vector<16xf32>
      %iota3A_610 = tpu.iota {dimensions = array<i32: 0>} : vector<16xi32>
      %xor3A_611 = arith.constant 4 : i32
      %xor3A_612 = vector.broadcast %xor3A_611 : i32 to vector<16xi32>
      %xor3A_613 = arith.xori %iota3A_610, %xor3A_612 : vector<16xi32>
      %broadcast_in_dim3A_614 = vector.shape_cast %xor3A_613 : vector<16xi32> to vector<16x1xi32>
      %gather3A_615 = vector.shape_cast %broadcast_in_dim3A_614 : vector<16x1xi32> to vector<16xi32>
      %gather3A_616 = tpu.dynamic_gather %min3A_609[%gather3A_615] in [0] : vector<16xf32>, vector<16xi32> -> vector<16xf32>
      %min3A_617 = arith.minimumf %min3A_609, %gather3A_616 : vector<16xf32>
      %iota3A_618 = tpu.iota {dimensions = array<i32: 0>} : vector<16xi32>
      %xor3A_619 = arith.constant 8 : i32
      %xor3A_620 = vector.broadcast %xor3A_619 : i32 to vector<16xi32>
      %xor3A_621 = arith.xori %iota3A_618, %xor3A_620 : vector<16xi32>
      %broadcast_in_dim3A_622 = vector.shape_cast %xor3A_621 : vector<16xi32> to vector<16x1xi32>
      %gather3A_623 = vector.shape_cast %broadcast_in_dim3A_622 : vector<16x1xi32> to vector<16xi32>
      %gather3A_624 = tpu.dynamic_gather %min3A_617[%gather3A_623] in [0] : vector<16xf32>, vector<16xi32> -> vector<16xf32>
      %min3A_625 = arith.minimumf %min3A_617, %gather3A_624 : vector<16xf32>
      %max3A_626 = arith.maximumf %min3A_625, %broadcast_in_dim3A_224 : vector<16xf32>
      %add3A_627 = arith.addf %add3A_593, %max3A_626 : vector<16xf32>
      %iota3A_628 = tpu.iota {dimensions = array<i32: 0>} : vector<16xi32>
      %xor3A_629 = arith.constant 1 : i32
      %xor3A_630 = vector.broadcast %xor3A_629 : i32 to vector<16xi32>
      %xor3A_631 = arith.xori %iota3A_628, %xor3A_630 : vector<16xi32>
      %broadcast_in_dim3A_632 = vector.shape_cast %xor3A_631 : vector<16xi32> to vector<16x1xi32>
      %gather3A_633 = vector.shape_cast %broadcast_in_dim3A_632 : vector<16x1xi32> to vector<16xi32>
      %gather3A_634 = tpu.dynamic_gather %scan3A_221#12[%gather3A_633] in [0] : vector<16xf32>, vector<16xi32> -> vector<16xf32>
      %min3A_635 = arith.minimumf %scan3A_221#12, %gather3A_634 : vector<16xf32>
      %iota3A_636 = tpu.iota {dimensions = array<i32: 0>} : vector<16xi32>
      %xor3A_637 = arith.constant 2 : i32
      %xor3A_638 = vector.broadcast %xor3A_637 : i32 to vector<16xi32>
      %xor3A_639 = arith.xori %iota3A_636, %xor3A_638 : vector<16xi32>
      %broadcast_in_dim3A_640 = vector.shape_cast %xor3A_639 : vector<16xi32> to vector<16x1xi32>
      %gather3A_641 = vector.shape_cast %broadcast_in_dim3A_640 : vector<16x1xi32> to vector<16xi32>
      %gather3A_642 = tpu.dynamic_gather %min3A_635[%gather3A_641] in [0] : vector<16xf32>, vector<16xi32> -> vector<16xf32>
      %min3A_643 = arith.minimumf %min3A_635, %gather3A_642 : vector<16xf32>
      %iota3A_644 = tpu.iota {dimensions = array<i32: 0>} : vector<16xi32>
      %xor3A_645 = arith.constant 4 : i32
      %xor3A_646 = vector.broadcast %xor3A_645 : i32 to vector<16xi32>
      %xor3A_647 = arith.xori %iota3A_644, %xor3A_646 : vector<16xi32>
      %broadcast_in_dim3A_648 = vector.shape_cast %xor3A_647 : vector<16xi32> to vector<16x1xi32>
      %gather3A_649 = vector.shape_cast %broadcast_in_dim3A_648 : vector<16x1xi32> to vector<16xi32>
      %gather3A_650 = tpu.dynamic_gather %min3A_643[%gather3A_649] in [0] : vector<16xf32>, vector<16xi32> -> vector<16xf32>
      %min3A_651 = arith.minimumf %min3A_643, %gather3A_650 : vector<16xf32>
      %iota3A_652 = tpu.iota {dimensions = array<i32: 0>} : vector<16xi32>
      %xor3A_653 = arith.constant 8 : i32
      %xor3A_654 = vector.broadcast %xor3A_653 : i32 to vector<16xi32>
      %xor3A_655 = arith.xori %iota3A_652, %xor3A_654 : vector<16xi32>
      %broadcast_in_dim3A_656 = vector.shape_cast %xor3A_655 : vector<16xi32> to vector<16x1xi32>
      %gather3A_657 = vector.shape_cast %broadcast_in_dim3A_656 : vector<16x1xi32> to vector<16xi32>
      %gather3A_658 = tpu.dynamic_gather %min3A_651[%gather3A_657] in [0] : vector<16xf32>, vector<16xi32> -> vector<16xf32>
      %min3A_659 = arith.minimumf %min3A_651, %gather3A_658 : vector<16xf32>
      %max3A_660 = arith.maximumf %min3A_659, %broadcast_in_dim3A_224 : vector<16xf32>
      %add3A_661 = arith.addf %add3A_627, %max3A_660 : vector<16xf32>
      %iota3A_662 = tpu.iota {dimensions = array<i32: 0>} : vector<16xi32>
      %xor3A_663 = arith.constant 1 : i32
      %xor3A_664 = vector.broadcast %xor3A_663 : i32 to vector<16xi32>
      %xor3A_665 = arith.xori %iota3A_662, %xor3A_664 : vector<16xi32>
      %broadcast_in_dim3A_666 = vector.shape_cast %xor3A_665 : vector<16xi32> to vector<16x1xi32>
      %gather3A_667 = vector.shape_cast %broadcast_in_dim3A_666 : vector<16x1xi32> to vector<16xi32>
      %gather3A_668 = tpu.dynamic_gather %scan3A_221#13[%gather3A_667] in [0] : vector<16xf32>, vector<16xi32> -> vector<16xf32>
      %min3A_669 = arith.minimumf %scan3A_221#13, %gather3A_668 : vector<16xf32>
      %iota3A_670 = tpu.iota {dimensions = array<i32: 0>} : vector<16xi32>
      %xor3A_671 = arith.constant 2 : i32
      %xor3A_672 = vector.broadcast %xor3A_671 : i32 to vector<16xi32>
      %xor3A_673 = arith.xori %iota3A_670, %xor3A_672 : vector<16xi32>
      %broadcast_in_dim3A_674 = vector.shape_cast %xor3A_673 : vector<16xi32> to vector<16x1xi32>
      %gather3A_675 = vector.shape_cast %broadcast_in_dim3A_674 : vector<16x1xi32> to vector<16xi32>
      %gather3A_676 = tpu.dynamic_gather %min3A_669[%gather3A_675] in [0] : vector<16xf32>, vector<16xi32> -> vector<16xf32>
      %min3A_677 = arith.minimumf %min3A_669, %gather3A_676 : vector<16xf32>
      %iota3A_678 = tpu.iota {dimensions = array<i32: 0>} : vector<16xi32>
      %xor3A_679 = arith.constant 4 : i32
      %xor3A_680 = vector.broadcast %xor3A_679 : i32 to vector<16xi32>
      %xor3A_681 = arith.xori %iota3A_678, %xor3A_680 : vector<16xi32>
      %broadcast_in_dim3A_682 = vector.shape_cast %xor3A_681 : vector<16xi32> to vector<16x1xi32>
      %gather3A_683 = vector.shape_cast %broadcast_in_dim3A_682 : vector<16x1xi32> to vector<16xi32>
      %gather3A_684 = tpu.dynamic_gather %min3A_677[%gather3A_683] in [0] : vector<16xf32>, vector<16xi32> -> vector<16xf32>
      %min3A_685 = arith.minimumf %min3A_677, %gather3A_684 : vector<16xf32>
      %iota3A_686 = tpu.iota {dimensions = array<i32: 0>} : vector<16xi32>
      %xor3A_687 = arith.constant 8 : i32
      %xor3A_688 = vector.broadcast %xor3A_687 : i32 to vector<16xi32>
      %xor3A_689 = arith.xori %iota3A_686, %xor3A_688 : vector<16xi32>
      %broadcast_in_dim3A_690 = vector.shape_cast %xor3A_689 : vector<16xi32> to vector<16x1xi32>
      %gather3A_691 = vector.shape_cast %broadcast_in_dim3A_690 : vector<16x1xi32> to vector<16xi32>
      %gather3A_692 = tpu.dynamic_gather %min3A_685[%gather3A_691] in [0] : vector<16xf32>, vector<16xi32> -> vector<16xf32>
      %min3A_693 = arith.minimumf %min3A_685, %gather3A_692 : vector<16xf32>
      %max3A_694 = arith.maximumf %min3A_693, %broadcast_in_dim3A_224 : vector<16xf32>
      %add3A_695 = arith.addf %add3A_661, %max3A_694 : vector<16xf32>
      %iota3A_696 = tpu.iota {dimensions = array<i32: 0>} : vector<16xi32>
      %xor3A_697 = arith.constant 1 : i32
      %xor3A_698 = vector.broadcast %xor3A_697 : i32 to vector<16xi32>
      %xor3A_699 = arith.xori %iota3A_696, %xor3A_698 : vector<16xi32>
      %broadcast_in_dim3A_700 = vector.shape_cast %xor3A_699 : vector<16xi32> to vector<16x1xi32>
      %gather3A_701 = vector.shape_cast %broadcast_in_dim3A_700 : vector<16x1xi32> to vector<16xi32>
      %gather3A_702 = tpu.dynamic_gather %scan3A_221#14[%gather3A_701] in [0] : vector<16xf32>, vector<16xi32> -> vector<16xf32>
      %min3A_703 = arith.minimumf %scan3A_221#14, %gather3A_702 : vector<16xf32>
      %iota3A_704 = tpu.iota {dimensions = array<i32: 0>} : vector<16xi32>
      %xor3A_705 = arith.constant 2 : i32
      %xor3A_706 = vector.broadcast %xor3A_705 : i32 to vector<16xi32>
      %xor3A_707 = arith.xori %iota3A_704, %xor3A_706 : vector<16xi32>
      %broadcast_in_dim3A_708 = vector.shape_cast %xor3A_707 : vector<16xi32> to vector<16x1xi32>
      %gather3A_709 = vector.shape_cast %broadcast_in_dim3A_708 : vector<16x1xi32> to vector<16xi32>
      %gather3A_710 = tpu.dynamic_gather %min3A_703[%gather3A_709] in [0] : vector<16xf32>, vector<16xi32> -> vector<16xf32>
      %min3A_711 = arith.minimumf %min3A_703, %gather3A_710 : vector<16xf32>
      %iota3A_712 = tpu.iota {dimensions = array<i32: 0>} : vector<16xi32>
      %xor3A_713 = arith.constant 4 : i32
      %xor3A_714 = vector.broadcast %xor3A_713 : i32 to vector<16xi32>
      %xor3A_715 = arith.xori %iota3A_712, %xor3A_714 : vector<16xi32>
      %broadcast_in_dim3A_716 = vector.shape_cast %xor3A_715 : vector<16xi32> to vector<16x1xi32>
      %gather3A_717 = vector.shape_cast %broadcast_in_dim3A_716 : vector<16x1xi32> to vector<16xi32>
      %gather3A_718 = tpu.dynamic_gather %min3A_711[%gather3A_717] in [0] : vector<16xf32>, vector<16xi32> -> vector<16xf32>
      %min3A_719 = arith.minimumf %min3A_711, %gather3A_718 : vector<16xf32>
      %iota3A_720 = tpu.iota {dimensions = array<i32: 0>} : vector<16xi32>
      %xor3A_721 = arith.constant 8 : i32
      %xor3A_722 = vector.broadcast %xor3A_721 : i32 to vector<16xi32>
      %xor3A_723 = arith.xori %iota3A_720, %xor3A_722 : vector<16xi32>
      %broadcast_in_dim3A_724 = vector.shape_cast %xor3A_723 : vector<16xi32> to vector<16x1xi32>
      %gather3A_725 = vector.shape_cast %broadcast_in_dim3A_724 : vector<16x1xi32> to vector<16xi32>
      %gather3A_726 = tpu.dynamic_gather %min3A_719[%gather3A_725] in [0] : vector<16xf32>, vector<16xi32> -> vector<16xf32>
      %min3A_727 = arith.minimumf %min3A_719, %gather3A_726 : vector<16xf32>
      %max3A_728 = arith.maximumf %min3A_727, %broadcast_in_dim3A_224 : vector<16xf32>
      %add3A_729 = arith.addf %add3A_695, %max3A_728 : vector<16xf32>
      %iota3A_730 = tpu.iota {dimensions = array<i32: 0>} : vector<16xi32>
      %xor3A_731 = arith.constant 1 : i32
      %xor3A_732 = vector.broadcast %xor3A_731 : i32 to vector<16xi32>
      %xor3A_733 = arith.xori %iota3A_730, %xor3A_732 : vector<16xi32>
      %broadcast_in_dim3A_734 = vector.shape_cast %xor3A_733 : vector<16xi32> to vector<16x1xi32>
      %gather3A_735 = vector.shape_cast %broadcast_in_dim3A_734 : vector<16x1xi32> to vector<16xi32>
      %gather3A_736 = tpu.dynamic_gather %scan3A_221#15[%gather3A_735] in [0] : vector<16xf32>, vector<16xi32> -> vector<16xf32>
      %min3A_737 = arith.minimumf %scan3A_221#15, %gather3A_736 : vector<16xf32>
      %iota3A_738 = tpu.iota {dimensions = array<i32: 0>} : vector<16xi32>
      %xor3A_739 = arith.constant 2 : i32
      %xor3A_740 = vector.broadcast %xor3A_739 : i32 to vector<16xi32>
      %xor3A_741 = arith.xori %iota3A_738, %xor3A_740 : vector<16xi32>
      %broadcast_in_dim3A_742 = vector.shape_cast %xor3A_741 : vector<16xi32> to vector<16x1xi32>
      %gather3A_743 = vector.shape_cast %broadcast_in_dim3A_742 : vector<16x1xi32> to vector<16xi32>
      %gather3A_744 = tpu.dynamic_gather %min3A_737[%gather3A_743] in [0] : vector<16xf32>, vector<16xi32> -> vector<16xf32>
      %min3A_745 = arith.minimumf %min3A_737, %gather3A_744 : vector<16xf32>
      %iota3A_746 = tpu.iota {dimensions = array<i32: 0>} : vector<16xi32>
      %xor3A_747 = arith.constant 4 : i32
      %xor3A_748 = vector.broadcast %xor3A_747 : i32 to vector<16xi32>
      %xor3A_749 = arith.xori %iota3A_746, %xor3A_748 : vector<16xi32>
      %broadcast_in_dim3A_750 = vector.shape_cast %xor3A_749 : vector<16xi32> to vector<16x1xi32>
      %gather3A_751 = vector.shape_cast %broadcast_in_dim3A_750 : vector<16x1xi32> to vector<16xi32>
      %gather3A_752 = tpu.dynamic_gather %min3A_745[%gather3A_751] in [0] : vector<16xf32>, vector<16xi32> -> vector<16xf32>
      %min3A_753 = arith.minimumf %min3A_745, %gather3A_752 : vector<16xf32>
      %iota3A_754 = tpu.iota {dimensions = array<i32: 0>} : vector<16xi32>
      %xor3A_755 = arith.constant 8 : i32
      %xor3A_756 = vector.broadcast %xor3A_755 : i32 to vector<16xi32>
      %xor3A_757 = arith.xori %iota3A_754, %xor3A_756 : vector<16xi32>
      %broadcast_in_dim3A_758 = vector.shape_cast %xor3A_757 : vector<16xi32> to vector<16x1xi32>
      %gather3A_759 = vector.shape_cast %broadcast_in_dim3A_758 : vector<16x1xi32> to vector<16xi32>
      %gather3A_760 = tpu.dynamic_gather %min3A_753[%gather3A_759] in [0] : vector<16xf32>, vector<16xi32> -> vector<16xf32>
      %min3A_761 = arith.minimumf %min3A_753, %gather3A_760 : vector<16xf32>
      %max3A_762 = arith.maximumf %min3A_761, %broadcast_in_dim3A_224 : vector<16xf32>
      %add3A_763 = arith.addf %add3A_729, %max3A_762 : vector<16xf32>
      scf.yield %add3A_763 : vector<16xf32>
    }
    %scan3A_50 = arith.constant 8 : i32
    "tpu.region"() ({
      %run_scoped3A = tpu.sem_alloc : memref<!tpu.dma_semaphore, #tpu.memory_space<semaphore_mem>>
      %dma_start3A = arith.constant 8192 : i32
      %dma_start3A_70 = tpu.memref_slice %arg11[%add3A, %dma_start3A] : memref<32x16384xf32, #tpu.memory_space<hbm>> -> memref<1x4096xf32, #tpu.memory_space<hbm>>
      %dma_start3A_71 = tpu.memref_squeeze %dma_start3A_70 : memref<1x4096xf32, #tpu.memory_space<hbm>> -> memref<4096xf32, #tpu.memory_space<hbm>>
      %dma_start3A_72 = arith.constant 8192 : i32
      %dma_start3A_73 = tpu.memref_slice %arg11[%add3A, %dma_start3A_72] : memref<32x16384xf32, #tpu.memory_space<hbm>> -> memref<1x4096xf32, #tpu.memory_space<hbm>>
      %dma_start3A_74 = tpu.memref_squeeze %dma_start3A_73 : memref<1x4096xf32, #tpu.memory_space<hbm>> -> memref<4096xf32, #tpu.memory_space<hbm>>
      tpu.enqueue_dma source(%arg20 : memref<4096xf32, #tpu.memory_space<vmem>>) target(%dma_start3A_74 : memref<4096xf32, #tpu.memory_space<hbm>>) target_semaphore(%run_scoped3A : memref<!tpu.dma_semaphore, #tpu.memory_space<semaphore_mem>>)
      %dma_wait3A = arith.constant 8192 : i32
      %dma_wait3A_75 = tpu.memref_slice %arg11[%add3A, %dma_wait3A] : memref<32x16384xf32, #tpu.memory_space<hbm>> -> memref<1x4096xf32, #tpu.memory_space<hbm>>
      %dma_wait3A_76 = tpu.memref_squeeze %dma_wait3A_75 : memref<1x4096xf32, #tpu.memory_space<hbm>> -> memref<4096xf32, #tpu.memory_space<hbm>>
      %dma_wait3A_77 = arith.constant 8192 : i32
      %dma_wait3A_78 = tpu.memref_slice %arg11[%add3A, %dma_wait3A_77] : memref<32x16384xf32, #tpu.memory_space<hbm>> -> memref<1x4096xf32, #tpu.memory_space<hbm>>
      %dma_wait3A_79 = tpu.memref_squeeze %dma_wait3A_78 : memref<1x4096xf32, #tpu.memory_space<hbm>> -> memref<4096xf32, #tpu.memory_space<hbm>>
      tpu.wait_dma2 semaphore(%run_scoped3A : memref<!tpu.dma_semaphore, #tpu.memory_space<semaphore_mem>>) src(%arg20 : memref<4096xf32, #tpu.memory_space<vmem>>) dst(%dma_wait3A_79 : memref<4096xf32, #tpu.memory_space<hbm>>)
      tpu.yield
    }) : () -> ()
    "tpu.region"() ({
      %run_scoped3A = tpu.sem_alloc : memref<!tpu.dma_semaphore, #tpu.memory_space<semaphore_mem>>
      %dma_start3A = arith.constant 12288 : i32
      %dma_start3A_70 = tpu.memref_slice %arg6[%dma_start3A] : memref<16384xf32, #tpu.memory_space<hbm>> -> memref<4096xf32, #tpu.memory_space<hbm>>
      %dma_start3A_71 = arith.constant 12288 : i32
      %dma_start3A_72 = tpu.memref_slice %arg6[%dma_start3A_71] : memref<16384xf32, #tpu.memory_space<hbm>> -> memref<4096xf32, #tpu.memory_space<hbm>>
      tpu.enqueue_dma source(%dma_start3A_72 : memref<4096xf32, #tpu.memory_space<hbm>>) target(%arg12 : memref<4096xf32, #tpu.memory_space<vmem>>) target_semaphore(%run_scoped3A : memref<!tpu.dma_semaphore, #tpu.memory_space<semaphore_mem>>)
      %dma_wait3A = arith.constant 12288 : i32
      %dma_wait3A_73 = tpu.memref_slice %arg6[%dma_wait3A] : memref<16384xf32, #tpu.memory_space<hbm>> -> memref<4096xf32, #tpu.memory_space<hbm>>
      %dma_wait3A_74 = arith.constant 12288 : i32
      %dma_wait3A_75 = tpu.memref_slice %arg6[%dma_wait3A_74] : memref<16384xf32, #tpu.memory_space<hbm>> -> memref<4096xf32, #tpu.memory_space<hbm>>
      tpu.wait_dma2 semaphore(%run_scoped3A : memref<!tpu.dma_semaphore, #tpu.memory_space<semaphore_mem>>) src(%dma_wait3A_75 : memref<4096xf32, #tpu.memory_space<hbm>>) dst(%arg12 : memref<4096xf32, #tpu.memory_space<vmem>>)
      tpu.yield
    }) : () -> ()
    "tpu.region"() ({
      %run_scoped3A = tpu.sem_alloc : memref<!tpu.dma_semaphore, #tpu.memory_space<semaphore_mem>>
      %dma_start3A = arith.constant 12288 : i32
      %dma_start3A_70 = tpu.memref_slice %arg7[%dma_start3A] : memref<16384xf32, #tpu.memory_space<hbm>> -> memref<4096xf32, #tpu.memory_space<hbm>>
      %dma_start3A_71 = arith.constant 12288 : i32
      %dma_start3A_72 = tpu.memref_slice %arg7[%dma_start3A_71] : memref<16384xf32, #tpu.memory_space<hbm>> -> memref<4096xf32, #tpu.memory_space<hbm>>
      tpu.enqueue_dma source(%dma_start3A_72 : memref<4096xf32, #tpu.memory_space<hbm>>) target(%arg13 : memref<4096xf32, #tpu.memory_space<vmem>>) target_semaphore(%run_scoped3A : memref<!tpu.dma_semaphore, #tpu.memory_space<semaphore_mem>>)
      %dma_wait3A = arith.constant 12288 : i32
      %dma_wait3A_73 = tpu.memref_slice %arg7[%dma_wait3A] : memref<16384xf32, #tpu.memory_space<hbm>> -> memref<4096xf32, #tpu.memory_space<hbm>>
      %dma_wait3A_74 = arith.constant 12288 : i32
      %dma_wait3A_75 = tpu.memref_slice %arg7[%dma_wait3A_74] : memref<16384xf32, #tpu.memory_space<hbm>> -> memref<4096xf32, #tpu.memory_space<hbm>>
      tpu.wait_dma2 semaphore(%run_scoped3A : memref<!tpu.dma_semaphore, #tpu.memory_space<semaphore_mem>>) src(%dma_wait3A_75 : memref<4096xf32, #tpu.memory_space<hbm>>) dst(%arg13 : memref<4096xf32, #tpu.memory_space<vmem>>)
      tpu.yield
    }) : () -> ()
    "tpu.region"() ({
      %run_scoped3A = tpu.sem_alloc : memref<!tpu.dma_semaphore, #tpu.memory_space<semaphore_mem>>
      %dma_start3A = arith.constant 12288 : i32
      %dma_start3A_70 = tpu.memref_slice %arg8[%dma_start3A] : memref<16384xf32, #tpu.memory_space<hbm>> -> memref<4096xf32, #tpu.memory_space<hbm>>
      %dma_start3A_71 = arith.constant 12288 : i32
      %dma_start3A_72 = tpu.memref_slice %arg8[%dma_start3A_71] : memref<16384xf32, #tpu.memory_space<hbm>> -> memref<4096xf32, #tpu.memory_space<hbm>>
      tpu.enqueue_dma source(%dma_start3A_72 : memref<4096xf32, #tpu.memory_space<hbm>>) target(%arg14 : memref<4096xf32, #tpu.memory_space<vmem>>) target_semaphore(%run_scoped3A : memref<!tpu.dma_semaphore, #tpu.memory_space<semaphore_mem>>)
      %dma_wait3A = arith.constant 12288 : i32
      %dma_wait3A_73 = tpu.memref_slice %arg8[%dma_wait3A] : memref<16384xf32, #tpu.memory_space<hbm>> -> memref<4096xf32, #tpu.memory_space<hbm>>
      %dma_wait3A_74 = arith.constant 12288 : i32
      %dma_wait3A_75 = tpu.memref_slice %arg8[%dma_wait3A_74] : memref<16384xf32, #tpu.memory_space<hbm>> -> memref<4096xf32, #tpu.memory_space<hbm>>
      tpu.wait_dma2 semaphore(%run_scoped3A : memref<!tpu.dma_semaphore, #tpu.memory_space<semaphore_mem>>) src(%dma_wait3A_75 : memref<4096xf32, #tpu.memory_space<hbm>>) dst(%arg14 : memref<4096xf32, #tpu.memory_space<vmem>>)
      tpu.yield
    }) : () -> ()
    "tpu.region"() ({
      %run_scoped3A = tpu.sem_alloc : memref<!tpu.dma_semaphore, #tpu.memory_space<semaphore_mem>>
      %dma_start3A = arith.constant 12288 : i32
      %dma_start3A_70 = tpu.memref_slice %arg9[%dma_start3A] : memref<16384xf32, #tpu.memory_space<hbm>> -> memref<4096xf32, #tpu.memory_space<hbm>>
      %dma_start3A_71 = arith.constant 12288 : i32
      %dma_start3A_72 = tpu.memref_slice %arg9[%dma_start3A_71] : memref<16384xf32, #tpu.memory_space<hbm>> -> memref<4096xf32, #tpu.memory_space<hbm>>
      tpu.enqueue_dma source(%dma_start3A_72 : memref<4096xf32, #tpu.memory_space<hbm>>) target(%arg15 : memref<4096xf32, #tpu.memory_space<vmem>>) target_semaphore(%run_scoped3A : memref<!tpu.dma_semaphore, #tpu.memory_space<semaphore_mem>>)
      %dma_wait3A = arith.constant 12288 : i32
      %dma_wait3A_73 = tpu.memref_slice %arg9[%dma_wait3A] : memref<16384xf32, #tpu.memory_space<hbm>> -> memref<4096xf32, #tpu.memory_space<hbm>>
      %dma_wait3A_74 = arith.constant 12288 : i32
      %dma_wait3A_75 = tpu.memref_slice %arg9[%dma_wait3A_74] : memref<16384xf32, #tpu.memory_space<hbm>> -> memref<4096xf32, #tpu.memory_space<hbm>>
      tpu.wait_dma2 semaphore(%run_scoped3A : memref<!tpu.dma_semaphore, #tpu.memory_space<semaphore_mem>>) src(%dma_wait3A_75 : memref<4096xf32, #tpu.memory_space<hbm>>) dst(%arg15 : memref<4096xf32, #tpu.memory_space<vmem>>)
      tpu.yield
    }) : () -> ()
    %mul3A_51 = arith.constant 128 : i32
    %mul3A_52 = arith.muli %add3A, %mul3A_51 : i32
    %add3A_53 = arith.constant 12288 : i32
    %add3A_54 = arith.addi %add3A_53, %mul3A_52 : i32
    "tpu.region"() ({
      %run_scoped3A = tpu.sem_alloc : memref<!tpu.dma_semaphore, #tpu.memory_space<semaphore_mem>>
      %dma_start3A = tpu.memref_slice %arg2[%add3A_54] : memref<16384xf32, #tpu.memory_space<hbm>> -> memref<128xf32, #tpu.memory_space<hbm>>
      %dma_start3A_70 = tpu.memref_slice %arg2[%add3A_54] : memref<16384xf32, #tpu.memory_space<hbm>> -> memref<128xf32, #tpu.memory_space<hbm>>
      tpu.enqueue_dma source(%dma_start3A_70 : memref<128xf32, #tpu.memory_space<hbm>>) target(%arg16 : memref<128xf32, #tpu.memory_space<vmem>>) target_semaphore(%run_scoped3A : memref<!tpu.dma_semaphore, #tpu.memory_space<semaphore_mem>>)
      %dma_wait3A = tpu.memref_slice %arg2[%add3A_54] : memref<16384xf32, #tpu.memory_space<hbm>> -> memref<128xf32, #tpu.memory_space<hbm>>
      %dma_wait3A_71 = tpu.memref_slice %arg2[%add3A_54] : memref<16384xf32, #tpu.memory_space<hbm>> -> memref<128xf32, #tpu.memory_space<hbm>>
      tpu.wait_dma2 semaphore(%run_scoped3A : memref<!tpu.dma_semaphore, #tpu.memory_space<semaphore_mem>>) src(%dma_wait3A_71 : memref<128xf32, #tpu.memory_space<hbm>>) dst(%arg16 : memref<128xf32, #tpu.memory_space<vmem>>)
      tpu.yield
    }) : () -> ()
    "tpu.region"() ({
      %run_scoped3A = tpu.sem_alloc : memref<!tpu.dma_semaphore, #tpu.memory_space<semaphore_mem>>
      %dma_start3A = tpu.memref_slice %arg3[%add3A_54] : memref<16384xf32, #tpu.memory_space<hbm>> -> memref<128xf32, #tpu.memory_space<hbm>>
      %dma_start3A_70 = tpu.memref_slice %arg3[%add3A_54] : memref<16384xf32, #tpu.memory_space<hbm>> -> memref<128xf32, #tpu.memory_space<hbm>>
      tpu.enqueue_dma source(%dma_start3A_70 : memref<128xf32, #tpu.memory_space<hbm>>) target(%arg17 : memref<128xf32, #tpu.memory_space<vmem>>) target_semaphore(%run_scoped3A : memref<!tpu.dma_semaphore, #tpu.memory_space<semaphore_mem>>)
      %dma_wait3A = tpu.memref_slice %arg3[%add3A_54] : memref<16384xf32, #tpu.memory_space<hbm>> -> memref<128xf32, #tpu.memory_space<hbm>>
      %dma_wait3A_71 = tpu.memref_slice %arg3[%add3A_54] : memref<16384xf32, #tpu.memory_space<hbm>> -> memref<128xf32, #tpu.memory_space<hbm>>
      tpu.wait_dma2 semaphore(%run_scoped3A : memref<!tpu.dma_semaphore, #tpu.memory_space<semaphore_mem>>) src(%dma_wait3A_71 : memref<128xf32, #tpu.memory_space<hbm>>) dst(%arg17 : memref<128xf32, #tpu.memory_space<vmem>>)
      tpu.yield
    }) : () -> ()
    "tpu.region"() ({
      %run_scoped3A = tpu.sem_alloc : memref<!tpu.dma_semaphore, #tpu.memory_space<semaphore_mem>>
      %dma_start3A = tpu.memref_slice %arg4[%add3A_54] : memref<16384xf32, #tpu.memory_space<hbm>> -> memref<128xf32, #tpu.memory_space<hbm>>
      %dma_start3A_70 = tpu.memref_slice %arg4[%add3A_54] : memref<16384xf32, #tpu.memory_space<hbm>> -> memref<128xf32, #tpu.memory_space<hbm>>
      tpu.enqueue_dma source(%dma_start3A_70 : memref<128xf32, #tpu.memory_space<hbm>>) target(%arg18 : memref<128xf32, #tpu.memory_space<vmem>>) target_semaphore(%run_scoped3A : memref<!tpu.dma_semaphore, #tpu.memory_space<semaphore_mem>>)
      %dma_wait3A = tpu.memref_slice %arg4[%add3A_54] : memref<16384xf32, #tpu.memory_space<hbm>> -> memref<128xf32, #tpu.memory_space<hbm>>
      %dma_wait3A_71 = tpu.memref_slice %arg4[%add3A_54] : memref<16384xf32, #tpu.memory_space<hbm>> -> memref<128xf32, #tpu.memory_space<hbm>>
      tpu.wait_dma2 semaphore(%run_scoped3A : memref<!tpu.dma_semaphore, #tpu.memory_space<semaphore_mem>>) src(%dma_wait3A_71 : memref<128xf32, #tpu.memory_space<hbm>>) dst(%arg18 : memref<128xf32, #tpu.memory_space<vmem>>)
      tpu.yield
    }) : () -> ()
    "tpu.region"() ({
      %run_scoped3A = tpu.sem_alloc : memref<!tpu.dma_semaphore, #tpu.memory_space<semaphore_mem>>
      %dma_start3A = tpu.memref_slice %arg5[%add3A_54] : memref<16384xf32, #tpu.memory_space<hbm>> -> memref<128xf32, #tpu.memory_space<hbm>>
      %dma_start3A_70 = tpu.memref_slice %arg5[%add3A_54] : memref<16384xf32, #tpu.memory_space<hbm>> -> memref<128xf32, #tpu.memory_space<hbm>>
      tpu.enqueue_dma source(%dma_start3A_70 : memref<128xf32, #tpu.memory_space<hbm>>) target(%arg19 : memref<128xf32, #tpu.memory_space<vmem>>) target_semaphore(%run_scoped3A : memref<!tpu.dma_semaphore, #tpu.memory_space<semaphore_mem>>)
      %dma_wait3A = tpu.memref_slice %arg5[%add3A_54] : memref<16384xf32, #tpu.memory_space<hbm>> -> memref<128xf32, #tpu.memory_space<hbm>>
      %dma_wait3A_71 = tpu.memref_slice %arg5[%add3A_54] : memref<16384xf32, #tpu.memory_space<hbm>> -> memref<128xf32, #tpu.memory_space<hbm>>
      tpu.wait_dma2 semaphore(%run_scoped3A : memref<!tpu.dma_semaphore, #tpu.memory_space<semaphore_mem>>) src(%dma_wait3A_71 : memref<128xf32, #tpu.memory_space<hbm>>) dst(%arg19 : memref<128xf32, #tpu.memory_space<vmem>>)
      tpu.yield
    }) : () -> ()
    %scan3A_55 = arith.constant 0 : i32
    %scan3A_56 = arith.constant 0 : i32
    %scan3A_57 = arith.constant 256 : i32
    %scan3A_58 = arith.addi %scan3A_56, %scan3A_57 : i32
    %scan3A_59 = arith.constant 1 : i32
    scf.for %scan3A_70 = %scan3A_56 to %scan3A_58 step %scan3A_59  : i32 {
      %mul3A_71 = arith.constant 16 : i32
      %mul3A_72 = arith.muli %scan3A_70, %mul3A_71 : i32
      %swap3A_73 = arith.index_cast %mul3A_72 : i32 to index
      %swap3A_74 = tpu.vector_load %arg20[%swap3A_73] {strides = array<i32>} : memref<4096xf32, #tpu.memory_space<vmem>>, vector<16xf32>,
      %swap3A_75 = vector.shape_cast %swap3A_74 : vector<16xf32> to vector<16xf32>
      %swap3A_76 = vector.shape_cast %broadcast_in_dim3A_1 : vector<16xf32> to vector<16xf32>
      tpu.vector_store %arg20[%swap3A_73], %swap3A_76 {strides = array<i32>} : memref<4096xf32, #tpu.memory_space<vmem>>, vector<16xf32>,
    }
    %scan3A_60 = arith.constant 256 : i32
    %scan3A_61 = arith.constant 0 : i32
    %scan3A_62 = arith.constant 8 : i32
    %scan3A_63 = arith.addi %scan3A_61, %scan3A_62 : i32
    %scan3A_64 = arith.constant 1 : i32
    %scan3A_65 = scf.for %scan3A_70 = %scan3A_61 to %scan3A_63 step %scan3A_64 iter_args(%scan3A_71 = %scan3A_49) -> (vector<16xf32>)  : i32 {
      %mul3A_72 = arith.constant 16 : i32
      %mul3A_73 = arith.muli %scan3A_70, %mul3A_72 : i32
      %get3A = arith.index_cast %mul3A_73 : i32 to index
      %get3A_74 = tpu.vector_load %arg16[%get3A] {strides = array<i32>} : memref<128xf32, #tpu.memory_space<vmem>>, vector<16xf32>,
      %get3A_75 = vector.shape_cast %get3A_74 : vector<16xf32> to vector<16xf32>
      %mul3A_76 = arith.constant 16 : i32
      %mul3A_77 = arith.muli %scan3A_70, %mul3A_76 : i32
      %get3A_78 = arith.index_cast %mul3A_77 : i32 to index
      %get3A_79 = tpu.vector_load %arg17[%get3A_78] {strides = array<i32>} : memref<128xf32, #tpu.memory_space<vmem>>, vector<16xf32>,
      %get3A_80 = vector.shape_cast %get3A_79 : vector<16xf32> to vector<16xf32>
      %mul3A_81 = arith.constant 16 : i32
      %mul3A_82 = arith.muli %scan3A_70, %mul3A_81 : i32
      %get3A_83 = arith.index_cast %mul3A_82 : i32 to index
      %get3A_84 = tpu.vector_load %arg18[%get3A_83] {strides = array<i32>} : memref<128xf32, #tpu.memory_space<vmem>>, vector<16xf32>,
      %get3A_85 = vector.shape_cast %get3A_84 : vector<16xf32> to vector<16xf32>
      %mul3A_86 = arith.constant 16 : i32
      %mul3A_87 = arith.muli %scan3A_70, %mul3A_86 : i32
      %get3A_88 = arith.index_cast %mul3A_87 : i32 to index
      %get3A_89 = tpu.vector_load %arg19[%get3A_88] {strides = array<i32>} : memref<128xf32, #tpu.memory_space<vmem>>, vector<16xf32>,
      %get3A_90 = vector.shape_cast %get3A_89 : vector<16xf32> to vector<16xf32>
      %slice3A = vector.extract_strided_slice %get3A_75 {offsets = [0], sizes = [1], strides = [1]} : vector<16xf32> to vector<1xf32>
      %squeeze3A = vector.extract %slice3A[0] : f32 from vector<1xf32>
      %slice3A_91 = vector.extract_strided_slice %get3A_75 {offsets = [1], sizes = [1], strides = [1]} : vector<16xf32> to vector<1xf32>
      %squeeze3A_92 = vector.extract %slice3A_91[0] : f32 from vector<1xf32>
      %slice3A_93 = vector.extract_strided_slice %get3A_75 {offsets = [2], sizes = [1], strides = [1]} : vector<16xf32> to vector<1xf32>
      %squeeze3A_94 = vector.extract %slice3A_93[0] : f32 from vector<1xf32>
      %slice3A_95 = vector.extract_strided_slice %get3A_75 {offsets = [3], sizes = [1], strides = [1]} : vector<16xf32> to vector<1xf32>
      %squeeze3A_96 = vector.extract %slice3A_95[0] : f32 from vector<1xf32>
      %slice3A_97 = vector.extract_strided_slice %get3A_75 {offsets = [4], sizes = [1], strides = [1]} : vector<16xf32> to vector<1xf32>
      %squeeze3A_98 = vector.extract %slice3A_97[0] : f32 from vector<1xf32>
      %slice3A_99 = vector.extract_strided_slice %get3A_75 {offsets = [5], sizes = [1], strides = [1]} : vector<16xf32> to vector<1xf32>
      %squeeze3A_100 = vector.extract %slice3A_99[0] : f32 from vector<1xf32>
      %slice3A_101 = vector.extract_strided_slice %get3A_75 {offsets = [6], sizes = [1], strides = [1]} : vector<16xf32> to vector<1xf32>
      %squeeze3A_102 = vector.extract %slice3A_101[0] : f32 from vector<1xf32>
      %slice3A_103 = vector.extract_strided_slice %get3A_75 {offsets = [7], sizes = [1], strides = [1]} : vector<16xf32> to vector<1xf32>
      %squeeze3A_104 = vector.extract %slice3A_103[0] : f32 from vector<1xf32>
      %slice3A_105 = vector.extract_strided_slice %get3A_75 {offsets = [8], sizes = [1], strides = [1]} : vector<16xf32> to vector<1xf32>
      %squeeze3A_106 = vector.extract %slice3A_105[0] : f32 from vector<1xf32>
      %slice3A_107 = vector.extract_strided_slice %get3A_75 {offsets = [9], sizes = [1], strides = [1]} : vector<16xf32> to vector<1xf32>
      %squeeze3A_108 = vector.extract %slice3A_107[0] : f32 from vector<1xf32>
      %slice3A_109 = vector.extract_strided_slice %get3A_75 {offsets = [10], sizes = [1], strides = [1]} : vector<16xf32> to vector<1xf32>
      %squeeze3A_110 = vector.extract %slice3A_109[0] : f32 from vector<1xf32>
      %slice3A_111 = vector.extract_strided_slice %get3A_75 {offsets = [11], sizes = [1], strides = [1]} : vector<16xf32> to vector<1xf32>
      %squeeze3A_112 = vector.extract %slice3A_111[0] : f32 from vector<1xf32>
      %slice3A_113 = vector.extract_strided_slice %get3A_75 {offsets = [12], sizes = [1], strides = [1]} : vector<16xf32> to vector<1xf32>
      %squeeze3A_114 = vector.extract %slice3A_113[0] : f32 from vector<1xf32>
      %slice3A_115 = vector.extract_strided_slice %get3A_75 {offsets = [13], sizes = [1], strides = [1]} : vector<16xf32> to vector<1xf32>
      %squeeze3A_116 = vector.extract %slice3A_115[0] : f32 from vector<1xf32>
      %slice3A_117 = vector.extract_strided_slice %get3A_75 {offsets = [14], sizes = [1], strides = [1]} : vector<16xf32> to vector<1xf32>
      %squeeze3A_118 = vector.extract %slice3A_117[0] : f32 from vector<1xf32>
      %slice3A_119 = vector.extract_strided_slice %get3A_75 {offsets = [15], sizes = [1], strides = [1]} : vector<16xf32> to vector<1xf32>
      %squeeze3A_120 = vector.extract %slice3A_119[0] : f32 from vector<1xf32>
      %slice3A_121 = vector.extract_strided_slice %get3A_80 {offsets = [0], sizes = [1], strides = [1]} : vector<16xf32> to vector<1xf32>
      %squeeze3A_122 = vector.extract %slice3A_121[0] : f32 from vector<1xf32>
      %slice3A_123 = vector.extract_strided_slice %get3A_80 {offsets = [1], sizes = [1], strides = [1]} : vector<16xf32> to vector<1xf32>
      %squeeze3A_124 = vector.extract %slice3A_123[0] : f32 from vector<1xf32>
      %slice3A_125 = vector.extract_strided_slice %get3A_80 {offsets = [2], sizes = [1], strides = [1]} : vector<16xf32> to vector<1xf32>
      %squeeze3A_126 = vector.extract %slice3A_125[0] : f32 from vector<1xf32>
      %slice3A_127 = vector.extract_strided_slice %get3A_80 {offsets = [3], sizes = [1], strides = [1]} : vector<16xf32> to vector<1xf32>
      %squeeze3A_128 = vector.extract %slice3A_127[0] : f32 from vector<1xf32>
      %slice3A_129 = vector.extract_strided_slice %get3A_80 {offsets = [4], sizes = [1], strides = [1]} : vector<16xf32> to vector<1xf32>
      %squeeze3A_130 = vector.extract %slice3A_129[0] : f32 from vector<1xf32>
      %slice3A_131 = vector.extract_strided_slice %get3A_80 {offsets = [5], sizes = [1], strides = [1]} : vector<16xf32> to vector<1xf32>
      %squeeze3A_132 = vector.extract %slice3A_131[0] : f32 from vector<1xf32>
      %slice3A_133 = vector.extract_strided_slice %get3A_80 {offsets = [6], sizes = [1], strides = [1]} : vector<16xf32> to vector<1xf32>
      %squeeze3A_134 = vector.extract %slice3A_133[0] : f32 from vector<1xf32>
      %slice3A_135 = vector.extract_strided_slice %get3A_80 {offsets = [7], sizes = [1], strides = [1]} : vector<16xf32> to vector<1xf32>
      %squeeze3A_136 = vector.extract %slice3A_135[0] : f32 from vector<1xf32>
      %slice3A_137 = vector.extract_strided_slice %get3A_80 {offsets = [8], sizes = [1], strides = [1]} : vector<16xf32> to vector<1xf32>
      %squeeze3A_138 = vector.extract %slice3A_137[0] : f32 from vector<1xf32>
      %slice3A_139 = vector.extract_strided_slice %get3A_80 {offsets = [9], sizes = [1], strides = [1]} : vector<16xf32> to vector<1xf32>
      %squeeze3A_140 = vector.extract %slice3A_139[0] : f32 from vector<1xf32>
      %slice3A_141 = vector.extract_strided_slice %get3A_80 {offsets = [10], sizes = [1], strides = [1]} : vector<16xf32> to vector<1xf32>
      %squeeze3A_142 = vector.extract %slice3A_141[0] : f32 from vector<1xf32>
      %slice3A_143 = vector.extract_strided_slice %get3A_80 {offsets = [11], sizes = [1], strides = [1]} : vector<16xf32> to vector<1xf32>
      %squeeze3A_144 = vector.extract %slice3A_143[0] : f32 from vector<1xf32>
      %slice3A_145 = vector.extract_strided_slice %get3A_80 {offsets = [12], sizes = [1], strides = [1]} : vector<16xf32> to vector<1xf32>
      %squeeze3A_146 = vector.extract %slice3A_145[0] : f32 from vector<1xf32>
      %slice3A_147 = vector.extract_strided_slice %get3A_80 {offsets = [13], sizes = [1], strides = [1]} : vector<16xf32> to vector<1xf32>
      %squeeze3A_148 = vector.extract %slice3A_147[0] : f32 from vector<1xf32>
      %slice3A_149 = vector.extract_strided_slice %get3A_80 {offsets = [14], sizes = [1], strides = [1]} : vector<16xf32> to vector<1xf32>
      %squeeze3A_150 = vector.extract %slice3A_149[0] : f32 from vector<1xf32>
      %slice3A_151 = vector.extract_strided_slice %get3A_80 {offsets = [15], sizes = [1], strides = [1]} : vector<16xf32> to vector<1xf32>
      %squeeze3A_152 = vector.extract %slice3A_151[0] : f32 from vector<1xf32>
      %slice3A_153 = vector.extract_strided_slice %get3A_85 {offsets = [0], sizes = [1], strides = [1]} : vector<16xf32> to vector<1xf32>
      %squeeze3A_154 = vector.extract %slice3A_153[0] : f32 from vector<1xf32>
      %slice3A_155 = vector.extract_strided_slice %get3A_85 {offsets = [1], sizes = [1], strides = [1]} : vector<16xf32> to vector<1xf32>
      %squeeze3A_156 = vector.extract %slice3A_155[0] : f32 from vector<1xf32>
      %slice3A_157 = vector.extract_strided_slice %get3A_85 {offsets = [2], sizes = [1], strides = [1]} : vector<16xf32> to vector<1xf32>
      %squeeze3A_158 = vector.extract %slice3A_157[0] : f32 from vector<1xf32>
      %slice3A_159 = vector.extract_strided_slice %get3A_85 {offsets = [3], sizes = [1], strides = [1]} : vector<16xf32> to vector<1xf32>
      %squeeze3A_160 = vector.extract %slice3A_159[0] : f32 from vector<1xf32>
      %slice3A_161 = vector.extract_strided_slice %get3A_85 {offsets = [4], sizes = [1], strides = [1]} : vector<16xf32> to vector<1xf32>
      %squeeze3A_162 = vector.extract %slice3A_161[0] : f32 from vector<1xf32>
      %slice3A_163 = vector.extract_strided_slice %get3A_85 {offsets = [5], sizes = [1], strides = [1]} : vector<16xf32> to vector<1xf32>
      %squeeze3A_164 = vector.extract %slice3A_163[0] : f32 from vector<1xf32>
      %slice3A_165 = vector.extract_strided_slice %get3A_85 {offsets = [6], sizes = [1], strides = [1]} : vector<16xf32> to vector<1xf32>
      %squeeze3A_166 = vector.extract %slice3A_165[0] : f32 from vector<1xf32>
      %slice3A_167 = vector.extract_strided_slice %get3A_85 {offsets = [7], sizes = [1], strides = [1]} : vector<16xf32> to vector<1xf32>
      %squeeze3A_168 = vector.extract %slice3A_167[0] : f32 from vector<1xf32>
      %slice3A_169 = vector.extract_strided_slice %get3A_85 {offsets = [8], sizes = [1], strides = [1]} : vector<16xf32> to vector<1xf32>
      %squeeze3A_170 = vector.extract %slice3A_169[0] : f32 from vector<1xf32>
      %slice3A_171 = vector.extract_strided_slice %get3A_85 {offsets = [9], sizes = [1], strides = [1]} : vector<16xf32> to vector<1xf32>
      %squeeze3A_172 = vector.extract %slice3A_171[0] : f32 from vector<1xf32>
      %slice3A_173 = vector.extract_strided_slice %get3A_85 {offsets = [10], sizes = [1], strides = [1]} : vector<16xf32> to vector<1xf32>
      %squeeze3A_174 = vector.extract %slice3A_173[0] : f32 from vector<1xf32>
      %slice3A_175 = vector.extract_strided_slice %get3A_85 {offsets = [11], sizes = [1], strides = [1]} : vector<16xf32> to vector<1xf32>
      %squeeze3A_176 = vector.extract %slice3A_175[0] : f32 from vector<1xf32>
      %slice3A_177 = vector.extract_strided_slice %get3A_85 {offsets = [12], sizes = [1], strides = [1]} : vector<16xf32> to vector<1xf32>
      %squeeze3A_178 = vector.extract %slice3A_177[0] : f32 from vector<1xf32>
      %slice3A_179 = vector.extract_strided_slice %get3A_85 {offsets = [13], sizes = [1], strides = [1]} : vector<16xf32> to vector<1xf32>
      %squeeze3A_180 = vector.extract %slice3A_179[0] : f32 from vector<1xf32>
      %slice3A_181 = vector.extract_strided_slice %get3A_85 {offsets = [14], sizes = [1], strides = [1]} : vector<16xf32> to vector<1xf32>
      %squeeze3A_182 = vector.extract %slice3A_181[0] : f32 from vector<1xf32>
      %slice3A_183 = vector.extract_strided_slice %get3A_85 {offsets = [15], sizes = [1], strides = [1]} : vector<16xf32> to vector<1xf32>
      %squeeze3A_184 = vector.extract %slice3A_183[0] : f32 from vector<1xf32>
      %slice3A_185 = vector.extract_strided_slice %get3A_90 {offsets = [0], sizes = [1], strides = [1]} : vector<16xf32> to vector<1xf32>
      %squeeze3A_186 = vector.extract %slice3A_185[0] : f32 from vector<1xf32>
      %slice3A_187 = vector.extract_strided_slice %get3A_90 {offsets = [1], sizes = [1], strides = [1]} : vector<16xf32> to vector<1xf32>
      %squeeze3A_188 = vector.extract %slice3A_187[0] : f32 from vector<1xf32>
      %slice3A_189 = vector.extract_strided_slice %get3A_90 {offsets = [2], sizes = [1], strides = [1]} : vector<16xf32> to vector<1xf32>
      %squeeze3A_190 = vector.extract %slice3A_189[0] : f32 from vector<1xf32>
      %slice3A_191 = vector.extract_strided_slice %get3A_90 {offsets = [3], sizes = [1], strides = [1]} : vector<16xf32> to vector<1xf32>
      %squeeze3A_192 = vector.extract %slice3A_191[0] : f32 from vector<1xf32>
      %slice3A_193 = vector.extract_strided_slice %get3A_90 {offsets = [4], sizes = [1], strides = [1]} : vector<16xf32> to vector<1xf32>
      %squeeze3A_194 = vector.extract %slice3A_193[0] : f32 from vector<1xf32>
      %slice3A_195 = vector.extract_strided_slice %get3A_90 {offsets = [5], sizes = [1], strides = [1]} : vector<16xf32> to vector<1xf32>
      %squeeze3A_196 = vector.extract %slice3A_195[0] : f32 from vector<1xf32>
      %slice3A_197 = vector.extract_strided_slice %get3A_90 {offsets = [6], sizes = [1], strides = [1]} : vector<16xf32> to vector<1xf32>
      %squeeze3A_198 = vector.extract %slice3A_197[0] : f32 from vector<1xf32>
      %slice3A_199 = vector.extract_strided_slice %get3A_90 {offsets = [7], sizes = [1], strides = [1]} : vector<16xf32> to vector<1xf32>
      %squeeze3A_200 = vector.extract %slice3A_199[0] : f32 from vector<1xf32>
      %slice3A_201 = vector.extract_strided_slice %get3A_90 {offsets = [8], sizes = [1], strides = [1]} : vector<16xf32> to vector<1xf32>
      %squeeze3A_202 = vector.extract %slice3A_201[0] : f32 from vector<1xf32>
      %slice3A_203 = vector.extract_strided_slice %get3A_90 {offsets = [9], sizes = [1], strides = [1]} : vector<16xf32> to vector<1xf32>
      %squeeze3A_204 = vector.extract %slice3A_203[0] : f32 from vector<1xf32>
      %slice3A_205 = vector.extract_strided_slice %get3A_90 {offsets = [10], sizes = [1], strides = [1]} : vector<16xf32> to vector<1xf32>
      %squeeze3A_206 = vector.extract %slice3A_205[0] : f32 from vector<1xf32>
      %slice3A_207 = vector.extract_strided_slice %get3A_90 {offsets = [11], sizes = [1], strides = [1]} : vector<16xf32> to vector<1xf32>
      %squeeze3A_208 = vector.extract %slice3A_207[0] : f32 from vector<1xf32>
      %slice3A_209 = vector.extract_strided_slice %get3A_90 {offsets = [12], sizes = [1], strides = [1]} : vector<16xf32> to vector<1xf32>
      %squeeze3A_210 = vector.extract %slice3A_209[0] : f32 from vector<1xf32>
      %slice3A_211 = vector.extract_strided_slice %get3A_90 {offsets = [13], sizes = [1], strides = [1]} : vector<16xf32> to vector<1xf32>
      %squeeze3A_212 = vector.extract %slice3A_211[0] : f32 from vector<1xf32>
      %slice3A_213 = vector.extract_strided_slice %get3A_90 {offsets = [14], sizes = [1], strides = [1]} : vector<16xf32> to vector<1xf32>
      %squeeze3A_214 = vector.extract %slice3A_213[0] : f32 from vector<1xf32>
      %slice3A_215 = vector.extract_strided_slice %get3A_90 {offsets = [15], sizes = [1], strides = [1]} : vector<16xf32> to vector<1xf32>
      %squeeze3A_216 = vector.extract %slice3A_215[0] : f32 from vector<1xf32>
      %scan3A_217 = arith.constant 0 : i32
      %scan3A_218 = arith.constant 256 : i32
      %scan3A_219 = arith.addi %scan3A_217, %scan3A_218 : i32
      %scan3A_220 = arith.constant 1 : i32
      %scan3A_221:16 = scf.for %scan3A_764 = %scan3A_217 to %scan3A_219 step %scan3A_220 iter_args(%scan3A_765 = %broadcast_in_dim3A_1, %scan3A_766 = %broadcast_in_dim3A_1, %scan3A_767 = %broadcast_in_dim3A_1, %scan3A_768 = %broadcast_in_dim3A_1, %scan3A_769 = %broadcast_in_dim3A_1, %scan3A_770 = %broadcast_in_dim3A_1, %scan3A_771 = %broadcast_in_dim3A_1, %scan3A_772 = %broadcast_in_dim3A_1, %scan3A_773 = %broadcast_in_dim3A_1, %scan3A_774 = %broadcast_in_dim3A_1, %scan3A_775 = %broadcast_in_dim3A_1, %scan3A_776 = %broadcast_in_dim3A_1, %scan3A_777 = %broadcast_in_dim3A_1, %scan3A_778 = %broadcast_in_dim3A_1, %scan3A_779 = %broadcast_in_dim3A_1, %scan3A_780 = %broadcast_in_dim3A_1) -> (vector<16xf32>, vector<16xf32>, vector<16xf32>, vector<16xf32>, vector<16xf32>, vector<16xf32>, vector<16xf32>, vector<16xf32>, vector<16xf32>, vector<16xf32>, vector<16xf32>, vector<16xf32>, vector<16xf32>, vector<16xf32>, vector<16xf32>, vector<16xf32>)  : i32 {
        %mul3A_781 = arith.constant 16 : i32
        %mul3A_782 = arith.muli %scan3A_764, %mul3A_781 : i32
        %get3A_783 = arith.index_cast %mul3A_782 : i32 to index
        %get3A_784 = tpu.vector_load %arg12[%get3A_783] {strides = array<i32>} : memref<4096xf32, #tpu.memory_space<vmem>>, vector<16xf32>,
        %get3A_785 = vector.shape_cast %get3A_784 : vector<16xf32> to vector<16xf32>
        %mul3A_786 = arith.constant 16 : i32
        %mul3A_787 = arith.muli %scan3A_764, %mul3A_786 : i32
        %get3A_788 = arith.index_cast %mul3A_787 : i32 to index
        %get3A_789 = tpu.vector_load %arg13[%get3A_788] {strides = array<i32>} : memref<4096xf32, #tpu.memory_space<vmem>>, vector<16xf32>,
        %get3A_790 = vector.shape_cast %get3A_789 : vector<16xf32> to vector<16xf32>
        %mul3A_791 = arith.constant 16 : i32
        %mul3A_792 = arith.muli %scan3A_764, %mul3A_791 : i32
        %get3A_793 = arith.index_cast %mul3A_792 : i32 to index
        %get3A_794 = tpu.vector_load %arg14[%get3A_793] {strides = array<i32>} : memref<4096xf32, #tpu.memory_space<vmem>>, vector<16xf32>,
        %get3A_795 = vector.shape_cast %get3A_794 : vector<16xf32> to vector<16xf32>
        %mul3A_796 = arith.constant 16 : i32
        %mul3A_797 = arith.muli %scan3A_764, %mul3A_796 : i32
        %get3A_798 = arith.index_cast %mul3A_797 : i32 to index
        %get3A_799 = tpu.vector_load %arg15[%get3A_798] {strides = array<i32>} : memref<4096xf32, #tpu.memory_space<vmem>>, vector<16xf32>,
        %get3A_800 = vector.shape_cast %get3A_799 : vector<16xf32> to vector<16xf32>
        %mul3A_801 = vector.broadcast %squeeze3A : f32 to vector<16xf32>
        %mul3A_802 = arith.mulf %mul3A_801, %get3A_785 : vector<16xf32>
        %add3A_803 = arith.addf %get3A_800, %mul3A_802 : vector<16xf32>
        %mul3A_804 = vector.broadcast %squeeze3A_122 : f32 to vector<16xf32>
        %mul3A_805 = arith.mulf %mul3A_804, %get3A_790 : vector<16xf32>
        %add3A_806 = arith.addf %add3A_803, %mul3A_805 : vector<16xf32>
        %mul3A_807 = vector.broadcast %squeeze3A_154 : f32 to vector<16xf32>
        %mul3A_808 = arith.mulf %mul3A_807, %get3A_795 : vector<16xf32>
        %add3A_809 = arith.addf %add3A_806, %mul3A_808 : vector<16xf32>
        %add3A_810 = vector.broadcast %squeeze3A_186 : f32 to vector<16xf32>
        %add3A_811 = arith.addf %add3A_810, %add3A_809 : vector<16xf32>
        %mul3A_812 = vector.broadcast %squeeze3A_92 : f32 to vector<16xf32>
        %mul3A_813 = arith.mulf %mul3A_812, %get3A_785 : vector<16xf32>
        %add3A_814 = arith.addf %get3A_800, %mul3A_813 : vector<16xf32>
        %mul3A_815 = vector.broadcast %squeeze3A_124 : f32 to vector<16xf32>
        %mul3A_816 = arith.mulf %mul3A_815, %get3A_790 : vector<16xf32>
        %add3A_817 = arith.addf %add3A_814, %mul3A_816 : vector<16xf32>
        %mul3A_818 = vector.broadcast %squeeze3A_156 : f32 to vector<16xf32>
        %mul3A_819 = arith.mulf %mul3A_818, %get3A_795 : vector<16xf32>
        %add3A_820 = arith.addf %add3A_817, %mul3A_819 : vector<16xf32>
        %add3A_821 = vector.broadcast %squeeze3A_188 : f32 to vector<16xf32>
        %add3A_822 = arith.addf %add3A_821, %add3A_820 : vector<16xf32>
        %mul3A_823 = vector.broadcast %squeeze3A_94 : f32 to vector<16xf32>
        %mul3A_824 = arith.mulf %mul3A_823, %get3A_785 : vector<16xf32>
        %add3A_825 = arith.addf %get3A_800, %mul3A_824 : vector<16xf32>
        %mul3A_826 = vector.broadcast %squeeze3A_126 : f32 to vector<16xf32>
        %mul3A_827 = arith.mulf %mul3A_826, %get3A_790 : vector<16xf32>
        %add3A_828 = arith.addf %add3A_825, %mul3A_827 : vector<16xf32>
        %mul3A_829 = vector.broadcast %squeeze3A_158 : f32 to vector<16xf32>
        %mul3A_830 = arith.mulf %mul3A_829, %get3A_795 : vector<16xf32>
        %add3A_831 = arith.addf %add3A_828, %mul3A_830 : vector<16xf32>
        %add3A_832 = vector.broadcast %squeeze3A_190 : f32 to vector<16xf32>
        %add3A_833 = arith.addf %add3A_832, %add3A_831 : vector<16xf32>
        %mul3A_834 = vector.broadcast %squeeze3A_96 : f32 to vector<16xf32>
        %mul3A_835 = arith.mulf %mul3A_834, %get3A_785 : vector<16xf32>
        %add3A_836 = arith.addf %get3A_800, %mul3A_835 : vector<16xf32>
        %mul3A_837 = vector.broadcast %squeeze3A_128 : f32 to vector<16xf32>
        %mul3A_838 = arith.mulf %mul3A_837, %get3A_790 : vector<16xf32>
        %add3A_839 = arith.addf %add3A_836, %mul3A_838 : vector<16xf32>
        %mul3A_840 = vector.broadcast %squeeze3A_160 : f32 to vector<16xf32>
        %mul3A_841 = arith.mulf %mul3A_840, %get3A_795 : vector<16xf32>
        %add3A_842 = arith.addf %add3A_839, %mul3A_841 : vector<16xf32>
        %add3A_843 = vector.broadcast %squeeze3A_192 : f32 to vector<16xf32>
        %add3A_844 = arith.addf %add3A_843, %add3A_842 : vector<16xf32>
        %mul3A_845 = vector.broadcast %squeeze3A_98 : f32 to vector<16xf32>
        %mul3A_846 = arith.mulf %mul3A_845, %get3A_785 : vector<16xf32>
        %add3A_847 = arith.addf %get3A_800, %mul3A_846 : vector<16xf32>
        %mul3A_848 = vector.broadcast %squeeze3A_130 : f32 to vector<16xf32>
        %mul3A_849 = arith.mulf %mul3A_848, %get3A_790 : vector<16xf32>
        %add3A_850 = arith.addf %add3A_847, %mul3A_849 : vector<16xf32>
        %mul3A_851 = vector.broadcast %squeeze3A_162 : f32 to vector<16xf32>
        %mul3A_852 = arith.mulf %mul3A_851, %get3A_795 : vector<16xf32>
        %add3A_853 = arith.addf %add3A_850, %mul3A_852 : vector<16xf32>
        %add3A_854 = vector.broadcast %squeeze3A_194 : f32 to vector<16xf32>
        %add3A_855 = arith.addf %add3A_854, %add3A_853 : vector<16xf32>
        %mul3A_856 = vector.broadcast %squeeze3A_100 : f32 to vector<16xf32>
        %mul3A_857 = arith.mulf %mul3A_856, %get3A_785 : vector<16xf32>
        %add3A_858 = arith.addf %get3A_800, %mul3A_857 : vector<16xf32>
        %mul3A_859 = vector.broadcast %squeeze3A_132 : f32 to vector<16xf32>
        %mul3A_860 = arith.mulf %mul3A_859, %get3A_790 : vector<16xf32>
        %add3A_861 = arith.addf %add3A_858, %mul3A_860 : vector<16xf32>
        %mul3A_862 = vector.broadcast %squeeze3A_164 : f32 to vector<16xf32>
        %mul3A_863 = arith.mulf %mul3A_862, %get3A_795 : vector<16xf32>
        %add3A_864 = arith.addf %add3A_861, %mul3A_863 : vector<16xf32>
        %add3A_865 = vector.broadcast %squeeze3A_196 : f32 to vector<16xf32>
        %add3A_866 = arith.addf %add3A_865, %add3A_864 : vector<16xf32>
        %mul3A_867 = vector.broadcast %squeeze3A_102 : f32 to vector<16xf32>
        %mul3A_868 = arith.mulf %mul3A_867, %get3A_785 : vector<16xf32>
        %add3A_869 = arith.addf %get3A_800, %mul3A_868 : vector<16xf32>
        %mul3A_870 = vector.broadcast %squeeze3A_134 : f32 to vector<16xf32>
        %mul3A_871 = arith.mulf %mul3A_870, %get3A_790 : vector<16xf32>
        %add3A_872 = arith.addf %add3A_869, %mul3A_871 : vector<16xf32>
        %mul3A_873 = vector.broadcast %squeeze3A_166 : f32 to vector<16xf32>
        %mul3A_874 = arith.mulf %mul3A_873, %get3A_795 : vector<16xf32>
        %add3A_875 = arith.addf %add3A_872, %mul3A_874 : vector<16xf32>
        %add3A_876 = vector.broadcast %squeeze3A_198 : f32 to vector<16xf32>
        %add3A_877 = arith.addf %add3A_876, %add3A_875 : vector<16xf32>
        %mul3A_878 = vector.broadcast %squeeze3A_104 : f32 to vector<16xf32>
        %mul3A_879 = arith.mulf %mul3A_878, %get3A_785 : vector<16xf32>
        %add3A_880 = arith.addf %get3A_800, %mul3A_879 : vector<16xf32>
        %mul3A_881 = vector.broadcast %squeeze3A_136 : f32 to vector<16xf32>
        %mul3A_882 = arith.mulf %mul3A_881, %get3A_790 : vector<16xf32>
        %add3A_883 = arith.addf %add3A_880, %mul3A_882 : vector<16xf32>
        %mul3A_884 = vector.broadcast %squeeze3A_168 : f32 to vector<16xf32>
        %mul3A_885 = arith.mulf %mul3A_884, %get3A_795 : vector<16xf32>
        %add3A_886 = arith.addf %add3A_883, %mul3A_885 : vector<16xf32>
        %add3A_887 = vector.broadcast %squeeze3A_200 : f32 to vector<16xf32>
        %add3A_888 = arith.addf %add3A_887, %add3A_886 : vector<16xf32>
        %mul3A_889 = vector.broadcast %squeeze3A_106 : f32 to vector<16xf32>
        %mul3A_890 = arith.mulf %mul3A_889, %get3A_785 : vector<16xf32>
        %add3A_891 = arith.addf %get3A_800, %mul3A_890 : vector<16xf32>
        %mul3A_892 = vector.broadcast %squeeze3A_138 : f32 to vector<16xf32>
        %mul3A_893 = arith.mulf %mul3A_892, %get3A_790 : vector<16xf32>
        %add3A_894 = arith.addf %add3A_891, %mul3A_893 : vector<16xf32>
        %mul3A_895 = vector.broadcast %squeeze3A_170 : f32 to vector<16xf32>
        %mul3A_896 = arith.mulf %mul3A_895, %get3A_795 : vector<16xf32>
        %add3A_897 = arith.addf %add3A_894, %mul3A_896 : vector<16xf32>
        %add3A_898 = vector.broadcast %squeeze3A_202 : f32 to vector<16xf32>
        %add3A_899 = arith.addf %add3A_898, %add3A_897 : vector<16xf32>
        %mul3A_900 = vector.broadcast %squeeze3A_108 : f32 to vector<16xf32>
        %mul3A_901 = arith.mulf %mul3A_900, %get3A_785 : vector<16xf32>
        %add3A_902 = arith.addf %get3A_800, %mul3A_901 : vector<16xf32>
        %mul3A_903 = vector.broadcast %squeeze3A_140 : f32 to vector<16xf32>
        %mul3A_904 = arith.mulf %mul3A_903, %get3A_790 : vector<16xf32>
        %add3A_905 = arith.addf %add3A_902, %mul3A_904 : vector<16xf32>
        %mul3A_906 = vector.broadcast %squeeze3A_172 : f32 to vector<16xf32>
        %mul3A_907 = arith.mulf %mul3A_906, %get3A_795 : vector<16xf32>
        %add3A_908 = arith.addf %add3A_905, %mul3A_907 : vector<16xf32>
        %add3A_909 = vector.broadcast %squeeze3A_204 : f32 to vector<16xf32>
        %add3A_910 = arith.addf %add3A_909, %add3A_908 : vector<16xf32>
        %mul3A_911 = vector.broadcast %squeeze3A_110 : f32 to vector<16xf32>
        %mul3A_912 = arith.mulf %mul3A_911, %get3A_785 : vector<16xf32>
        %add3A_913 = arith.addf %get3A_800, %mul3A_912 : vector<16xf32>
        %mul3A_914 = vector.broadcast %squeeze3A_142 : f32 to vector<16xf32>
        %mul3A_915 = arith.mulf %mul3A_914, %get3A_790 : vector<16xf32>
        %add3A_916 = arith.addf %add3A_913, %mul3A_915 : vector<16xf32>
        %mul3A_917 = vector.broadcast %squeeze3A_174 : f32 to vector<16xf32>
        %mul3A_918 = arith.mulf %mul3A_917, %get3A_795 : vector<16xf32>
        %add3A_919 = arith.addf %add3A_916, %mul3A_918 : vector<16xf32>
        %add3A_920 = vector.broadcast %squeeze3A_206 : f32 to vector<16xf32>
        %add3A_921 = arith.addf %add3A_920, %add3A_919 : vector<16xf32>
        %mul3A_922 = vector.broadcast %squeeze3A_112 : f32 to vector<16xf32>
        %mul3A_923 = arith.mulf %mul3A_922, %get3A_785 : vector<16xf32>
        %add3A_924 = arith.addf %get3A_800, %mul3A_923 : vector<16xf32>
        %mul3A_925 = vector.broadcast %squeeze3A_144 : f32 to vector<16xf32>
        %mul3A_926 = arith.mulf %mul3A_925, %get3A_790 : vector<16xf32>
        %add3A_927 = arith.addf %add3A_924, %mul3A_926 : vector<16xf32>
        %mul3A_928 = vector.broadcast %squeeze3A_176 : f32 to vector<16xf32>
        %mul3A_929 = arith.mulf %mul3A_928, %get3A_795 : vector<16xf32>
        %add3A_930 = arith.addf %add3A_927, %mul3A_929 : vector<16xf32>
        %add3A_931 = vector.broadcast %squeeze3A_208 : f32 to vector<16xf32>
        %add3A_932 = arith.addf %add3A_931, %add3A_930 : vector<16xf32>
        %mul3A_933 = vector.broadcast %squeeze3A_114 : f32 to vector<16xf32>
        %mul3A_934 = arith.mulf %mul3A_933, %get3A_785 : vector<16xf32>
        %add3A_935 = arith.addf %get3A_800, %mul3A_934 : vector<16xf32>
        %mul3A_936 = vector.broadcast %squeeze3A_146 : f32 to vector<16xf32>
        %mul3A_937 = arith.mulf %mul3A_936, %get3A_790 : vector<16xf32>
        %add3A_938 = arith.addf %add3A_935, %mul3A_937 : vector<16xf32>
        %mul3A_939 = vector.broadcast %squeeze3A_178 : f32 to vector<16xf32>
        %mul3A_940 = arith.mulf %mul3A_939, %get3A_795 : vector<16xf32>
        %add3A_941 = arith.addf %add3A_938, %mul3A_940 : vector<16xf32>
        %add3A_942 = vector.broadcast %squeeze3A_210 : f32 to vector<16xf32>
        %add3A_943 = arith.addf %add3A_942, %add3A_941 : vector<16xf32>
        %mul3A_944 = vector.broadcast %squeeze3A_116 : f32 to vector<16xf32>
        %mul3A_945 = arith.mulf %mul3A_944, %get3A_785 : vector<16xf32>
        %add3A_946 = arith.addf %get3A_800, %mul3A_945 : vector<16xf32>
        %mul3A_947 = vector.broadcast %squeeze3A_148 : f32 to vector<16xf32>
        %mul3A_948 = arith.mulf %mul3A_947, %get3A_790 : vector<16xf32>
        %add3A_949 = arith.addf %add3A_946, %mul3A_948 : vector<16xf32>
        %mul3A_950 = vector.broadcast %squeeze3A_180 : f32 to vector<16xf32>
        %mul3A_951 = arith.mulf %mul3A_950, %get3A_795 : vector<16xf32>
        %add3A_952 = arith.addf %add3A_949, %mul3A_951 : vector<16xf32>
        %add3A_953 = vector.broadcast %squeeze3A_212 : f32 to vector<16xf32>
        %add3A_954 = arith.addf %add3A_953, %add3A_952 : vector<16xf32>
        %mul3A_955 = vector.broadcast %squeeze3A_118 : f32 to vector<16xf32>
        %mul3A_956 = arith.mulf %mul3A_955, %get3A_785 : vector<16xf32>
        %add3A_957 = arith.addf %get3A_800, %mul3A_956 : vector<16xf32>
        %mul3A_958 = vector.broadcast %squeeze3A_150 : f32 to vector<16xf32>
        %mul3A_959 = arith.mulf %mul3A_958, %get3A_790 : vector<16xf32>
        %add3A_960 = arith.addf %add3A_957, %mul3A_959 : vector<16xf32>
        %mul3A_961 = vector.broadcast %squeeze3A_182 : f32 to vector<16xf32>
        %mul3A_962 = arith.mulf %mul3A_961, %get3A_795 : vector<16xf32>
        %add3A_963 = arith.addf %add3A_960, %mul3A_962 : vector<16xf32>
        %add3A_964 = vector.broadcast %squeeze3A_214 : f32 to vector<16xf32>
        %add3A_965 = arith.addf %add3A_964, %add3A_963 : vector<16xf32>
        %mul3A_966 = vector.broadcast %squeeze3A_120 : f32 to vector<16xf32>
        %mul3A_967 = arith.mulf %mul3A_966, %get3A_785 : vector<16xf32>
        %add3A_968 = arith.addf %get3A_800, %mul3A_967 : vector<16xf32>
        %mul3A_969 = vector.broadcast %squeeze3A_152 : f32 to vector<16xf32>
        %mul3A_970 = arith.mulf %mul3A_969, %get3A_790 : vector<16xf32>
        %add3A_971 = arith.addf %add3A_968, %mul3A_970 : vector<16xf32>
        %mul3A_972 = vector.broadcast %squeeze3A_184 : f32 to vector<16xf32>
        %mul3A_973 = arith.mulf %mul3A_972, %get3A_795 : vector<16xf32>
        %add3A_974 = arith.addf %add3A_971, %mul3A_973 : vector<16xf32>
        %add3A_975 = vector.broadcast %squeeze3A_216 : f32 to vector<16xf32>
        %add3A_976 = arith.addf %add3A_975, %add3A_974 : vector<16xf32>
        %min3A_977 = arith.minimumf %add3A_811, %add3A_822 : vector<16xf32>
        %min3A_978 = arith.minimumf %min3A_977, %add3A_833 : vector<16xf32>
        %min3A_979 = arith.minimumf %min3A_978, %add3A_844 : vector<16xf32>
        %min3A_980 = arith.minimumf %min3A_979, %add3A_855 : vector<16xf32>
        %min3A_981 = arith.minimumf %min3A_980, %add3A_866 : vector<16xf32>
        %min3A_982 = arith.minimumf %min3A_981, %add3A_877 : vector<16xf32>
        %min3A_983 = arith.minimumf %min3A_982, %add3A_888 : vector<16xf32>
        %min3A_984 = arith.minimumf %min3A_983, %add3A_899 : vector<16xf32>
        %min3A_985 = arith.minimumf %min3A_984, %add3A_910 : vector<16xf32>
        %min3A_986 = arith.minimumf %min3A_985, %add3A_921 : vector<16xf32>
        %min3A_987 = arith.minimumf %min3A_986, %add3A_932 : vector<16xf32>
        %min3A_988 = arith.minimumf %min3A_987, %add3A_943 : vector<16xf32>
        %min3A_989 = arith.minimumf %min3A_988, %add3A_954 : vector<16xf32>
        %min3A_990 = arith.minimumf %min3A_989, %add3A_965 : vector<16xf32>
        %min3A_991 = arith.minimumf %min3A_990, %add3A_976 : vector<16xf32>
        %mul3A_992 = arith.constant 16 : i32
        %mul3A_993 = arith.muli %scan3A_764, %mul3A_992 : i32
        %get3A_994 = arith.index_cast %mul3A_993 : i32 to index
        %get3A_995 = tpu.vector_load %arg20[%get3A_994] {strides = array<i32>} : memref<4096xf32, #tpu.memory_space<vmem>>, vector<16xf32>,
        %get3A_996 = vector.shape_cast %get3A_995 : vector<16xf32> to vector<16xf32>
        %min3A_997 = arith.minimumf %get3A_996, %min3A_991 : vector<16xf32>
        %mul3A_998 = arith.constant 16 : i32
        %mul3A_999 = arith.muli %scan3A_764, %mul3A_998 : i32
        %swap3A_1000 = arith.index_cast %mul3A_999 : i32 to index
        %swap3A_1001 = tpu.vector_load %arg20[%swap3A_1000] {strides = array<i32>} : memref<4096xf32, #tpu.memory_space<vmem>>, vector<16xf32>,
        %swap3A_1002 = vector.shape_cast %swap3A_1001 : vector<16xf32> to vector<16xf32>
        %swap3A_1003 = vector.shape_cast %min3A_997 : vector<16xf32> to vector<16xf32>
        tpu.vector_store %arg20[%swap3A_1000], %swap3A_1003 {strides = array<i32>} : memref<4096xf32, #tpu.memory_space<vmem>>, vector<16xf32>,
        %min3A_1004 = arith.minimumf %scan3A_765, %add3A_811 : vector<16xf32>
        %min3A_1005 = arith.minimumf %scan3A_766, %add3A_822 : vector<16xf32>
        %min3A_1006 = arith.minimumf %scan3A_767, %add3A_833 : vector<16xf32>
        %min3A_1007 = arith.minimumf %scan3A_768, %add3A_844 : vector<16xf32>
        %min3A_1008 = arith.minimumf %scan3A_769, %add3A_855 : vector<16xf32>
        %min3A_1009 = arith.minimumf %scan3A_770, %add3A_866 : vector<16xf32>
        %min3A_1010 = arith.minimumf %scan3A_771, %add3A_877 : vector<16xf32>
        %min3A_1011 = arith.minimumf %scan3A_772, %add3A_888 : vector<16xf32>
        %min3A_1012 = arith.minimumf %scan3A_773, %add3A_899 : vector<16xf32>
        %min3A_1013 = arith.minimumf %scan3A_774, %add3A_910 : vector<16xf32>
        %min3A_1014 = arith.minimumf %scan3A_775, %add3A_921 : vector<16xf32>
        %min3A_1015 = arith.minimumf %scan3A_776, %add3A_932 : vector<16xf32>
        %min3A_1016 = arith.minimumf %scan3A_777, %add3A_943 : vector<16xf32>
        %min3A_1017 = arith.minimumf %scan3A_778, %add3A_954 : vector<16xf32>
        %min3A_1018 = arith.minimumf %scan3A_779, %add3A_965 : vector<16xf32>
        %min3A_1019 = arith.minimumf %scan3A_780, %add3A_976 : vector<16xf32>
        scf.yield %min3A_1004, %min3A_1005, %min3A_1006, %min3A_1007, %min3A_1008, %min3A_1009, %min3A_1010, %min3A_1011, %min3A_1012, %min3A_1013, %min3A_1014, %min3A_1015, %min3A_1016, %min3A_1017, %min3A_1018, %min3A_1019 : vector<16xf32>, vector<16xf32>, vector<16xf32>, vector<16xf32>, vector<16xf32>, vector<16xf32>, vector<16xf32>, vector<16xf32>, vector<16xf32>, vector<16xf32>, vector<16xf32>, vector<16xf32>, vector<16xf32>, vector<16xf32>, vector<16xf32>, vector<16xf32>
      }
      %scan3A_222 = arith.constant 256 : i32
      %broadcast_in_dim3A_223 = arith.constant 0.000000e+00 : f32
      %broadcast_in_dim3A_224 = vector.broadcast %broadcast_in_dim3A_223 : f32 to vector<16xf32>
      %iota3A = tpu.iota {dimensions = array<i32: 0>} : vector<16xi32>
      %xor3A = arith.constant 1 : i32
      %xor3A_225 = vector.broadcast %xor3A : i32 to vector<16xi32>
      %xor3A_226 = arith.xori %iota3A, %xor3A_225 : vector<16xi32>
      %broadcast_in_dim3A_227 = vector.shape_cast %xor3A_226 : vector<16xi32> to vector<16x1xi32>
      %gather3A = vector.shape_cast %broadcast_in_dim3A_227 : vector<16x1xi32> to vector<16xi32>
      %gather3A_228 = tpu.dynamic_gather %scan3A_221#0[%gather3A] in [0] : vector<16xf32>, vector<16xi32> -> vector<16xf32>
      %min3A = arith.minimumf %scan3A_221#0, %gather3A_228 : vector<16xf32>
      %iota3A_229 = tpu.iota {dimensions = array<i32: 0>} : vector<16xi32>
      %xor3A_230 = arith.constant 2 : i32
      %xor3A_231 = vector.broadcast %xor3A_230 : i32 to vector<16xi32>
      %xor3A_232 = arith.xori %iota3A_229, %xor3A_231 : vector<16xi32>
      %broadcast_in_dim3A_233 = vector.shape_cast %xor3A_232 : vector<16xi32> to vector<16x1xi32>
      %gather3A_234 = vector.shape_cast %broadcast_in_dim3A_233 : vector<16x1xi32> to vector<16xi32>
      %gather3A_235 = tpu.dynamic_gather %min3A[%gather3A_234] in [0] : vector<16xf32>, vector<16xi32> -> vector<16xf32>
      %min3A_236 = arith.minimumf %min3A, %gather3A_235 : vector<16xf32>
      %iota3A_237 = tpu.iota {dimensions = array<i32: 0>} : vector<16xi32>
      %xor3A_238 = arith.constant 4 : i32
      %xor3A_239 = vector.broadcast %xor3A_238 : i32 to vector<16xi32>
      %xor3A_240 = arith.xori %iota3A_237, %xor3A_239 : vector<16xi32>
      %broadcast_in_dim3A_241 = vector.shape_cast %xor3A_240 : vector<16xi32> to vector<16x1xi32>
      %gather3A_242 = vector.shape_cast %broadcast_in_dim3A_241 : vector<16x1xi32> to vector<16xi32>
      %gather3A_243 = tpu.dynamic_gather %min3A_236[%gather3A_242] in [0] : vector<16xf32>, vector<16xi32> -> vector<16xf32>
      %min3A_244 = arith.minimumf %min3A_236, %gather3A_243 : vector<16xf32>
      %iota3A_245 = tpu.iota {dimensions = array<i32: 0>} : vector<16xi32>
      %xor3A_246 = arith.constant 8 : i32
      %xor3A_247 = vector.broadcast %xor3A_246 : i32 to vector<16xi32>
      %xor3A_248 = arith.xori %iota3A_245, %xor3A_247 : vector<16xi32>
      %broadcast_in_dim3A_249 = vector.shape_cast %xor3A_248 : vector<16xi32> to vector<16x1xi32>
      %gather3A_250 = vector.shape_cast %broadcast_in_dim3A_249 : vector<16x1xi32> to vector<16xi32>
      %gather3A_251 = tpu.dynamic_gather %min3A_244[%gather3A_250] in [0] : vector<16xf32>, vector<16xi32> -> vector<16xf32>
      %min3A_252 = arith.minimumf %min3A_244, %gather3A_251 : vector<16xf32>
      %max3A = arith.maximumf %min3A_252, %broadcast_in_dim3A_224 : vector<16xf32>
      %add3A_253 = arith.addf %scan3A_71, %max3A : vector<16xf32>
      %iota3A_254 = tpu.iota {dimensions = array<i32: 0>} : vector<16xi32>
      %xor3A_255 = arith.constant 1 : i32
      %xor3A_256 = vector.broadcast %xor3A_255 : i32 to vector<16xi32>
      %xor3A_257 = arith.xori %iota3A_254, %xor3A_256 : vector<16xi32>
      %broadcast_in_dim3A_258 = vector.shape_cast %xor3A_257 : vector<16xi32> to vector<16x1xi32>
      %gather3A_259 = vector.shape_cast %broadcast_in_dim3A_258 : vector<16x1xi32> to vector<16xi32>
      %gather3A_260 = tpu.dynamic_gather %scan3A_221#1[%gather3A_259] in [0] : vector<16xf32>, vector<16xi32> -> vector<16xf32>
      %min3A_261 = arith.minimumf %scan3A_221#1, %gather3A_260 : vector<16xf32>
      %iota3A_262 = tpu.iota {dimensions = array<i32: 0>} : vector<16xi32>
      %xor3A_263 = arith.constant 2 : i32
      %xor3A_264 = vector.broadcast %xor3A_263 : i32 to vector<16xi32>
      %xor3A_265 = arith.xori %iota3A_262, %xor3A_264 : vector<16xi32>
      %broadcast_in_dim3A_266 = vector.shape_cast %xor3A_265 : vector<16xi32> to vector<16x1xi32>
      %gather3A_267 = vector.shape_cast %broadcast_in_dim3A_266 : vector<16x1xi32> to vector<16xi32>
      %gather3A_268 = tpu.dynamic_gather %min3A_261[%gather3A_267] in [0] : vector<16xf32>, vector<16xi32> -> vector<16xf32>
      %min3A_269 = arith.minimumf %min3A_261, %gather3A_268 : vector<16xf32>
      %iota3A_270 = tpu.iota {dimensions = array<i32: 0>} : vector<16xi32>
      %xor3A_271 = arith.constant 4 : i32
      %xor3A_272 = vector.broadcast %xor3A_271 : i32 to vector<16xi32>
      %xor3A_273 = arith.xori %iota3A_270, %xor3A_272 : vector<16xi32>
      %broadcast_in_dim3A_274 = vector.shape_cast %xor3A_273 : vector<16xi32> to vector<16x1xi32>
      %gather3A_275 = vector.shape_cast %broadcast_in_dim3A_274 : vector<16x1xi32> to vector<16xi32>
      %gather3A_276 = tpu.dynamic_gather %min3A_269[%gather3A_275] in [0] : vector<16xf32>, vector<16xi32> -> vector<16xf32>
      %min3A_277 = arith.minimumf %min3A_269, %gather3A_276 : vector<16xf32>
      %iota3A_278 = tpu.iota {dimensions = array<i32: 0>} : vector<16xi32>
      %xor3A_279 = arith.constant 8 : i32
      %xor3A_280 = vector.broadcast %xor3A_279 : i32 to vector<16xi32>
      %xor3A_281 = arith.xori %iota3A_278, %xor3A_280 : vector<16xi32>
      %broadcast_in_dim3A_282 = vector.shape_cast %xor3A_281 : vector<16xi32> to vector<16x1xi32>
      %gather3A_283 = vector.shape_cast %broadcast_in_dim3A_282 : vector<16x1xi32> to vector<16xi32>
      %gather3A_284 = tpu.dynamic_gather %min3A_277[%gather3A_283] in [0] : vector<16xf32>, vector<16xi32> -> vector<16xf32>
      %min3A_285 = arith.minimumf %min3A_277, %gather3A_284 : vector<16xf32>
      %max3A_286 = arith.maximumf %min3A_285, %broadcast_in_dim3A_224 : vector<16xf32>
      %add3A_287 = arith.addf %add3A_253, %max3A_286 : vector<16xf32>
      %iota3A_288 = tpu.iota {dimensions = array<i32: 0>} : vector<16xi32>
      %xor3A_289 = arith.constant 1 : i32
      %xor3A_290 = vector.broadcast %xor3A_289 : i32 to vector<16xi32>
      %xor3A_291 = arith.xori %iota3A_288, %xor3A_290 : vector<16xi32>
      %broadcast_in_dim3A_292 = vector.shape_cast %xor3A_291 : vector<16xi32> to vector<16x1xi32>
      %gather3A_293 = vector.shape_cast %broadcast_in_dim3A_292 : vector<16x1xi32> to vector<16xi32>
      %gather3A_294 = tpu.dynamic_gather %scan3A_221#2[%gather3A_293] in [0] : vector<16xf32>, vector<16xi32> -> vector<16xf32>
      %min3A_295 = arith.minimumf %scan3A_221#2, %gather3A_294 : vector<16xf32>
      %iota3A_296 = tpu.iota {dimensions = array<i32: 0>} : vector<16xi32>
      %xor3A_297 = arith.constant 2 : i32
      %xor3A_298 = vector.broadcast %xor3A_297 : i32 to vector<16xi32>
      %xor3A_299 = arith.xori %iota3A_296, %xor3A_298 : vector<16xi32>
      %broadcast_in_dim3A_300 = vector.shape_cast %xor3A_299 : vector<16xi32> to vector<16x1xi32>
      %gather3A_301 = vector.shape_cast %broadcast_in_dim3A_300 : vector<16x1xi32> to vector<16xi32>
      %gather3A_302 = tpu.dynamic_gather %min3A_295[%gather3A_301] in [0] : vector<16xf32>, vector<16xi32> -> vector<16xf32>
      %min3A_303 = arith.minimumf %min3A_295, %gather3A_302 : vector<16xf32>
      %iota3A_304 = tpu.iota {dimensions = array<i32: 0>} : vector<16xi32>
      %xor3A_305 = arith.constant 4 : i32
      %xor3A_306 = vector.broadcast %xor3A_305 : i32 to vector<16xi32>
      %xor3A_307 = arith.xori %iota3A_304, %xor3A_306 : vector<16xi32>
      %broadcast_in_dim3A_308 = vector.shape_cast %xor3A_307 : vector<16xi32> to vector<16x1xi32>
      %gather3A_309 = vector.shape_cast %broadcast_in_dim3A_308 : vector<16x1xi32> to vector<16xi32>
      %gather3A_310 = tpu.dynamic_gather %min3A_303[%gather3A_309] in [0] : vector<16xf32>, vector<16xi32> -> vector<16xf32>
      %min3A_311 = arith.minimumf %min3A_303, %gather3A_310 : vector<16xf32>
      %iota3A_312 = tpu.iota {dimensions = array<i32: 0>} : vector<16xi32>
      %xor3A_313 = arith.constant 8 : i32
      %xor3A_314 = vector.broadcast %xor3A_313 : i32 to vector<16xi32>
      %xor3A_315 = arith.xori %iota3A_312, %xor3A_314 : vector<16xi32>
      %broadcast_in_dim3A_316 = vector.shape_cast %xor3A_315 : vector<16xi32> to vector<16x1xi32>
      %gather3A_317 = vector.shape_cast %broadcast_in_dim3A_316 : vector<16x1xi32> to vector<16xi32>
      %gather3A_318 = tpu.dynamic_gather %min3A_311[%gather3A_317] in [0] : vector<16xf32>, vector<16xi32> -> vector<16xf32>
      %min3A_319 = arith.minimumf %min3A_311, %gather3A_318 : vector<16xf32>
      %max3A_320 = arith.maximumf %min3A_319, %broadcast_in_dim3A_224 : vector<16xf32>
      %add3A_321 = arith.addf %add3A_287, %max3A_320 : vector<16xf32>
      %iota3A_322 = tpu.iota {dimensions = array<i32: 0>} : vector<16xi32>
      %xor3A_323 = arith.constant 1 : i32
      %xor3A_324 = vector.broadcast %xor3A_323 : i32 to vector<16xi32>
      %xor3A_325 = arith.xori %iota3A_322, %xor3A_324 : vector<16xi32>
      %broadcast_in_dim3A_326 = vector.shape_cast %xor3A_325 : vector<16xi32> to vector<16x1xi32>
      %gather3A_327 = vector.shape_cast %broadcast_in_dim3A_326 : vector<16x1xi32> to vector<16xi32>
      %gather3A_328 = tpu.dynamic_gather %scan3A_221#3[%gather3A_327] in [0] : vector<16xf32>, vector<16xi32> -> vector<16xf32>
      %min3A_329 = arith.minimumf %scan3A_221#3, %gather3A_328 : vector<16xf32>
      %iota3A_330 = tpu.iota {dimensions = array<i32: 0>} : vector<16xi32>
      %xor3A_331 = arith.constant 2 : i32
      %xor3A_332 = vector.broadcast %xor3A_331 : i32 to vector<16xi32>
      %xor3A_333 = arith.xori %iota3A_330, %xor3A_332 : vector<16xi32>
      %broadcast_in_dim3A_334 = vector.shape_cast %xor3A_333 : vector<16xi32> to vector<16x1xi32>
      %gather3A_335 = vector.shape_cast %broadcast_in_dim3A_334 : vector<16x1xi32> to vector<16xi32>
      %gather3A_336 = tpu.dynamic_gather %min3A_329[%gather3A_335] in [0] : vector<16xf32>, vector<16xi32> -> vector<16xf32>
      %min3A_337 = arith.minimumf %min3A_329, %gather3A_336 : vector<16xf32>
      %iota3A_338 = tpu.iota {dimensions = array<i32: 0>} : vector<16xi32>
      %xor3A_339 = arith.constant 4 : i32
      %xor3A_340 = vector.broadcast %xor3A_339 : i32 to vector<16xi32>
      %xor3A_341 = arith.xori %iota3A_338, %xor3A_340 : vector<16xi32>
      %broadcast_in_dim3A_342 = vector.shape_cast %xor3A_341 : vector<16xi32> to vector<16x1xi32>
      %gather3A_343 = vector.shape_cast %broadcast_in_dim3A_342 : vector<16x1xi32> to vector<16xi32>
      %gather3A_344 = tpu.dynamic_gather %min3A_337[%gather3A_343] in [0] : vector<16xf32>, vector<16xi32> -> vector<16xf32>
      %min3A_345 = arith.minimumf %min3A_337, %gather3A_344 : vector<16xf32>
      %iota3A_346 = tpu.iota {dimensions = array<i32: 0>} : vector<16xi32>
      %xor3A_347 = arith.constant 8 : i32
      %xor3A_348 = vector.broadcast %xor3A_347 : i32 to vector<16xi32>
      %xor3A_349 = arith.xori %iota3A_346, %xor3A_348 : vector<16xi32>
      %broadcast_in_dim3A_350 = vector.shape_cast %xor3A_349 : vector<16xi32> to vector<16x1xi32>
      %gather3A_351 = vector.shape_cast %broadcast_in_dim3A_350 : vector<16x1xi32> to vector<16xi32>
      %gather3A_352 = tpu.dynamic_gather %min3A_345[%gather3A_351] in [0] : vector<16xf32>, vector<16xi32> -> vector<16xf32>
      %min3A_353 = arith.minimumf %min3A_345, %gather3A_352 : vector<16xf32>
      %max3A_354 = arith.maximumf %min3A_353, %broadcast_in_dim3A_224 : vector<16xf32>
      %add3A_355 = arith.addf %add3A_321, %max3A_354 : vector<16xf32>
      %iota3A_356 = tpu.iota {dimensions = array<i32: 0>} : vector<16xi32>
      %xor3A_357 = arith.constant 1 : i32
      %xor3A_358 = vector.broadcast %xor3A_357 : i32 to vector<16xi32>
      %xor3A_359 = arith.xori %iota3A_356, %xor3A_358 : vector<16xi32>
      %broadcast_in_dim3A_360 = vector.shape_cast %xor3A_359 : vector<16xi32> to vector<16x1xi32>
      %gather3A_361 = vector.shape_cast %broadcast_in_dim3A_360 : vector<16x1xi32> to vector<16xi32>
      %gather3A_362 = tpu.dynamic_gather %scan3A_221#4[%gather3A_361] in [0] : vector<16xf32>, vector<16xi32> -> vector<16xf32>
      %min3A_363 = arith.minimumf %scan3A_221#4, %gather3A_362 : vector<16xf32>
      %iota3A_364 = tpu.iota {dimensions = array<i32: 0>} : vector<16xi32>
      %xor3A_365 = arith.constant 2 : i32
      %xor3A_366 = vector.broadcast %xor3A_365 : i32 to vector<16xi32>
      %xor3A_367 = arith.xori %iota3A_364, %xor3A_366 : vector<16xi32>
      %broadcast_in_dim3A_368 = vector.shape_cast %xor3A_367 : vector<16xi32> to vector<16x1xi32>
      %gather3A_369 = vector.shape_cast %broadcast_in_dim3A_368 : vector<16x1xi32> to vector<16xi32>
      %gather3A_370 = tpu.dynamic_gather %min3A_363[%gather3A_369] in [0] : vector<16xf32>, vector<16xi32> -> vector<16xf32>
      %min3A_371 = arith.minimumf %min3A_363, %gather3A_370 : vector<16xf32>
      %iota3A_372 = tpu.iota {dimensions = array<i32: 0>} : vector<16xi32>
      %xor3A_373 = arith.constant 4 : i32
      %xor3A_374 = vector.broadcast %xor3A_373 : i32 to vector<16xi32>
      %xor3A_375 = arith.xori %iota3A_372, %xor3A_374 : vector<16xi32>
      %broadcast_in_dim3A_376 = vector.shape_cast %xor3A_375 : vector<16xi32> to vector<16x1xi32>
      %gather3A_377 = vector.shape_cast %broadcast_in_dim3A_376 : vector<16x1xi32> to vector<16xi32>
      %gather3A_378 = tpu.dynamic_gather %min3A_371[%gather3A_377] in [0] : vector<16xf32>, vector<16xi32> -> vector<16xf32>
      %min3A_379 = arith.minimumf %min3A_371, %gather3A_378 : vector<16xf32>
      %iota3A_380 = tpu.iota {dimensions = array<i32: 0>} : vector<16xi32>
      %xor3A_381 = arith.constant 8 : i32
      %xor3A_382 = vector.broadcast %xor3A_381 : i32 to vector<16xi32>
      %xor3A_383 = arith.xori %iota3A_380, %xor3A_382 : vector<16xi32>
      %broadcast_in_dim3A_384 = vector.shape_cast %xor3A_383 : vector<16xi32> to vector<16x1xi32>
      %gather3A_385 = vector.shape_cast %broadcast_in_dim3A_384 : vector<16x1xi32> to vector<16xi32>
      %gather3A_386 = tpu.dynamic_gather %min3A_379[%gather3A_385] in [0] : vector<16xf32>, vector<16xi32> -> vector<16xf32>
      %min3A_387 = arith.minimumf %min3A_379, %gather3A_386 : vector<16xf32>
      %max3A_388 = arith.maximumf %min3A_387, %broadcast_in_dim3A_224 : vector<16xf32>
      %add3A_389 = arith.addf %add3A_355, %max3A_388 : vector<16xf32>
      %iota3A_390 = tpu.iota {dimensions = array<i32: 0>} : vector<16xi32>
      %xor3A_391 = arith.constant 1 : i32
      %xor3A_392 = vector.broadcast %xor3A_391 : i32 to vector<16xi32>
      %xor3A_393 = arith.xori %iota3A_390, %xor3A_392 : vector<16xi32>
      %broadcast_in_dim3A_394 = vector.shape_cast %xor3A_393 : vector<16xi32> to vector<16x1xi32>
      %gather3A_395 = vector.shape_cast %broadcast_in_dim3A_394 : vector<16x1xi32> to vector<16xi32>
      %gather3A_396 = tpu.dynamic_gather %scan3A_221#5[%gather3A_395] in [0] : vector<16xf32>, vector<16xi32> -> vector<16xf32>
      %min3A_397 = arith.minimumf %scan3A_221#5, %gather3A_396 : vector<16xf32>
      %iota3A_398 = tpu.iota {dimensions = array<i32: 0>} : vector<16xi32>
      %xor3A_399 = arith.constant 2 : i32
      %xor3A_400 = vector.broadcast %xor3A_399 : i32 to vector<16xi32>
      %xor3A_401 = arith.xori %iota3A_398, %xor3A_400 : vector<16xi32>
      %broadcast_in_dim3A_402 = vector.shape_cast %xor3A_401 : vector<16xi32> to vector<16x1xi32>
      %gather3A_403 = vector.shape_cast %broadcast_in_dim3A_402 : vector<16x1xi32> to vector<16xi32>
      %gather3A_404 = tpu.dynamic_gather %min3A_397[%gather3A_403] in [0] : vector<16xf32>, vector<16xi32> -> vector<16xf32>
      %min3A_405 = arith.minimumf %min3A_397, %gather3A_404 : vector<16xf32>
      %iota3A_406 = tpu.iota {dimensions = array<i32: 0>} : vector<16xi32>
      %xor3A_407 = arith.constant 4 : i32
      %xor3A_408 = vector.broadcast %xor3A_407 : i32 to vector<16xi32>
      %xor3A_409 = arith.xori %iota3A_406, %xor3A_408 : vector<16xi32>
      %broadcast_in_dim3A_410 = vector.shape_cast %xor3A_409 : vector<16xi32> to vector<16x1xi32>
      %gather3A_411 = vector.shape_cast %broadcast_in_dim3A_410 : vector<16x1xi32> to vector<16xi32>
      %gather3A_412 = tpu.dynamic_gather %min3A_405[%gather3A_411] in [0] : vector<16xf32>, vector<16xi32> -> vector<16xf32>
      %min3A_413 = arith.minimumf %min3A_405, %gather3A_412 : vector<16xf32>
      %iota3A_414 = tpu.iota {dimensions = array<i32: 0>} : vector<16xi32>
      %xor3A_415 = arith.constant 8 : i32
      %xor3A_416 = vector.broadcast %xor3A_415 : i32 to vector<16xi32>
      %xor3A_417 = arith.xori %iota3A_414, %xor3A_416 : vector<16xi32>
      %broadcast_in_dim3A_418 = vector.shape_cast %xor3A_417 : vector<16xi32> to vector<16x1xi32>
      %gather3A_419 = vector.shape_cast %broadcast_in_dim3A_418 : vector<16x1xi32> to vector<16xi32>
      %gather3A_420 = tpu.dynamic_gather %min3A_413[%gather3A_419] in [0] : vector<16xf32>, vector<16xi32> -> vector<16xf32>
      %min3A_421 = arith.minimumf %min3A_413, %gather3A_420 : vector<16xf32>
      %max3A_422 = arith.maximumf %min3A_421, %broadcast_in_dim3A_224 : vector<16xf32>
      %add3A_423 = arith.addf %add3A_389, %max3A_422 : vector<16xf32>
      %iota3A_424 = tpu.iota {dimensions = array<i32: 0>} : vector<16xi32>
      %xor3A_425 = arith.constant 1 : i32
      %xor3A_426 = vector.broadcast %xor3A_425 : i32 to vector<16xi32>
      %xor3A_427 = arith.xori %iota3A_424, %xor3A_426 : vector<16xi32>
      %broadcast_in_dim3A_428 = vector.shape_cast %xor3A_427 : vector<16xi32> to vector<16x1xi32>
      %gather3A_429 = vector.shape_cast %broadcast_in_dim3A_428 : vector<16x1xi32> to vector<16xi32>
      %gather3A_430 = tpu.dynamic_gather %scan3A_221#6[%gather3A_429] in [0] : vector<16xf32>, vector<16xi32> -> vector<16xf32>
      %min3A_431 = arith.minimumf %scan3A_221#6, %gather3A_430 : vector<16xf32>
      %iota3A_432 = tpu.iota {dimensions = array<i32: 0>} : vector<16xi32>
      %xor3A_433 = arith.constant 2 : i32
      %xor3A_434 = vector.broadcast %xor3A_433 : i32 to vector<16xi32>
      %xor3A_435 = arith.xori %iota3A_432, %xor3A_434 : vector<16xi32>
      %broadcast_in_dim3A_436 = vector.shape_cast %xor3A_435 : vector<16xi32> to vector<16x1xi32>
      %gather3A_437 = vector.shape_cast %broadcast_in_dim3A_436 : vector<16x1xi32> to vector<16xi32>
      %gather3A_438 = tpu.dynamic_gather %min3A_431[%gather3A_437] in [0] : vector<16xf32>, vector<16xi32> -> vector<16xf32>
      %min3A_439 = arith.minimumf %min3A_431, %gather3A_438 : vector<16xf32>
      %iota3A_440 = tpu.iota {dimensions = array<i32: 0>} : vector<16xi32>
      %xor3A_441 = arith.constant 4 : i32
      %xor3A_442 = vector.broadcast %xor3A_441 : i32 to vector<16xi32>
      %xor3A_443 = arith.xori %iota3A_440, %xor3A_442 : vector<16xi32>
      %broadcast_in_dim3A_444 = vector.shape_cast %xor3A_443 : vector<16xi32> to vector<16x1xi32>
      %gather3A_445 = vector.shape_cast %broadcast_in_dim3A_444 : vector<16x1xi32> to vector<16xi32>
      %gather3A_446 = tpu.dynamic_gather %min3A_439[%gather3A_445] in [0] : vector<16xf32>, vector<16xi32> -> vector<16xf32>
      %min3A_447 = arith.minimumf %min3A_439, %gather3A_446 : vector<16xf32>
      %iota3A_448 = tpu.iota {dimensions = array<i32: 0>} : vector<16xi32>
      %xor3A_449 = arith.constant 8 : i32
      %xor3A_450 = vector.broadcast %xor3A_449 : i32 to vector<16xi32>
      %xor3A_451 = arith.xori %iota3A_448, %xor3A_450 : vector<16xi32>
      %broadcast_in_dim3A_452 = vector.shape_cast %xor3A_451 : vector<16xi32> to vector<16x1xi32>
      %gather3A_453 = vector.shape_cast %broadcast_in_dim3A_452 : vector<16x1xi32> to vector<16xi32>
      %gather3A_454 = tpu.dynamic_gather %min3A_447[%gather3A_453] in [0] : vector<16xf32>, vector<16xi32> -> vector<16xf32>
      %min3A_455 = arith.minimumf %min3A_447, %gather3A_454 : vector<16xf32>
      %max3A_456 = arith.maximumf %min3A_455, %broadcast_in_dim3A_224 : vector<16xf32>
      %add3A_457 = arith.addf %add3A_423, %max3A_456 : vector<16xf32>
      %iota3A_458 = tpu.iota {dimensions = array<i32: 0>} : vector<16xi32>
      %xor3A_459 = arith.constant 1 : i32
      %xor3A_460 = vector.broadcast %xor3A_459 : i32 to vector<16xi32>
      %xor3A_461 = arith.xori %iota3A_458, %xor3A_460 : vector<16xi32>
      %broadcast_in_dim3A_462 = vector.shape_cast %xor3A_461 : vector<16xi32> to vector<16x1xi32>
      %gather3A_463 = vector.shape_cast %broadcast_in_dim3A_462 : vector<16x1xi32> to vector<16xi32>
      %gather3A_464 = tpu.dynamic_gather %scan3A_221#7[%gather3A_463] in [0] : vector<16xf32>, vector<16xi32> -> vector<16xf32>
      %min3A_465 = arith.minimumf %scan3A_221#7, %gather3A_464 : vector<16xf32>
      %iota3A_466 = tpu.iota {dimensions = array<i32: 0>} : vector<16xi32>
      %xor3A_467 = arith.constant 2 : i32
      %xor3A_468 = vector.broadcast %xor3A_467 : i32 to vector<16xi32>
      %xor3A_469 = arith.xori %iota3A_466, %xor3A_468 : vector<16xi32>
      %broadcast_in_dim3A_470 = vector.shape_cast %xor3A_469 : vector<16xi32> to vector<16x1xi32>
      %gather3A_471 = vector.shape_cast %broadcast_in_dim3A_470 : vector<16x1xi32> to vector<16xi32>
      %gather3A_472 = tpu.dynamic_gather %min3A_465[%gather3A_471] in [0] : vector<16xf32>, vector<16xi32> -> vector<16xf32>
      %min3A_473 = arith.minimumf %min3A_465, %gather3A_472 : vector<16xf32>
      %iota3A_474 = tpu.iota {dimensions = array<i32: 0>} : vector<16xi32>
      %xor3A_475 = arith.constant 4 : i32
      %xor3A_476 = vector.broadcast %xor3A_475 : i32 to vector<16xi32>
      %xor3A_477 = arith.xori %iota3A_474, %xor3A_476 : vector<16xi32>
      %broadcast_in_dim3A_478 = vector.shape_cast %xor3A_477 : vector<16xi32> to vector<16x1xi32>
      %gather3A_479 = vector.shape_cast %broadcast_in_dim3A_478 : vector<16x1xi32> to vector<16xi32>
      %gather3A_480 = tpu.dynamic_gather %min3A_473[%gather3A_479] in [0] : vector<16xf32>, vector<16xi32> -> vector<16xf32>
      %min3A_481 = arith.minimumf %min3A_473, %gather3A_480 : vector<16xf32>
      %iota3A_482 = tpu.iota {dimensions = array<i32: 0>} : vector<16xi32>
      %xor3A_483 = arith.constant 8 : i32
      %xor3A_484 = vector.broadcast %xor3A_483 : i32 to vector<16xi32>
      %xor3A_485 = arith.xori %iota3A_482, %xor3A_484 : vector<16xi32>
      %broadcast_in_dim3A_486 = vector.shape_cast %xor3A_485 : vector<16xi32> to vector<16x1xi32>
      %gather3A_487 = vector.shape_cast %broadcast_in_dim3A_486 : vector<16x1xi32> to vector<16xi32>
      %gather3A_488 = tpu.dynamic_gather %min3A_481[%gather3A_487] in [0] : vector<16xf32>, vector<16xi32> -> vector<16xf32>
      %min3A_489 = arith.minimumf %min3A_481, %gather3A_488 : vector<16xf32>
      %max3A_490 = arith.maximumf %min3A_489, %broadcast_in_dim3A_224 : vector<16xf32>
      %add3A_491 = arith.addf %add3A_457, %max3A_490 : vector<16xf32>
      %iota3A_492 = tpu.iota {dimensions = array<i32: 0>} : vector<16xi32>
      %xor3A_493 = arith.constant 1 : i32
      %xor3A_494 = vector.broadcast %xor3A_493 : i32 to vector<16xi32>
      %xor3A_495 = arith.xori %iota3A_492, %xor3A_494 : vector<16xi32>
      %broadcast_in_dim3A_496 = vector.shape_cast %xor3A_495 : vector<16xi32> to vector<16x1xi32>
      %gather3A_497 = vector.shape_cast %broadcast_in_dim3A_496 : vector<16x1xi32> to vector<16xi32>
      %gather3A_498 = tpu.dynamic_gather %scan3A_221#8[%gather3A_497] in [0] : vector<16xf32>, vector<16xi32> -> vector<16xf32>
      %min3A_499 = arith.minimumf %scan3A_221#8, %gather3A_498 : vector<16xf32>
      %iota3A_500 = tpu.iota {dimensions = array<i32: 0>} : vector<16xi32>
      %xor3A_501 = arith.constant 2 : i32
      %xor3A_502 = vector.broadcast %xor3A_501 : i32 to vector<16xi32>
      %xor3A_503 = arith.xori %iota3A_500, %xor3A_502 : vector<16xi32>
      %broadcast_in_dim3A_504 = vector.shape_cast %xor3A_503 : vector<16xi32> to vector<16x1xi32>
      %gather3A_505 = vector.shape_cast %broadcast_in_dim3A_504 : vector<16x1xi32> to vector<16xi32>
      %gather3A_506 = tpu.dynamic_gather %min3A_499[%gather3A_505] in [0] : vector<16xf32>, vector<16xi32> -> vector<16xf32>
      %min3A_507 = arith.minimumf %min3A_499, %gather3A_506 : vector<16xf32>
      %iota3A_508 = tpu.iota {dimensions = array<i32: 0>} : vector<16xi32>
      %xor3A_509 = arith.constant 4 : i32
      %xor3A_510 = vector.broadcast %xor3A_509 : i32 to vector<16xi32>
      %xor3A_511 = arith.xori %iota3A_508, %xor3A_510 : vector<16xi32>
      %broadcast_in_dim3A_512 = vector.shape_cast %xor3A_511 : vector<16xi32> to vector<16x1xi32>
      %gather3A_513 = vector.shape_cast %broadcast_in_dim3A_512 : vector<16x1xi32> to vector<16xi32>
      %gather3A_514 = tpu.dynamic_gather %min3A_507[%gather3A_513] in [0] : vector<16xf32>, vector<16xi32> -> vector<16xf32>
      %min3A_515 = arith.minimumf %min3A_507, %gather3A_514 : vector<16xf32>
      %iota3A_516 = tpu.iota {dimensions = array<i32: 0>} : vector<16xi32>
      %xor3A_517 = arith.constant 8 : i32
      %xor3A_518 = vector.broadcast %xor3A_517 : i32 to vector<16xi32>
      %xor3A_519 = arith.xori %iota3A_516, %xor3A_518 : vector<16xi32>
      %broadcast_in_dim3A_520 = vector.shape_cast %xor3A_519 : vector<16xi32> to vector<16x1xi32>
      %gather3A_521 = vector.shape_cast %broadcast_in_dim3A_520 : vector<16x1xi32> to vector<16xi32>
      %gather3A_522 = tpu.dynamic_gather %min3A_515[%gather3A_521] in [0] : vector<16xf32>, vector<16xi32> -> vector<16xf32>
      %min3A_523 = arith.minimumf %min3A_515, %gather3A_522 : vector<16xf32>
      %max3A_524 = arith.maximumf %min3A_523, %broadcast_in_dim3A_224 : vector<16xf32>
      %add3A_525 = arith.addf %add3A_491, %max3A_524 : vector<16xf32>
      %iota3A_526 = tpu.iota {dimensions = array<i32: 0>} : vector<16xi32>
      %xor3A_527 = arith.constant 1 : i32
      %xor3A_528 = vector.broadcast %xor3A_527 : i32 to vector<16xi32>
      %xor3A_529 = arith.xori %iota3A_526, %xor3A_528 : vector<16xi32>
      %broadcast_in_dim3A_530 = vector.shape_cast %xor3A_529 : vector<16xi32> to vector<16x1xi32>
      %gather3A_531 = vector.shape_cast %broadcast_in_dim3A_530 : vector<16x1xi32> to vector<16xi32>
      %gather3A_532 = tpu.dynamic_gather %scan3A_221#9[%gather3A_531] in [0] : vector<16xf32>, vector<16xi32> -> vector<16xf32>
      %min3A_533 = arith.minimumf %scan3A_221#9, %gather3A_532 : vector<16xf32>
      %iota3A_534 = tpu.iota {dimensions = array<i32: 0>} : vector<16xi32>
      %xor3A_535 = arith.constant 2 : i32
      %xor3A_536 = vector.broadcast %xor3A_535 : i32 to vector<16xi32>
      %xor3A_537 = arith.xori %iota3A_534, %xor3A_536 : vector<16xi32>
      %broadcast_in_dim3A_538 = vector.shape_cast %xor3A_537 : vector<16xi32> to vector<16x1xi32>
      %gather3A_539 = vector.shape_cast %broadcast_in_dim3A_538 : vector<16x1xi32> to vector<16xi32>
      %gather3A_540 = tpu.dynamic_gather %min3A_533[%gather3A_539] in [0] : vector<16xf32>, vector<16xi32> -> vector<16xf32>
      %min3A_541 = arith.minimumf %min3A_533, %gather3A_540 : vector<16xf32>
      %iota3A_542 = tpu.iota {dimensions = array<i32: 0>} : vector<16xi32>
      %xor3A_543 = arith.constant 4 : i32
      %xor3A_544 = vector.broadcast %xor3A_543 : i32 to vector<16xi32>
      %xor3A_545 = arith.xori %iota3A_542, %xor3A_544 : vector<16xi32>
      %broadcast_in_dim3A_546 = vector.shape_cast %xor3A_545 : vector<16xi32> to vector<16x1xi32>
      %gather3A_547 = vector.shape_cast %broadcast_in_dim3A_546 : vector<16x1xi32> to vector<16xi32>
      %gather3A_548 = tpu.dynamic_gather %min3A_541[%gather3A_547] in [0] : vector<16xf32>, vector<16xi32> -> vector<16xf32>
      %min3A_549 = arith.minimumf %min3A_541, %gather3A_548 : vector<16xf32>
      %iota3A_550 = tpu.iota {dimensions = array<i32: 0>} : vector<16xi32>
      %xor3A_551 = arith.constant 8 : i32
      %xor3A_552 = vector.broadcast %xor3A_551 : i32 to vector<16xi32>
      %xor3A_553 = arith.xori %iota3A_550, %xor3A_552 : vector<16xi32>
      %broadcast_in_dim3A_554 = vector.shape_cast %xor3A_553 : vector<16xi32> to vector<16x1xi32>
      %gather3A_555 = vector.shape_cast %broadcast_in_dim3A_554 : vector<16x1xi32> to vector<16xi32>
      %gather3A_556 = tpu.dynamic_gather %min3A_549[%gather3A_555] in [0] : vector<16xf32>, vector<16xi32> -> vector<16xf32>
      %min3A_557 = arith.minimumf %min3A_549, %gather3A_556 : vector<16xf32>
      %max3A_558 = arith.maximumf %min3A_557, %broadcast_in_dim3A_224 : vector<16xf32>
      %add3A_559 = arith.addf %add3A_525, %max3A_558 : vector<16xf32>
      %iota3A_560 = tpu.iota {dimensions = array<i32: 0>} : vector<16xi32>
      %xor3A_561 = arith.constant 1 : i32
      %xor3A_562 = vector.broadcast %xor3A_561 : i32 to vector<16xi32>
      %xor3A_563 = arith.xori %iota3A_560, %xor3A_562 : vector<16xi32>
      %broadcast_in_dim3A_564 = vector.shape_cast %xor3A_563 : vector<16xi32> to vector<16x1xi32>
      %gather3A_565 = vector.shape_cast %broadcast_in_dim3A_564 : vector<16x1xi32> to vector<16xi32>
      %gather3A_566 = tpu.dynamic_gather %scan3A_221#10[%gather3A_565] in [0] : vector<16xf32>, vector<16xi32> -> vector<16xf32>
      %min3A_567 = arith.minimumf %scan3A_221#10, %gather3A_566 : vector<16xf32>
      %iota3A_568 = tpu.iota {dimensions = array<i32: 0>} : vector<16xi32>
      %xor3A_569 = arith.constant 2 : i32
      %xor3A_570 = vector.broadcast %xor3A_569 : i32 to vector<16xi32>
      %xor3A_571 = arith.xori %iota3A_568, %xor3A_570 : vector<16xi32>
      %broadcast_in_dim3A_572 = vector.shape_cast %xor3A_571 : vector<16xi32> to vector<16x1xi32>
      %gather3A_573 = vector.shape_cast %broadcast_in_dim3A_572 : vector<16x1xi32> to vector<16xi32>
      %gather3A_574 = tpu.dynamic_gather %min3A_567[%gather3A_573] in [0] : vector<16xf32>, vector<16xi32> -> vector<16xf32>
      %min3A_575 = arith.minimumf %min3A_567, %gather3A_574 : vector<16xf32>
      %iota3A_576 = tpu.iota {dimensions = array<i32: 0>} : vector<16xi32>
      %xor3A_577 = arith.constant 4 : i32
      %xor3A_578 = vector.broadcast %xor3A_577 : i32 to vector<16xi32>
      %xor3A_579 = arith.xori %iota3A_576, %xor3A_578 : vector<16xi32>
      %broadcast_in_dim3A_580 = vector.shape_cast %xor3A_579 : vector<16xi32> to vector<16x1xi32>
      %gather3A_581 = vector.shape_cast %broadcast_in_dim3A_580 : vector<16x1xi32> to vector<16xi32>
      %gather3A_582 = tpu.dynamic_gather %min3A_575[%gather3A_581] in [0] : vector<16xf32>, vector<16xi32> -> vector<16xf32>
      %min3A_583 = arith.minimumf %min3A_575, %gather3A_582 : vector<16xf32>
      %iota3A_584 = tpu.iota {dimensions = array<i32: 0>} : vector<16xi32>
      %xor3A_585 = arith.constant 8 : i32
      %xor3A_586 = vector.broadcast %xor3A_585 : i32 to vector<16xi32>
      %xor3A_587 = arith.xori %iota3A_584, %xor3A_586 : vector<16xi32>
      %broadcast_in_dim3A_588 = vector.shape_cast %xor3A_587 : vector<16xi32> to vector<16x1xi32>
      %gather3A_589 = vector.shape_cast %broadcast_in_dim3A_588 : vector<16x1xi32> to vector<16xi32>
      %gather3A_590 = tpu.dynamic_gather %min3A_583[%gather3A_589] in [0] : vector<16xf32>, vector<16xi32> -> vector<16xf32>
      %min3A_591 = arith.minimumf %min3A_583, %gather3A_590 : vector<16xf32>
      %max3A_592 = arith.maximumf %min3A_591, %broadcast_in_dim3A_224 : vector<16xf32>
      %add3A_593 = arith.addf %add3A_559, %max3A_592 : vector<16xf32>
      %iota3A_594 = tpu.iota {dimensions = array<i32: 0>} : vector<16xi32>
      %xor3A_595 = arith.constant 1 : i32
      %xor3A_596 = vector.broadcast %xor3A_595 : i32 to vector<16xi32>
      %xor3A_597 = arith.xori %iota3A_594, %xor3A_596 : vector<16xi32>
      %broadcast_in_dim3A_598 = vector.shape_cast %xor3A_597 : vector<16xi32> to vector<16x1xi32>
      %gather3A_599 = vector.shape_cast %broadcast_in_dim3A_598 : vector<16x1xi32> to vector<16xi32>
      %gather3A_600 = tpu.dynamic_gather %scan3A_221#11[%gather3A_599] in [0] : vector<16xf32>, vector<16xi32> -> vector<16xf32>
      %min3A_601 = arith.minimumf %scan3A_221#11, %gather3A_600 : vector<16xf32>
      %iota3A_602 = tpu.iota {dimensions = array<i32: 0>} : vector<16xi32>
      %xor3A_603 = arith.constant 2 : i32
      %xor3A_604 = vector.broadcast %xor3A_603 : i32 to vector<16xi32>
      %xor3A_605 = arith.xori %iota3A_602, %xor3A_604 : vector<16xi32>
      %broadcast_in_dim3A_606 = vector.shape_cast %xor3A_605 : vector<16xi32> to vector<16x1xi32>
      %gather3A_607 = vector.shape_cast %broadcast_in_dim3A_606 : vector<16x1xi32> to vector<16xi32>
      %gather3A_608 = tpu.dynamic_gather %min3A_601[%gather3A_607] in [0] : vector<16xf32>, vector<16xi32> -> vector<16xf32>
      %min3A_609 = arith.minimumf %min3A_601, %gather3A_608 : vector<16xf32>
      %iota3A_610 = tpu.iota {dimensions = array<i32: 0>} : vector<16xi32>
      %xor3A_611 = arith.constant 4 : i32
      %xor3A_612 = vector.broadcast %xor3A_611 : i32 to vector<16xi32>
      %xor3A_613 = arith.xori %iota3A_610, %xor3A_612 : vector<16xi32>
      %broadcast_in_dim3A_614 = vector.shape_cast %xor3A_613 : vector<16xi32> to vector<16x1xi32>
      %gather3A_615 = vector.shape_cast %broadcast_in_dim3A_614 : vector<16x1xi32> to vector<16xi32>
      %gather3A_616 = tpu.dynamic_gather %min3A_609[%gather3A_615] in [0] : vector<16xf32>, vector<16xi32> -> vector<16xf32>
      %min3A_617 = arith.minimumf %min3A_609, %gather3A_616 : vector<16xf32>
      %iota3A_618 = tpu.iota {dimensions = array<i32: 0>} : vector<16xi32>
      %xor3A_619 = arith.constant 8 : i32
      %xor3A_620 = vector.broadcast %xor3A_619 : i32 to vector<16xi32>
      %xor3A_621 = arith.xori %iota3A_618, %xor3A_620 : vector<16xi32>
      %broadcast_in_dim3A_622 = vector.shape_cast %xor3A_621 : vector<16xi32> to vector<16x1xi32>
      %gather3A_623 = vector.shape_cast %broadcast_in_dim3A_622 : vector<16x1xi32> to vector<16xi32>
      %gather3A_624 = tpu.dynamic_gather %min3A_617[%gather3A_623] in [0] : vector<16xf32>, vector<16xi32> -> vector<16xf32>
      %min3A_625 = arith.minimumf %min3A_617, %gather3A_624 : vector<16xf32>
      %max3A_626 = arith.maximumf %min3A_625, %broadcast_in_dim3A_224 : vector<16xf32>
      %add3A_627 = arith.addf %add3A_593, %max3A_626 : vector<16xf32>
      %iota3A_628 = tpu.iota {dimensions = array<i32: 0>} : vector<16xi32>
      %xor3A_629 = arith.constant 1 : i32
      %xor3A_630 = vector.broadcast %xor3A_629 : i32 to vector<16xi32>
      %xor3A_631 = arith.xori %iota3A_628, %xor3A_630 : vector<16xi32>
      %broadcast_in_dim3A_632 = vector.shape_cast %xor3A_631 : vector<16xi32> to vector<16x1xi32>
      %gather3A_633 = vector.shape_cast %broadcast_in_dim3A_632 : vector<16x1xi32> to vector<16xi32>
      %gather3A_634 = tpu.dynamic_gather %scan3A_221#12[%gather3A_633] in [0] : vector<16xf32>, vector<16xi32> -> vector<16xf32>
      %min3A_635 = arith.minimumf %scan3A_221#12, %gather3A_634 : vector<16xf32>
      %iota3A_636 = tpu.iota {dimensions = array<i32: 0>} : vector<16xi32>
      %xor3A_637 = arith.constant 2 : i32
      %xor3A_638 = vector.broadcast %xor3A_637 : i32 to vector<16xi32>
      %xor3A_639 = arith.xori %iota3A_636, %xor3A_638 : vector<16xi32>
      %broadcast_in_dim3A_640 = vector.shape_cast %xor3A_639 : vector<16xi32> to vector<16x1xi32>
      %gather3A_641 = vector.shape_cast %broadcast_in_dim3A_640 : vector<16x1xi32> to vector<16xi32>
      %gather3A_642 = tpu.dynamic_gather %min3A_635[%gather3A_641] in [0] : vector<16xf32>, vector<16xi32> -> vector<16xf32>
      %min3A_643 = arith.minimumf %min3A_635, %gather3A_642 : vector<16xf32>
      %iota3A_644 = tpu.iota {dimensions = array<i32: 0>} : vector<16xi32>
      %xor3A_645 = arith.constant 4 : i32
      %xor3A_646 = vector.broadcast %xor3A_645 : i32 to vector<16xi32>
      %xor3A_647 = arith.xori %iota3A_644, %xor3A_646 : vector<16xi32>
      %broadcast_in_dim3A_648 = vector.shape_cast %xor3A_647 : vector<16xi32> to vector<16x1xi32>
      %gather3A_649 = vector.shape_cast %broadcast_in_dim3A_648 : vector<16x1xi32> to vector<16xi32>
      %gather3A_650 = tpu.dynamic_gather %min3A_643[%gather3A_649] in [0] : vector<16xf32>, vector<16xi32> -> vector<16xf32>
      %min3A_651 = arith.minimumf %min3A_643, %gather3A_650 : vector<16xf32>
      %iota3A_652 = tpu.iota {dimensions = array<i32: 0>} : vector<16xi32>
      %xor3A_653 = arith.constant 8 : i32
      %xor3A_654 = vector.broadcast %xor3A_653 : i32 to vector<16xi32>
      %xor3A_655 = arith.xori %iota3A_652, %xor3A_654 : vector<16xi32>
      %broadcast_in_dim3A_656 = vector.shape_cast %xor3A_655 : vector<16xi32> to vector<16x1xi32>
      %gather3A_657 = vector.shape_cast %broadcast_in_dim3A_656 : vector<16x1xi32> to vector<16xi32>
      %gather3A_658 = tpu.dynamic_gather %min3A_651[%gather3A_657] in [0] : vector<16xf32>, vector<16xi32> -> vector<16xf32>
      %min3A_659 = arith.minimumf %min3A_651, %gather3A_658 : vector<16xf32>
      %max3A_660 = arith.maximumf %min3A_659, %broadcast_in_dim3A_224 : vector<16xf32>
      %add3A_661 = arith.addf %add3A_627, %max3A_660 : vector<16xf32>
      %iota3A_662 = tpu.iota {dimensions = array<i32: 0>} : vector<16xi32>
      %xor3A_663 = arith.constant 1 : i32
      %xor3A_664 = vector.broadcast %xor3A_663 : i32 to vector<16xi32>
      %xor3A_665 = arith.xori %iota3A_662, %xor3A_664 : vector<16xi32>
      %broadcast_in_dim3A_666 = vector.shape_cast %xor3A_665 : vector<16xi32> to vector<16x1xi32>
      %gather3A_667 = vector.shape_cast %broadcast_in_dim3A_666 : vector<16x1xi32> to vector<16xi32>
      %gather3A_668 = tpu.dynamic_gather %scan3A_221#13[%gather3A_667] in [0] : vector<16xf32>, vector<16xi32> -> vector<16xf32>
      %min3A_669 = arith.minimumf %scan3A_221#13, %gather3A_668 : vector<16xf32>
      %iota3A_670 = tpu.iota {dimensions = array<i32: 0>} : vector<16xi32>
      %xor3A_671 = arith.constant 2 : i32
      %xor3A_672 = vector.broadcast %xor3A_671 : i32 to vector<16xi32>
      %xor3A_673 = arith.xori %iota3A_670, %xor3A_672 : vector<16xi32>
      %broadcast_in_dim3A_674 = vector.shape_cast %xor3A_673 : vector<16xi32> to vector<16x1xi32>
      %gather3A_675 = vector.shape_cast %broadcast_in_dim3A_674 : vector<16x1xi32> to vector<16xi32>
      %gather3A_676 = tpu.dynamic_gather %min3A_669[%gather3A_675] in [0] : vector<16xf32>, vector<16xi32> -> vector<16xf32>
      %min3A_677 = arith.minimumf %min3A_669, %gather3A_676 : vector<16xf32>
      %iota3A_678 = tpu.iota {dimensions = array<i32: 0>} : vector<16xi32>
      %xor3A_679 = arith.constant 4 : i32
      %xor3A_680 = vector.broadcast %xor3A_679 : i32 to vector<16xi32>
      %xor3A_681 = arith.xori %iota3A_678, %xor3A_680 : vector<16xi32>
      %broadcast_in_dim3A_682 = vector.shape_cast %xor3A_681 : vector<16xi32> to vector<16x1xi32>
      %gather3A_683 = vector.shape_cast %broadcast_in_dim3A_682 : vector<16x1xi32> to vector<16xi32>
      %gather3A_684 = tpu.dynamic_gather %min3A_677[%gather3A_683] in [0] : vector<16xf32>, vector<16xi32> -> vector<16xf32>
      %min3A_685 = arith.minimumf %min3A_677, %gather3A_684 : vector<16xf32>
      %iota3A_686 = tpu.iota {dimensions = array<i32: 0>} : vector<16xi32>
      %xor3A_687 = arith.constant 8 : i32
      %xor3A_688 = vector.broadcast %xor3A_687 : i32 to vector<16xi32>
      %xor3A_689 = arith.xori %iota3A_686, %xor3A_688 : vector<16xi32>
      %broadcast_in_dim3A_690 = vector.shape_cast %xor3A_689 : vector<16xi32> to vector<16x1xi32>
      %gather3A_691 = vector.shape_cast %broadcast_in_dim3A_690 : vector<16x1xi32> to vector<16xi32>
      %gather3A_692 = tpu.dynamic_gather %min3A_685[%gather3A_691] in [0] : vector<16xf32>, vector<16xi32> -> vector<16xf32>
      %min3A_693 = arith.minimumf %min3A_685, %gather3A_692 : vector<16xf32>
      %max3A_694 = arith.maximumf %min3A_693, %broadcast_in_dim3A_224 : vector<16xf32>
      %add3A_695 = arith.addf %add3A_661, %max3A_694 : vector<16xf32>
      %iota3A_696 = tpu.iota {dimensions = array<i32: 0>} : vector<16xi32>
      %xor3A_697 = arith.constant 1 : i32
      %xor3A_698 = vector.broadcast %xor3A_697 : i32 to vector<16xi32>
      %xor3A_699 = arith.xori %iota3A_696, %xor3A_698 : vector<16xi32>
      %broadcast_in_dim3A_700 = vector.shape_cast %xor3A_699 : vector<16xi32> to vector<16x1xi32>
      %gather3A_701 = vector.shape_cast %broadcast_in_dim3A_700 : vector<16x1xi32> to vector<16xi32>
      %gather3A_702 = tpu.dynamic_gather %scan3A_221#14[%gather3A_701] in [0] : vector<16xf32>, vector<16xi32> -> vector<16xf32>
      %min3A_703 = arith.minimumf %scan3A_221#14, %gather3A_702 : vector<16xf32>
      %iota3A_704 = tpu.iota {dimensions = array<i32: 0>} : vector<16xi32>
      %xor3A_705 = arith.constant 2 : i32
      %xor3A_706 = vector.broadcast %xor3A_705 : i32 to vector<16xi32>
      %xor3A_707 = arith.xori %iota3A_704, %xor3A_706 : vector<16xi32>
      %broadcast_in_dim3A_708 = vector.shape_cast %xor3A_707 : vector<16xi32> to vector<16x1xi32>
      %gather3A_709 = vector.shape_cast %broadcast_in_dim3A_708 : vector<16x1xi32> to vector<16xi32>
      %gather3A_710 = tpu.dynamic_gather %min3A_703[%gather3A_709] in [0] : vector<16xf32>, vector<16xi32> -> vector<16xf32>
      %min3A_711 = arith.minimumf %min3A_703, %gather3A_710 : vector<16xf32>
      %iota3A_712 = tpu.iota {dimensions = array<i32: 0>} : vector<16xi32>
      %xor3A_713 = arith.constant 4 : i32
      %xor3A_714 = vector.broadcast %xor3A_713 : i32 to vector<16xi32>
      %xor3A_715 = arith.xori %iota3A_712, %xor3A_714 : vector<16xi32>
      %broadcast_in_dim3A_716 = vector.shape_cast %xor3A_715 : vector<16xi32> to vector<16x1xi32>
      %gather3A_717 = vector.shape_cast %broadcast_in_dim3A_716 : vector<16x1xi32> to vector<16xi32>
      %gather3A_718 = tpu.dynamic_gather %min3A_711[%gather3A_717] in [0] : vector<16xf32>, vector<16xi32> -> vector<16xf32>
      %min3A_719 = arith.minimumf %min3A_711, %gather3A_718 : vector<16xf32>
      %iota3A_720 = tpu.iota {dimensions = array<i32: 0>} : vector<16xi32>
      %xor3A_721 = arith.constant 8 : i32
      %xor3A_722 = vector.broadcast %xor3A_721 : i32 to vector<16xi32>
      %xor3A_723 = arith.xori %iota3A_720, %xor3A_722 : vector<16xi32>
      %broadcast_in_dim3A_724 = vector.shape_cast %xor3A_723 : vector<16xi32> to vector<16x1xi32>
      %gather3A_725 = vector.shape_cast %broadcast_in_dim3A_724 : vector<16x1xi32> to vector<16xi32>
      %gather3A_726 = tpu.dynamic_gather %min3A_719[%gather3A_725] in [0] : vector<16xf32>, vector<16xi32> -> vector<16xf32>
      %min3A_727 = arith.minimumf %min3A_719, %gather3A_726 : vector<16xf32>
      %max3A_728 = arith.maximumf %min3A_727, %broadcast_in_dim3A_224 : vector<16xf32>
      %add3A_729 = arith.addf %add3A_695, %max3A_728 : vector<16xf32>
      %iota3A_730 = tpu.iota {dimensions = array<i32: 0>} : vector<16xi32>
      %xor3A_731 = arith.constant 1 : i32
      %xor3A_732 = vector.broadcast %xor3A_731 : i32 to vector<16xi32>
      %xor3A_733 = arith.xori %iota3A_730, %xor3A_732 : vector<16xi32>
      %broadcast_in_dim3A_734 = vector.shape_cast %xor3A_733 : vector<16xi32> to vector<16x1xi32>
      %gather3A_735 = vector.shape_cast %broadcast_in_dim3A_734 : vector<16x1xi32> to vector<16xi32>
      %gather3A_736 = tpu.dynamic_gather %scan3A_221#15[%gather3A_735] in [0] : vector<16xf32>, vector<16xi32> -> vector<16xf32>
      %min3A_737 = arith.minimumf %scan3A_221#15, %gather3A_736 : vector<16xf32>
      %iota3A_738 = tpu.iota {dimensions = array<i32: 0>} : vector<16xi32>
      %xor3A_739 = arith.constant 2 : i32
      %xor3A_740 = vector.broadcast %xor3A_739 : i32 to vector<16xi32>
      %xor3A_741 = arith.xori %iota3A_738, %xor3A_740 : vector<16xi32>
      %broadcast_in_dim3A_742 = vector.shape_cast %xor3A_741 : vector<16xi32> to vector<16x1xi32>
      %gather3A_743 = vector.shape_cast %broadcast_in_dim3A_742 : vector<16x1xi32> to vector<16xi32>
      %gather3A_744 = tpu.dynamic_gather %min3A_737[%gather3A_743] in [0] : vector<16xf32>, vector<16xi32> -> vector<16xf32>
      %min3A_745 = arith.minimumf %min3A_737, %gather3A_744 : vector<16xf32>
      %iota3A_746 = tpu.iota {dimensions = array<i32: 0>} : vector<16xi32>
      %xor3A_747 = arith.constant 4 : i32
      %xor3A_748 = vector.broadcast %xor3A_747 : i32 to vector<16xi32>
      %xor3A_749 = arith.xori %iota3A_746, %xor3A_748 : vector<16xi32>
      %broadcast_in_dim3A_750 = vector.shape_cast %xor3A_749 : vector<16xi32> to vector<16x1xi32>
      %gather3A_751 = vector.shape_cast %broadcast_in_dim3A_750 : vector<16x1xi32> to vector<16xi32>
      %gather3A_752 = tpu.dynamic_gather %min3A_745[%gather3A_751] in [0] : vector<16xf32>, vector<16xi32> -> vector<16xf32>
      %min3A_753 = arith.minimumf %min3A_745, %gather3A_752 : vector<16xf32>
      %iota3A_754 = tpu.iota {dimensions = array<i32: 0>} : vector<16xi32>
      %xor3A_755 = arith.constant 8 : i32
      %xor3A_756 = vector.broadcast %xor3A_755 : i32 to vector<16xi32>
      %xor3A_757 = arith.xori %iota3A_754, %xor3A_756 : vector<16xi32>
      %broadcast_in_dim3A_758 = vector.shape_cast %xor3A_757 : vector<16xi32> to vector<16x1xi32>
      %gather3A_759 = vector.shape_cast %broadcast_in_dim3A_758 : vector<16x1xi32> to vector<16xi32>
      %gather3A_760 = tpu.dynamic_gather %min3A_753[%gather3A_759] in [0] : vector<16xf32>, vector<16xi32> -> vector<16xf32>
      %min3A_761 = arith.minimumf %min3A_753, %gather3A_760 : vector<16xf32>
      %max3A_762 = arith.maximumf %min3A_761, %broadcast_in_dim3A_224 : vector<16xf32>
      %add3A_763 = arith.addf %add3A_729, %max3A_762 : vector<16xf32>
      scf.yield %add3A_763 : vector<16xf32>
    }
    %scan3A_66 = arith.constant 8 : i32
    "tpu.region"() ({
      %run_scoped3A = tpu.sem_alloc : memref<!tpu.dma_semaphore, #tpu.memory_space<semaphore_mem>>
      %dma_start3A = arith.constant 12288 : i32
      %dma_start3A_70 = tpu.memref_slice %arg11[%add3A, %dma_start3A] : memref<32x16384xf32, #tpu.memory_space<hbm>> -> memref<1x4096xf32, #tpu.memory_space<hbm>>
      %dma_start3A_71 = tpu.memref_squeeze %dma_start3A_70 : memref<1x4096xf32, #tpu.memory_space<hbm>> -> memref<4096xf32, #tpu.memory_space<hbm>>
      %dma_start3A_72 = arith.constant 12288 : i32
      %dma_start3A_73 = tpu.memref_slice %arg11[%add3A, %dma_start3A_72] : memref<32x16384xf32, #tpu.memory_space<hbm>> -> memref<1x4096xf32, #tpu.memory_space<hbm>>
      %dma_start3A_74 = tpu.memref_squeeze %dma_start3A_73 : memref<1x4096xf32, #tpu.memory_space<hbm>> -> memref<4096xf32, #tpu.memory_space<hbm>>
      tpu.enqueue_dma source(%arg20 : memref<4096xf32, #tpu.memory_space<vmem>>) target(%dma_start3A_74 : memref<4096xf32, #tpu.memory_space<hbm>>) target_semaphore(%run_scoped3A : memref<!tpu.dma_semaphore, #tpu.memory_space<semaphore_mem>>)
      %dma_wait3A = arith.constant 12288 : i32
      %dma_wait3A_75 = tpu.memref_slice %arg11[%add3A, %dma_wait3A] : memref<32x16384xf32, #tpu.memory_space<hbm>> -> memref<1x4096xf32, #tpu.memory_space<hbm>>
      %dma_wait3A_76 = tpu.memref_squeeze %dma_wait3A_75 : memref<1x4096xf32, #tpu.memory_space<hbm>> -> memref<4096xf32, #tpu.memory_space<hbm>>
      %dma_wait3A_77 = arith.constant 12288 : i32
      %dma_wait3A_78 = tpu.memref_slice %arg11[%add3A, %dma_wait3A_77] : memref<32x16384xf32, #tpu.memory_space<hbm>> -> memref<1x4096xf32, #tpu.memory_space<hbm>>
      %dma_wait3A_79 = tpu.memref_squeeze %dma_wait3A_78 : memref<1x4096xf32, #tpu.memory_space<hbm>> -> memref<4096xf32, #tpu.memory_space<hbm>>
      tpu.wait_dma2 semaphore(%run_scoped3A : memref<!tpu.dma_semaphore, #tpu.memory_space<semaphore_mem>>) src(%arg20 : memref<4096xf32, #tpu.memory_space<vmem>>) dst(%dma_wait3A_79 : memref<4096xf32, #tpu.memory_space<hbm>>)
      tpu.yield
    }) : () -> ()
    %swap3A = arith.constant 0 : index
    %swap3A_67 = tpu.vector_load %arg21[%swap3A] {strides = array<i32>} : memref<16xf32, #tpu.memory_space<vmem>>, vector<16xf32>,
    %swap3A_68 = vector.shape_cast %swap3A_67 : vector<16xf32> to vector<16xf32>
    %swap3A_69 = vector.shape_cast %scan3A_65 : vector<16xf32> to vector<16xf32>
    tpu.vector_store %arg21[%swap3A], %swap3A_69 {strides = array<i32>} : memref<16xf32, #tpu.memory_space<vmem>>, vector<16xf32>,
    "tpu.region"() ({
      %run_scoped3A = tpu.sem_alloc : memref<!tpu.dma_semaphore, #tpu.memory_space<semaphore_mem>>
      %dma_start3A = arith.constant 0 : i32
      %dma_start3A_70 = tpu.memref_slice %arg10[%add3A, %dma_start3A] : memref<32x16xf32, #tpu.memory_space<hbm>> -> memref<1x16xf32, #tpu.memory_space<hbm>>
      %dma_start3A_71 = tpu.memref_squeeze %dma_start3A_70 : memref<1x16xf32, #tpu.memory_space<hbm>> -> memref<16xf32, #tpu.memory_space<hbm>>
      %dma_start3A_72 = arith.constant 0 : i32
      %dma_start3A_73 = tpu.memref_slice %arg10[%add3A, %dma_start3A_72] : memref<32x16xf32, #tpu.memory_space<hbm>> -> memref<1x16xf32, #tpu.memory_space<hbm>>
      %dma_start3A_74 = tpu.memref_squeeze %dma_start3A_73 : memref<1x16xf32, #tpu.memory_space<hbm>> -> memref<16xf32, #tpu.memory_space<hbm>>
      tpu.enqueue_dma source(%arg21 : memref<16xf32, #tpu.memory_space<vmem>>) target(%dma_start3A_74 : memref<16xf32, #tpu.memory_space<hbm>>) target_semaphore(%run_scoped3A : memref<!tpu.dma_semaphore, #tpu.memory_space<semaphore_mem>>)
      %dma_wait3A = arith.constant 0 : i32
      %dma_wait3A_75 = tpu.memref_slice %arg10[%add3A, %dma_wait3A] : memref<32x16xf32, #tpu.memory_space<hbm>> -> memref<1x16xf32, #tpu.memory_space<hbm>>
      %dma_wait3A_76 = tpu.memref_squeeze %dma_wait3A_75 : memref<1x16xf32, #tpu.memory_space<hbm>> -> memref<16xf32, #tpu.memory_space<hbm>>
      %dma_wait3A_77 = arith.constant 0 : i32
      %dma_wait3A_78 = tpu.memref_slice %arg10[%add3A, %dma_wait3A_77] : memref<32x16xf32, #tpu.memory_space<hbm>> -> memref<1x16xf32, #tpu.memory_space<hbm>>
      %dma_wait3A_79 = tpu.memref_squeeze %dma_wait3A_78 : memref<1x16xf32, #tpu.memory_space<hbm>> -> memref<16xf32, #tpu.memory_space<hbm>>
      tpu.wait_dma2 semaphore(%run_scoped3A : memref<!tpu.dma_semaphore, #tpu.memory_space<semaphore_mem>>) src(%arg21 : memref<16xf32, #tpu.memory_space<vmem>>) dst(%dma_wait3A_79 : memref<16xf32, #tpu.memory_space<hbm>>)
      tpu.yield
    }) : () -> ()
    return
  }
}

</mosaic_0001>

<sc_bundles>
// kernel: kernel.3.cloned.1.call-start
scs
__scs_entry_jumppad:
0x0: {  	(pc) =	sbr.rel $0x88, $3  }
0x1: {  	(tag) =	ssettag $0x0;
	lr =	simm.s32 $0x1  }
0x2: {  	[smem:$0x3F9F] =	sst lr;
	_ =	strace $0xD0000000  }
0x3: {  	_ = 	snop  }
0x4: {  	_ = 	snop  }
0x5: {  	_ = 	snop  }
0x6: {  	_ = 	snop  }
0x7: {  	_ = 	snop  }
__scs_overlays_trampoline_lowered:
0x8: {  	[smem:$0x3FAE] =	sst s0  }
0x9: {  	[smem:$0x3FAF] =	sst s1  }
0xa: {  	[smem:$0x3FB0] =	sst s2  }
0xb: {  	[smem:$0x3FB1] =	sst s3  }
0xc: {  	[smem:$0x3FB2] =	sst s4  }
0xd: {  	[smem:$0x3FB3] =	sst s5  }
0xe: {  	[smem:$0x3FB4] =	sst s6  }
0xf: {  	[smem:$0x3FB5] =	sst s7  }
0x10: {  	[smem:$0x3FB6] =	sst s8  }
0x11: {  	[smem:$0x3FB7] =	sst s9;
	s0 =	simm.s32 @!p0 $0x0  }
0x12: {  	s1 =	sld [smem:$0x3F9D];
	s0 =	simm.s32 @p0 $0x1  }
0x13: {  	[smem:$0x3FB8] =	sst s0;
	s0 =	simm.s32 @!p1 $0x0  }
0x14: {  	s2 =	sld [smem:$0x3F9C];
	s0 =	simm.s32 @p1 $0x1  }
0x15: {  	[smem:$0x3FB9] =	sst s0;
	s0 =	simm.s32 @!p2 $0x0  }
0x16: {  	s3 =	sld [smem:$0x3FDB];
	s0 =	simm.s32 @p2 $0x1  }
0x17: {  	s4 =	simm.s32 $0x1BF5;
	[smem:$0x3FBB] =	sst s0  }
0x18: {  	s0 =	sld [smem:$0x3F9E];
	_ =	swait.ge [sflag:s4], $0x0  }
0x19: {  	s7 =	sld [smem:$0x3F9F]  }
0x1a: {  	s8 =	sadd.s32 $0xFFFFE003, lr  }
0x1b: {  	s9 =	sadd.s32 $0xFFFFFEF7, lr;
	s5 =	simm.s32 $0xFFFFFFFF;
	p2 =	slt.u32 s8, $0xFFFFF086  }
0x1c: {  	p1 =	slt.u32 s9, $0xF7A;
	s5 =	simm.s32 @!p2 $0x0  }
0x1d: {  	s5 =	simm.s32 @p1 $0x1;
	p0 =	seq.s32 s7, s2  }
0x1e: {  	s7 =	smul.u32 @!p0 $0xF7A, s2;
	p2 =	seq.s32 @!p0 s5, $0x0  }
0x1f: {  	s9 =	smul.u32 $0xF7A, s1;
	s8 =	simm.s32 @!p0 $0x1BF5;
	p2 =	por !p2, p0  }
0x20: {  	[sflag:s8] =	ssyncset.s32 @!p0 $0xFFFFF086;
	s6 =	sadd.s32 @!p0 s3, s7;
	s7 =	simm.s32 @!p0 $0x108  }
0x21: {  	s3 =	sadd.s32 s3, s9;
	s6 =	sadd.s32 @!p0 $0x88, s6;
	s7 =	simm.s32 @p2 $0x1082  }
0x22: {  	[simem:s7], [sflag:s8] =	dma.local @!p0 [hbm:s6], $0xF7A  }
0x23: {  	s9 =	sor.u32 $0xD0000000, s2;
	s6 =	simm.s32 $0x108;
	_ =	swait.ge @!p0 [sflag:s8], $0x0  }
0x24: {  	s3 =	sadd.s32 $0x88, s3;
	s6 =	simm.s32 @!p1 $0x1082;
	[sflag:s4] =	ssyncset.s32 $0xFFFFF086  }
0x25: {  	[simem:s6], [sflag:s4] =	dma.local [hbm:s3], $0xF7A  }
0x26: {  	[smem:$0x3F9F] =	sst s1;
	(tag) =	ssettag s2;
	_ =	strace s9  }
0x27: {  	s1 =	sld [smem:$0x3FAF]  }
0x28: {  	s2 =	sld [smem:$0x3FB0]  }
0x29: {  	s4 =	sld [smem:$0x3FB2]  }
0x2a: {  	p0 =	seq.s32 s5, $0x0;
	s5 =	sld [smem:$0x3FB3]  }
0x2b: {  	s6 =	sld [smem:$0x3FB4]  }
0x2c: {  	s7 =	sld [smem:$0x3FB5]  }
0x2d: {  	s3 =	simm.s32 $0x108;
	s8 =	sld [smem:$0x3FB6]  }
0x2e: {  	s3 =	simm.s32 @!p0 $0x1082;
	s9 =	sld [smem:$0x3FB7]  }
0x2f: {  	lr =	sadd.s32 s0, s3;
	s0 =	sld [smem:$0x3FAE]  }
0x30: {  	s3 =	sld [smem:$0x3FB1]  }
0x31: {  	[smem:$0x3FBA] =	sst s10  }
0x32: {  	s10 =	sld [smem:$0x3FB8];
	_ =	sdelay $0x3  }
0x33: {  	p0 =	seq.s32 s10, $0x1;
	s10 =	sld [smem:$0x3FBA];
	_ =	sdelay $0x3  }
0x34: {  	[smem:$0x3FBA] =	sst s10  }
0x35: {  	s10 =	sld [smem:$0x3FB9];
	_ =	sdelay $0x3  }
0x36: {  	p1 =	seq.s32 s10, $0x1;
	s10 =	sld [smem:$0x3FBA];
	_ =	sdelay $0x3  }
0x37: {  	[smem:$0x3FBA] =	sst s10  }
0x38: {  	s10 =	sld [smem:$0x3FBB]  }
0x39: {  	_ = 	snop;
	(pc) =	sbr.ind lr, $3  }
0x3a: {  	_ = 	snop  }
0x3b: {  	_ = 	snop  }
0x3c: {  	p2 =	seq.s32 s10, $0x1;
	s10 =	sld [smem:$0x3FBA]  }
0x3d: {  	_ =	shalt  }
0x3e: {  	_ =	shalt  }
0x3f: {  	_ =	shalt  }
0x40: {  	_ =	shalt  }
0x41: {  	_ =	shalt  }
0x42: {  	_ =	shalt  }
0x43: {  	_ =	shalt  }
0x44: {  	_ =	shalt  }
0x45: {  	_ =	shalt  }
0x46: {  	_ =	shalt  }
0x47: {  	_ =	shalt  }
0x48: {  	_ =	shalt  }
0x49: {  	_ =	shalt  }
0x4a: {  	_ =	shalt  }
0x4b: {  	_ =	shalt  }
0x4c: {  	_ =	shalt  }
0x4d: {  	_ =	shalt  }
0x4e: {  	_ =	shalt  }
0x4f: {  	_ =	shalt  }
0x50: {  	_ =	shalt  }
0x51: {  	_ =	shalt  }
0x52: {  	_ =	shalt  }
0x53: {  	_ =	shalt  }
0x54: {  	_ =	shalt  }
0x55: {  	_ =	shalt  }
0x56: {  	_ =	shalt  }
0x57: {  	_ =	shalt  }
0x58: {  	_ =	shalt  }
0x59: {  	_ =	shalt  }
0x5a: {  	_ =	shalt  }
0x5b: {  	_ =	shalt  }
0x5c: {  	_ =	shalt  }
0x5d: {  	_ =	shalt  }
0x5e: {  	_ =	shalt  }
0x5f: {  	_ =	shalt  }
0x60: {  	_ =	shalt  }
0x61: {  	_ =	shalt  }
0x62: {  	_ =	shalt  }
0x63: {  	_ =	shalt  }
0x64: {  	_ =	shalt  }
0x65: {  	_ =	shalt  }
0x66: {  	_ =	shalt  }
0x67: {  	_ =	shalt  }
0x68: {  	_ =	shalt  }
0x69: {  	_ =	shalt  }
0x6a: {  	_ =	shalt  }
0x6b: {  	_ =	shalt  }
0x6c: {  	_ =	shalt  }
0x6d: {  	_ =	shalt  }
0x6e: {  	_ =	shalt  }
0x6f: {  	_ =	shalt  }
0x70: {  	_ =	shalt  }
0x71: {  	_ =	shalt  }
0x72: {  	_ =	shalt  }
0x73: {  	_ =	shalt  }
0x74: {  	_ =	shalt  }
0x75: {  	_ =	shalt  }
0x76: {  	_ =	shalt  }
0x77: {  	_ =	shalt  }
0x78: {  	_ =	shalt  }
0x79: {  	_ =	shalt  }
0x7a: {  	_ =	shalt  }
0x7b: {  	_ =	shalt  }
0x7c: {  	_ =	shalt  }
0x7d: {  	_ =	shalt  }
0x7e: {  	_ =	shalt  }
0x7f: {  	_ =	shalt  }
0x80: {  	_ =	shalt  }
0x81: {  	_ =	shalt  }
0x82: {  	_ =	shalt  }
0x83: {  	_ =	shalt  }
0x84: {  	_ =	shalt  }
0x85: {  	_ =	shalt  }
0x86: {  	_ =	shalt  }
0x87: {  	_ =	shalt  }
.Lfunc_end0:
.L_simem_size_0:
called_computation_lowered:
.L_overlay_start_0:
0x88: {  	s2 =	sld [smem:$0x3FD9]  }
0x89: {  	s3 =	sld [smem:$0x3FFE];
	_ =	sdelay $0x1  }
0x8a: {  	s1 =	srdreg.scid  }
0x8b: {  	s0 =	sand.u32 $0x1, s1  }
0x8c: {  	s16 =	sshll.u32 s0, $0xA;
	s2 =	sadd.s32 s3, s2  }
0x8d: {  	s2 =	sadd.s32 s2, s16  }
0x8e: {  	[smem:$0x3FC6] =	sst s2  }
0x8f: {  	_ = 	snop  }
0x90: {  	(tm) =	ssettm $0x1  }
0x91: {  	s17 =	sld [smem:$0x3FFB];
	_ =	sdelay $0x3  }
0x92: {  	_ =	strace s17  }
0x93: {  	s2 =	sld [smem:$0x3FFC];
	_ =	sdelay $0x3  }
0x94: {  	_ =	strace s2  }
0x95: {  	s2 =	sld [smem:$0x3FFD];
	_ =	sdelay $0x3  }
0x96: {  	_ =	strace s2  }
0x97: {  	_ =	strace $0x8FFFFFFF  }
0x98: {  	s18 =	sld [smem:$0x3FDB];
	_ =	sdelay $0x1  }
0x99: {  	s19 =	simm.s32 $_scs_section_size  }
0x9a: {  	s4 =	simm.s32 $_size__tile_overlayer_lowered;
	s5 =	simm.s32 $_tile_overlayer_lowered  }
0x9b: {  	s22 =	simm.s32 $0x1BFF;
	s21 =	sshll.u32 s5, $0x1;
	s2 =	sadd.s32 s19, s18  }
0x9c: {  	s6 =	simm.s32 $0x0;
	s20 =	sshll.u32 s4, $0x1;
	s4 =	sadd.s32 s21, s2  }
0x9d: {  	[timem:s6], [sflag:s22] =	dma.local [hbm:s4], s20  }
0x9e: {  	_ =	swait.ge [sflag:s22], s20  }
0x9f: {  	s3 =	ssub.s32 $0x0, s20;
	[sflag:s22] =	ssyncset.done $0x0  }
0xa0: {  	[sflag:s22] =	ssyncadd.s32 s3;
	_ =	sdelay $0x1  }
0xa1: {  	s23 =	simm.s32 $0x1B8B  }
0xa2: {  	_ =	swait.ge [sflag:s23], $0x1  }
0xa3: {  	[sflag:s23] =	ssyncset.done $0x0  }
0xa4: {  	s25 =	simm.s32 $0x1B8E;
	s24 =	sld [smem:$0x3FFE];
	[sflag:s23] =	ssyncadd.s32 $0xFFFFFFFF  }
0xa5: {  	s26 =	simm.s32 $execute0_lowered;
	[smem:$0x3FD2] =	sst s25  }
0xa6: {  	s4 =	sshll.u32 s26, $0x1;
	_ =	strace $0x80000046;
	[dreg:$0x1] =	wrdreg $0xFFFFFFFF  }
0xa7: {  	s28 =	simm.s32 $_size_execute0_lowered;
	s2 =	sadd.s32 s2, s4;
	[dreg:$0x0] =	wrdreg $0x0  }
0xa8: {  	s4 =	sshll.u32 s28, $0x1;
	[dreg:$0x2] =	wrdreg s2  }
0xa9: {  	[dreg:$0x3] =	wrdreg s4  }
0xaa: {  	[dreg:$0x4] =	wrdreg $0xC0  }
0xab: {  	_ =	task [dreg:s6], $0x5FFFF  }
0xac: {  	[dreg:$0x1] =	wrdreg $0xFFFFFFFF  }
0xad: {  	[dreg:$0x0] =	wrdreg $0x60  }
0xae: {  	[dreg:$0x2] =	wrdreg s24  }
0xaf: {  	[dreg:$0x3] =	wrdreg $0x9  }
0xb0: {  	_ =	task.clear_ibuf [dreg:s6], $0x4FFFF;
	_ =	strace $0x90000046  }
0xb1: {  	s29 =	simm.s32 $0x9;
	_ =	strace $0x80000048  }
0xb2: {  	_ =	swait.ge [sflag:s29], $0x1  }
0xb3: {  	[sflag:s29] =	ssyncadd.s32 $0xFFFFFFFF  }
0xb4: {  	_ =	strace $0x90000048  }
0xb5: {  	_ =	sfence  }
0xb6: {  	s30 =	sld [smem:$0x0];
	_ =	sdelay $0x2  }
0xb7: {  	s31 =	sshll.u32 s1, $0xD;
	s1 =	sshrl.u32 s1, $0x2  }
0xb8: {  	s3 =	sand.u32 $0x4000, s31;
	s1 =	sadd.s32 s1, s30  }
0xb9: {  	s0 =	sor.u32 s3, s0;
	s1 =	sshll.u32 s1, $0x11  }
0xba: {  	s0 =	sor.u32 s1, s0  }
0xbb: {  	s0 =	sadd.s32 $0x8F2B, s0  }
0xbc: {  	[sflag:s0] =	ssyncadd.remote.s32 $0x1  }
0xbd: {  	_ =	sfence.sel $0xFFFF  }
0xbe: {  	[dreg:$0x0] =	wrdreg $0xFFFFFFFF;
	(pc) =	sbr.abs _section_cstart, $3  }
0xbf: {  	[dreg:$0x1] =	wrdreg $0xFFFFFFFF  }
0xc0: {  	_ =	task.clear_ibuf [dreg:s6], $0x2FFFF;
	_ =	strace $0x9FFFFFFF  }
0xc1: {  	(tm) =	ssettm $0x7FFFFFFF  }
tec
execute0_lowered:
.L_overlay_start_1:
0x0: {  	(tag) =	ssettag $0x1  }
0x1: {  	s4 =	rddreg [dreg:$0x0];
	s2 =	simm.s32 $0x0;
	s0 =	srdreg.scid  }
0x2: {  	s8 =	stileid.u32;
	[smem:$0x7FF] =	sst s2;
	s1 =	sadd.s32 $0x1800, s4  }
0x3: {  	s0 =	sand.u32 $0x1, s0;
	s3 =	sshll.u32 s8, $0x1;
	s5 =	sadd.s32 $0x1000, s4  }
0x4: {  	s6 =	sadd.s32 $0x800, s4;
	s7 =	sadd.s32 $0x3800, s4;
	s8 =	sshrl.u32 s8, $0x2  }
0x5: {  	s9 =	sadd.s32 $0x3000, s4;
	_ =	strace $0x80000047;
	[dreg:$0x2] =	wrdreg s7  }
0x6: {  	s10 =	sadd.s32 $0x2800, s4;
	s3 =	sor.u32 s0, s3;
	[dreg:$0x3] =	wrdreg s9  }
0x7: {  	s21 =	sshll.u32 s8, $0xA;
	[dreg:$0x4] =	wrdreg s10;
	s8 =	sshll.u32 s8, $0x11  }
0x8: {  	s0 =	ssub.s32 $0x2, s0;
	s20 =	sshll.u32 s3, $0x7;
	s23 =	sshll.u32 s3, $0x4  }
0x9: {  	s22 =	sshrl.u32 s0, $0x1;
	s7 =	sand.u32 $0x380, s20;
	s3 =	sadd.s32 s1, s23  }
0xa: {  	s11 =	ssub.s32 s0, s22;
	s24 =	sadd.s32 s5, s23;
	[dreg:$0x5] =	wrdreg s3  }
0xb: {  	s25 =	sor.u32 $0x200, s23;
	s26 =	sadd.s32 s6, s23;
	[dreg:$0x6] =	wrdreg s24  }
0xc: {  	s22 =	sadd.s32 $0x2000, s4;
	s9 =	sor.u32 s21, s7;
	[dreg:$0x7] =	wrdreg s26  }
0xd: {  	s7 =	sor.u32 s8, s7;
	s8 =	sadd.s32 s4, s23;
	[dreg:$0x15] =	wrdreg s22  }
0xe: {  	s12 =	sadd.s32 s1, s25;
	[dreg:$0x8] =	wrdreg s8  }
0xf: {  	s13 =	sadd.s32 s5, s25;
	[dreg:$0x9] =	wrdreg s12  }
0x10: {  	s14 =	sadd.s32 s6, s25;
	[dreg:$0xa] =	wrdreg s13  }
0x11: {  	s15 =	sor.u32 $0x400, s23;
	s3 =	sadd.s32 s4, s25;
	[dreg:$0xb] =	wrdreg s14  }
0x12: {  	s16 =	sadd.s32 s1, s15;
	[dreg:$0xc] =	wrdreg s3  }
0x13: {  	s17 =	sadd.s32 s5, s15;
	[dreg:$0xd] =	wrdreg s16  }
0x14: {  	s18 =	sadd.s32 s6, s15;
	[dreg:$0xe] =	wrdreg s17  }
0x15: {  	s0 =	sor.u32 $0x600, s23;
	s19 =	sadd.s32 s4, s15;
	[dreg:$0xf] =	wrdreg s18  }
0x16: {  	s1 =	sadd.s32 s1, s0;
	[dreg:$0x10] =	wrdreg s19  }
0x17: {  	v0 =	vimm.s32 $0xEFCDAB89;
	v1 =	vimm.s32 $0x67452301;
	s28 =	sadd.s32 $0x3C00, s4;
	s20 =	sadd.s32 s5, s0;
	[dreg:$0x11] =	wrdreg s1  }
0x18: {  	v2 =	vimm.s32 $0xDCFE98BA;
	v3 =	vimm.s32 $0x54761032;
	s29 =	sadd.s32 $0x3400, s4;
	s21 =	sadd.s32 s6, s0;
	[dreg:$0x12] =	wrdreg s20  }
0x19: {  	v4 =	vimm.s32 $0xBA98FEDC;
	v5 =	vimm.s32 $0x32107654;
	s30 =	sadd.s32 $0x2C00, s4;
	s0 =	sadd.s32 s4, s0;
	[dreg:$0x13] =	wrdreg s21  }
0x1a: {  	v6 =	vimm.s32 $0xFEDCBA98;
	v7 =	vimm.s32 $0x76543210;
	s31 =	sadd.s32 $0x2400, s4;
	s23 =	sadd.s32 $0x3A00, s4;
	[dreg:$0x14] =	wrdreg s0  }
0x1b: {  	v0 =	vunpack.c.l.s4.s8 v0;
	v1 =	vunpack.c.l.s4.s8 v1;
	v2 =	vunpack.c.l.s4.s8 v2;
	s24 =	sadd.s32 $0x3200, s4;
	s25 =	sadd.s32 $0x2A00, s4;
	[dreg:$0x16] =	wrdreg s23  }
0x1c: {  	v3 =	vunpack.c.l.s4.s8 v3;
	v4 =	vunpack.c.l.s4.s8 v4;
	v5 =	vunpack.c.l.s4.s8 v5;
	s26 =	sadd.s32 $0x2200, s4;
	s15 =	simm.s32 $0x4000;
	[dreg:$0x17] =	wrdreg s24  }
0x1d: {  	v6 =	vunpack.c.l.s4.s8 v6;
	v0 =	vunpack.c.0.s8.s32 v0;
	v1 =	vunpack.c.0.s8.s32 v1;
	s22 =	simm.s32 $0x0;
	s9 =	sshrl.u32 s9, $0x3;
	[dreg:$0x18] =	wrdreg s25  }
0x1e: {  	v7 =	vunpack.c.l.s4.s8 v7;
	v2 =	vunpack.c.0.s8.s32 v2;
	v3 =	vunpack.c.0.s8.s32 v3;
	s7 =	sshrl.u32 s7, $0x3;
	[dreg:$0x19] =	wrdreg s26;
	s0 =	sadd.s32 $0x3E00, s4  }
0x1f: {  	v4 =	vunpack.c.0.s8.s32 v4;
	v5 =	vunpack.c.0.s8.s32 v5;
	v0 =	vcombine.low v1, v0;
	s1 =	sadd.s32 $0x3600, s4;
	s3 =	sadd.s32 $0x2E00, s4;
	s12 =	simm.s32 $0x1000  }
0x20: {  	v60 =	vunpack.c.0.s8.s32 v6;
	v2 =	vcombine.low v3, v2;
	s13 =	simm.s32 $0x2000;
	s14 =	simm.s32 $0x3000;
	s16 =	simm.s32 $0x4080  }
0x21: {  	v3 =	vcombine.low v5, v4;
	v4 =	vunpack.c.0.s8.s32 v7;
	s17 =	simm.s32 $0x4100;
	s18 =	simm.s32 $0x4180;
	s19 =	simm.s32 $0x80;
	v0 =	vand.u32 $0xF, v0  }
0x22: {  	v61 =	vand.u32 $0xF, v60;
	s20 =	simm.s32 $0x400;
	s21 =	simm.s32 $0x4200;
	s10 =	sadd.s32 s7, s4;
	v62 =	vand.u32 $0xF, v2;
	[tilespmem:$0x1FFC0] =	vst v0  }
0x23: {  	s9 =	sadd.s32 s9, s4;
	s4 =	sadd.s32 $0x2600, s4;
	v63 =	vand.u32 $0xF, v3;
	s5 =	sadd.s32 $0x4200, s10;
	[tilespmem:$0x1FFD0] =	vst v62;
	v0 =	vcombine.low v61, v4  }
0x24: {  	s6 =	sadd.s32 $0x5200, s10;
	s7 =	sadd.s32 $0x6200, s10;
	s8 =	sadd.s32 $0x7200, s10;
	[tilespmem:$0x1FFE0] =	vst v63  }
0x25: {  	v5 =	vimm.f32 $+Inf;
	s9 =	sadd.s32 $0x4000, s9;
	s10 =	smax.u32 s11, $0x1;
	s11 =	simm.s32 $0x1;
	[tilespmem:$0x1FFF0] =	vst v0  }
.LBB2_1:
0x26: {  	s23 =	rddreg [dreg:$0x2]  }
0x27: {  	[tilespmem:s2], [sflag:$0x1] =	stream.linear.gather [hbm4b:s23+s2], $0x1000, $0x38;
	[tilespmem:$0x5280] =	vst v63  }
0x28: {  	_ =	swait.ge [sflag:s11], $0x1000  }
0x29: {  	[sflag:s11] =	ssyncset.done $0x0  }
0x2a: {  	s26 =	rddreg [dreg:$0x3];
	[sflag:s11] =	ssyncadd.s32 $0xFFFFF000  }
0x2b: {  	[tilespmem:s12], [sflag:$0x1] =	stream.linear.gather [hbm4b:s26+s2], $0x1000, $0x38;
	[tilespmem:$0x5280] =	vst v63  }
0x2c: {  	_ =	swait.ge [sflag:s11], $0x1000  }
0x2d: {  	[sflag:s11] =	ssyncset.done $0x0  }
0x2e: {  	s24 =	rddreg [dreg:$0x4];
	[sflag:s11] =	ssyncadd.s32 $0xFFFFF000  }
0x2f: {  	[tilespmem:s13], [sflag:$0x1] =	stream.linear.gather [hbm4b:s24+s2], $0x1000, $0x38;
	[tilespmem:$0x5280] =	vst v63  }
0x30: {  	_ =	swait.ge [sflag:s11], $0x1000  }
0x31: {  	[sflag:s11] =	ssyncset.done $0x0  }
0x32: {  	s25 =	rddreg [dreg:$0x15];
	[sflag:s11] =	ssyncadd.s32 $0xFFFFF000  }
0x33: {  	[tilespmem:s14], [sflag:$0x1] =	stream.linear.gather [hbm4b:s25+s2], $0x1000, $0x38;
	[tilespmem:$0x5280] =	vst v63  }
0x34: {  	_ =	swait.ge [sflag:s11], $0x1000  }
0x35: {  	[sflag:s11] =	ssyncset.done $0x0  }
0x36: {  	s26 =	rddreg [dreg:$0x5];
	[sflag:s11] =	ssyncadd.s32 $0xFFFFF000  }
0x37: {  	[tilespmem:s15], [sflag:$0x1] =	stream.linear.gather [hbm4b:s26+s2], $0x80, $0x38;
	[tilespmem:$0x5280] =	vst v63  }
0x38: {  	_ =	swait.ge [sflag:s11], $0x80  }
0x39: {  	[sflag:s11] =	ssyncset.done $0x0  }
0x3a: {  	s24 =	rddreg [dreg:$0x6];
	[sflag:s11] =	ssyncadd.s32 $0xFFFFFF80  }
0x3b: {  	[tilespmem:s16], [sflag:$0x1] =	stream.linear.gather [hbm4b:s24+s2], $0x80, $0x38;
	[tilespmem:$0x5280] =	vst v63  }
0x3c: {  	_ =	swait.ge [sflag:s11], $0x80  }
0x3d: {  	[sflag:s11] =	ssyncset.done $0x0  }
0x3e: {  	s25 =	rddreg [dreg:$0x7];
	[sflag:s11] =	ssyncadd.s32 $0xFFFFFF80  }
0x3f: {  	[tilespmem:s17], [sflag:$0x1] =	stream.linear.gather [hbm4b:s25+s2], $0x80, $0x38;
	[tilespmem:$0x5280] =	vst v63  }
0x40: {  	_ =	swait.ge [sflag:s11], $0x80  }
0x41: {  	[sflag:s11] =	ssyncset.done $0x0  }
0x42: {  	s26 =	rddreg [dreg:$0x8];
	[sflag:s11] =	ssyncadd.s32 $0xFFFFFF80  }
0x43: {  	[tilespmem:s18], [sflag:$0x1] =	stream.linear.gather [hbm4b:s26+s2], $0x80, $0x38;
	[tilespmem:$0x5280] =	vst v63  }
0x44: {  	_ =	swait.ge [sflag:s11], $0x80  }
0x45: {  	[sflag:s11] =	ssyncset.done $0x0  }
0x46: {  	s23 =	simm.s32 $0x0;
	[sflag:s11] =	ssyncadd.s32 $0xFFFFFF80  }
.LBB2_2:
0x47: {  	p0 =	sne.s32 s23, $0x3FC0  }
.Ltmp0:
0x48: {  	_ = 	snop;
	(pc) =	sbr.rel @p0 .LBB2_2-.Ltmp0, $3  }
0x49: {  	_ =	sdelay $0x1  }
0x4a: {  	s24 =	sshra.s32 s23, $0x2  }
0x4b: {  	s23 =	sadd.s32 $0x40, s23;
	[tilespmem:s24+$0x4200] =	vst v5  }
0x4c: {  	s23 =	simm.s32 $0x0;
	v1 =	vimm.f32 $0.0e+00  }
.LBB2_4:
0x4d: {  	s24 =	sshll.u32 s23, $0x4  }
0x4e: {  	[tilespmem:$0x1FC20] =	vst v1;
	v1 =	vld [tilespmem:s24+$0x4080];
	_ =	sdelay $0x1  }
0x4f: {  	v2 =	vld [tilespmem:s24+$0x4100];
	_ =	sdelay $0x1  }
0x50: {  	v3 =	vld [tilespmem:s24+$0x4180]  }
0x51: {  	v4 =	vbroadcast v1, $0x0  }
0x52: {  	v0 =	vld [tilespmem:s24+$0x4000]  }
0x53: {  	[tilespmem:$0x1FC30] =	vst v4;
	v4 =	vbroadcast v2, $0x0;
	_ =	sdelay $0x1  }
0x54: {  	[tilespmem:$0x1FC40] =	vst v4;
	v4 =	vbroadcast v3, $0x0;
	_ =	sdelay $0x1  }
0x55: {  	[tilespmem:$0x1FC50] =	vst v4;
	v4 =	vbroadcast v0, $0x1;
	_ =	sdelay $0x1  }
0x56: {  	[tilespmem:$0x1FC60] =	vst v4;
	v4 =	vbroadcast v1, $0x1;
	_ =	sdelay $0x1  }
0x57: {  	[tilespmem:$0x1FC70] =	vst v4;
	v4 =	vbroadcast v2, $0x1;
	_ =	sdelay $0x1  }
0x58: {  	[tilespmem:$0x1FC80] =	vst v4;
	v4 =	vbroadcast v3, $0x1;
	_ =	sdelay $0x1  }
0x59: {  	[tilespmem:$0x1FC90] =	vst v4;
	v4 =	vbroadcast v1, $0x2;
	_ =	sdelay $0x1  }
0x5a: {  	[tilespmem:$0x1FCA0] =	vst v4;
	v4 =	vbroadcast v2, $0x2;
	_ =	sdelay $0x1  }
0x5b: {  	[tilespmem:$0x1FCB0] =	vst v4;
	v4 =	vbroadcast v3, $0x2;
	_ =	sdelay $0x1  }
0x5c: {  	[tilespmem:$0x1FCC0] =	vst v4;
	v4 =	vbroadcast v1, $0x3;
	_ =	sdelay $0x1  }
0x5d: {  	[tilespmem:$0x1FCD0] =	vst v4;
	v4 =	vbroadcast v2, $0x3  }
0x5e: {  	v9 =	vbroadcast v2, $0xE  }
0x5f: {  	[tilespmem:$0x1FCE0] =	vst v4;
	v4 =	vbroadcast v3, $0x3  }
0x60: {  	v32 =	vbroadcast v2, $0xD;
	[tilespmem:$0x1FE20] =	vst v9  }
0x61: {  	[tilespmem:$0x1FCF0] =	vst v4;
	v4 =	vbroadcast v1, $0x4  }
0x62: {  	v5 =	vbroadcast v0, $0x0;
	v24 =	vbroadcast v2, $0xC;
	[tilespmem:$0x1FE40] =	vst v32  }
0x63: {  	v7 =	vbroadcast v0, $0x2;
	[tilespmem:$0x1FD00] =	vst v4;
	v4 =	vbroadcast v2, $0x4  }
0x64: {  	v10 =	vbroadcast v0, $0x3;
	v34 =	vbroadcast v1, $0xE;
	[tilespmem:$0x1FE60] =	vst v24  }
0x65: {  	v11 =	vbroadcast v0, $0x4;
	[tilespmem:$0x1FD10] =	vst v4;
	v4 =	vbroadcast v3, $0x4  }
0x66: {  	v6 =	vbroadcast v0, $0x5;
	v28 =	vbroadcast v2, $0xB;
	[tilespmem:$0x1FE70] =	vst v34  }
0x67: {  	v8 =	vbroadcast v0, $0x6;
	[tilespmem:$0x1FD20] =	vst v4;
	v4 =	vbroadcast v1, $0x5  }
0x68: {  	v12 =	vbroadcast v1, $0x6;
	v31 =	vbroadcast v1, $0xD;
	[tilespmem:$0x1FE80] =	vst v28  }
0x69: {  	v13 =	vbroadcast v0, $0x7;
	[tilespmem:$0x1FD30] =	vst v4;
	v4 =	vbroadcast v2, $0x5  }
0x6a: {  	v14 =	vbroadcast v1, $0x7;
	v33 =	vbroadcast v0, $0xE;
	[tilespmem:$0x1FE90] =	vst v31  }
0x6b: {  	v15 =	vbroadcast v0, $0x8;
	[tilespmem:$0x1FD40] =	vst v4;
	v4 =	vbroadcast v3, $0x5  }
0x6c: {  	v16 =	vbroadcast v1, $0x8;
	v25 =	vbroadcast v2, $0xA;
	[tilespmem:$0x1FEA0] =	vst v33  }
0x6d: {  	v17 =	vbroadcast v2, $0x8;
	[tilespmem:$0x1FD50] =	vst v4;
	v4 =	vbroadcast v2, $0x6  }
0x6e: {  	s24 =	simm.s32 $0x0;
	v19 =	vbroadcast v0, $0x9;
	v36 =	vbroadcast v0, $0xF;
	[tilespmem:$0x1FEB0] =	vst v25  }
0x6f: {  	v18 =	vld [tilespmem:s24+$0x2000];
	v20 =	vbroadcast v1, $0x9;
	[tilespmem:$0x1FD60] =	vst v4;
	v4 =	vbroadcast v3, $0x6  }
0x70: {  	v21 =	vbroadcast v2, $0x9;
	v30 =	vbroadcast v1, $0xC;
	[tilespmem:$0x1FEC0] =	vst v36  }
0x71: {  	v37 =	vld [tilespmem:s24+$0x1000];
	v22 =	vbroadcast v0, $0xA;
	[tilespmem:$0x1FD70] =	vst v4;
	v4 =	vbroadcast v2, $0x7  }
0x72: {  	v23 =	vbroadcast v1, $0xA;
	v29 =	vbroadcast v0, $0xC;
	[tilespmem:$0x1FED0] =	vst v30  }
0x73: {  	v26 =	vbroadcast v0, $0xB;
	[tilespmem:$0x1FD80] =	vst v4;
	v4 =	vbroadcast v3, $0x7  }
0x74: {  	v27 =	vbroadcast v1, $0xB;
	v51 =	vmul.f32 v18, v9;
	[tilespmem:$0x1FEE0] =	vst v29  }
0x75: {  	v62 =	vmul.f32 v18, v32;
	[tilespmem:$0x1FD90] =	vst v4;
	v4 =	vbroadcast v3, $0x8  }
0x76: {  	v24 =	vmul.f32 v18, v24;
	v42 =	vmul.f32 v37, v34;
	[tilespmem:$0x1FEF0] =	vst v21  }
0x77: {  	v34 =	vmul.f32 v18, v28;
	[tilespmem:$0x1FDA0] =	vst v4;
	v4 =	vbroadcast v3, $0x9  }
0x78: {  	v43 =	vmul.f32 v37, v31;
	v35 =	vmul.f32 v18, v25;
	[tilespmem:$0x1FF30] =	vst v17  }
0x79: {  	v40 =	vld [tilespmem:s24+$0x0];
	v44 =	vmul.f32 v37, v30;
	[tilespmem:$0x1FDB0] =	vst v4;
	v4 =	vbroadcast v3, $0xA  }
0x7a: {  	v45 =	vmul.f32 v37, v27;
	v38 =	vmul.f32 v18, v17;
	[tilespmem:$0x1FF70] =	vst v20  }
0x7b: {  	v60 =	vimm.f32 $+Inf;
	v48 =	vmul.f32 v37, v23;
	[tilespmem:$0x1FDC0] =	vst v4;
	v4 =	vbroadcast v3, $0xB  }
0x7c: {  	v57 =	vimm.f32 $+Inf;
	v49 =	vmul.f32 v37, v20;
	[tilespmem:$0x1FF90] =	vst v16;
	v53 =	vmul.f32 v37, v16  }
0x7d: {  	v52 =	vimm.f32 $+Inf;
	v50 =	vmul.f32 v37, v14;
	[tilespmem:$0x1FDD0] =	vst v4;
	v4 =	vbroadcast v3, $0xC  }
0x7e: {  	v46 =	vimm.f32 $+Inf;
	[tilespmem:$0x1FFA0] =	vst v8;
	v54 =	vmul.f32 v37, v12;
	v16 =	vmul.f32 v40, v11  }
0x7f: {  	v41 =	vimm.f32 $+Inf;
	v47 =	vld [tilespmem:s24+$0x3000];
	[tilespmem:$0x1FDE0] =	vst v4;
	v4 =	vbroadcast v0, $0xD;
	v0 =	vbroadcast v3, $0xD  }
0x80: {  	[tilespmem:$0x1FFB0] =	vst v14;
	v20 =	vmul.f32 v40, v7;
	v17 =	vimm.f32 $+Inf;
	v1 =	vbroadcast v1, $0xF  }
0x81: {  	v14 =	vimm.f32 $+Inf;
	v2 =	vbroadcast v2, $0xF;
	[tilespmem:$0x1FDF0] =	vst v0;
	v0 =	vbroadcast v3, $0xE  }
0x82: {  	v28 =	vmovc v7;
	v7 =	vimm.f32 $+Inf;
	[tilespmem:$0x1FE50] =	vst v1;
	v39 =	vmul.f32 v37, v1;
	v1 =	vmul.f32 v40, v36  }
0x83: {  	v30 =	vmovc v11;
	v11 =	vimm.f32 $+Inf;
	v9 =	vmul.f32 v18, v2;
	[tilespmem:$0x1FE00] =	vst v0;
	v0 =	vbroadcast v3, $0xF  }
0x84: {  	v56 =	vadd.f32 v47, v1;
	[tilespmem:$0x1FE30] =	vst v2;
	v2 =	vmul.f32 v40, v8;
	v1 =	vmul.f32 v40, v4  }
0x85: {  	v36 =	vmul.f32 v18, v21;
	v21 =	vimm.f32 $+Inf;
	[tilespmem:$0x1FE10] =	vst v0;
	v0 =	vmul.f32 v40, v33  }
0x86: {  	v8 =	vmul.f32 v40, v6;
	[tilespmem:$0x1FF00] =	vst v4;
	v4 =	vadd.f32 v47, v2;
	v59 =	vadd.f32 v47, v1  }
0x87: {  	[tilespmem:$0x1FF10] =	vst v27;
	v1 =	vmul.f32 v40, v26;
	v55 =	vadd.f32 v47, v0;
	v0 =	vmul.f32 v40, v29  }
0x88: {  	[tilespmem:$0x1FF20] =	vst v22;
	v32 =	vmovc v13;
	v2 =	vimm.f32 $+Inf;
	v3 =	vmul.f32 v40, v13;
	v13 =	vimm.f32 $+Inf  }
0x89: {  	[tilespmem:$0x1FF80] =	vst v19;
	v63 =	vadd.f32 v47, v1;
	v58 =	vadd.f32 v47, v0;
	v0 =	vmul.f32 v40, v22  }
0x8a: {  	v31 =	vmovc v6;
	v1 =	vmul.f32 v40, v19;
	v6 =	vadd.f32 v47, v3;
	v19 =	vmul.f32 v40, v5  }
0x8b: {  	[tilespmem:$0x1FF40] =	vst v26;
	v3 =	vimm.f32 $+Inf;
	v61 =	vadd.f32 v47, v0;
	v0 =	vmul.f32 v40, v15  }
0x8c: {  	[tilespmem:$0x1FF50] =	vst v23;
	v27 =	vmovc v5;
	v33 =	vmovc v12;
	v5 =	vimm.f32 $+Inf;
	v12 =	vimm.f32 $+Inf;
	v1 =	vadd.f32 v47, v1  }
0x8d: {  	s25 =	simm.s32 $0x40;
	[tilespmem:$0x1FF60] =	vst v15;
	v29 =	vmovc v10;
	v15 =	vmul.f32 v40, v10;
	v10 =	vimm.f32 $+Inf;
	v0 =	vadd.f32 v47, v0  }
.LBB2_5:
0x8e: {  	v25 =	vld [tilespmem:$0x1FC40];
	_ =	sdelay $0x4  }
0x8f: {  	v42 =	vadd.f32 v55, v42;
	v55 =	vmul.f32 v18, v25;
	v25 =	vld [tilespmem:$0x1FCD0];
	_ =	sdelay $0x4  }
0x90: {  	v39 =	vadd.f32 v56, v39;
	v56 =	vmul.f32 v37, v25;
	v25 =	vld [tilespmem:$0x1FC30];
	_ =	sdelay $0x4  }
0x91: {  	v45 =	vadd.f32 v63, v45;
	v63 =	vmul.f32 v37, v25;
	v25 =	vld [tilespmem:$0x1FC70];
	_ =	sdelay $0x4  }
0x92: {  	v0 =	vadd.f32 v0, v53;
	v53 =	vmul.f32 v37, v25;
	v25 =	vld [tilespmem:$0x1FCA0];
	_ =	sdelay $0x4  }
0x93: {  	v4 =	vadd.f32 v4, v54;
	v54 =	vmul.f32 v37, v25;
	v25 =	vld [tilespmem:$0x1FC80];
	_ =	sdelay $0x4  }
0x94: {  	v44 =	vadd.f32 v58, v44;
	v58 =	vmul.f32 v18, v25;
	v25 =	vld [tilespmem:$0x1FCB0];
	_ =	sdelay $0x1  }
0x95: {  	v22 =	vld [tilespmem:$0x1FC60];
	_ =	sdelay $0x1  }
0x96: {  	v23 =	vld [tilespmem:$0x1FD30]  }
0x97: {  	v43 =	vadd.f32 v59, v43;
	v59 =	vmul.f32 v18, v25;
	v25 =	vld [tilespmem:$0x1FD80];
	_ =	sdelay $0x1  }
0x98: {  	v16 =	vadd.f32 v47, v16;
	v8 =	vadd.f32 v47, v8;
	v40 =	vmul.f32 v40, v22;
	v22 =	vld [tilespmem:$0x1FCE0]  }
0x99: {  	v20 =	vadd.f32 v47, v20;
	v15 =	vadd.f32 v47, v15  }
0x9a: {  	v19 =	vadd.f32 v47, v19;
	v40 =	vadd.f32 v47, v40;
	v47 =	vmul.f32 v37, v23;
	v23 =	vld [tilespmem:$0x1FD00]  }
0x9b: {  	v48 =	vadd.f32 v61, v48;
	v61 =	vmul.f32 v18, v25;
	v25 =	vld [tilespmem:$0x1FC50]  }
0x9c: {  	v19 =	vadd.f32 v19, v63  }
0x9d: {  	v22 =	vmul.f32 v18, v22;
	v15 =	vadd.f32 v15, v56  }
0x9e: {  	v19 =	vadd.f32 v19, v55  }
0x9f: {  	v23 =	vmul.f32 v37, v23;
	v15 =	vadd.f32 v15, v22;
	v22 =	vld [tilespmem:$0x1FD10]  }
0xa0: {  	v19 =	vadd.f32 v19, v25;
	v25 =	vld [tilespmem:$0x1FC90]  }
0xa1: {  	v16 =	vadd.f32 v16, v23;
	v23 =	vadd.f32 v40, v53;
	_ =	sdelay $0x1  }
0xa2: {  	v23 =	vadd.f32 v23, v58  }
0xa3: {  	v22 =	vmul.f32 v18, v22  }
0xa4: {  	v23 =	vadd.f32 v23, v25;
	v25 =	vld [tilespmem:$0x1FD40]  }
0xa5: {  	v16 =	vadd.f32 v16, v22;
	v22 =	vld [tilespmem:$0x1FD60];
	_ =	sdelay $0x3  }
0xa6: {  	v63 =	vmul.f32 v18, v25;
	v25 =	vld [tilespmem:$0x1FCC0]  }
0xa7: {  	v20 =	vadd.f32 v20, v54;
	v18 =	vmul.f32 v18, v22;
	v22 =	vld [tilespmem:$0x1FCF0];
	_ =	sdelay $0x1  }
0xa8: {  	v20 =	vadd.f32 v20, v59;
	_ =	sdelay $0x1  }
0xa9: {  	v20 =	vadd.f32 v20, v25  }
0xaa: {  	v15 =	vadd.f32 v15, v22;
	v22 =	vmin.f32 v19, v23  }
0xab: {  	v4 =	vadd.f32 v4, v18;
	v18 =	vmin.f32 v22, v20;
	v22 =	vld [tilespmem:$0x1FD50]  }
0xac: {  	v8 =	vadd.f32 v8, v47;
	_ =	sdelay $0x1  }
0xad: {  	v8 =	vadd.f32 v8, v63;
	_ =	sdelay $0x1  }
0xae: {  	v8 =	vadd.f32 v8, v22;
	v22 =	vld [tilespmem:$0x1FD70];
	_ =	sdelay $0x1  }
0xaf: {  	v25 =	vld [tilespmem:$0x1FD20];
	_ =	sdelay $0x2  }
0xb0: {  	v4 =	vadd.f32 v4, v22;
	v22 =	vld [tilespmem:$0x1FD90]  }
0xb1: {  	v6 =	vadd.f32 v6, v50  }
0xb2: {  	v16 =	vadd.f32 v16, v25;
	v25 =	vld [tilespmem:$0x1FDB0]  }
0xb3: {  	v1 =	vadd.f32 v1, v49;
	v6 =	vadd.f32 v6, v61;
	_ =	sdelay $0x1  }
0xb4: {  	v1 =	vadd.f32 v1, v36;
	v6 =	vadd.f32 v6, v22;
	v22 =	vld [tilespmem:$0x1FDA0];
	_ =	sdelay $0x1  }
0xb5: {  	v1 =	vadd.f32 v1, v25;
	v25 =	vld [tilespmem:$0x1FDC0]  }
0xb6: {  	v0 =	vadd.f32 v0, v38;
	_ =	sdelay $0x1  }
0xb7: {  	v0 =	vadd.f32 v0, v22;
	v22 =	vadd.f32 v48, v35;
	_ =	sdelay $0x1  }
0xb8: {  	v22 =	vadd.f32 v22, v25;
	v25 =	vld [tilespmem:$0x1FDD0];
	_ =	sdelay $0x2  }
0xb9: {  	v34 =	vadd.f32 v45, v34;
	_ =	sdelay $0x1  }
0xba: {  	v50 =	vadd.f32 v34, v25;
	v25 =	vld [tilespmem:$0x1FDE0];
	_ =	sdelay $0x2  }
0xbb: {  	v24 =	vadd.f32 v44, v24;
	_ =	sdelay $0x1  }
0xbc: {  	v54 =	vadd.f32 v24, v25;
	v25 =	vld [tilespmem:$0x1FDF0]  }
0xbd: {  	v18 =	vmin.f32 v18, v15  }
0xbe: {  	v18 =	vmin.f32 v18, v16  }
0xbf: {  	v44 =	vadd.f32 v43, v62;
	v18 =	vmin.f32 v18, v8  }
0xc0: {  	v18 =	vmin.f32 v18, v4  }
0xc1: {  	v18 =	vmin.f32 v18, v6;
	v55 =	vadd.f32 v44, v25;
	v25 =	vld [tilespmem:$0x1FE00]  }
0xc2: {  	v21 =	vmin.f32 v21, v19;
	v19 =	vld [tilespmem:$0x1FE10];
	v40 =	vmin.f32 v18, v0  }
0xc3: {  	v35 =	vmin.f32 v40, v1  }
0xc4: {  	v35 =	vmin.f32 v35, v22;
	v24 =	vadd.f32 v42, v51  }
0xc5: {  	s26 =	sshra.s32 s25, $0x2;
	v9 =	vadd.f32 v39, v9;
	v47 =	vld [tilespmem:s24+$0x4200];
	v45 =	vmin.f32 v35, v50  }
0xc6: {  	v37 =	vld [tilespmem:s26+$0x1000];
	v56 =	vadd.f32 v24, v25;
	v24 =	vmin.f32 v45, v54  }
0xc7: {  	v3 =	vmin.f32 v3, v20;
	v20 =	vld [tilespmem:$0x1FE40];
	v19 =	vadd.f32 v9, v19;
	v9 =	vmin.f32 v24, v55  }
0xc8: {  	v7 =	vmin.f32 v7, v23;
	v60 =	vmin.f32 v60, v8;
	v8 =	vld [tilespmem:$0x1FEB0];
	v23 =	vmin.f32 v9, v56  }
0xc9: {  	v2 =	vmin.f32 v2, v15;
	v18 =	vld [tilespmem:s26+$0x2000];
	v15 =	vmin.f32 v23, v19  }
0xca: {  	v40 =	vld [tilespmem:s26+$0x0];
	v15 =	vmin.f32 v47, v15  }
0xcb: {  	[tilespmem:s24+$0x4200] =	vst v15;
	v15 =	vld [tilespmem:$0x1FE80];
	_ =	sdelay $0x2  }
0xcc: {  	v62 =	vmul.f32 v18, v20;
	v20 =	vld [tilespmem:$0x1FE50]  }
0xcd: {  	v35 =	vmul.f32 v18, v8;
	v8 =	vld [tilespmem:$0x1FEC0]  }
0xce: {  	v34 =	vmul.f32 v18, v15;
	v15 =	vld [tilespmem:$0x1FE90];
	_ =	sdelay $0x3  }
0xcf: {  	v39 =	vmul.f32 v37, v20;
	v20 =	vld [tilespmem:$0x1FE60]  }
0xd0: {  	v43 =	vmul.f32 v37, v15;
	v15 =	vmul.f32 v40, v8;
	v8 =	vld [tilespmem:$0x1FF90];
	_ =	sdelay $0x3  }
0xd1: {  	v24 =	vmul.f32 v18, v20;
	v20 =	vld [tilespmem:$0x1FE70]  }
0xd2: {  	v53 =	vmul.f32 v37, v8;
	v8 =	vld [tilespmem:$0x1FF20]  }
0xd3: {  	v52 =	vmin.f32 v52, v6;
	v6 =	vld [tilespmem:$0x1FEF0];
	_ =	sdelay $0x2  }
0xd4: {  	v46 =	vmin.f32 v46, v0;
	v0 =	vld [tilespmem:$0x1FF30]  }
0xd5: {  	v42 =	vmul.f32 v37, v20;
	v20 =	vmul.f32 v40, v8;
	v8 =	vld [tilespmem:$0x1FFB0]  }
0xd6: {  	v36 =	vmul.f32 v18, v6;
	v6 =	vld [tilespmem:$0x1FF10]  }
0xd7: {  	v41 =	vmin.f32 v41, v1;
	v1 =	vld [tilespmem:$0x1FF50]  }
0xd8: {  	v57 =	vmin.f32 v57, v4;
	v4 =	vld [tilespmem:$0x1FED0]  }
0xd9: {  	v38 =	vmul.f32 v18, v0;
	v0 =	vld [tilespmem:$0x1FF00]  }
0xda: {  	v14 =	vmin.f32 v14, v50;
	v50 =	vmul.f32 v37, v8;
	v8 =	vld [tilespmem:$0x1FF80]  }
0xdb: {  	v45 =	vmul.f32 v37, v6;
	v6 =	vld [tilespmem:$0x1FF70]  }
0xdc: {  	v48 =	vmul.f32 v37, v1;
	v1 =	vld [tilespmem:$0x1FEE0]  }
0xdd: {  	v44 =	vmul.f32 v37, v4;
	v4 =	vld [tilespmem:$0x1FEA0]  }
0xde: {  	v9 =	vld [tilespmem:$0x1FE20]  }
0xdf: {  	v17 =	vmin.f32 v17, v22;
	v22 =	vmul.f32 v40, v8;
	v8 =	vld [tilespmem:$0x1FF60]  }
0xe0: {  	s24 =	smov.u32 s26;
	v49 =	vmul.f32 v37, v6;
	v6 =	vld [tilespmem:$0x1FF40]  }
0xe1: {  	v26 =	vmul.f32 v40, v32;
	v47 =	vld [tilespmem:s24+$0x3000]  }
0xe2: {  	v5 =	vmin.f32 v5, v16;
	v16 =	vmul.f32 v40, v30;
	v0 =	vmul.f32 v40, v0  }
0xe3: {  	v1 =	vmul.f32 v40, v1;
	v51 =	vmul.f32 v18, v9;
	v9 =	vld [tilespmem:$0x1FE30]  }
0xe4: {  	v10 =	vmin.f32 v10, v19;
	v4 =	vmul.f32 v40, v4;
	v23 =	vmul.f32 v40, v8;
	v8 =	vld [tilespmem:$0x1FFA0]  }
0xe5: {  	v13 =	vmin.f32 v13, v54;
	v12 =	vmin.f32 v12, v55;
	v54 =	vmul.f32 v37, v33  }
0xe6: {  	p0 =	sne.s32 s25, $0x3FC0;
	v11 =	vmin.f32 v11, v56;
	v6 =	vmul.f32 v40, v6;
	v55 =	vadd.f32 v47, v4  }
.Ltmp1:
0xe7: {  	v19 =	vmul.f32 v40, v27;
	v58 =	vadd.f32 v47, v1;
	v59 =	vadd.f32 v47, v0;
	(pc) =	sbr.rel @p0 .LBB2_5-.Ltmp1, $4  }
0xe8: {  	v9 =	vmul.f32 v18, v9;
	v63 =	vadd.f32 v47, v6;
	v6 =	vadd.f32 v47, v26  }
0xe9: {  	v56 =	vadd.f32 v47, v15;
	v15 =	vmul.f32 v40, v29;
	v25 =	vmul.f32 v40, v8  }
0xea: {  	v61 =	vadd.f32 v47, v20;
	v20 =	vmul.f32 v40, v28;
	v1 =	vadd.f32 v47, v22  }
0xeb: {  	s25 =	sadd.s32 $0x40, s25;
	v0 =	vadd.f32 v47, v23;
	v8 =	vmul.f32 v40, v31;
	v4 =	vadd.f32 v47, v25  }
0xec: {  	v22 =	vld [tilespmem:$0x1FC60]  }
0xed: {  	v30 =	vld [tilespmem:$0x1FD30]  }
0xee: {  	v31 =	vld [tilespmem:$0x1FD00]  }
0xef: {  	v32 =	vld [tilespmem:$0x1FC30]  }
0xf0: {  	v16 =	vadd.f32 v47, v16;
	v33 =	vld [tilespmem:$0x1FC70]  }
0xf1: {  	v20 =	vadd.f32 v47, v20;
	v25 =	vadd.f32 v55, v42;
	v42 =	vld [tilespmem:$0x1FC40]  }
0xf2: {  	v23 =	vadd.f32 v47, v8;
	v8 =	vadd.f32 v56, v39;
	v39 =	vld [tilespmem:$0x1FCA0]  }
0xf3: {  	v15 =	vadd.f32 v47, v15;
	v19 =	vadd.f32 v47, v19;
	v22 =	vmul.f32 v40, v22;
	v40 =	vld [tilespmem:$0x1FCD0]  }
0xf4: {  	v26 =	vadd.f32 v58, v44;
	v27 =	vadd.f32 v59, v43;
	v43 =	vld [tilespmem:$0x1FC80]  }
0xf5: {  	v28 =	vadd.f32 v61, v48;
	v29 =	vadd.f32 v63, v45;
	v44 =	vld [tilespmem:$0x1FCE0];
	v30 =	vmul.f32 v37, v30  }
0xf6: {  	v4 =	vadd.f32 v4, v54;
	v54 =	vld [tilespmem:$0x1FD80];
	v31 =	vmul.f32 v37, v31;
	v32 =	vmul.f32 v37, v32  }
0xf7: {  	v22 =	vadd.f32 v47, v22;
	v23 =	vadd.f32 v23, v30;
	v30 =	vmul.f32 v37, v39;
	v47 =	vld [tilespmem:$0x1FD10]  }
0xf8: {  	v45 =	vld [tilespmem:$0x1FCB0];
	v0 =	vadd.f32 v0, v53;
	v16 =	vadd.f32 v16, v31;
	v31 =	vmul.f32 v37, v40  }
0xf9: {  	v53 =	vld [tilespmem:$0x1FD40];
	v19 =	vadd.f32 v19, v32;
	v20 =	vadd.f32 v20, v30;
	v30 =	vmul.f32 v18, v42  }
0xfa: {  	v1 =	vadd.f32 v1, v49;
	v48 =	vld [tilespmem:$0x1FC50];
	v15 =	vadd.f32 v15, v31;
	v31 =	vmul.f32 v18, v44  }
0xfb: {  	v6 =	vadd.f32 v6, v50;
	v49 =	vld [tilespmem:$0x1FC90];
	v33 =	vmul.f32 v37, v33;
	v19 =	vadd.f32 v19, v30  }
0xfc: {  	v55 =	vld [tilespmem:$0x1FD60];
	v30 =	vmul.f32 v18, v47;
	v15 =	vadd.f32 v15, v31;
	v31 =	vmul.f32 v18, v54  }
0xfd: {  	v61 =	vld [tilespmem:$0x1FD50];
	v1 =	vadd.f32 v1, v36;
	v32 =	vmul.f32 v18, v43;
	v22 =	vadd.f32 v22, v33  }
0xfe: {  	v16 =	vadd.f32 v16, v30;
	v30 =	vmul.f32 v18, v53;
	v6 =	vadd.f32 v6, v31;
	v31 =	vld [tilespmem:$0x1FDA0]  }
0xff: {  	v50 =	vld [tilespmem:$0x1FCC0];
	v24 =	vadd.f32 v26, v24;
	v22 =	vadd.f32 v22, v32  }
0x100: {  	v32 =	vadd.f32 v29, v34;
	v34 =	vld [tilespmem:$0x1FDC0];
	v23 =	vadd.f32 v23, v30  }
0x101: {  	v58 =	vld [tilespmem:$0x1FCF0];
	v27 =	vadd.f32 v27, v62;
	v0 =	vadd.f32 v0, v38  }
0x102: {  	v59 =	vld [tilespmem:$0x1FD20];
	v56 =	vmul.f32 v18, v55;
	v33 =	vmul.f32 v18, v45;
	v18 =	vadd.f32 v23, v61  }
0x103: {  	v30 =	vld [tilespmem:$0x1FD90];
	v23 =	vadd.f32 v0, v31;
	v0 =	vadd.f32 v28, v35  }
0x104: {  	v63 =	vld [tilespmem:$0x1FD70];
	v20 =	vadd.f32 v20, v33;
	v19 =	vadd.f32 v19, v48  }
0x105: {  	v22 =	vadd.f32 v22, v49;
	v26 =	vadd.f32 v0, v34;
	v0 =	vld [tilespmem:$0x1FDD0]  }
0x106: {  	v4 =	vadd.f32 v4, v56;
	v33 =	vld [tilespmem:$0x1FDB0];
	v20 =	vadd.f32 v20, v50  }
0x107: {  	v21 =	vmin.f32 v21, v19;
	v19 =	vmin.f32 v19, v22;
	v15 =	vadd.f32 v15, v58  }
0x108: {  	v16 =	vadd.f32 v16, v59;
	v19 =	vmin.f32 v19, v20;
	v6 =	vadd.f32 v6, v30;
	v30 =	vld [tilespmem:$0x1FFC0]  }
0x109: {  	v4 =	vadd.f32 v4, v63;
	v7 =	vmin.f32 v7, v22;
	v19 =	vmin.f32 v19, v15  }
0x10a: {  	v3 =	vmin.f32 v3, v20;
	v19 =	vmin.f32 v19, v16;
	v28 =	vadd.f32 v32, v0;
	v0 =	vld [tilespmem:$0x1FDE0]  }
0x10b: {  	v1 =	vadd.f32 v1, v33;
	v2 =	vmin.f32 v2, v15;
	v19 =	vmin.f32 v19, v18  }
0x10c: {  	v5 =	vmin.f32 v5, v16;
	v18 =	vmin.f32 v60, v18;
	v19 =	vmin.f32 v19, v4  }
0x10d: {  	v4 =	vmin.f32 v57, v4;
	v19 =	vmin.f32 v19, v6;
	v35 =	vperm.xlane v21, v30  }
0x10e: {  	v6 =	vmin.f32 v52, v6;
	v37 =	vperm.xlane v7, v30;
	v40 =	vperm.xlane v3, v30  }
0x10f: {  	v43 =	vperm.xlane v2, v30;
	v0 =	vadd.f32 v24, v0;
	v24 =	vadd.f32 v25, v51;
	v25 =	vld [tilespmem:$0x1FFD0]  }
0x110: {  	v53 =	vmin.f32 v46, v23;
	v50 =	vperm.xlane v5, v30;
	v54 =	vperm.xlane v18, v30  }
0x111: {  	v17 =	vmin.f32 v17, v26;
	v56 =	vperm.xlane v4, v30;
	v61 =	vperm.xlane v6, v30  }
0x112: {  	v29 =	vld [tilespmem:$0x1FFE0];
	v21 =	vmin.f32 v21, v35;
	v7 =	vmin.f32 v7, v37;
	v3 =	vmin.f32 v3, v40  }
0x113: {  	v2 =	vmin.f32 v2, v43;
	v5 =	vmin.f32 v5, v50;
	v37 =	vperm.xlane v17, v30  }
0x114: {  	v4 =	vmin.f32 v4, v56;
	v51 =	vmin.f32 v19, v23;
	v36 =	vperm.xlane v21, v25  }
0x115: {  	v31 =	vld [tilespmem:$0x1FFF0];
	v6 =	vmin.f32 v6, v61;
	v40 =	vmin.f32 v17, v37;
	v16 =	vmin.f32 v51, v1  }
0x116: {  	v1 =	vmin.f32 v41, v1;
	v20 =	vperm.xlane v7, v25;
	v38 =	vmin.f32 v21, v36  }
0x117: {  	v41 =	vadd.f32 v8, v9;
	v16 =	vmin.f32 v16, v26;
	v39 =	vperm.xlane v38, v29  }
0x118: {  	v48 =	vld [tilespmem:$0x1FC20];
	v32 =	vperm.xlane v1, v30;
	v44 =	vperm.xlane v3, v25;
	v7 =	vmin.f32 v7, v20  }
0x119: {  	v16 =	vmin.f32 v16, v28;
	v20 =	vperm.xlane v7, v29;
	v15 =	vmin.f32 v38, v39  }
0x11a: {  	v47 =	vperm.xlane v2, v25;
	v3 =	vmin.f32 v3, v44;
	v42 =	vperm.xlane v15, v31  }
0x11b: {  	v22 =	vperm.xlane v5, v25;
	v49 =	vperm.xlane v3, v29;
	v7 =	vmin.f32 v7, v20  }
0x11c: {  	v2 =	vmin.f32 v2, v47;
	v45 =	vperm.xlane v7, v31;
	v15 =	vclamp.gez.f32 v15, v42  }
0x11d: {  	v5 =	vmin.f32 v5, v22;
	v52 =	vperm.xlane v2, v29;
	v15 =	vadd.f32 v15, v48  }
0x11e: {  	v55 =	vperm.xlane v5, v29;
	v3 =	vmin.f32 v3, v49;
	v7 =	vclamp.gez.f32 v7, v45  }
0x11f: {  	v21 =	vperm.xlane v3, v31;
	v7 =	vadd.f32 v7, v15;
	v15 =	vmin.f32 v18, v54  }
0x120: {  	v59 =	vperm.xlane v4, v25;
	v2 =	vmin.f32 v2, v52;
	v57 =	vperm.xlane v15, v25  }
0x121: {  	v5 =	vmin.f32 v5, v55;
	v19 =	vperm.xlane v2, v31;
	v3 =	vclamp.gez.f32 v3, v21  }
0x122: {  	v58 =	vperm.xlane v5, v31;
	v3 =	vadd.f32 v3, v7;
	v7 =	vmin.f32 v15, v57  }
0x123: {  	v1 =	vmin.f32 v1, v32;
	v2 =	vclamp.gez.f32 v2, v19;
	v60 =	vperm.xlane v7, v29  }
0x124: {  	v34 =	vperm.xlane v1, v25;
	v43 =	vperm.xlane v40, v25;
	v2 =	vadd.f32 v2, v3  }
0x125: {  	v4 =	vmin.f32 v4, v59;
	v3 =	vclamp.gez.f32 v5, v58;
	v62 =	vmin.f32 v7, v60  }
0x126: {  	v22 =	vperm.xlane v53, v30;
	v2 =	vadd.f32 v3, v2;
	v3 =	vperm.xlane v62, v31  }
0x127: {  	v1 =	vmin.f32 v1, v34;
	v44 =	vmin.f32 v14, v28;
	v21 =	vperm.xlane v6, v25  }
0x128: {  	v63 =	vperm.xlane v4, v29;
	v7 =	vmin.f32 v53, v22;
	v3 =	vclamp.gez.f32 v62, v3  }
0x129: {  	v6 =	vmin.f32 v6, v21;
	v2 =	vadd.f32 v3, v2;
	v3 =	vperm.xlane v7, v25  }
0x12a: {  	v35 =	vld [tilespmem:$0x1FDF0];
	v47 =	vmin.f32 v13, v0;
	v4 =	vmin.f32 v4, v63;
	v15 =	vperm.xlane v6, v29  }
0x12b: {  	v39 =	vperm.xlane v1, v29;
	v23 =	vperm.xlane v4, v31;
	v3 =	vmin.f32 v7, v3  }
0x12c: {  	v14 =	vperm.xlane v44, v30;
	v45 =	vld [tilespmem:$0x1FE00];
	v33 =	vmin.f32 v6, v15;
	v36 =	vperm.xlane v3, v29  }
0x12d: {  	v1 =	vmin.f32 v1, v39;
	v4 =	vclamp.gez.f32 v4, v23;
	v6 =	vperm.xlane v33, v31  }
0x12e: {  	v46 =	vld [tilespmem:$0x1FE10];
	v5 =	vperm.xlane v1, v31;
	v2 =	vadd.f32 v4, v2;
	v3 =	vmin.f32 v3, v36  }
0x12f: {  	v15 =	vadd.f32 v27, v35;
	v38 =	vclamp.gez.f32 v33, v6;
	v42 =	vperm.xlane v3, v31  }
0x130: {  	v1 =	vclamp.gez.f32 v1, v5;
	v6 =	vmin.f32 v40, v43;
	v2 =	vadd.f32 v38, v2  }
0x131: {  	v8 =	vadd.f32 v24, v45;
	v9 =	vperm.xlane v6, v29;
	v3 =	vclamp.gez.f32 v3, v42  }
0x132: {  	v12 =	vmin.f32 v12, v15;
	v4 =	vmin.f32 v44, v14;
	v2 =	vadd.f32 v3, v2  }
0x133: {  	v7 =	vadd.f32 v41, v46;
	v48 =	vperm.xlane v4, v25;
	v3 =	vmin.f32 v6, v9  }
0x134: {  	v6 =	vperm.xlane v3, v31;
	v1 =	vadd.f32 v1, v2;
	v2 =	vperm.xlane v47, v30  }
0x135: {  	v11 =	vmin.f32 v11, v8;
	v50 =	vperm.xlane v12, v30;
	v51 =	vmin.f32 v10, v7  }
0x136: {  	v4 =	vmin.f32 v4, v48;
	v3 =	vclamp.gez.f32 v3, v6;
	v2 =	vmin.f32 v47, v2  }
0x137: {  	v49 =	vperm.xlane v4, v29;
	v1 =	vadd.f32 v3, v1;
	v3 =	vperm.xlane v2, v25  }
0x138: {  	v52 =	vperm.xlane v11, v30;
	v5 =	vmin.f32 v12, v50;
	v55 =	vperm.xlane v51, v30  }
0x139: {  	v4 =	vmin.f32 v4, v49;
	v2 =	vmin.f32 v2, v3;
	v3 =	vperm.xlane v5, v25  }
0x13a: {  	v53 =	vperm.xlane v4, v31;
	v6 =	vmin.f32 v11, v52;
	v54 =	vperm.xlane v2, v29  }
0x13b: {  	v9 =	vmin.f32 v51, v55;
	v56 =	vperm.xlane v6, v25;
	v3 =	vmin.f32 v5, v3  }
0x13c: {  	v59 =	vperm.xlane v9, v25;
	v2 =	vmin.f32 v2, v54;
	v57 =	vperm.xlane v3, v29  }
0x13d: {  	v4 =	vclamp.gez.f32 v4, v53;
	v5 =	vmin.f32 v6, v56;
	v58 =	vperm.xlane v2, v31  }
0x13e: {  	v1 =	vadd.f32 v4, v1;
	v60 =	vperm.xlane v5, v29;
	v3 =	vmin.f32 v3, v57  }
0x13f: {  	v6 =	vmin.f32 v9, v59;
	v2 =	vclamp.gez.f32 v2, v58;
	v61 =	vperm.xlane v3, v31  }
0x140: {  	s23 =	sadd.s32 $0x1, s23;
	v62 =	vperm.xlane v6, v29;
	v4 =	vmin.f32 v5, v60;
	v1 =	vadd.f32 v2, v1;
	v2 =	vld [tilespmem:s24+$0x4200]  }
0x141: {  	p0 =	sne.s32 s23, $0x8;
	v0 =	vmin.f32 v16, v0;
	v63 =	vperm.xlane v4, v31;
	v3 =	vclamp.gez.f32 v3, v61  }
.Ltmp2:
0x142: {  	v0 =	vmin.f32 v0, v15;
	v1 =	vadd.f32 v3, v1;
	v3 =	vmin.f32 v6, v62;
	(pc) =	sbr.rel @p0 .LBB2_4-.Ltmp2, $4  }
0x143: {  	v0 =	vmin.f32 v0, v8;
	v4 =	vclamp.gez.f32 v4, v63;
	v5 =	vperm.xlane v3, v31  }
0x144: {  	v0 =	vmin.f32 v0, v7;
	v1 =	vadd.f32 v4, v1  }
0x145: {  	v0 =	vmin.f32 v2, v0;
	v2 =	vclamp.gez.f32 v3, v5  }
0x146: {  	[tilespmem:s24+$0x4200] =	vst v0;
	v1 =	vadd.f32 v2, v1  }
0x147: {  	[hbm4b:s5+s19] =	stream.strided.scatter [tilespmem:s21], [sflag:$0x1], $0x1000, s20, s19, $0x38;
	[tilespmem:$0x5280] =	vst v63  }
0x148: {  	_ =	swait.ge [sflag:s11], $0x1000  }
0x149: {  	[sflag:s11] =	ssyncset.done $0x0  }
0x14a: {  	s23 =	simm.s32 $0x0;
	s24 =	rddreg [dreg:$0x16];
	[sflag:s11] =	ssyncadd.s32 $0xFFFFF000  }
0x14b: {  	[tilespmem:s23], [sflag:$0x1] =	stream.linear.gather [hbm4b:s24+s23], $0x1000, $0x38;
	[tilespmem:$0x5280] =	vst v63  }
0x14c: {  	_ =	swait.ge [sflag:s11], $0x1000  }
0x14d: {  	[sflag:s11] =	ssyncset.done $0x0  }
0x14e: {  	s26 =	rddreg [dreg:$0x17];
	[sflag:s11] =	ssyncadd.s32 $0xFFFFF000  }
0x14f: {  	[tilespmem:s12], [sflag:$0x1] =	stream.linear.gather [hbm4b:s26+s23], $0x1000, $0x38;
	[tilespmem:$0x5280] =	vst v63  }
0x150: {  	_ =	swait.ge [sflag:s11], $0x1000  }
0x151: {  	[sflag:s11] =	ssyncset.done $0x0  }
0x152: {  	s25 =	rddreg [dreg:$0x18];
	[sflag:s11] =	ssyncadd.s32 $0xFFFFF000  }
0x153: {  	[tilespmem:s13], [sflag:$0x1] =	stream.linear.gather [hbm4b:s25+s23], $0x1000, $0x38;
	[tilespmem:$0x5280] =	vst v63  }
0x154: {  	_ =	swait.ge [sflag:s11], $0x1000  }
0x155: {  	[sflag:s11] =	ssyncset.done $0x0  }
0x156: {  	s26 =	rddreg [dreg:$0x19];
	[sflag:s11] =	ssyncadd.s32 $0xFFFFF000  }
0x157: {  	[tilespmem:s14], [sflag:$0x1] =	stream.linear.gather [hbm4b:s26+s23], $0x1000, $0x38;
	[tilespmem:$0x5280] =	vst v63  }
0x158: {  	_ =	swait.ge [sflag:s11], $0x1000  }
0x159: {  	[sflag:s11] =	ssyncset.done $0x0  }
0x15a: {  	s25 =	rddreg [dreg:$0x9];
	[sflag:s11] =	ssyncadd.s32 $0xFFFFF000  }
0x15b: {  	[tilespmem:s15], [sflag:$0x1] =	stream.linear.gather [hbm4b:s25+s23], $0x80, $0x38;
	[tilespmem:$0x5280] =	vst v63  }
0x15c: {  	_ =	swait.ge [sflag:s11], $0x80  }
0x15d: {  	[sflag:s11] =	ssyncset.done $0x0  }
0x15e: {  	s26 =	rddreg [dreg:$0xa];
	[sflag:s11] =	ssyncadd.s32 $0xFFFFFF80  }
0x15f: {  	[tilespmem:s16], [sflag:$0x1] =	stream.linear.gather [hbm4b:s26+s23], $0x80, $0x38;
	[tilespmem:$0x5280] =	vst v63  }
0x160: {  	_ =	swait.ge [sflag:s11], $0x80  }
0x161: {  	[sflag:s11] =	ssyncset.done $0x0  }
0x162: {  	s25 =	rddreg [dreg:$0xb];
	[sflag:s11] =	ssyncadd.s32 $0xFFFFFF80  }
0x163: {  	[tilespmem:s17], [sflag:$0x1] =	stream.linear.gather [hbm4b:s25+s23], $0x80, $0x38;
	[tilespmem:$0x5280] =	vst v63  }
0x164: {  	_ =	swait.ge [sflag:s11], $0x80  }
0x165: {  	[sflag:s11] =	ssyncset.done $0x0  }
0x166: {  	s26 =	rddreg [dreg:$0xc];
	[sflag:s11] =	ssyncadd.s32 $0xFFFFFF80  }
0x167: {  	[tilespmem:s18], [sflag:$0x1] =	stream.linear.gather [hbm4b:s26+s23], $0x80, $0x38;
	[tilespmem:$0x5280] =	vst v63  }
0x168: {  	_ =	swait.ge [sflag:s11], $0x80  }
0x169: {  	[sflag:s11] =	ssyncset.done $0x0  }
0x16a: {  	v0 =	vimm.f32 $+Inf;
	s24 =	simm.s32 $0x40;
	s25 =	simm.s32 $0x0;
	[sflag:s11] =	ssyncadd.s32 $0xFFFFFF80  }
.LBB2_8:
0x16b: {  	p0 =	sne.s32 s24, $0x3FC0;
	[tilespmem:s25+$0x4200] =	vst v0;
	s25 =	smov.u32 s24;
	s24 =	sadd.s32 $0x40, s24  }
.Ltmp3:
0x16c: {  	(pc) =	sbr.rel @p0 .LBB2_8-.Ltmp3, $2  }
0x16d: {  	_ =	sdelay $0x2  }
0x16e: {  	s25 =	sshra.s32 s25, $0x2  }
0x16f: {  	[tilespmem:s25+$0x4200] =	vst v0  }
.LBB2_10:
0x170: {  	s24 =	sshll.u32 s23, $0x4  }
0x171: {  	[tilespmem:$0x1FC20] =	vst v1;
	v1 =	vld [tilespmem:s24+$0x4080];
	_ =	sdelay $0x1  }
0x172: {  	v2 =	vld [tilespmem:s24+$0x4100];
	_ =	sdelay $0x1  }
0x173: {  	v3 =	vld [tilespmem:s24+$0x4180]  }
0x174: {  	v4 =	vbroadcast v1, $0x0  }
0x175: {  	v0 =	vld [tilespmem:s24+$0x4000]  }
0x176: {  	[tilespmem:$0x1F890] =	vst v4;
	v4 =	vbroadcast v2, $0x0;
	_ =	sdelay $0x1  }
0x177: {  	[tilespmem:$0x1F8A0] =	vst v4;
	v4 =	vbroadcast v3, $0x0;
	_ =	sdelay $0x1  }
0x178: {  	[tilespmem:$0x1F8B0] =	vst v4;
	v4 =	vbroadcast v0, $0x1;
	_ =	sdelay $0x1  }
0x179: {  	[tilespmem:$0x1F8C0] =	vst v4;
	v4 =	vbroadcast v1, $0x1;
	_ =	sdelay $0x1  }
0x17a: {  	[tilespmem:$0x1F8D0] =	vst v4;
	v4 =	vbroadcast v2, $0x1;
	_ =	sdelay $0x1  }
0x17b: {  	[tilespmem:$0x1F8E0] =	vst v4;
	v4 =	vbroadcast v3, $0x1;
	_ =	sdelay $0x1  }
0x17c: {  	[tilespmem:$0x1F8F0] =	vst v4;
	v4 =	vbroadcast v1, $0x2;
	_ =	sdelay $0x1  }
0x17d: {  	[tilespmem:$0x1F900] =	vst v4;
	v4 =	vbroadcast v2, $0x2;
	_ =	sdelay $0x1  }
0x17e: {  	[tilespmem:$0x1F910] =	vst v4;
	v4 =	vbroadcast v3, $0x2;
	_ =	sdelay $0x1  }
0x17f: {  	[tilespmem:$0x1F920] =	vst v4;
	v4 =	vbroadcast v1, $0x3;
	_ =	sdelay $0x1  }
0x180: {  	[tilespmem:$0x1F930] =	vst v4;
	v4 =	vbroadcast v2, $0x3  }
0x181: {  	v9 =	vbroadcast v2, $0xE  }
0x182: {  	[tilespmem:$0x1F940] =	vst v4;
	v4 =	vbroadcast v3, $0x3  }
0x183: {  	v32 =	vbroadcast v2, $0xD;
	[tilespmem:$0x1FA80] =	vst v9  }
0x184: {  	[tilespmem:$0x1F950] =	vst v4;
	v4 =	vbroadcast v1, $0x4  }
0x185: {  	v5 =	vbroadcast v0, $0x0;
	v24 =	vbroadcast v2, $0xC;
	[tilespmem:$0x1FAA0] =	vst v32  }
0x186: {  	v7 =	vbroadcast v0, $0x2;
	[tilespmem:$0x1F960] =	vst v4;
	v4 =	vbroadcast v2, $0x4  }
0x187: {  	v10 =	vbroadcast v0, $0x3;
	v34 =	vbroadcast v1, $0xE;
	[tilespmem:$0x1FAC0] =	vst v24  }
0x188: {  	v11 =	vbroadcast v0, $0x4;
	[tilespmem:$0x1F970] =	vst v4;
	v4 =	vbroadcast v3, $0x4  }
0x189: {  	v6 =	vbroadcast v0, $0x5;
	v28 =	vbroadcast v2, $0xB;
	[tilespmem:$0x1FAD0] =	vst v34  }
0x18a: {  	v8 =	vbroadcast v0, $0x6;
	[tilespmem:$0x1F980] =	vst v4;
	v4 =	vbroadcast v1, $0x5  }
0x18b: {  	v12 =	vbroadcast v1, $0x6;
	v31 =	vbroadcast v1, $0xD;
	[tilespmem:$0x1FAE0] =	vst v28  }
0x18c: {  	v13 =	vbroadcast v0, $0x7;
	[tilespmem:$0x1F990] =	vst v4;
	v4 =	vbroadcast v2, $0x5  }
0x18d: {  	v14 =	vbroadcast v1, $0x7;
	v33 =	vbroadcast v0, $0xE;
	[tilespmem:$0x1FAF0] =	vst v31  }
0x18e: {  	v15 =	vbroadcast v0, $0x8;
	[tilespmem:$0x1F9A0] =	vst v4;
	v4 =	vbroadcast v3, $0x5  }
0x18f: {  	v16 =	vbroadcast v1, $0x8;
	v25 =	vbroadcast v2, $0xA;
	[tilespmem:$0x1FB00] =	vst v33  }
0x190: {  	v17 =	vbroadcast v2, $0x8;
	[tilespmem:$0x1F9B0] =	vst v4;
	v4 =	vbroadcast v2, $0x6  }
0x191: {  	s24 =	simm.s32 $0x0;
	v19 =	vbroadcast v0, $0x9;
	v36 =	vbroadcast v0, $0xF;
	[tilespmem:$0x1FB10] =	vst v25  }
0x192: {  	v18 =	vld [tilespmem:s24+$0x2000];
	v20 =	vbroadcast v1, $0x9;
	[tilespmem:$0x1F9C0] =	vst v4;
	v4 =	vbroadcast v3, $0x6  }
0x193: {  	v21 =	vbroadcast v2, $0x9;
	v30 =	vbroadcast v1, $0xC;
	[tilespmem:$0x1FB20] =	vst v36  }
0x194: {  	v37 =	vld [tilespmem:s24+$0x1000];
	v22 =	vbroadcast v0, $0xA;
	[tilespmem:$0x1F9D0] =	vst v4;
	v4 =	vbroadcast v2, $0x7  }
0x195: {  	v23 =	vbroadcast v1, $0xA;
	v29 =	vbroadcast v0, $0xC;
	[tilespmem:$0x1FB30] =	vst v30  }
0x196: {  	v26 =	vbroadcast v0, $0xB;
	[tilespmem:$0x1F9E0] =	vst v4;
	v4 =	vbroadcast v3, $0x7  }
0x197: {  	v27 =	vbroadcast v1, $0xB;
	v51 =	vmul.f32 v18, v9;
	[tilespmem:$0x1FB40] =	vst v29  }
0x198: {  	v62 =	vmul.f32 v18, v32;
	[tilespmem:$0x1F9F0] =	vst v4;
	v4 =	vbroadcast v3, $0x8  }
0x199: {  	v24 =	vmul.f32 v18, v24;
	v42 =	vmul.f32 v37, v34;
	[tilespmem:$0x1FB50] =	vst v21  }
0x19a: {  	v34 =	vmul.f32 v18, v28;
	[tilespmem:$0x1FA00] =	vst v4;
	v4 =	vbroadcast v3, $0x9  }
0x19b: {  	v43 =	vmul.f32 v37, v31;
	v35 =	vmul.f32 v18, v25;
	[tilespmem:$0x1FB90] =	vst v17  }
0x19c: {  	v40 =	vld [tilespmem:s24+$0x0];
	v44 =	vmul.f32 v37, v30;
	[tilespmem:$0x1FA10] =	vst v4;
	v4 =	vbroadcast v3, $0xA  }
0x19d: {  	v45 =	vmul.f32 v37, v27;
	v38 =	vmul.f32 v18, v17;
	[tilespmem:$0x1FBD0] =	vst v20  }
0x19e: {  	v60 =	vimm.f32 $+Inf;
	v48 =	vmul.f32 v37, v23;
	[tilespmem:$0x1FA20] =	vst v4;
	v4 =	vbroadcast v3, $0xB  }
0x19f: {  	v57 =	vimm.f32 $+Inf;
	v49 =	vmul.f32 v37, v20;
	[tilespmem:$0x1FBF0] =	vst v16;
	v53 =	vmul.f32 v37, v16  }
0x1a0: {  	v52 =	vimm.f32 $+Inf;
	v50 =	vmul.f32 v37, v14;
	[tilespmem:$0x1FA30] =	vst v4;
	v4 =	vbroadcast v3, $0xC  }
0x1a1: {  	v46 =	vimm.f32 $+Inf;
	[tilespmem:$0x1FC00] =	vst v8;
	v54 =	vmul.f32 v37, v12;
	v16 =	vmul.f32 v40, v11  }
0x1a2: {  	v41 =	vimm.f32 $+Inf;
	v47 =	vld [tilespmem:s24+$0x3000];
	[tilespmem:$0x1FA40] =	vst v4;
	v4 =	vbroadcast v0, $0xD;
	v0 =	vbroadcast v3, $0xD  }
0x1a3: {  	[tilespmem:$0x1FC10] =	vst v14;
	v20 =	vmul.f32 v40, v7;
	v17 =	vimm.f32 $+Inf;
	v1 =	vbroadcast v1, $0xF  }
0x1a4: {  	v14 =	vimm.f32 $+Inf;
	v2 =	vbroadcast v2, $0xF;
	[tilespmem:$0x1FA50] =	vst v0;
	v0 =	vbroadcast v3, $0xE  }
0x1a5: {  	v28 =	vmovc v7;
	v7 =	vimm.f32 $+Inf;
	[tilespmem:$0x1FAB0] =	vst v1;
	v39 =	vmul.f32 v37, v1;
	v1 =	vmul.f32 v40, v36  }
0x1a6: {  	v30 =	vmovc v11;
	v11 =	vimm.f32 $+Inf;
	v9 =	vmul.f32 v18, v2;
	[tilespmem:$0x1FA60] =	vst v0;
	v0 =	vbroadcast v3, $0xF  }
0x1a7: {  	v56 =	vadd.f32 v47, v1;
	[tilespmem:$0x1FA90] =	vst v2;
	v2 =	vmul.f32 v40, v8;
	v1 =	vmul.f32 v40, v4  }
0x1a8: {  	v36 =	vmul.f32 v18, v21;
	v21 =	vimm.f32 $+Inf;
	[tilespmem:$0x1FA70] =	vst v0;
	v0 =	vmul.f32 v40, v33  }
0x1a9: {  	v8 =	vmul.f32 v40, v6;
	[tilespmem:$0x1FB60] =	vst v4;
	v4 =	vadd.f32 v47, v2;
	v59 =	vadd.f32 v47, v1  }
0x1aa: {  	[tilespmem:$0x1FB70] =	vst v27;
	v1 =	vmul.f32 v40, v26;
	v55 =	vadd.f32 v47, v0;
	v0 =	vmul.f32 v40, v29  }
0x1ab: {  	[tilespmem:$0x1FB80] =	vst v22;
	v32 =	vmovc v13;
	v2 =	vimm.f32 $+Inf;
	v3 =	vmul.f32 v40, v13;
	v13 =	vimm.f32 $+Inf  }
0x1ac: {  	[tilespmem:$0x1FBE0] =	vst v19;
	v63 =	vadd.f32 v47, v1;
	v58 =	vadd.f32 v47, v0;
	v0 =	vmul.f32 v40, v22  }
0x1ad: {  	v31 =	vmovc v6;
	v1 =	vmul.f32 v40, v19;
	v6 =	vadd.f32 v47, v3;
	v19 =	vmul.f32 v40, v5  }
0x1ae: {  	[tilespmem:$0x1FBA0] =	vst v26;
	v3 =	vimm.f32 $+Inf;
	v61 =	vadd.f32 v47, v0;
	v0 =	vmul.f32 v40, v15  }
0x1af: {  	[tilespmem:$0x1FBB0] =	vst v23;
	v27 =	vmovc v5;
	v33 =	vmovc v12;
	v5 =	vimm.f32 $+Inf;
	v12 =	vimm.f32 $+Inf;
	v1 =	vadd.f32 v47, v1  }
0x1b0: {  	s25 =	simm.s32 $0x40;
	[tilespmem:$0x1FBC0] =	vst v15;
	v29 =	vmovc v10;
	v15 =	vmul.f32 v40, v10;
	v10 =	vimm.f32 $+Inf;
	v0 =	vadd.f32 v47, v0  }
.LBB2_11:
0x1b1: {  	v25 =	vld [tilespmem:$0x1F8A0];
	_ =	sdelay $0x4  }
0x1b2: {  	v42 =	vadd.f32 v55, v42;
	v55 =	vmul.f32 v18, v25;
	v25 =	vld [tilespmem:$0x1F930];
	_ =	sdelay $0x4  }
0x1b3: {  	v39 =	vadd.f32 v56, v39;
	v56 =	vmul.f32 v37, v25;
	v25 =	vld [tilespmem:$0x1F890];
	_ =	sdelay $0x4  }
0x1b4: {  	v45 =	vadd.f32 v63, v45;
	v63 =	vmul.f32 v37, v25;
	v25 =	vld [tilespmem:$0x1F8D0];
	_ =	sdelay $0x4  }
0x1b5: {  	v0 =	vadd.f32 v0, v53;
	v53 =	vmul.f32 v37, v25;
	v25 =	vld [tilespmem:$0x1F900];
	_ =	sdelay $0x4  }
0x1b6: {  	v4 =	vadd.f32 v4, v54;
	v54 =	vmul.f32 v37, v25;
	v25 =	vld [tilespmem:$0x1F8E0];
	_ =	sdelay $0x4  }
0x1b7: {  	v44 =	vadd.f32 v58, v44;
	v58 =	vmul.f32 v18, v25;
	v25 =	vld [tilespmem:$0x1F910];
	_ =	sdelay $0x1  }
0x1b8: {  	v22 =	vld [tilespmem:$0x1F8C0];
	_ =	sdelay $0x1  }
0x1b9: {  	v23 =	vld [tilespmem:$0x1F990]  }
0x1ba: {  	v43 =	vadd.f32 v59, v43;
	v59 =	vmul.f32 v18, v25;
	v25 =	vld [tilespmem:$0x1F9E0];
	_ =	sdelay $0x1  }
0x1bb: {  	v16 =	vadd.f32 v47, v16;
	v8 =	vadd.f32 v47, v8;
	v40 =	vmul.f32 v40, v22;
	v22 =	vld [tilespmem:$0x1F940]  }
0x1bc: {  	v20 =	vadd.f32 v47, v20;
	v15 =	vadd.f32 v47, v15  }
0x1bd: {  	v19 =	vadd.f32 v47, v19;
	v40 =	vadd.f32 v47, v40;
	v47 =	vmul.f32 v37, v23;
	v23 =	vld [tilespmem:$0x1F960]  }
0x1be: {  	v48 =	vadd.f32 v61, v48;
	v61 =	vmul.f32 v18, v25;
	v25 =	vld [tilespmem:$0x1F8B0]  }
0x1bf: {  	v19 =	vadd.f32 v19, v63  }
0x1c0: {  	v22 =	vmul.f32 v18, v22;
	v15 =	vadd.f32 v15, v56  }
0x1c1: {  	v19 =	vadd.f32 v19, v55  }
0x1c2: {  	v23 =	vmul.f32 v37, v23;
	v15 =	vadd.f32 v15, v22;
	v22 =	vld [tilespmem:$0x1F970]  }
0x1c3: {  	v19 =	vadd.f32 v19, v25;
	v25 =	vld [tilespmem:$0x1F8F0]  }
0x1c4: {  	v16 =	vadd.f32 v16, v23;
	v23 =	vadd.f32 v40, v53;
	_ =	sdelay $0x1  }
0x1c5: {  	v23 =	vadd.f32 v23, v58  }
0x1c6: {  	v22 =	vmul.f32 v18, v22  }
0x1c7: {  	v23 =	vadd.f32 v23, v25;
	v25 =	vld [tilespmem:$0x1F9A0]  }
0x1c8: {  	v16 =	vadd.f32 v16, v22;
	v22 =	vld [tilespmem:$0x1F9C0];
	_ =	sdelay $0x3  }
0x1c9: {  	v63 =	vmul.f32 v18, v25;
	v25 =	vld [tilespmem:$0x1F920]  }
0x1ca: {  	v20 =	vadd.f32 v20, v54;
	v18 =	vmul.f32 v18, v22;
	v22 =	vld [tilespmem:$0x1F950];
	_ =	sdelay $0x1  }
0x1cb: {  	v20 =	vadd.f32 v20, v59;
	_ =	sdelay $0x1  }
0x1cc: {  	v20 =	vadd.f32 v20, v25  }
0x1cd: {  	v15 =	vadd.f32 v15, v22;
	v22 =	vmin.f32 v19, v23  }
0x1ce: {  	v4 =	vadd.f32 v4, v18;
	v18 =	vmin.f32 v22, v20;
	v22 =	vld [tilespmem:$0x1F9B0]  }
0x1cf: {  	v8 =	vadd.f32 v8, v47;
	_ =	sdelay $0x1  }
0x1d0: {  	v8 =	vadd.f32 v8, v63;
	_ =	sdelay $0x1  }
0x1d1: {  	v8 =	vadd.f32 v8, v22;
	v22 =	vld [tilespmem:$0x1F9D0];
	_ =	sdelay $0x1  }
0x1d2: {  	v25 =	vld [tilespmem:$0x1F980];
	_ =	sdelay $0x2  }
0x1d3: {  	v4 =	vadd.f32 v4, v22;
	v22 =	vld [tilespmem:$0x1F9F0]  }
0x1d4: {  	v6 =	vadd.f32 v6, v50  }
0x1d5: {  	v16 =	vadd.f32 v16, v25;
	v25 =	vld [tilespmem:$0x1FA10]  }
0x1d6: {  	v1 =	vadd.f32 v1, v49;
	v6 =	vadd.f32 v6, v61;
	_ =	sdelay $0x1  }
0x1d7: {  	v1 =	vadd.f32 v1, v36;
	v6 =	vadd.f32 v6, v22;
	v22 =	vld [tilespmem:$0x1FA00];
	_ =	sdelay $0x1  }
0x1d8: {  	v1 =	vadd.f32 v1, v25;
	v25 =	vld [tilespmem:$0x1FA20]  }
0x1d9: {  	v0 =	vadd.f32 v0, v38;
	_ =	sdelay $0x1  }
0x1da: {  	v0 =	vadd.f32 v0, v22;
	v22 =	vadd.f32 v48, v35;
	_ =	sdelay $0x1  }
0x1db: {  	v22 =	vadd.f32 v22, v25;
	v25 =	vld [tilespmem:$0x1FA30];
	_ =	sdelay $0x2  }
0x1dc: {  	v34 =	vadd.f32 v45, v34;
	_ =	sdelay $0x1  }
0x1dd: {  	v50 =	vadd.f32 v34, v25;
	v25 =	vld [tilespmem:$0x1FA40];
	_ =	sdelay $0x2  }
0x1de: {  	v24 =	vadd.f32 v44, v24;
	_ =	sdelay $0x1  }
0x1df: {  	v54 =	vadd.f32 v24, v25;
	v25 =	vld [tilespmem:$0x1FA50]  }
0x1e0: {  	v18 =	vmin.f32 v18, v15  }
0x1e1: {  	v18 =	vmin.f32 v18, v16  }
0x1e2: {  	v44 =	vadd.f32 v43, v62;
	v18 =	vmin.f32 v18, v8  }
0x1e3: {  	v18 =	vmin.f32 v18, v4  }
0x1e4: {  	v18 =	vmin.f32 v18, v6;
	v55 =	vadd.f32 v44, v25;
	v25 =	vld [tilespmem:$0x1FA60]  }
0x1e5: {  	v21 =	vmin.f32 v21, v19;
	v19 =	vld [tilespmem:$0x1FA70];
	v40 =	vmin.f32 v18, v0  }
0x1e6: {  	v35 =	vmin.f32 v40, v1  }
0x1e7: {  	v35 =	vmin.f32 v35, v22;
	v24 =	vadd.f32 v42, v51  }
0x1e8: {  	s26 =	sshra.s32 s25, $0x2;
	v9 =	vadd.f32 v39, v9;
	v47 =	vld [tilespmem:s24+$0x4200];
	v45 =	vmin.f32 v35, v50  }
0x1e9: {  	v37 =	vld [tilespmem:s26+$0x1000];
	v56 =	vadd.f32 v24, v25;
	v24 =	vmin.f32 v45, v54  }
0x1ea: {  	v3 =	vmin.f32 v3, v20;
	v20 =	vld [tilespmem:$0x1FAA0];
	v19 =	vadd.f32 v9, v19;
	v9 =	vmin.f32 v24, v55  }
0x1eb: {  	v7 =	vmin.f32 v7, v23;
	v60 =	vmin.f32 v60, v8;
	v8 =	vld [tilespmem:$0x1FB10];
	v23 =	vmin.f32 v9, v56  }
0x1ec: {  	v2 =	vmin.f32 v2, v15;
	v18 =	vld [tilespmem:s26+$0x2000];
	v15 =	vmin.f32 v23, v19  }
0x1ed: {  	v40 =	vld [tilespmem:s26+$0x0];
	v15 =	vmin.f32 v47, v15  }
0x1ee: {  	[tilespmem:s24+$0x4200] =	vst v15;
	v15 =	vld [tilespmem:$0x1FAE0];
	_ =	sdelay $0x2  }
0x1ef: {  	v62 =	vmul.f32 v18, v20;
	v20 =	vld [tilespmem:$0x1FAB0]  }
0x1f0: {  	v35 =	vmul.f32 v18, v8;
	v8 =	vld [tilespmem:$0x1FB20]  }
0x1f1: {  	v34 =	vmul.f32 v18, v15;
	v15 =	vld [tilespmem:$0x1FAF0];
	_ =	sdelay $0x3  }
0x1f2: {  	v39 =	vmul.f32 v37, v20;
	v20 =	vld [tilespmem:$0x1FAC0]  }
0x1f3: {  	v43 =	vmul.f32 v37, v15;
	v15 =	vmul.f32 v40, v8;
	v8 =	vld [tilespmem:$0x1FBF0];
	_ =	sdelay $0x3  }
0x1f4: {  	v24 =	vmul.f32 v18, v20;
	v20 =	vld [tilespmem:$0x1FAD0]  }
0x1f5: {  	v53 =	vmul.f32 v37, v8;
	v8 =	vld [tilespmem:$0x1FB80]  }
0x1f6: {  	v52 =	vmin.f32 v52, v6;
	v6 =	vld [tilespmem:$0x1FB50];
	_ =	sdelay $0x2  }
0x1f7: {  	v46 =	vmin.f32 v46, v0;
	v0 =	vld [tilespmem:$0x1FB90]  }
0x1f8: {  	v42 =	vmul.f32 v37, v20;
	v20 =	vmul.f32 v40, v8;
	v8 =	vld [tilespmem:$0x1FC10]  }
0x1f9: {  	v36 =	vmul.f32 v18, v6;
	v6 =	vld [tilespmem:$0x1FB70]  }
0x1fa: {  	v41 =	vmin.f32 v41, v1;
	v1 =	vld [tilespmem:$0x1FBB0]  }
0x1fb: {  	v57 =	vmin.f32 v57, v4;
	v4 =	vld [tilespmem:$0x1FB30]  }
0x1fc: {  	v38 =	vmul.f32 v18, v0;
	v0 =	vld [tilespmem:$0x1FB60]  }
0x1fd: {  	v14 =	vmin.f32 v14, v50;
	v50 =	vmul.f32 v37, v8;
	v8 =	vld [tilespmem:$0x1FBE0]  }
0x1fe: {  	v45 =	vmul.f32 v37, v6;
	v6 =	vld [tilespmem:$0x1FBD0]  }
0x1ff: {  	v48 =	vmul.f32 v37, v1;
	v1 =	vld [tilespmem:$0x1FB40]  }
0x200: {  	v44 =	vmul.f32 v37, v4;
	v4 =	vld [tilespmem:$0x1FB00]  }
0x201: {  	v9 =	vld [tilespmem:$0x1FA80]  }
0x202: {  	v17 =	vmin.f32 v17, v22;
	v22 =	vmul.f32 v40, v8;
	v8 =	vld [tilespmem:$0x1FBC0]  }
0x203: {  	s24 =	smov.u32 s26;
	v49 =	vmul.f32 v37, v6;
	v6 =	vld [tilespmem:$0x1FBA0]  }
0x204: {  	v26 =	vmul.f32 v40, v32;
	v47 =	vld [tilespmem:s24+$0x3000]  }
0x205: {  	v5 =	vmin.f32 v5, v16;
	v16 =	vmul.f32 v40, v30;
	v0 =	vmul.f32 v40, v0  }
0x206: {  	v1 =	vmul.f32 v40, v1;
	v51 =	vmul.f32 v18, v9;
	v9 =	vld [tilespmem:$0x1FA90]  }
0x207: {  	v10 =	vmin.f32 v10, v19;
	v4 =	vmul.f32 v40, v4;
	v23 =	vmul.f32 v40, v8;
	v8 =	vld [tilespmem:$0x1FC00]  }
0x208: {  	v13 =	vmin.f32 v13, v54;
	v12 =	vmin.f32 v12, v55;
	v54 =	vmul.f32 v37, v33  }
0x209: {  	p0 =	sne.s32 s25, $0x3FC0;
	v11 =	vmin.f32 v11, v56;
	v6 =	vmul.f32 v40, v6;
	v55 =	vadd.f32 v47, v4  }
.Ltmp4:
0x20a: {  	v19 =	vmul.f32 v40, v27;
	v58 =	vadd.f32 v47, v1;
	v59 =	vadd.f32 v47, v0;
	(pc) =	sbr.rel @p0 .LBB2_11-.Ltmp4, $4  }
0x20b: {  	v9 =	vmul.f32 v18, v9;
	v63 =	vadd.f32 v47, v6;
	v6 =	vadd.f32 v47, v26  }
0x20c: {  	v56 =	vadd.f32 v47, v15;
	v15 =	vmul.f32 v40, v29;
	v25 =	vmul.f32 v40, v8  }
0x20d: {  	v61 =	vadd.f32 v47, v20;
	v20 =	vmul.f32 v40, v28;
	v1 =	vadd.f32 v47, v22  }
0x20e: {  	s25 =	sadd.s32 $0x40, s25;
	v0 =	vadd.f32 v47, v23;
	v8 =	vmul.f32 v40, v31;
	v4 =	vadd.f32 v47, v25  }
0x20f: {  	v22 =	vld [tilespmem:$0x1F8C0]  }
0x210: {  	v30 =	vld [tilespmem:$0x1F990]  }
0x211: {  	v31 =	vld [tilespmem:$0x1F960]  }
0x212: {  	v32 =	vld [tilespmem:$0x1F890]  }
0x213: {  	v16 =	vadd.f32 v47, v16;
	v33 =	vld [tilespmem:$0x1F8D0]  }
0x214: {  	v20 =	vadd.f32 v47, v20;
	v25 =	vadd.f32 v55, v42;
	v42 =	vld [tilespmem:$0x1F8A0]  }
0x215: {  	v23 =	vadd.f32 v47, v8;
	v8 =	vadd.f32 v56, v39;
	v39 =	vld [tilespmem:$0x1F900]  }
0x216: {  	v15 =	vadd.f32 v47, v15;
	v19 =	vadd.f32 v47, v19;
	v22 =	vmul.f32 v40, v22;
	v40 =	vld [tilespmem:$0x1F930]  }
0x217: {  	v26 =	vadd.f32 v58, v44;
	v27 =	vadd.f32 v59, v43;
	v43 =	vld [tilespmem:$0x1F8E0]  }
0x218: {  	v28 =	vadd.f32 v61, v48;
	v29 =	vadd.f32 v63, v45;
	v44 =	vld [tilespmem:$0x1F940];
	v30 =	vmul.f32 v37, v30  }
0x219: {  	v4 =	vadd.f32 v4, v54;
	v54 =	vld [tilespmem:$0x1F9E0];
	v31 =	vmul.f32 v37, v31;
	v32 =	vmul.f32 v37, v32  }
0x21a: {  	v22 =	vadd.f32 v47, v22;
	v23 =	vadd.f32 v23, v30;
	v30 =	vmul.f32 v37, v39;
	v47 =	vld [tilespmem:$0x1F970]  }
0x21b: {  	v45 =	vld [tilespmem:$0x1F910];
	v0 =	vadd.f32 v0, v53;
	v16 =	vadd.f32 v16, v31;
	v31 =	vmul.f32 v37, v40  }
0x21c: {  	v53 =	vld [tilespmem:$0x1F9A0];
	v19 =	vadd.f32 v19, v32;
	v20 =	vadd.f32 v20, v30;
	v30 =	vmul.f32 v18, v42  }
0x21d: {  	v1 =	vadd.f32 v1, v49;
	v48 =	vld [tilespmem:$0x1F8B0];
	v15 =	vadd.f32 v15, v31;
	v31 =	vmul.f32 v18, v44  }
0x21e: {  	v6 =	vadd.f32 v6, v50;
	v49 =	vld [tilespmem:$0x1F8F0];
	v33 =	vmul.f32 v37, v33;
	v19 =	vadd.f32 v19, v30  }
0x21f: {  	v55 =	vld [tilespmem:$0x1F9C0];
	v30 =	vmul.f32 v18, v47;
	v15 =	vadd.f32 v15, v31;
	v31 =	vmul.f32 v18, v54  }
0x220: {  	v61 =	vld [tilespmem:$0x1F9B0];
	v1 =	vadd.f32 v1, v36;
	v32 =	vmul.f32 v18, v43;
	v22 =	vadd.f32 v22, v33  }
0x221: {  	v16 =	vadd.f32 v16, v30;
	v30 =	vmul.f32 v18, v53;
	v6 =	vadd.f32 v6, v31;
	v31 =	vld [tilespmem:$0x1FA00]  }
0x222: {  	v50 =	vld [tilespmem:$0x1F920];
	v24 =	vadd.f32 v26, v24;
	v22 =	vadd.f32 v22, v32  }
0x223: {  	v32 =	vadd.f32 v29, v34;
	v34 =	vld [tilespmem:$0x1FA20];
	v23 =	vadd.f32 v23, v30  }
0x224: {  	v58 =	vld [tilespmem:$0x1F950];
	v27 =	vadd.f32 v27, v62;
	v0 =	vadd.f32 v0, v38  }
0x225: {  	v59 =	vld [tilespmem:$0x1F980];
	v56 =	vmul.f32 v18, v55;
	v33 =	vmul.f32 v18, v45;
	v18 =	vadd.f32 v23, v61  }
0x226: {  	v30 =	vld [tilespmem:$0x1F9F0];
	v23 =	vadd.f32 v0, v31;
	v0 =	vadd.f32 v28, v35  }
0x227: {  	v63 =	vld [tilespmem:$0x1F9D0];
	v20 =	vadd.f32 v20, v33;
	v19 =	vadd.f32 v19, v48  }
0x228: {  	v22 =	vadd.f32 v22, v49;
	v26 =	vadd.f32 v0, v34;
	v0 =	vld [tilespmem:$0x1FA30]  }
0x229: {  	v4 =	vadd.f32 v4, v56;
	v33 =	vld [tilespmem:$0x1FA10];
	v20 =	vadd.f32 v20, v50  }
0x22a: {  	v21 =	vmin.f32 v21, v19;
	v19 =	vmin.f32 v19, v22;
	v15 =	vadd.f32 v15, v58  }
0x22b: {  	v16 =	vadd.f32 v16, v59;
	v19 =	vmin.f32 v19, v20;
	v6 =	vadd.f32 v6, v30;
	v30 =	vld [tilespmem:$0x1FFC0]  }
0x22c: {  	v4 =	vadd.f32 v4, v63;
	v7 =	vmin.f32 v7, v22;
	v19 =	vmin.f32 v19, v15  }
0x22d: {  	v3 =	vmin.f32 v3, v20;
	v19 =	vmin.f32 v19, v16;
	v28 =	vadd.f32 v32, v0;
	v0 =	vld [tilespmem:$0x1FA40]  }
0x22e: {  	v1 =	vadd.f32 v1, v33;
	v2 =	vmin.f32 v2, v15;
	v19 =	vmin.f32 v19, v18  }
0x22f: {  	v5 =	vmin.f32 v5, v16;
	v18 =	vmin.f32 v60, v18;
	v19 =	vmin.f32 v19, v4  }
0x230: {  	v4 =	vmin.f32 v57, v4;
	v19 =	vmin.f32 v19, v6;
	v35 =	vperm.xlane v21, v30  }
0x231: {  	v6 =	vmin.f32 v52, v6;
	v37 =	vperm.xlane v7, v30;
	v40 =	vperm.xlane v3, v30  }
0x232: {  	v43 =	vperm.xlane v2, v30;
	v0 =	vadd.f32 v24, v0;
	v24 =	vadd.f32 v25, v51;
	v25 =	vld [tilespmem:$0x1FFD0]  }
0x233: {  	v53 =	vmin.f32 v46, v23;
	v50 =	vperm.xlane v5, v30;
	v54 =	vperm.xlane v18, v30  }
0x234: {  	v17 =	vmin.f32 v17, v26;
	v56 =	vperm.xlane v4, v30;
	v61 =	vperm.xlane v6, v30  }
0x235: {  	v29 =	vld [tilespmem:$0x1FFE0];
	v21 =	vmin.f32 v21, v35;
	v7 =	vmin.f32 v7, v37;
	v3 =	vmin.f32 v3, v40  }
0x236: {  	v2 =	vmin.f32 v2, v43;
	v5 =	vmin.f32 v5, v50;
	v37 =	vperm.xlane v17, v30  }
0x237: {  	v4 =	vmin.f32 v4, v56;
	v51 =	vmin.f32 v19, v23;
	v36 =	vperm.xlane v21, v25  }
0x238: {  	v31 =	vld [tilespmem:$0x1FFF0];
	v6 =	vmin.f32 v6, v61;
	v40 =	vmin.f32 v17, v37;
	v16 =	vmin.f32 v51, v1  }
0x239: {  	v1 =	vmin.f32 v41, v1;
	v20 =	vperm.xlane v7, v25;
	v38 =	vmin.f32 v21, v36  }
0x23a: {  	v41 =	vadd.f32 v8, v9;
	v16 =	vmin.f32 v16, v26;
	v39 =	vperm.xlane v38, v29  }
0x23b: {  	v48 =	vld [tilespmem:$0x1FC20];
	v32 =	vperm.xlane v1, v30;
	v44 =	vperm.xlane v3, v25;
	v7 =	vmin.f32 v7, v20  }
0x23c: {  	v16 =	vmin.f32 v16, v28;
	v20 =	vperm.xlane v7, v29;
	v15 =	vmin.f32 v38, v39  }
0x23d: {  	v47 =	vperm.xlane v2, v25;
	v3 =	vmin.f32 v3, v44;
	v42 =	vperm.xlane v15, v31  }
0x23e: {  	v22 =	vperm.xlane v5, v25;
	v49 =	vperm.xlane v3, v29;
	v7 =	vmin.f32 v7, v20  }
0x23f: {  	v2 =	vmin.f32 v2, v47;
	v45 =	vperm.xlane v7, v31;
	v15 =	vclamp.gez.f32 v15, v42  }
0x240: {  	v5 =	vmin.f32 v5, v22;
	v52 =	vperm.xlane v2, v29;
	v15 =	vadd.f32 v15, v48  }
0x241: {  	v55 =	vperm.xlane v5, v29;
	v3 =	vmin.f32 v3, v49;
	v7 =	vclamp.gez.f32 v7, v45  }
0x242: {  	v21 =	vperm.xlane v3, v31;
	v7 =	vadd.f32 v7, v15;
	v15 =	vmin.f32 v18, v54  }
0x243: {  	v59 =	vperm.xlane v4, v25;
	v2 =	vmin.f32 v2, v52;
	v57 =	vperm.xlane v15, v25  }
0x244: {  	v5 =	vmin.f32 v5, v55;
	v19 =	vperm.xlane v2, v31;
	v3 =	vclamp.gez.f32 v3, v21  }
0x245: {  	v58 =	vperm.xlane v5, v31;
	v3 =	vadd.f32 v3, v7;
	v7 =	vmin.f32 v15, v57  }
0x246: {  	v1 =	vmin.f32 v1, v32;
	v2 =	vclamp.gez.f32 v2, v19;
	v60 =	vperm.xlane v7, v29  }
0x247: {  	v34 =	vperm.xlane v1, v25;
	v43 =	vperm.xlane v40, v25;
	v2 =	vadd.f32 v2, v3  }
0x248: {  	v4 =	vmin.f32 v4, v59;
	v3 =	vclamp.gez.f32 v5, v58;
	v62 =	vmin.f32 v7, v60  }
0x249: {  	v22 =	vperm.xlane v53, v30;
	v2 =	vadd.f32 v3, v2;
	v3 =	vperm.xlane v62, v31  }
0x24a: {  	v1 =	vmin.f32 v1, v34;
	v44 =	vmin.f32 v14, v28;
	v21 =	vperm.xlane v6, v25  }
0x24b: {  	v63 =	vperm.xlane v4, v29;
	v7 =	vmin.f32 v53, v22;
	v3 =	vclamp.gez.f32 v62, v3  }
0x24c: {  	v6 =	vmin.f32 v6, v21;
	v2 =	vadd.f32 v3, v2;
	v3 =	vperm.xlane v7, v25  }
0x24d: {  	v35 =	vld [tilespmem:$0x1FA50];
	v47 =	vmin.f32 v13, v0;
	v4 =	vmin.f32 v4, v63;
	v15 =	vperm.xlane v6, v29  }
0x24e: {  	v39 =	vperm.xlane v1, v29;
	v23 =	vperm.xlane v4, v31;
	v3 =	vmin.f32 v7, v3  }
0x24f: {  	v14 =	vperm.xlane v44, v30;
	v45 =	vld [tilespmem:$0x1FA60];
	v33 =	vmin.f32 v6, v15;
	v36 =	vperm.xlane v3, v29  }
0x250: {  	v1 =	vmin.f32 v1, v39;
	v4 =	vclamp.gez.f32 v4, v23;
	v6 =	vperm.xlane v33, v31  }
0x251: {  	v46 =	vld [tilespmem:$0x1FA70];
	v5 =	vperm.xlane v1, v31;
	v2 =	vadd.f32 v4, v2;
	v3 =	vmin.f32 v3, v36  }
0x252: {  	v15 =	vadd.f32 v27, v35;
	v38 =	vclamp.gez.f32 v33, v6;
	v42 =	vperm.xlane v3, v31  }
0x253: {  	v1 =	vclamp.gez.f32 v1, v5;
	v6 =	vmin.f32 v40, v43;
	v2 =	vadd.f32 v38, v2  }
0x254: {  	v8 =	vadd.f32 v24, v45;
	v9 =	vperm.xlane v6, v29;
	v3 =	vclamp.gez.f32 v3, v42  }
0x255: {  	v12 =	vmin.f32 v12, v15;
	v4 =	vmin.f32 v44, v14;
	v2 =	vadd.f32 v3, v2  }
0x256: {  	v7 =	vadd.f32 v41, v46;
	v48 =	vperm.xlane v4, v25;
	v3 =	vmin.f32 v6, v9  }
0x257: {  	v6 =	vperm.xlane v3, v31;
	v1 =	vadd.f32 v1, v2;
	v2 =	vperm.xlane v47, v30  }
0x258: {  	v11 =	vmin.f32 v11, v8;
	v50 =	vperm.xlane v12, v30;
	v51 =	vmin.f32 v10, v7  }
0x259: {  	v4 =	vmin.f32 v4, v48;
	v3 =	vclamp.gez.f32 v3, v6;
	v2 =	vmin.f32 v47, v2  }
0x25a: {  	v49 =	vperm.xlane v4, v29;
	v1 =	vadd.f32 v3, v1;
	v3 =	vperm.xlane v2, v25  }
0x25b: {  	v52 =	vperm.xlane v11, v30;
	v5 =	vmin.f32 v12, v50;
	v55 =	vperm.xlane v51, v30  }
0x25c: {  	v4 =	vmin.f32 v4, v49;
	v2 =	vmin.f32 v2, v3;
	v3 =	vperm.xlane v5, v25  }
0x25d: {  	v53 =	vperm.xlane v4, v31;
	v6 =	vmin.f32 v11, v52;
	v54 =	vperm.xlane v2, v29  }
0x25e: {  	v9 =	vmin.f32 v51, v55;
	v56 =	vperm.xlane v6, v25;
	v3 =	vmin.f32 v5, v3  }
0x25f: {  	v59 =	vperm.xlane v9, v25;
	v2 =	vmin.f32 v2, v54;
	v57 =	vperm.xlane v3, v29  }
0x260: {  	v4 =	vclamp.gez.f32 v4, v53;
	v5 =	vmin.f32 v6, v56;
	v58 =	vperm.xlane v2, v31  }
0x261: {  	v1 =	vadd.f32 v4, v1;
	v60 =	vperm.xlane v5, v29;
	v3 =	vmin.f32 v3, v57  }
0x262: {  	v6 =	vmin.f32 v9, v59;
	v2 =	vclamp.gez.f32 v2, v58;
	v61 =	vperm.xlane v3, v31  }
0x263: {  	s23 =	sadd.s32 $0x1, s23;
	v62 =	vperm.xlane v6, v29;
	v4 =	vmin.f32 v5, v60;
	v1 =	vadd.f32 v2, v1;
	v2 =	vld [tilespmem:s24+$0x4200]  }
0x264: {  	p0 =	sne.s32 s23, $0x8;
	v0 =	vmin.f32 v16, v0;
	v63 =	vperm.xlane v4, v31;
	v3 =	vclamp.gez.f32 v3, v61  }
.Ltmp5:
0x265: {  	v0 =	vmin.f32 v0, v15;
	v1 =	vadd.f32 v3, v1;
	v3 =	vmin.f32 v6, v62;
	(pc) =	sbr.rel @p0 .LBB2_10-.Ltmp5, $4  }
0x266: {  	v0 =	vmin.f32 v0, v8;
	v4 =	vclamp.gez.f32 v4, v63;
	v5 =	vperm.xlane v3, v31  }
0x267: {  	v0 =	vmin.f32 v0, v7;
	v1 =	vadd.f32 v4, v1  }
0x268: {  	v0 =	vmin.f32 v2, v0;
	v2 =	vclamp.gez.f32 v3, v5  }
0x269: {  	[tilespmem:s24+$0x4200] =	vst v0;
	v1 =	vadd.f32 v2, v1  }
0x26a: {  	[hbm4b:s6+s19] =	stream.strided.scatter [tilespmem:s21], [sflag:$0x1], $0x1000, s20, s19, $0x38;
	[tilespmem:$0x5280] =	vst v63  }
0x26b: {  	_ =	swait.ge [sflag:s11], $0x1000  }
0x26c: {  	[sflag:s11] =	ssyncset.done $0x0  }
0x26d: {  	s23 =	simm.s32 $0x0;
	[sflag:s11] =	ssyncadd.s32 $0xFFFFF000  }
0x26e: {  	[tilespmem:s23], [sflag:$0x1] =	stream.linear.gather [hbm4b:s28+s23], $0x1000, $0x38;
	[tilespmem:$0x5280] =	vst v63  }
0x26f: {  	_ =	swait.ge [sflag:s11], $0x1000  }
0x270: {  	[sflag:s11] =	ssyncset.done $0x0  }
0x271: {  	[sflag:s11] =	ssyncadd.s32 $0xFFFFF000  }
0x272: {  	[tilespmem:s12], [sflag:$0x1] =	stream.linear.gather [hbm4b:s29+s23], $0x1000, $0x38;
	[tilespmem:$0x5280] =	vst v63  }
0x273: {  	_ =	swait.ge [sflag:s11], $0x1000  }
0x274: {  	[sflag:s11] =	ssyncset.done $0x0  }
0x275: {  	[sflag:s11] =	ssyncadd.s32 $0xFFFFF000  }
0x276: {  	[tilespmem:s13], [sflag:$0x1] =	stream.linear.gather [hbm4b:s30+s23], $0x1000, $0x38;
	[tilespmem:$0x5280] =	vst v63  }
0x277: {  	_ =	swait.ge [sflag:s11], $0x1000  }
0x278: {  	[sflag:s11] =	ssyncset.done $0x0  }
0x279: {  	[sflag:s11] =	ssyncadd.s32 $0xFFFFF000  }
0x27a: {  	[tilespmem:s14], [sflag:$0x1] =	stream.linear.gather [hbm4b:s31+s23], $0x1000, $0x38;
	[tilespmem:$0x5280] =	vst v63  }
0x27b: {  	_ =	swait.ge [sflag:s11], $0x1000  }
0x27c: {  	[sflag:s11] =	ssyncset.done $0x0  }
0x27d: {  	s24 =	rddreg [dreg:$0xd];
	[sflag:s11] =	ssyncadd.s32 $0xFFFFF000  }
0x27e: {  	[tilespmem:s15], [sflag:$0x1] =	stream.linear.gather [hbm4b:s24+s23], $0x80, $0x38;
	[tilespmem:$0x5280] =	vst v63  }
0x27f: {  	_ =	swait.ge [sflag:s11], $0x80  }
0x280: {  	[sflag:s11] =	ssyncset.done $0x0  }
0x281: {  	s26 =	rddreg [dreg:$0xe];
	[sflag:s11] =	ssyncadd.s32 $0xFFFFFF80  }
0x282: {  	[tilespmem:s16], [sflag:$0x1] =	stream.linear.gather [hbm4b:s26+s23], $0x80, $0x38;
	[tilespmem:$0x5280] =	vst v63  }
0x283: {  	_ =	swait.ge [sflag:s11], $0x80  }
0x284: {  	[sflag:s11] =	ssyncset.done $0x0  }
0x285: {  	s25 =	rddreg [dreg:$0xf];
	[sflag:s11] =	ssyncadd.s32 $0xFFFFFF80  }
0x286: {  	[tilespmem:s17], [sflag:$0x1] =	stream.linear.gather [hbm4b:s25+s23], $0x80, $0x38;
	[tilespmem:$0x5280] =	vst v63  }
0x287: {  	_ =	swait.ge [sflag:s11], $0x80  }
0x288: {  	[sflag:s11] =	ssyncset.done $0x0  }
0x289: {  	s26 =	rddreg [dreg:$0x10];
	[sflag:s11] =	ssyncadd.s32 $0xFFFFFF80  }
0x28a: {  	[tilespmem:s18], [sflag:$0x1] =	stream.linear.gather [hbm4b:s26+s23], $0x80, $0x38;
	[tilespmem:$0x5280] =	vst v63  }
0x28b: {  	_ =	swait.ge [sflag:s11], $0x80  }
0x28c: {  	[sflag:s11] =	ssyncset.done $0x0  }
0x28d: {  	v0 =	vimm.f32 $+Inf;
	s24 =	simm.s32 $0x40;
	s25 =	simm.s32 $0x0;
	[sflag:s11] =	ssyncadd.s32 $0xFFFFFF80  }
.LBB2_14:
0x28e: {  	p0 =	sne.s32 s24, $0x3FC0;
	[tilespmem:s25+$0x4200] =	vst v0;
	s25 =	smov.u32 s24;
	s24 =	sadd.s32 $0x40, s24  }
.Ltmp6:
0x28f: {  	(pc) =	sbr.rel @p0 .LBB2_14-.Ltmp6, $2  }
0x290: {  	_ =	sdelay $0x2  }
0x291: {  	s25 =	sshra.s32 s25, $0x2  }
0x292: {  	[tilespmem:s25+$0x4200] =	vst v0  }
.LBB2_16:
0x293: {  	s24 =	sshll.u32 s23, $0x4  }
0x294: {  	[tilespmem:$0x1FC20] =	vst v1;
	v1 =	vld [tilespmem:s24+$0x4080];
	_ =	sdelay $0x1  }
0x295: {  	v2 =	vld [tilespmem:s24+$0x4100];
	_ =	sdelay $0x1  }
0x296: {  	v3 =	vld [tilespmem:s24+$0x4180]  }
0x297: {  	v4 =	vbroadcast v1, $0x0  }
0x298: {  	v0 =	vld [tilespmem:s24+$0x4000]  }
0x299: {  	[tilespmem:$0x1F500] =	vst v4;
	v4 =	vbroadcast v2, $0x0;
	_ =	sdelay $0x1  }
0x29a: {  	[tilespmem:$0x1F510] =	vst v4;
	v4 =	vbroadcast v3, $0x0;
	_ =	sdelay $0x1  }
0x29b: {  	[tilespmem:$0x1F520] =	vst v4;
	v4 =	vbroadcast v0, $0x1;
	_ =	sdelay $0x1  }
0x29c: {  	[tilespmem:$0x1F530] =	vst v4;
	v4 =	vbroadcast v1, $0x1;
	_ =	sdelay $0x1  }
0x29d: {  	[tilespmem:$0x1F540] =	vst v4;
	v4 =	vbroadcast v2, $0x1;
	_ =	sdelay $0x1  }
0x29e: {  	[tilespmem:$0x1F550] =	vst v4;
	v4 =	vbroadcast v3, $0x1;
	_ =	sdelay $0x1  }
0x29f: {  	[tilespmem:$0x1F560] =	vst v4;
	v4 =	vbroadcast v1, $0x2;
	_ =	sdelay $0x1  }
0x2a0: {  	[tilespmem:$0x1F570] =	vst v4;
	v4 =	vbroadcast v2, $0x2;
	_ =	sdelay $0x1  }
0x2a1: {  	[tilespmem:$0x1F580] =	vst v4;
	v4 =	vbroadcast v3, $0x2;
	_ =	sdelay $0x1  }
0x2a2: {  	[tilespmem:$0x1F590] =	vst v4;
	v4 =	vbroadcast v1, $0x3;
	_ =	sdelay $0x1  }
0x2a3: {  	[tilespmem:$0x1F5A0] =	vst v4;
	v4 =	vbroadcast v2, $0x3  }
0x2a4: {  	v9 =	vbroadcast v2, $0xE  }
0x2a5: {  	[tilespmem:$0x1F5B0] =	vst v4;
	v4 =	vbroadcast v3, $0x3  }
0x2a6: {  	v32 =	vbroadcast v2, $0xD;
	[tilespmem:$0x1F6F0] =	vst v9  }
0x2a7: {  	[tilespmem:$0x1F5C0] =	vst v4;
	v4 =	vbroadcast v1, $0x4  }
0x2a8: {  	v5 =	vbroadcast v0, $0x0;
	v24 =	vbroadcast v2, $0xC;
	[tilespmem:$0x1F710] =	vst v32  }
0x2a9: {  	v7 =	vbroadcast v0, $0x2;
	[tilespmem:$0x1F5D0] =	vst v4;
	v4 =	vbroadcast v2, $0x4  }
0x2aa: {  	v10 =	vbroadcast v0, $0x3;
	v34 =	vbroadcast v1, $0xE;
	[tilespmem:$0x1F730] =	vst v24  }
0x2ab: {  	v11 =	vbroadcast v0, $0x4;
	[tilespmem:$0x1F5E0] =	vst v4;
	v4 =	vbroadcast v3, $0x4  }
0x2ac: {  	v6 =	vbroadcast v0, $0x5;
	v28 =	vbroadcast v2, $0xB;
	[tilespmem:$0x1F740] =	vst v34  }
0x2ad: {  	v8 =	vbroadcast v0, $0x6;
	[tilespmem:$0x1F5F0] =	vst v4;
	v4 =	vbroadcast v1, $0x5  }
0x2ae: {  	v12 =	vbroadcast v1, $0x6;
	v31 =	vbroadcast v1, $0xD;
	[tilespmem:$0x1F750] =	vst v28  }
0x2af: {  	v13 =	vbroadcast v0, $0x7;
	[tilespmem:$0x1F600] =	vst v4;
	v4 =	vbroadcast v2, $0x5  }
0x2b0: {  	v14 =	vbroadcast v1, $0x7;
	v33 =	vbroadcast v0, $0xE;
	[tilespmem:$0x1F760] =	vst v31  }
0x2b1: {  	v15 =	vbroadcast v0, $0x8;
	[tilespmem:$0x1F610] =	vst v4;
	v4 =	vbroadcast v3, $0x5  }
0x2b2: {  	v16 =	vbroadcast v1, $0x8;
	v25 =	vbroadcast v2, $0xA;
	[tilespmem:$0x1F770] =	vst v33  }
0x2b3: {  	v17 =	vbroadcast v2, $0x8;
	[tilespmem:$0x1F620] =	vst v4;
	v4 =	vbroadcast v2, $0x6  }
0x2b4: {  	s24 =	simm.s32 $0x0;
	v19 =	vbroadcast v0, $0x9;
	v36 =	vbroadcast v0, $0xF;
	[tilespmem:$0x1F780] =	vst v25  }
0x2b5: {  	v18 =	vld [tilespmem:s24+$0x2000];
	v20 =	vbroadcast v1, $0x9;
	[tilespmem:$0x1F630] =	vst v4;
	v4 =	vbroadcast v3, $0x6  }
0x2b6: {  	v21 =	vbroadcast v2, $0x9;
	v30 =	vbroadcast v1, $0xC;
	[tilespmem:$0x1F790] =	vst v36  }
0x2b7: {  	v37 =	vld [tilespmem:s24+$0x1000];
	v22 =	vbroadcast v0, $0xA;
	[tilespmem:$0x1F640] =	vst v4;
	v4 =	vbroadcast v2, $0x7  }
0x2b8: {  	v23 =	vbroadcast v1, $0xA;
	v29 =	vbroadcast v0, $0xC;
	[tilespmem:$0x1F7A0] =	vst v30  }
0x2b9: {  	v26 =	vbroadcast v0, $0xB;
	[tilespmem:$0x1F650] =	vst v4;
	v4 =	vbroadcast v3, $0x7  }
0x2ba: {  	v27 =	vbroadcast v1, $0xB;
	v51 =	vmul.f32 v18, v9;
	[tilespmem:$0x1F7B0] =	vst v29  }
0x2bb: {  	v62 =	vmul.f32 v18, v32;
	[tilespmem:$0x1F660] =	vst v4;
	v4 =	vbroadcast v3, $0x8  }
0x2bc: {  	v24 =	vmul.f32 v18, v24;
	v42 =	vmul.f32 v37, v34;
	[tilespmem:$0x1F7C0] =	vst v21  }
0x2bd: {  	v34 =	vmul.f32 v18, v28;
	[tilespmem:$0x1F670] =	vst v4;
	v4 =	vbroadcast v3, $0x9  }
0x2be: {  	v43 =	vmul.f32 v37, v31;
	v35 =	vmul.f32 v18, v25;
	[tilespmem:$0x1F800] =	vst v17  }
0x2bf: {  	v40 =	vld [tilespmem:s24+$0x0];
	v44 =	vmul.f32 v37, v30;
	[tilespmem:$0x1F680] =	vst v4;
	v4 =	vbroadcast v3, $0xA  }
0x2c0: {  	v45 =	vmul.f32 v37, v27;
	v38 =	vmul.f32 v18, v17;
	[tilespmem:$0x1F840] =	vst v20  }
0x2c1: {  	v60 =	vimm.f32 $+Inf;
	v48 =	vmul.f32 v37, v23;
	[tilespmem:$0x1F690] =	vst v4;
	v4 =	vbroadcast v3, $0xB  }
0x2c2: {  	v57 =	vimm.f32 $+Inf;
	v49 =	vmul.f32 v37, v20;
	[tilespmem:$0x1F860] =	vst v16;
	v53 =	vmul.f32 v37, v16  }
0x2c3: {  	v52 =	vimm.f32 $+Inf;
	v50 =	vmul.f32 v37, v14;
	[tilespmem:$0x1F6A0] =	vst v4;
	v4 =	vbroadcast v3, $0xC  }
0x2c4: {  	v46 =	vimm.f32 $+Inf;
	[tilespmem:$0x1F870] =	vst v8;
	v54 =	vmul.f32 v37, v12;
	v16 =	vmul.f32 v40, v11  }
0x2c5: {  	v41 =	vimm.f32 $+Inf;
	v47 =	vld [tilespmem:s24+$0x3000];
	[tilespmem:$0x1F6B0] =	vst v4;
	v4 =	vbroadcast v0, $0xD;
	v0 =	vbroadcast v3, $0xD  }
0x2c6: {  	[tilespmem:$0x1F880] =	vst v14;
	v20 =	vmul.f32 v40, v7;
	v17 =	vimm.f32 $+Inf;
	v1 =	vbroadcast v1, $0xF  }
0x2c7: {  	v14 =	vimm.f32 $+Inf;
	v2 =	vbroadcast v2, $0xF;
	[tilespmem:$0x1F6C0] =	vst v0;
	v0 =	vbroadcast v3, $0xE  }
0x2c8: {  	v28 =	vmovc v7;
	v7 =	vimm.f32 $+Inf;
	[tilespmem:$0x1F720] =	vst v1;
	v39 =	vmul.f32 v37, v1;
	v1 =	vmul.f32 v40, v36  }
0x2c9: {  	v30 =	vmovc v11;
	v11 =	vimm.f32 $+Inf;
	v9 =	vmul.f32 v18, v2;
	[tilespmem:$0x1F6D0] =	vst v0;
	v0 =	vbroadcast v3, $0xF  }
0x2ca: {  	v56 =	vadd.f32 v47, v1;
	[tilespmem:$0x1F700] =	vst v2;
	v2 =	vmul.f32 v40, v8;
	v1 =	vmul.f32 v40, v4  }
0x2cb: {  	v36 =	vmul.f32 v18, v21;
	v21 =	vimm.f32 $+Inf;
	[tilespmem:$0x1F6E0] =	vst v0;
	v0 =	vmul.f32 v40, v33  }
0x2cc: {  	v8 =	vmul.f32 v40, v6;
	[tilespmem:$0x1F7D0] =	vst v4;
	v4 =	vadd.f32 v47, v2;
	v59 =	vadd.f32 v47, v1  }
0x2cd: {  	[tilespmem:$0x1F7E0] =	vst v27;
	v1 =	vmul.f32 v40, v26;
	v55 =	vadd.f32 v47, v0;
	v0 =	vmul.f32 v40, v29  }
0x2ce: {  	[tilespmem:$0x1F7F0] =	vst v22;
	v32 =	vmovc v13;
	v2 =	vimm.f32 $+Inf;
	v3 =	vmul.f32 v40, v13;
	v13 =	vimm.f32 $+Inf  }
0x2cf: {  	[tilespmem:$0x1F850] =	vst v19;
	v63 =	vadd.f32 v47, v1;
	v58 =	vadd.f32 v47, v0;
	v0 =	vmul.f32 v40, v22  }
0x2d0: {  	v31 =	vmovc v6;
	v1 =	vmul.f32 v40, v19;
	v6 =	vadd.f32 v47, v3;
	v19 =	vmul.f32 v40, v5  }
0x2d1: {  	[tilespmem:$0x1F810] =	vst v26;
	v3 =	vimm.f32 $+Inf;
	v61 =	vadd.f32 v47, v0;
	v0 =	vmul.f32 v40, v15  }
0x2d2: {  	[tilespmem:$0x1F820] =	vst v23;
	v27 =	vmovc v5;
	v33 =	vmovc v12;
	v5 =	vimm.f32 $+Inf;
	v12 =	vimm.f32 $+Inf;
	v1 =	vadd.f32 v47, v1  }
0x2d3: {  	s25 =	simm.s32 $0x40;
	[tilespmem:$0x1F830] =	vst v15;
	v29 =	vmovc v10;
	v15 =	vmul.f32 v40, v10;
	v10 =	vimm.f32 $+Inf;
	v0 =	vadd.f32 v47, v0  }
.LBB2_17:
0x2d4: {  	v25 =	vld [tilespmem:$0x1F510];
	_ =	sdelay $0x4  }
0x2d5: {  	v42 =	vadd.f32 v55, v42;
	v55 =	vmul.f32 v18, v25;
	v25 =	vld [tilespmem:$0x1F5A0];
	_ =	sdelay $0x4  }
0x2d6: {  	v39 =	vadd.f32 v56, v39;
	v56 =	vmul.f32 v37, v25;
	v25 =	vld [tilespmem:$0x1F500];
	_ =	sdelay $0x4  }
0x2d7: {  	v45 =	vadd.f32 v63, v45;
	v63 =	vmul.f32 v37, v25;
	v25 =	vld [tilespmem:$0x1F540];
	_ =	sdelay $0x4  }
0x2d8: {  	v0 =	vadd.f32 v0, v53;
	v53 =	vmul.f32 v37, v25;
	v25 =	vld [tilespmem:$0x1F570];
	_ =	sdelay $0x4  }
0x2d9: {  	v4 =	vadd.f32 v4, v54;
	v54 =	vmul.f32 v37, v25;
	v25 =	vld [tilespmem:$0x1F550];
	_ =	sdelay $0x4  }
0x2da: {  	v44 =	vadd.f32 v58, v44;
	v58 =	vmul.f32 v18, v25;
	v25 =	vld [tilespmem:$0x1F580];
	_ =	sdelay $0x1  }
0x2db: {  	v22 =	vld [tilespmem:$0x1F530];
	_ =	sdelay $0x1  }
0x2dc: {  	v23 =	vld [tilespmem:$0x1F600]  }
0x2dd: {  	v43 =	vadd.f32 v59, v43;
	v59 =	vmul.f32 v18, v25;
	v25 =	vld [tilespmem:$0x1F650];
	_ =	sdelay $0x1  }
0x2de: {  	v16 =	vadd.f32 v47, v16;
	v8 =	vadd.f32 v47, v8;
	v40 =	vmul.f32 v40, v22;
	v22 =	vld [tilespmem:$0x1F5B0]  }
0x2df: {  	v20 =	vadd.f32 v47, v20;
	v15 =	vadd.f32 v47, v15  }
0x2e0: {  	v19 =	vadd.f32 v47, v19;
	v40 =	vadd.f32 v47, v40;
	v47 =	vmul.f32 v37, v23;
	v23 =	vld [tilespmem:$0x1F5D0]  }
0x2e1: {  	v48 =	vadd.f32 v61, v48;
	v61 =	vmul.f32 v18, v25;
	v25 =	vld [tilespmem:$0x1F520]  }
0x2e2: {  	v19 =	vadd.f32 v19, v63  }
0x2e3: {  	v22 =	vmul.f32 v18, v22;
	v15 =	vadd.f32 v15, v56  }
0x2e4: {  	v19 =	vadd.f32 v19, v55  }
0x2e5: {  	v23 =	vmul.f32 v37, v23;
	v15 =	vadd.f32 v15, v22;
	v22 =	vld [tilespmem:$0x1F5E0]  }
0x2e6: {  	v19 =	vadd.f32 v19, v25;
	v25 =	vld [tilespmem:$0x1F560]  }
0x2e7: {  	v16 =	vadd.f32 v16, v23;
	v23 =	vadd.f32 v40, v53;
	_ =	sdelay $0x1  }
0x2e8: {  	v23 =	vadd.f32 v23, v58  }
0x2e9: {  	v22 =	vmul.f32 v18, v22  }
0x2ea: {  	v23 =	vadd.f32 v23, v25;
	v25 =	vld [tilespmem:$0x1F610]  }
0x2eb: {  	v16 =	vadd.f32 v16, v22;
	v22 =	vld [tilespmem:$0x1F630];
	_ =	sdelay $0x3  }
0x2ec: {  	v63 =	vmul.f32 v18, v25;
	v25 =	vld [tilespmem:$0x1F590]  }
0x2ed: {  	v20 =	vadd.f32 v20, v54;
	v18 =	vmul.f32 v18, v22;
	v22 =	vld [tilespmem:$0x1F5C0];
	_ =	sdelay $0x1  }
0x2ee: {  	v20 =	vadd.f32 v20, v59;
	_ =	sdelay $0x1  }
0x2ef: {  	v20 =	vadd.f32 v20, v25  }
0x2f0: {  	v15 =	vadd.f32 v15, v22;
	v22 =	vmin.f32 v19, v23  }
0x2f1: {  	v4 =	vadd.f32 v4, v18;
	v18 =	vmin.f32 v22, v20;
	v22 =	vld [tilespmem:$0x1F620]  }
0x2f2: {  	v8 =	vadd.f32 v8, v47;
	_ =	sdelay $0x1  }
0x2f3: {  	v8 =	vadd.f32 v8, v63;
	_ =	sdelay $0x1  }
0x2f4: {  	v8 =	vadd.f32 v8, v22;
	v22 =	vld [tilespmem:$0x1F640];
	_ =	sdelay $0x1  }
0x2f5: {  	v25 =	vld [tilespmem:$0x1F5F0];
	_ =	sdelay $0x2  }
0x2f6: {  	v4 =	vadd.f32 v4, v22;
	v22 =	vld [tilespmem:$0x1F660]  }
0x2f7: {  	v6 =	vadd.f32 v6, v50  }
0x2f8: {  	v16 =	vadd.f32 v16, v25;
	v25 =	vld [tilespmem:$0x1F680]  }
0x2f9: {  	v1 =	vadd.f32 v1, v49;
	v6 =	vadd.f32 v6, v61;
	_ =	sdelay $0x1  }
0x2fa: {  	v1 =	vadd.f32 v1, v36;
	v6 =	vadd.f32 v6, v22;
	v22 =	vld [tilespmem:$0x1F670];
	_ =	sdelay $0x1  }
0x2fb: {  	v1 =	vadd.f32 v1, v25;
	v25 =	vld [tilespmem:$0x1F690]  }
0x2fc: {  	v0 =	vadd.f32 v0, v38;
	_ =	sdelay $0x1  }
0x2fd: {  	v0 =	vadd.f32 v0, v22;
	v22 =	vadd.f32 v48, v35;
	_ =	sdelay $0x1  }
0x2fe: {  	v22 =	vadd.f32 v22, v25;
	v25 =	vld [tilespmem:$0x1F6A0];
	_ =	sdelay $0x2  }
0x2ff: {  	v34 =	vadd.f32 v45, v34;
	_ =	sdelay $0x1  }
0x300: {  	v50 =	vadd.f32 v34, v25;
	v25 =	vld [tilespmem:$0x1F6B0];
	_ =	sdelay $0x2  }
0x301: {  	v24 =	vadd.f32 v44, v24;
	_ =	sdelay $0x1  }
0x302: {  	v54 =	vadd.f32 v24, v25;
	v25 =	vld [tilespmem:$0x1F6C0]  }
0x303: {  	v18 =	vmin.f32 v18, v15  }
0x304: {  	v18 =	vmin.f32 v18, v16  }
0x305: {  	v44 =	vadd.f32 v43, v62;
	v18 =	vmin.f32 v18, v8  }
0x306: {  	v18 =	vmin.f32 v18, v4  }
0x307: {  	v18 =	vmin.f32 v18, v6;
	v55 =	vadd.f32 v44, v25;
	v25 =	vld [tilespmem:$0x1F6D0]  }
0x308: {  	v21 =	vmin.f32 v21, v19;
	v19 =	vld [tilespmem:$0x1F6E0];
	v40 =	vmin.f32 v18, v0  }
0x309: {  	v35 =	vmin.f32 v40, v1  }
0x30a: {  	v35 =	vmin.f32 v35, v22;
	v24 =	vadd.f32 v42, v51  }
0x30b: {  	s26 =	sshra.s32 s25, $0x2;
	v9 =	vadd.f32 v39, v9;
	v47 =	vld [tilespmem:s24+$0x4200];
	v45 =	vmin.f32 v35, v50  }
0x30c: {  	v37 =	vld [tilespmem:s26+$0x1000];
	v56 =	vadd.f32 v24, v25;
	v24 =	vmin.f32 v45, v54  }
0x30d: {  	v3 =	vmin.f32 v3, v20;
	v20 =	vld [tilespmem:$0x1F710];
	v19 =	vadd.f32 v9, v19;
	v9 =	vmin.f32 v24, v55  }
0x30e: {  	v7 =	vmin.f32 v7, v23;
	v60 =	vmin.f32 v60, v8;
	v8 =	vld [tilespmem:$0x1F780];
	v23 =	vmin.f32 v9, v56  }
0x30f: {  	v2 =	vmin.f32 v2, v15;
	v18 =	vld [tilespmem:s26+$0x2000];
	v15 =	vmin.f32 v23, v19  }
0x310: {  	v40 =	vld [tilespmem:s26+$0x0];
	v15 =	vmin.f32 v47, v15  }
0x311: {  	[tilespmem:s24+$0x4200] =	vst v15;
	v15 =	vld [tilespmem:$0x1F750];
	_ =	sdelay $0x2  }
0x312: {  	v62 =	vmul.f32 v18, v20;
	v20 =	vld [tilespmem:$0x1F720]  }
0x313: {  	v35 =	vmul.f32 v18, v8;
	v8 =	vld [tilespmem:$0x1F790]  }
0x314: {  	v34 =	vmul.f32 v18, v15;
	v15 =	vld [tilespmem:$0x1F760];
	_ =	sdelay $0x3  }
0x315: {  	v39 =	vmul.f32 v37, v20;
	v20 =	vld [tilespmem:$0x1F730]  }
0x316: {  	v43 =	vmul.f32 v37, v15;
	v15 =	vmul.f32 v40, v8;
	v8 =	vld [tilespmem:$0x1F860];
	_ =	sdelay $0x3  }
0x317: {  	v24 =	vmul.f32 v18, v20;
	v20 =	vld [tilespmem:$0x1F740]  }
0x318: {  	v53 =	vmul.f32 v37, v8;
	v8 =	vld [tilespmem:$0x1F7F0]  }
0x319: {  	v52 =	vmin.f32 v52, v6;
	v6 =	vld [tilespmem:$0x1F7C0];
	_ =	sdelay $0x2  }
0x31a: {  	v46 =	vmin.f32 v46, v0;
	v0 =	vld [tilespmem:$0x1F800]  }
0x31b: {  	v42 =	vmul.f32 v37, v20;
	v20 =	vmul.f32 v40, v8;
	v8 =	vld [tilespmem:$0x1F880]  }
0x31c: {  	v36 =	vmul.f32 v18, v6;
	v6 =	vld [tilespmem:$0x1F7E0]  }
0x31d: {  	v41 =	vmin.f32 v41, v1;
	v1 =	vld [tilespmem:$0x1F820]  }
0x31e: {  	v57 =	vmin.f32 v57, v4;
	v4 =	vld [tilespmem:$0x1F7A0]  }
0x31f: {  	v38 =	vmul.f32 v18, v0;
	v0 =	vld [tilespmem:$0x1F7D0]  }
0x320: {  	v14 =	vmin.f32 v14, v50;
	v50 =	vmul.f32 v37, v8;
	v8 =	vld [tilespmem:$0x1F850]  }
0x321: {  	v45 =	vmul.f32 v37, v6;
	v6 =	vld [tilespmem:$0x1F840]  }
0x322: {  	v48 =	vmul.f32 v37, v1;
	v1 =	vld [tilespmem:$0x1F7B0]  }
0x323: {  	v44 =	vmul.f32 v37, v4;
	v4 =	vld [tilespmem:$0x1F770]  }
0x324: {  	v9 =	vld [tilespmem:$0x1F6F0]  }
0x325: {  	v17 =	vmin.f32 v17, v22;
	v22 =	vmul.f32 v40, v8;
	v8 =	vld [tilespmem:$0x1F830]  }
0x326: {  	s24 =	smov.u32 s26;
	v49 =	vmul.f32 v37, v6;
	v6 =	vld [tilespmem:$0x1F810]  }
0x327: {  	v26 =	vmul.f32 v40, v32;
	v47 =	vld [tilespmem:s24+$0x3000]  }
0x328: {  	v5 =	vmin.f32 v5, v16;
	v16 =	vmul.f32 v40, v30;
	v0 =	vmul.f32 v40, v0  }
0x329: {  	v1 =	vmul.f32 v40, v1;
	v51 =	vmul.f32 v18, v9;
	v9 =	vld [tilespmem:$0x1F700]  }
0x32a: {  	v10 =	vmin.f32 v10, v19;
	v4 =	vmul.f32 v40, v4;
	v23 =	vmul.f32 v40, v8;
	v8 =	vld [tilespmem:$0x1F870]  }
0x32b: {  	v13 =	vmin.f32 v13, v54;
	v12 =	vmin.f32 v12, v55;
	v54 =	vmul.f32 v37, v33  }
0x32c: {  	p0 =	sne.s32 s25, $0x3FC0;
	v11 =	vmin.f32 v11, v56;
	v6 =	vmul.f32 v40, v6;
	v55 =	vadd.f32 v47, v4  }
.Ltmp7:
0x32d: {  	v19 =	vmul.f32 v40, v27;
	v58 =	vadd.f32 v47, v1;
	v59 =	vadd.f32 v47, v0;
	(pc) =	sbr.rel @p0 .LBB2_17-.Ltmp7, $4  }
0x32e: {  	v9 =	vmul.f32 v18, v9;
	v63 =	vadd.f32 v47, v6;
	v6 =	vadd.f32 v47, v26  }
0x32f: {  	v56 =	vadd.f32 v47, v15;
	v15 =	vmul.f32 v40, v29;
	v25 =	vmul.f32 v40, v8  }
0x330: {  	v61 =	vadd.f32 v47, v20;
	v20 =	vmul.f32 v40, v28;
	v1 =	vadd.f32 v47, v22  }
0x331: {  	s25 =	sadd.s32 $0x40, s25;
	v0 =	vadd.f32 v47, v23;
	v8 =	vmul.f32 v40, v31;
	v4 =	vadd.f32 v47, v25  }
0x332: {  	v22 =	vld [tilespmem:$0x1F530]  }
0x333: {  	v30 =	vld [tilespmem:$0x1F600]  }
0x334: {  	v31 =	vld [tilespmem:$0x1F5D0]  }
0x335: {  	v32 =	vld [tilespmem:$0x1F500]  }
0x336: {  	v16 =	vadd.f32 v47, v16;
	v33 =	vld [tilespmem:$0x1F540]  }
0x337: {  	v20 =	vadd.f32 v47, v20;
	v25 =	vadd.f32 v55, v42;
	v42 =	vld [tilespmem:$0x1F510]  }
0x338: {  	v23 =	vadd.f32 v47, v8;
	v8 =	vadd.f32 v56, v39;
	v39 =	vld [tilespmem:$0x1F570]  }
0x339: {  	v15 =	vadd.f32 v47, v15;
	v19 =	vadd.f32 v47, v19;
	v22 =	vmul.f32 v40, v22;
	v40 =	vld [tilespmem:$0x1F5A0]  }
0x33a: {  	v26 =	vadd.f32 v58, v44;
	v27 =	vadd.f32 v59, v43;
	v43 =	vld [tilespmem:$0x1F550]  }
0x33b: {  	v28 =	vadd.f32 v61, v48;
	v29 =	vadd.f32 v63, v45;
	v44 =	vld [tilespmem:$0x1F5B0];
	v30 =	vmul.f32 v37, v30  }
0x33c: {  	v4 =	vadd.f32 v4, v54;
	v54 =	vld [tilespmem:$0x1F650];
	v31 =	vmul.f32 v37, v31;
	v32 =	vmul.f32 v37, v32  }
0x33d: {  	v22 =	vadd.f32 v47, v22;
	v23 =	vadd.f32 v23, v30;
	v30 =	vmul.f32 v37, v39;
	v47 =	vld [tilespmem:$0x1F5E0]  }
0x33e: {  	v45 =	vld [tilespmem:$0x1F580];
	v0 =	vadd.f32 v0, v53;
	v16 =	vadd.f32 v16, v31;
	v31 =	vmul.f32 v37, v40  }
0x33f: {  	v53 =	vld [tilespmem:$0x1F610];
	v19 =	vadd.f32 v19, v32;
	v20 =	vadd.f32 v20, v30;
	v30 =	vmul.f32 v18, v42  }
0x340: {  	v1 =	vadd.f32 v1, v49;
	v48 =	vld [tilespmem:$0x1F520];
	v15 =	vadd.f32 v15, v31;
	v31 =	vmul.f32 v18, v44  }
0x341: {  	v6 =	vadd.f32 v6, v50;
	v49 =	vld [tilespmem:$0x1F560];
	v33 =	vmul.f32 v37, v33;
	v19 =	vadd.f32 v19, v30  }
0x342: {  	v55 =	vld [tilespmem:$0x1F630];
	v30 =	vmul.f32 v18, v47;
	v15 =	vadd.f32 v15, v31;
	v31 =	vmul.f32 v18, v54  }
0x343: {  	v61 =	vld [tilespmem:$0x1F620];
	v1 =	vadd.f32 v1, v36;
	v32 =	vmul.f32 v18, v43;
	v22 =	vadd.f32 v22, v33  }
0x344: {  	v16 =	vadd.f32 v16, v30;
	v30 =	vmul.f32 v18, v53;
	v6 =	vadd.f32 v6, v31;
	v31 =	vld [tilespmem:$0x1F670]  }
0x345: {  	v50 =	vld [tilespmem:$0x1F590];
	v24 =	vadd.f32 v26, v24;
	v22 =	vadd.f32 v22, v32  }
0x346: {  	v32 =	vadd.f32 v29, v34;
	v34 =	vld [tilespmem:$0x1F690];
	v23 =	vadd.f32 v23, v30  }
0x347: {  	v58 =	vld [tilespmem:$0x1F5C0];
	v27 =	vadd.f32 v27, v62;
	v0 =	vadd.f32 v0, v38  }
0x348: {  	v59 =	vld [tilespmem:$0x1F5F0];
	v56 =	vmul.f32 v18, v55;
	v33 =	vmul.f32 v18, v45;
	v18 =	vadd.f32 v23, v61  }
0x349: {  	v30 =	vld [tilespmem:$0x1F660];
	v23 =	vadd.f32 v0, v31;
	v0 =	vadd.f32 v28, v35  }
0x34a: {  	v63 =	vld [tilespmem:$0x1F640];
	v20 =	vadd.f32 v20, v33;
	v19 =	vadd.f32 v19, v48  }
0x34b: {  	v22 =	vadd.f32 v22, v49;
	v26 =	vadd.f32 v0, v34;
	v0 =	vld [tilespmem:$0x1F6A0]  }
0x34c: {  	v4 =	vadd.f32 v4, v56;
	v33 =	vld [tilespmem:$0x1F680];
	v20 =	vadd.f32 v20, v50  }
0x34d: {  	v21 =	vmin.f32 v21, v19;
	v19 =	vmin.f32 v19, v22;
	v15 =	vadd.f32 v15, v58  }
0x34e: {  	v16 =	vadd.f32 v16, v59;
	v19 =	vmin.f32 v19, v20;
	v6 =	vadd.f32 v6, v30;
	v30 =	vld [tilespmem:$0x1FFC0]  }
0x34f: {  	v4 =	vadd.f32 v4, v63;
	v7 =	vmin.f32 v7, v22;
	v19 =	vmin.f32 v19, v15  }
0x350: {  	v3 =	vmin.f32 v3, v20;
	v19 =	vmin.f32 v19, v16;
	v28 =	vadd.f32 v32, v0;
	v0 =	vld [tilespmem:$0x1F6B0]  }
0x351: {  	v1 =	vadd.f32 v1, v33;
	v2 =	vmin.f32 v2, v15;
	v19 =	vmin.f32 v19, v18  }
0x352: {  	v5 =	vmin.f32 v5, v16;
	v18 =	vmin.f32 v60, v18;
	v19 =	vmin.f32 v19, v4  }
0x353: {  	v4 =	vmin.f32 v57, v4;
	v19 =	vmin.f32 v19, v6;
	v35 =	vperm.xlane v21, v30  }
0x354: {  	v6 =	vmin.f32 v52, v6;
	v37 =	vperm.xlane v7, v30;
	v40 =	vperm.xlane v3, v30  }
0x355: {  	v43 =	vperm.xlane v2, v30;
	v0 =	vadd.f32 v24, v0;
	v24 =	vadd.f32 v25, v51;
	v25 =	vld [tilespmem:$0x1FFD0]  }
0x356: {  	v53 =	vmin.f32 v46, v23;
	v50 =	vperm.xlane v5, v30;
	v54 =	vperm.xlane v18, v30  }
0x357: {  	v17 =	vmin.f32 v17, v26;
	v56 =	vperm.xlane v4, v30;
	v61 =	vperm.xlane v6, v30  }
0x358: {  	v29 =	vld [tilespmem:$0x1FFE0];
	v21 =	vmin.f32 v21, v35;
	v7 =	vmin.f32 v7, v37;
	v3 =	vmin.f32 v3, v40  }
0x359: {  	v2 =	vmin.f32 v2, v43;
	v5 =	vmin.f32 v5, v50;
	v37 =	vperm.xlane v17, v30  }
0x35a: {  	v4 =	vmin.f32 v4, v56;
	v51 =	vmin.f32 v19, v23;
	v36 =	vperm.xlane v21, v25  }
0x35b: {  	v31 =	vld [tilespmem:$0x1FFF0];
	v6 =	vmin.f32 v6, v61;
	v40 =	vmin.f32 v17, v37;
	v16 =	vmin.f32 v51, v1  }
0x35c: {  	v1 =	vmin.f32 v41, v1;
	v20 =	vperm.xlane v7, v25;
	v38 =	vmin.f32 v21, v36  }
0x35d: {  	v41 =	vadd.f32 v8, v9;
	v16 =	vmin.f32 v16, v26;
	v39 =	vperm.xlane v38, v29  }
0x35e: {  	v48 =	vld [tilespmem:$0x1FC20];
	v32 =	vperm.xlane v1, v30;
	v44 =	vperm.xlane v3, v25;
	v7 =	vmin.f32 v7, v20  }
0x35f: {  	v16 =	vmin.f32 v16, v28;
	v20 =	vperm.xlane v7, v29;
	v15 =	vmin.f32 v38, v39  }
0x360: {  	v47 =	vperm.xlane v2, v25;
	v3 =	vmin.f32 v3, v44;
	v42 =	vperm.xlane v15, v31  }
0x361: {  	v22 =	vperm.xlane v5, v25;
	v49 =	vperm.xlane v3, v29;
	v7 =	vmin.f32 v7, v20  }
0x362: {  	v2 =	vmin.f32 v2, v47;
	v45 =	vperm.xlane v7, v31;
	v15 =	vclamp.gez.f32 v15, v42  }
0x363: {  	v5 =	vmin.f32 v5, v22;
	v52 =	vperm.xlane v2, v29;
	v15 =	vadd.f32 v15, v48  }
0x364: {  	v55 =	vperm.xlane v5, v29;
	v3 =	vmin.f32 v3, v49;
	v7 =	vclamp.gez.f32 v7, v45  }
0x365: {  	v21 =	vperm.xlane v3, v31;
	v7 =	vadd.f32 v7, v15;
	v15 =	vmin.f32 v18, v54  }
0x366: {  	v59 =	vperm.xlane v4, v25;
	v2 =	vmin.f32 v2, v52;
	v57 =	vperm.xlane v15, v25  }
0x367: {  	v5 =	vmin.f32 v5, v55;
	v19 =	vperm.xlane v2, v31;
	v3 =	vclamp.gez.f32 v3, v21  }
0x368: {  	v58 =	vperm.xlane v5, v31;
	v3 =	vadd.f32 v3, v7;
	v7 =	vmin.f32 v15, v57  }
0x369: {  	v1 =	vmin.f32 v1, v32;
	v2 =	vclamp.gez.f32 v2, v19;
	v60 =	vperm.xlane v7, v29  }
0x36a: {  	v34 =	vperm.xlane v1, v25;
	v43 =	vperm.xlane v40, v25;
	v2 =	vadd.f32 v2, v3  }
0x36b: {  	v4 =	vmin.f32 v4, v59;
	v3 =	vclamp.gez.f32 v5, v58;
	v62 =	vmin.f32 v7, v60  }
0x36c: {  	v22 =	vperm.xlane v53, v30;
	v2 =	vadd.f32 v3, v2;
	v3 =	vperm.xlane v62, v31  }
0x36d: {  	v1 =	vmin.f32 v1, v34;
	v44 =	vmin.f32 v14, v28;
	v21 =	vperm.xlane v6, v25  }
0x36e: {  	v63 =	vperm.xlane v4, v29;
	v7 =	vmin.f32 v53, v22;
	v3 =	vclamp.gez.f32 v62, v3  }
0x36f: {  	v6 =	vmin.f32 v6, v21;
	v2 =	vadd.f32 v3, v2;
	v3 =	vperm.xlane v7, v25  }
0x370: {  	v35 =	vld [tilespmem:$0x1F6C0];
	v47 =	vmin.f32 v13, v0;
	v4 =	vmin.f32 v4, v63;
	v15 =	vperm.xlane v6, v29  }
0x371: {  	v39 =	vperm.xlane v1, v29;
	v23 =	vperm.xlane v4, v31;
	v3 =	vmin.f32 v7, v3  }
0x372: {  	v14 =	vperm.xlane v44, v30;
	v45 =	vld [tilespmem:$0x1F6D0];
	v33 =	vmin.f32 v6, v15;
	v36 =	vperm.xlane v3, v29  }
0x373: {  	v1 =	vmin.f32 v1, v39;
	v4 =	vclamp.gez.f32 v4, v23;
	v6 =	vperm.xlane v33, v31  }
0x374: {  	v46 =	vld [tilespmem:$0x1F6E0];
	v5 =	vperm.xlane v1, v31;
	v2 =	vadd.f32 v4, v2;
	v3 =	vmin.f32 v3, v36  }
0x375: {  	v15 =	vadd.f32 v27, v35;
	v38 =	vclamp.gez.f32 v33, v6;
	v42 =	vperm.xlane v3, v31  }
0x376: {  	v1 =	vclamp.gez.f32 v1, v5;
	v6 =	vmin.f32 v40, v43;
	v2 =	vadd.f32 v38, v2  }
0x377: {  	v8 =	vadd.f32 v24, v45;
	v9 =	vperm.xlane v6, v29;
	v3 =	vclamp.gez.f32 v3, v42  }
0x378: {  	v12 =	vmin.f32 v12, v15;
	v4 =	vmin.f32 v44, v14;
	v2 =	vadd.f32 v3, v2  }
0x379: {  	v7 =	vadd.f32 v41, v46;
	v48 =	vperm.xlane v4, v25;
	v3 =	vmin.f32 v6, v9  }
0x37a: {  	v6 =	vperm.xlane v3, v31;
	v1 =	vadd.f32 v1, v2;
	v2 =	vperm.xlane v47, v30  }
0x37b: {  	v11 =	vmin.f32 v11, v8;
	v50 =	vperm.xlane v12, v30;
	v51 =	vmin.f32 v10, v7  }
0x37c: {  	v4 =	vmin.f32 v4, v48;
	v3 =	vclamp.gez.f32 v3, v6;
	v2 =	vmin.f32 v47, v2  }
0x37d: {  	v49 =	vperm.xlane v4, v29;
	v1 =	vadd.f32 v3, v1;
	v3 =	vperm.xlane v2, v25  }
0x37e: {  	v52 =	vperm.xlane v11, v30;
	v5 =	vmin.f32 v12, v50;
	v55 =	vperm.xlane v51, v30  }
0x37f: {  	v4 =	vmin.f32 v4, v49;
	v2 =	vmin.f32 v2, v3;
	v3 =	vperm.xlane v5, v25  }
0x380: {  	v53 =	vperm.xlane v4, v31;
	v6 =	vmin.f32 v11, v52;
	v54 =	vperm.xlane v2, v29  }
0x381: {  	v9 =	vmin.f32 v51, v55;
	v56 =	vperm.xlane v6, v25;
	v3 =	vmin.f32 v5, v3  }
0x382: {  	v59 =	vperm.xlane v9, v25;
	v2 =	vmin.f32 v2, v54;
	v57 =	vperm.xlane v3, v29  }
0x383: {  	v4 =	vclamp.gez.f32 v4, v53;
	v5 =	vmin.f32 v6, v56;
	v58 =	vperm.xlane v2, v31  }
0x384: {  	v1 =	vadd.f32 v4, v1;
	v60 =	vperm.xlane v5, v29;
	v3 =	vmin.f32 v3, v57  }
0x385: {  	v6 =	vmin.f32 v9, v59;
	v2 =	vclamp.gez.f32 v2, v58;
	v61 =	vperm.xlane v3, v31  }
0x386: {  	s23 =	sadd.s32 $0x1, s23;
	v62 =	vperm.xlane v6, v29;
	v4 =	vmin.f32 v5, v60;
	v1 =	vadd.f32 v2, v1;
	v2 =	vld [tilespmem:s24+$0x4200]  }
0x387: {  	p0 =	sne.s32 s23, $0x8;
	v0 =	vmin.f32 v16, v0;
	v63 =	vperm.xlane v4, v31;
	v3 =	vclamp.gez.f32 v3, v61  }
.Ltmp8:
0x388: {  	v0 =	vmin.f32 v0, v15;
	v1 =	vadd.f32 v3, v1;
	v3 =	vmin.f32 v6, v62;
	(pc) =	sbr.rel @p0 .LBB2_16-.Ltmp8, $4  }
0x389: {  	v0 =	vmin.f32 v0, v8;
	v4 =	vclamp.gez.f32 v4, v63;
	v5 =	vperm.xlane v3, v31  }
0x38a: {  	v0 =	vmin.f32 v0, v7;
	v1 =	vadd.f32 v4, v1  }
0x38b: {  	v0 =	vmin.f32 v2, v0;
	v2 =	vclamp.gez.f32 v3, v5  }
0x38c: {  	[tilespmem:s24+$0x4200] =	vst v0;
	v1 =	vadd.f32 v2, v1  }
0x38d: {  	[hbm4b:s7+s19] =	stream.strided.scatter [tilespmem:s21], [sflag:$0x1], $0x1000, s20, s19, $0x38;
	[tilespmem:$0x5280] =	vst v63  }
0x38e: {  	_ =	swait.ge [sflag:s11], $0x1000  }
0x38f: {  	[sflag:s11] =	ssyncset.done $0x0  }
0x390: {  	s23 =	simm.s32 $0x0;
	[sflag:s11] =	ssyncadd.s32 $0xFFFFF000  }
0x391: {  	[tilespmem:s23], [sflag:$0x1] =	stream.linear.gather [hbm4b:s0+s23], $0x1000, $0x38;
	[tilespmem:$0x5280] =	vst v63  }
0x392: {  	_ =	swait.ge [sflag:s11], $0x1000  }
0x393: {  	[sflag:s11] =	ssyncset.done $0x0  }
0x394: {  	[sflag:s11] =	ssyncadd.s32 $0xFFFFF000  }
0x395: {  	[tilespmem:s12], [sflag:$0x1] =	stream.linear.gather [hbm4b:s1+s23], $0x1000, $0x38;
	[tilespmem:$0x5280] =	vst v63  }
0x396: {  	_ =	swait.ge [sflag:s11], $0x1000  }
0x397: {  	[sflag:s11] =	ssyncset.done $0x0  }
0x398: {  	[sflag:s11] =	ssyncadd.s32 $0xFFFFF000  }
0x399: {  	[tilespmem:s13], [sflag:$0x1] =	stream.linear.gather [hbm4b:s3+s23], $0x1000, $0x38;
	[tilespmem:$0x5280] =	vst v63  }
0x39a: {  	_ =	swait.ge [sflag:s11], $0x1000  }
0x39b: {  	[sflag:s11] =	ssyncset.done $0x0  }
0x39c: {  	[sflag:s11] =	ssyncadd.s32 $0xFFFFF000  }
0x39d: {  	[tilespmem:s14], [sflag:$0x1] =	stream.linear.gather [hbm4b:s4+s23], $0x1000, $0x38;
	[tilespmem:$0x5280] =	vst v63  }
0x39e: {  	_ =	swait.ge [sflag:s11], $0x1000  }
0x39f: {  	[sflag:s11] =	ssyncset.done $0x0  }
0x3a0: {  	s24 =	rddreg [dreg:$0x11];
	[sflag:s11] =	ssyncadd.s32 $0xFFFFF000  }
0x3a1: {  	[tilespmem:s15], [sflag:$0x1] =	stream.linear.gather [hbm4b:s24+s23], $0x80, $0x38;
	[tilespmem:$0x5280] =	vst v63  }
0x3a2: {  	_ =	swait.ge [sflag:s11], $0x80  }
0x3a3: {  	[sflag:s11] =	ssyncset.done $0x0  }
0x3a4: {  	s26 =	rddreg [dreg:$0x12];
	[sflag:s11] =	ssyncadd.s32 $0xFFFFFF80  }
0x3a5: {  	[tilespmem:s16], [sflag:$0x1] =	stream.linear.gather [hbm4b:s26+s23], $0x80, $0x38;
	[tilespmem:$0x5280] =	vst v63  }
0x3a6: {  	_ =	swait.ge [sflag:s11], $0x80  }
0x3a7: {  	[sflag:s11] =	ssyncset.done $0x0  }
0x3a8: {  	s25 =	rddreg [dreg:$0x13];
	[sflag:s11] =	ssyncadd.s32 $0xFFFFFF80  }
0x3a9: {  	[tilespmem:s17], [sflag:$0x1] =	stream.linear.gather [hbm4b:s25+s23], $0x80, $0x38;
	[tilespmem:$0x5280] =	vst v63  }
0x3aa: {  	_ =	swait.ge [sflag:s11], $0x80  }
0x3ab: {  	[sflag:s11] =	ssyncset.done $0x0  }
0x3ac: {  	s26 =	rddreg [dreg:$0x14];
	[sflag:s11] =	ssyncadd.s32 $0xFFFFFF80  }
0x3ad: {  	[tilespmem:s18], [sflag:$0x1] =	stream.linear.gather [hbm4b:s26+s23], $0x80, $0x38;
	[tilespmem:$0x5280] =	vst v63  }
0x3ae: {  	_ =	swait.ge [sflag:s11], $0x80  }
0x3af: {  	[sflag:s11] =	ssyncset.done $0x0  }
0x3b0: {  	v0 =	vimm.f32 $+Inf;
	s24 =	simm.s32 $0x40;
	s25 =	simm.s32 $0x0;
	[sflag:s11] =	ssyncadd.s32 $0xFFFFFF80  }
.LBB2_20:
0x3b1: {  	p0 =	sne.s32 s24, $0x3FC0;
	[tilespmem:s25+$0x4200] =	vst v0;
	s25 =	smov.u32 s24;
	s24 =	sadd.s32 $0x40, s24  }
.Ltmp9:
0x3b2: {  	(pc) =	sbr.rel @p0 .LBB2_20-.Ltmp9, $2  }
0x3b3: {  	_ =	sdelay $0x2  }
0x3b4: {  	s25 =	sshra.s32 s25, $0x2  }
0x3b5: {  	[tilespmem:s25+$0x4200] =	vst v0  }
.LBB2_22:
0x3b6: {  	s24 =	sshll.u32 s23, $0x4  }
0x3b7: {  	[tilespmem:$0x1FC20] =	vst v1;
	v1 =	vld [tilespmem:s24+$0x4080];
	_ =	sdelay $0x1  }
0x3b8: {  	v2 =	vld [tilespmem:s24+$0x4100];
	_ =	sdelay $0x1  }
0x3b9: {  	v3 =	vld [tilespmem:s24+$0x4180]  }
0x3ba: {  	v4 =	vbroadcast v1, $0x0  }
0x3bb: {  	v0 =	vld [tilespmem:s24+$0x4000]  }
0x3bc: {  	[tilespmem:$0x1F170] =	vst v4;
	v4 =	vbroadcast v2, $0x0;
	_ =	sdelay $0x1  }
0x3bd: {  	[tilespmem:$0x1F180] =	vst v4;
	v4 =	vbroadcast v3, $0x0;
	_ =	sdelay $0x1  }
0x3be: {  	[tilespmem:$0x1F190] =	vst v4;
	v4 =	vbroadcast v0, $0x1;
	_ =	sdelay $0x1  }
0x3bf: {  	[tilespmem:$0x1F1A0] =	vst v4;
	v4 =	vbroadcast v1, $0x1;
	_ =	sdelay $0x1  }
0x3c0: {  	[tilespmem:$0x1F1B0] =	vst v4;
	v4 =	vbroadcast v2, $0x1;
	_ =	sdelay $0x1  }
0x3c1: {  	[tilespmem:$0x1F1C0] =	vst v4;
	v4 =	vbroadcast v3, $0x1;
	_ =	sdelay $0x1  }
0x3c2: {  	[tilespmem:$0x1F1D0] =	vst v4;
	v4 =	vbroadcast v1, $0x2;
	_ =	sdelay $0x1  }
0x3c3: {  	[tilespmem:$0x1F1E0] =	vst v4;
	v4 =	vbroadcast v2, $0x2;
	_ =	sdelay $0x1  }
0x3c4: {  	[tilespmem:$0x1F1F0] =	vst v4;
	v4 =	vbroadcast v3, $0x2;
	_ =	sdelay $0x1  }
0x3c5: {  	[tilespmem:$0x1F200] =	vst v4;
	v4 =	vbroadcast v1, $0x3;
	_ =	sdelay $0x1  }
0x3c6: {  	[tilespmem:$0x1F210] =	vst v4;
	v4 =	vbroadcast v2, $0x3  }
0x3c7: {  	v9 =	vbroadcast v2, $0xE  }
0x3c8: {  	[tilespmem:$0x1F220] =	vst v4;
	v4 =	vbroadcast v3, $0x3  }
0x3c9: {  	v32 =	vbroadcast v2, $0xD;
	[tilespmem:$0x1F360] =	vst v9  }
0x3ca: {  	[tilespmem:$0x1F230] =	vst v4;
	v4 =	vbroadcast v1, $0x4  }
0x3cb: {  	v5 =	vbroadcast v0, $0x0;
	v24 =	vbroadcast v2, $0xC;
	[tilespmem:$0x1F380] =	vst v32  }
0x3cc: {  	v7 =	vbroadcast v0, $0x2;
	[tilespmem:$0x1F240] =	vst v4;
	v4 =	vbroadcast v2, $0x4  }
0x3cd: {  	v10 =	vbroadcast v0, $0x3;
	v34 =	vbroadcast v1, $0xE;
	[tilespmem:$0x1F3A0] =	vst v24  }
0x3ce: {  	v11 =	vbroadcast v0, $0x4;
	[tilespmem:$0x1F250] =	vst v4;
	v4 =	vbroadcast v3, $0x4  }
0x3cf: {  	v6 =	vbroadcast v0, $0x5;
	v28 =	vbroadcast v2, $0xB;
	[tilespmem:$0x1F3B0] =	vst v34  }
0x3d0: {  	v8 =	vbroadcast v0, $0x6;
	[tilespmem:$0x1F260] =	vst v4;
	v4 =	vbroadcast v1, $0x5  }
0x3d1: {  	v12 =	vbroadcast v1, $0x6;
	v31 =	vbroadcast v1, $0xD;
	[tilespmem:$0x1F3C0] =	vst v28  }
0x3d2: {  	v13 =	vbroadcast v0, $0x7;
	[tilespmem:$0x1F270] =	vst v4;
	v4 =	vbroadcast v2, $0x5  }
0x3d3: {  	v14 =	vbroadcast v1, $0x7;
	v33 =	vbroadcast v0, $0xE;
	[tilespmem:$0x1F3D0] =	vst v31  }
0x3d4: {  	v15 =	vbroadcast v0, $0x8;
	[tilespmem:$0x1F280] =	vst v4;
	v4 =	vbroadcast v3, $0x5  }
0x3d5: {  	v16 =	vbroadcast v1, $0x8;
	v25 =	vbroadcast v2, $0xA;
	[tilespmem:$0x1F3E0] =	vst v33  }
0x3d6: {  	v17 =	vbroadcast v2, $0x8;
	[tilespmem:$0x1F290] =	vst v4;
	v4 =	vbroadcast v2, $0x6  }
0x3d7: {  	s24 =	simm.s32 $0x0;
	v19 =	vbroadcast v0, $0x9;
	v36 =	vbroadcast v0, $0xF;
	[tilespmem:$0x1F3F0] =	vst v25  }
0x3d8: {  	v18 =	vld [tilespmem:s24+$0x2000];
	v20 =	vbroadcast v1, $0x9;
	[tilespmem:$0x1F2A0] =	vst v4;
	v4 =	vbroadcast v3, $0x6  }
0x3d9: {  	v21 =	vbroadcast v2, $0x9;
	v30 =	vbroadcast v1, $0xC;
	[tilespmem:$0x1F400] =	vst v36  }
0x3da: {  	v37 =	vld [tilespmem:s24+$0x1000];
	v22 =	vbroadcast v0, $0xA;
	[tilespmem:$0x1F2B0] =	vst v4;
	v4 =	vbroadcast v2, $0x7  }
0x3db: {  	v23 =	vbroadcast v1, $0xA;
	v29 =	vbroadcast v0, $0xC;
	[tilespmem:$0x1F410] =	vst v30  }
0x3dc: {  	v26 =	vbroadcast v0, $0xB;
	[tilespmem:$0x1F2C0] =	vst v4;
	v4 =	vbroadcast v3, $0x7  }
0x3dd: {  	v27 =	vbroadcast v1, $0xB;
	v51 =	vmul.f32 v18, v9;
	[tilespmem:$0x1F420] =	vst v29  }
0x3de: {  	v62 =	vmul.f32 v18, v32;
	[tilespmem:$0x1F2D0] =	vst v4;
	v4 =	vbroadcast v3, $0x8  }
0x3df: {  	v24 =	vmul.f32 v18, v24;
	v42 =	vmul.f32 v37, v34;
	[tilespmem:$0x1F430] =	vst v21  }
0x3e0: {  	v34 =	vmul.f32 v18, v28;
	[tilespmem:$0x1F2E0] =	vst v4;
	v4 =	vbroadcast v3, $0x9  }
0x3e1: {  	v43 =	vmul.f32 v37, v31;
	v35 =	vmul.f32 v18, v25;
	[tilespmem:$0x1F470] =	vst v17  }
0x3e2: {  	v40 =	vld [tilespmem:s24+$0x0];
	v44 =	vmul.f32 v37, v30;
	[tilespmem:$0x1F2F0] =	vst v4;
	v4 =	vbroadcast v3, $0xA  }
0x3e3: {  	v45 =	vmul.f32 v37, v27;
	v38 =	vmul.f32 v18, v17;
	[tilespmem:$0x1F4B0] =	vst v20  }
0x3e4: {  	v60 =	vimm.f32 $+Inf;
	v48 =	vmul.f32 v37, v23;
	[tilespmem:$0x1F300] =	vst v4;
	v4 =	vbroadcast v3, $0xB  }
0x3e5: {  	v57 =	vimm.f32 $+Inf;
	v49 =	vmul.f32 v37, v20;
	[tilespmem:$0x1F4D0] =	vst v16;
	v53 =	vmul.f32 v37, v16  }
0x3e6: {  	v52 =	vimm.f32 $+Inf;
	v50 =	vmul.f32 v37, v14;
	[tilespmem:$0x1F310] =	vst v4;
	v4 =	vbroadcast v3, $0xC  }
0x3e7: {  	v46 =	vimm.f32 $+Inf;
	[tilespmem:$0x1F4E0] =	vst v8;
	v54 =	vmul.f32 v37, v12;
	v16 =	vmul.f32 v40, v11  }
0x3e8: {  	v41 =	vimm.f32 $+Inf;
	v47 =	vld [tilespmem:s24+$0x3000];
	[tilespmem:$0x1F320] =	vst v4;
	v4 =	vbroadcast v0, $0xD;
	v0 =	vbroadcast v3, $0xD  }
0x3e9: {  	[tilespmem:$0x1F4F0] =	vst v14;
	v20 =	vmul.f32 v40, v7;
	v17 =	vimm.f32 $+Inf;
	v1 =	vbroadcast v1, $0xF  }
0x3ea: {  	v14 =	vimm.f32 $+Inf;
	v2 =	vbroadcast v2, $0xF;
	[tilespmem:$0x1F330] =	vst v0;
	v0 =	vbroadcast v3, $0xE  }
0x3eb: {  	v28 =	vmovc v7;
	v7 =	vimm.f32 $+Inf;
	[tilespmem:$0x1F390] =	vst v1;
	v39 =	vmul.f32 v37, v1;
	v1 =	vmul.f32 v40, v36  }
0x3ec: {  	v30 =	vmovc v11;
	v11 =	vimm.f32 $+Inf;
	v9 =	vmul.f32 v18, v2;
	[tilespmem:$0x1F340] =	vst v0;
	v0 =	vbroadcast v3, $0xF  }
0x3ed: {  	v56 =	vadd.f32 v47, v1;
	[tilespmem:$0x1F370] =	vst v2;
	v2 =	vmul.f32 v40, v8;
	v1 =	vmul.f32 v40, v4  }
0x3ee: {  	v36 =	vmul.f32 v18, v21;
	v21 =	vimm.f32 $+Inf;
	[tilespmem:$0x1F350] =	vst v0;
	v0 =	vmul.f32 v40, v33  }
0x3ef: {  	v8 =	vmul.f32 v40, v6;
	[tilespmem:$0x1F440] =	vst v4;
	v4 =	vadd.f32 v47, v2;
	v59 =	vadd.f32 v47, v1  }
0x3f0: {  	[tilespmem:$0x1F450] =	vst v27;
	v1 =	vmul.f32 v40, v26;
	v55 =	vadd.f32 v47, v0;
	v0 =	vmul.f32 v40, v29  }
0x3f1: {  	[tilespmem:$0x1F460] =	vst v22;
	v32 =	vmovc v13;
	v2 =	vimm.f32 $+Inf;
	v3 =	vmul.f32 v40, v13;
	v13 =	vimm.f32 $+Inf  }
0x3f2: {  	[tilespmem:$0x1F4C0] =	vst v19;
	v63 =	vadd.f32 v47, v1;
	v58 =	vadd.f32 v47, v0;
	v0 =	vmul.f32 v40, v22  }
0x3f3: {  	v31 =	vmovc v6;
	v1 =	vmul.f32 v40, v19;
	v6 =	vadd.f32 v47, v3;
	v19 =	vmul.f32 v40, v5  }
0x3f4: {  	[tilespmem:$0x1F480] =	vst v26;
	v3 =	vimm.f32 $+Inf;
	v61 =	vadd.f32 v47, v0;
	v0 =	vmul.f32 v40, v15  }
0x3f5: {  	[tilespmem:$0x1F490] =	vst v23;
	v27 =	vmovc v5;
	v33 =	vmovc v12;
	v5 =	vimm.f32 $+Inf;
	v12 =	vimm.f32 $+Inf;
	v1 =	vadd.f32 v47, v1  }
0x3f6: {  	s25 =	simm.s32 $0x40;
	[tilespmem:$0x1F4A0] =	vst v15;
	v29 =	vmovc v10;
	v15 =	vmul.f32 v40, v10;
	v10 =	vimm.f32 $+Inf;
	v0 =	vadd.f32 v47, v0  }
.LBB2_23:
0x3f7: {  	v25 =	vld [tilespmem:$0x1F180];
	_ =	sdelay $0x4  }
0x3f8: {  	v42 =	vadd.f32 v55, v42;
	v55 =	vmul.f32 v18, v25;
	v25 =	vld [tilespmem:$0x1F210];
	_ =	sdelay $0x4  }
0x3f9: {  	v39 =	vadd.f32 v56, v39;
	v56 =	vmul.f32 v37, v25;
	v25 =	vld [tilespmem:$0x1F170];
	_ =	sdelay $0x4  }
0x3fa: {  	v45 =	vadd.f32 v63, v45;
	v63 =	vmul.f32 v37, v25;
	v25 =	vld [tilespmem:$0x1F1B0];
	_ =	sdelay $0x4  }
0x3fb: {  	v0 =	vadd.f32 v0, v53;
	v53 =	vmul.f32 v37, v25;
	v25 =	vld [tilespmem:$0x1F1E0];
	_ =	sdelay $0x4  }
0x3fc: {  	v4 =	vadd.f32 v4, v54;
	v54 =	vmul.f32 v37, v25;
	v25 =	vld [tilespmem:$0x1F1C0];
	_ =	sdelay $0x4  }
0x3fd: {  	v44 =	vadd.f32 v58, v44;
	v58 =	vmul.f32 v18, v25;
	v25 =	vld [tilespmem:$0x1F1F0];
	_ =	sdelay $0x1  }
0x3fe: {  	v22 =	vld [tilespmem:$0x1F1A0];
	_ =	sdelay $0x1  }
0x3ff: {  	v23 =	vld [tilespmem:$0x1F270]  }
0x400: {  	v43 =	vadd.f32 v59, v43;
	v59 =	vmul.f32 v18, v25;
	v25 =	vld [tilespmem:$0x1F2C0];
	_ =	sdelay $0x1  }
0x401: {  	v16 =	vadd.f32 v47, v16;
	v8 =	vadd.f32 v47, v8;
	v40 =	vmul.f32 v40, v22;
	v22 =	vld [tilespmem:$0x1F220]  }
0x402: {  	v20 =	vadd.f32 v47, v20;
	v15 =	vadd.f32 v47, v15  }
0x403: {  	v19 =	vadd.f32 v47, v19;
	v40 =	vadd.f32 v47, v40;
	v47 =	vmul.f32 v37, v23;
	v23 =	vld [tilespmem:$0x1F240]  }
0x404: {  	v48 =	vadd.f32 v61, v48;
	v61 =	vmul.f32 v18, v25;
	v25 =	vld [tilespmem:$0x1F190]  }
0x405: {  	v19 =	vadd.f32 v19, v63  }
0x406: {  	v22 =	vmul.f32 v18, v22;
	v15 =	vadd.f32 v15, v56  }
0x407: {  	v19 =	vadd.f32 v19, v55  }
0x408: {  	v23 =	vmul.f32 v37, v23;
	v15 =	vadd.f32 v15, v22;
	v22 =	vld [tilespmem:$0x1F250]  }
0x409: {  	v19 =	vadd.f32 v19, v25;
	v25 =	vld [tilespmem:$0x1F1D0]  }
0x40a: {  	v16 =	vadd.f32 v16, v23;
	v23 =	vadd.f32 v40, v53;
	_ =	sdelay $0x1  }
0x40b: {  	v23 =	vadd.f32 v23, v58  }
0x40c: {  	v22 =	vmul.f32 v18, v22  }
0x40d: {  	v23 =	vadd.f32 v23, v25;
	v25 =	vld [tilespmem:$0x1F280]  }
0x40e: {  	v16 =	vadd.f32 v16, v22;
	v22 =	vld [tilespmem:$0x1F2A0];
	_ =	sdelay $0x3  }
0x40f: {  	v63 =	vmul.f32 v18, v25;
	v25 =	vld [tilespmem:$0x1F200]  }
0x410: {  	v20 =	vadd.f32 v20, v54;
	v18 =	vmul.f32 v18, v22;
	v22 =	vld [tilespmem:$0x1F230];
	_ =	sdelay $0x1  }
0x411: {  	v20 =	vadd.f32 v20, v59;
	_ =	sdelay $0x1  }
0x412: {  	v20 =	vadd.f32 v20, v25  }
0x413: {  	v15 =	vadd.f32 v15, v22;
	v22 =	vmin.f32 v19, v23  }
0x414: {  	v4 =	vadd.f32 v4, v18;
	v18 =	vmin.f32 v22, v20;
	v22 =	vld [tilespmem:$0x1F290]  }
0x415: {  	v8 =	vadd.f32 v8, v47;
	_ =	sdelay $0x1  }
0x416: {  	v8 =	vadd.f32 v8, v63;
	_ =	sdelay $0x1  }
0x417: {  	v8 =	vadd.f32 v8, v22;
	v22 =	vld [tilespmem:$0x1F2B0];
	_ =	sdelay $0x1  }
0x418: {  	v25 =	vld [tilespmem:$0x1F260];
	_ =	sdelay $0x2  }
0x419: {  	v4 =	vadd.f32 v4, v22;
	v22 =	vld [tilespmem:$0x1F2D0]  }
0x41a: {  	v6 =	vadd.f32 v6, v50  }
0x41b: {  	v16 =	vadd.f32 v16, v25;
	v25 =	vld [tilespmem:$0x1F2F0]  }
0x41c: {  	v1 =	vadd.f32 v1, v49;
	v6 =	vadd.f32 v6, v61;
	_ =	sdelay $0x1  }
0x41d: {  	v1 =	vadd.f32 v1, v36;
	v6 =	vadd.f32 v6, v22;
	v22 =	vld [tilespmem:$0x1F2E0];
	_ =	sdelay $0x1  }
0x41e: {  	v1 =	vadd.f32 v1, v25;
	v25 =	vld [tilespmem:$0x1F300]  }
0x41f: {  	v0 =	vadd.f32 v0, v38;
	_ =	sdelay $0x1  }
0x420: {  	v0 =	vadd.f32 v0, v22;
	v22 =	vadd.f32 v48, v35;
	_ =	sdelay $0x1  }
0x421: {  	v22 =	vadd.f32 v22, v25;
	v25 =	vld [tilespmem:$0x1F310];
	_ =	sdelay $0x2  }
0x422: {  	v34 =	vadd.f32 v45, v34;
	_ =	sdelay $0x1  }
0x423: {  	v50 =	vadd.f32 v34, v25;
	v25 =	vld [tilespmem:$0x1F320];
	_ =	sdelay $0x2  }
0x424: {  	v24 =	vadd.f32 v44, v24;
	_ =	sdelay $0x1  }
0x425: {  	v54 =	vadd.f32 v24, v25;
	v25 =	vld [tilespmem:$0x1F330]  }
0x426: {  	v18 =	vmin.f32 v18, v15  }
0x427: {  	v18 =	vmin.f32 v18, v16  }
0x428: {  	v44 =	vadd.f32 v43, v62;
	v18 =	vmin.f32 v18, v8  }
0x429: {  	v18 =	vmin.f32 v18, v4  }
0x42a: {  	v18 =	vmin.f32 v18, v6;
	v55 =	vadd.f32 v44, v25;
	v25 =	vld [tilespmem:$0x1F340]  }
0x42b: {  	v21 =	vmin.f32 v21, v19;
	v19 =	vld [tilespmem:$0x1F350];
	v40 =	vmin.f32 v18, v0  }
0x42c: {  	v35 =	vmin.f32 v40, v1  }
0x42d: {  	v35 =	vmin.f32 v35, v22;
	v24 =	vadd.f32 v42, v51  }
0x42e: {  	s26 =	sshra.s32 s25, $0x2;
	v9 =	vadd.f32 v39, v9;
	v47 =	vld [tilespmem:s24+$0x4200];
	v45 =	vmin.f32 v35, v50  }
0x42f: {  	v37 =	vld [tilespmem:s26+$0x1000];
	v56 =	vadd.f32 v24, v25;
	v24 =	vmin.f32 v45, v54  }
0x430: {  	v3 =	vmin.f32 v3, v20;
	v20 =	vld [tilespmem:$0x1F380];
	v19 =	vadd.f32 v9, v19;
	v9 =	vmin.f32 v24, v55  }
0x431: {  	v7 =	vmin.f32 v7, v23;
	v60 =	vmin.f32 v60, v8;
	v8 =	vld [tilespmem:$0x1F3F0];
	v23 =	vmin.f32 v9, v56  }
0x432: {  	v2 =	vmin.f32 v2, v15;
	v18 =	vld [tilespmem:s26+$0x2000];
	v15 =	vmin.f32 v23, v19  }
0x433: {  	v40 =	vld [tilespmem:s26+$0x0];
	v15 =	vmin.f32 v47, v15  }
0x434: {  	[tilespmem:s24+$0x4200] =	vst v15;
	v15 =	vld [tilespmem:$0x1F3C0];
	_ =	sdelay $0x2  }
0x435: {  	v62 =	vmul.f32 v18, v20;
	v20 =	vld [tilespmem:$0x1F390]  }
0x436: {  	v35 =	vmul.f32 v18, v8;
	v8 =	vld [tilespmem:$0x1F400]  }
0x437: {  	v34 =	vmul.f32 v18, v15;
	v15 =	vld [tilespmem:$0x1F3D0];
	_ =	sdelay $0x3  }
0x438: {  	v39 =	vmul.f32 v37, v20;
	v20 =	vld [tilespmem:$0x1F3A0]  }
0x439: {  	v43 =	vmul.f32 v37, v15;
	v15 =	vmul.f32 v40, v8;
	v8 =	vld [tilespmem:$0x1F4D0];
	_ =	sdelay $0x3  }
0x43a: {  	v24 =	vmul.f32 v18, v20;
	v20 =	vld [tilespmem:$0x1F3B0]  }
0x43b: {  	v53 =	vmul.f32 v37, v8;
	v8 =	vld [tilespmem:$0x1F460]  }
0x43c: {  	v52 =	vmin.f32 v52, v6;
	v6 =	vld [tilespmem:$0x1F430];
	_ =	sdelay $0x2  }
0x43d: {  	v46 =	vmin.f32 v46, v0;
	v0 =	vld [tilespmem:$0x1F470]  }
0x43e: {  	v42 =	vmul.f32 v37, v20;
	v20 =	vmul.f32 v40, v8;
	v8 =	vld [tilespmem:$0x1F4F0]  }
0x43f: {  	v36 =	vmul.f32 v18, v6;
	v6 =	vld [tilespmem:$0x1F450]  }
0x440: {  	v41 =	vmin.f32 v41, v1;
	v1 =	vld [tilespmem:$0x1F490]  }
0x441: {  	v57 =	vmin.f32 v57, v4;
	v4 =	vld [tilespmem:$0x1F410]  }
0x442: {  	v38 =	vmul.f32 v18, v0;
	v0 =	vld [tilespmem:$0x1F440]  }
0x443: {  	v14 =	vmin.f32 v14, v50;
	v50 =	vmul.f32 v37, v8;
	v8 =	vld [tilespmem:$0x1F4C0]  }
0x444: {  	v45 =	vmul.f32 v37, v6;
	v6 =	vld [tilespmem:$0x1F4B0]  }
0x445: {  	v48 =	vmul.f32 v37, v1;
	v1 =	vld [tilespmem:$0x1F420]  }
0x446: {  	v44 =	vmul.f32 v37, v4;
	v4 =	vld [tilespmem:$0x1F3E0]  }
0x447: {  	v9 =	vld [tilespmem:$0x1F360]  }
0x448: {  	v17 =	vmin.f32 v17, v22;
	v22 =	vmul.f32 v40, v8;
	v8 =	vld [tilespmem:$0x1F4A0]  }
0x449: {  	s24 =	smov.u32 s26;
	v49 =	vmul.f32 v37, v6;
	v6 =	vld [tilespmem:$0x1F480]  }
0x44a: {  	v26 =	vmul.f32 v40, v32;
	v47 =	vld [tilespmem:s24+$0x3000]  }
0x44b: {  	v5 =	vmin.f32 v5, v16;
	v16 =	vmul.f32 v40, v30;
	v0 =	vmul.f32 v40, v0  }
0x44c: {  	v1 =	vmul.f32 v40, v1;
	v51 =	vmul.f32 v18, v9;
	v9 =	vld [tilespmem:$0x1F370]  }
0x44d: {  	v10 =	vmin.f32 v10, v19;
	v4 =	vmul.f32 v40, v4;
	v23 =	vmul.f32 v40, v8;
	v8 =	vld [tilespmem:$0x1F4E0]  }
0x44e: {  	v13 =	vmin.f32 v13, v54;
	v12 =	vmin.f32 v12, v55;
	v54 =	vmul.f32 v37, v33  }
0x44f: {  	p0 =	sne.s32 s25, $0x3FC0;
	v11 =	vmin.f32 v11, v56;
	v6 =	vmul.f32 v40, v6;
	v55 =	vadd.f32 v47, v4  }
.Ltmp10:
0x450: {  	v19 =	vmul.f32 v40, v27;
	v58 =	vadd.f32 v47, v1;
	v59 =	vadd.f32 v47, v0;
	(pc) =	sbr.rel @p0 .LBB2_23-.Ltmp10, $4  }
0x451: {  	v9 =	vmul.f32 v18, v9;
	v63 =	vadd.f32 v47, v6;
	v6 =	vadd.f32 v47, v26  }
0x452: {  	v56 =	vadd.f32 v47, v15;
	v15 =	vmul.f32 v40, v29;
	v25 =	vmul.f32 v40, v8  }
0x453: {  	v61 =	vadd.f32 v47, v20;
	v20 =	vmul.f32 v40, v28;
	v1 =	vadd.f32 v47, v22  }
0x454: {  	s25 =	sadd.s32 $0x40, s25;
	v0 =	vadd.f32 v47, v23;
	v8 =	vmul.f32 v40, v31;
	v4 =	vadd.f32 v47, v25  }
0x455: {  	v22 =	vld [tilespmem:$0x1F1A0]  }
0x456: {  	v30 =	vld [tilespmem:$0x1F270]  }
0x457: {  	v31 =	vld [tilespmem:$0x1F240]  }
0x458: {  	v32 =	vld [tilespmem:$0x1F170]  }
0x459: {  	v16 =	vadd.f32 v47, v16;
	v33 =	vld [tilespmem:$0x1F1B0]  }
0x45a: {  	v20 =	vadd.f32 v47, v20;
	v25 =	vadd.f32 v55, v42;
	v42 =	vld [tilespmem:$0x1F180]  }
0x45b: {  	v23 =	vadd.f32 v47, v8;
	v8 =	vadd.f32 v56, v39;
	v39 =	vld [tilespmem:$0x1F1E0]  }
0x45c: {  	v15 =	vadd.f32 v47, v15;
	v19 =	vadd.f32 v47, v19;
	v22 =	vmul.f32 v40, v22;
	v40 =	vld [tilespmem:$0x1F210]  }
0x45d: {  	v26 =	vadd.f32 v58, v44;
	v27 =	vadd.f32 v59, v43;
	v43 =	vld [tilespmem:$0x1F1C0]  }
0x45e: {  	v28 =	vadd.f32 v61, v48;
	v29 =	vadd.f32 v63, v45;
	v44 =	vld [tilespmem:$0x1F220];
	v30 =	vmul.f32 v37, v30  }
0x45f: {  	v4 =	vadd.f32 v4, v54;
	v54 =	vld [tilespmem:$0x1F2C0];
	v31 =	vmul.f32 v37, v31;
	v32 =	vmul.f32 v37, v32  }
0x460: {  	v22 =	vadd.f32 v47, v22;
	v23 =	vadd.f32 v23, v30;
	v30 =	vmul.f32 v37, v39;
	v47 =	vld [tilespmem:$0x1F250]  }
0x461: {  	v45 =	vld [tilespmem:$0x1F1F0];
	v0 =	vadd.f32 v0, v53;
	v16 =	vadd.f32 v16, v31;
	v31 =	vmul.f32 v37, v40  }
0x462: {  	v53 =	vld [tilespmem:$0x1F280];
	v19 =	vadd.f32 v19, v32;
	v20 =	vadd.f32 v20, v30;
	v30 =	vmul.f32 v18, v42  }
0x463: {  	v1 =	vadd.f32 v1, v49;
	v48 =	vld [tilespmem:$0x1F190];
	v15 =	vadd.f32 v15, v31;
	v31 =	vmul.f32 v18, v44  }
0x464: {  	v6 =	vadd.f32 v6, v50;
	v49 =	vld [tilespmem:$0x1F1D0];
	v33 =	vmul.f32 v37, v33;
	v19 =	vadd.f32 v19, v30  }
0x465: {  	v55 =	vld [tilespmem:$0x1F2A0];
	v30 =	vmul.f32 v18, v47;
	v15 =	vadd.f32 v15, v31;
	v31 =	vmul.f32 v18, v54  }
0x466: {  	v61 =	vld [tilespmem:$0x1F290];
	v1 =	vadd.f32 v1, v36;
	v32 =	vmul.f32 v18, v43;
	v22 =	vadd.f32 v22, v33  }
0x467: {  	v16 =	vadd.f32 v16, v30;
	v30 =	vmul.f32 v18, v53;
	v6 =	vadd.f32 v6, v31;
	v31 =	vld [tilespmem:$0x1F2E0]  }
0x468: {  	v50 =	vld [tilespmem:$0x1F200];
	v24 =	vadd.f32 v26, v24;
	v22 =	vadd.f32 v22, v32  }
0x469: {  	v32 =	vadd.f32 v29, v34;
	v34 =	vld [tilespmem:$0x1F300];
	v23 =	vadd.f32 v23, v30  }
0x46a: {  	v58 =	vld [tilespmem:$0x1F230];
	v27 =	vadd.f32 v27, v62;
	v0 =	vadd.f32 v0, v38  }
0x46b: {  	v59 =	vld [tilespmem:$0x1F260];
	v56 =	vmul.f32 v18, v55;
	v33 =	vmul.f32 v18, v45;
	v18 =	vadd.f32 v23, v61  }
0x46c: {  	v30 =	vld [tilespmem:$0x1F2D0];
	v23 =	vadd.f32 v0, v31;
	v0 =	vadd.f32 v28, v35  }
0x46d: {  	v63 =	vld [tilespmem:$0x1F2B0];
	v20 =	vadd.f32 v20, v33;
	v19 =	vadd.f32 v19, v48  }
0x46e: {  	v22 =	vadd.f32 v22, v49;
	v26 =	vadd.f32 v0, v34;
	v0 =	vld [tilespmem:$0x1F310]  }
0x46f: {  	v4 =	vadd.f32 v4, v56;
	v33 =	vld [tilespmem:$0x1F2F0];
	v20 =	vadd.f32 v20, v50  }
0x470: {  	v21 =	vmin.f32 v21, v19;
	v19 =	vmin.f32 v19, v22;
	v15 =	vadd.f32 v15, v58  }
0x471: {  	v16 =	vadd.f32 v16, v59;
	v19 =	vmin.f32 v19, v20;
	v6 =	vadd.f32 v6, v30;
	v30 =	vld [tilespmem:$0x1FFC0]  }
0x472: {  	v4 =	vadd.f32 v4, v63;
	v7 =	vmin.f32 v7, v22;
	v19 =	vmin.f32 v19, v15  }
0x473: {  	v3 =	vmin.f32 v3, v20;
	v19 =	vmin.f32 v19, v16;
	v28 =	vadd.f32 v32, v0;
	v0 =	vld [tilespmem:$0x1F320]  }
0x474: {  	v1 =	vadd.f32 v1, v33;
	v2 =	vmin.f32 v2, v15;
	v19 =	vmin.f32 v19, v18  }
0x475: {  	v5 =	vmin.f32 v5, v16;
	v18 =	vmin.f32 v60, v18;
	v19 =	vmin.f32 v19, v4  }
0x476: {  	v4 =	vmin.f32 v57, v4;
	v19 =	vmin.f32 v19, v6;
	v35 =	vperm.xlane v21, v30  }
0x477: {  	v6 =	vmin.f32 v52, v6;
	v37 =	vperm.xlane v7, v30;
	v40 =	vperm.xlane v3, v30  }
0x478: {  	v43 =	vperm.xlane v2, v30;
	v0 =	vadd.f32 v24, v0;
	v24 =	vadd.f32 v25, v51;
	v25 =	vld [tilespmem:$0x1FFD0]  }
0x479: {  	v53 =	vmin.f32 v46, v23;
	v50 =	vperm.xlane v5, v30;
	v54 =	vperm.xlane v18, v30  }
0x47a: {  	v17 =	vmin.f32 v17, v26;
	v56 =	vperm.xlane v4, v30;
	v61 =	vperm.xlane v6, v30  }
0x47b: {  	v29 =	vld [tilespmem:$0x1FFE0];
	v21 =	vmin.f32 v21, v35;
	v7 =	vmin.f32 v7, v37;
	v3 =	vmin.f32 v3, v40  }
0x47c: {  	v2 =	vmin.f32 v2, v43;
	v5 =	vmin.f32 v5, v50;
	v37 =	vperm.xlane v17, v30  }
0x47d: {  	v4 =	vmin.f32 v4, v56;
	v51 =	vmin.f32 v19, v23;
	v36 =	vperm.xlane v21, v25  }
0x47e: {  	v31 =	vld [tilespmem:$0x1FFF0];
	v6 =	vmin.f32 v6, v61;
	v40 =	vmin.f32 v17, v37;
	v16 =	vmin.f32 v51, v1  }
0x47f: {  	v1 =	vmin.f32 v41, v1;
	v20 =	vperm.xlane v7, v25;
	v38 =	vmin.f32 v21, v36  }
0x480: {  	v41 =	vadd.f32 v8, v9;
	v16 =	vmin.f32 v16, v26;
	v39 =	vperm.xlane v38, v29  }
0x481: {  	v48 =	vld [tilespmem:$0x1FC20];
	v32 =	vperm.xlane v1, v30;
	v44 =	vperm.xlane v3, v25;
	v7 =	vmin.f32 v7, v20  }
0x482: {  	v16 =	vmin.f32 v16, v28;
	v20 =	vperm.xlane v7, v29;
	v15 =	vmin.f32 v38, v39  }
0x483: {  	v47 =	vperm.xlane v2, v25;
	v3 =	vmin.f32 v3, v44;
	v42 =	vperm.xlane v15, v31  }
0x484: {  	v22 =	vperm.xlane v5, v25;
	v49 =	vperm.xlane v3, v29;
	v7 =	vmin.f32 v7, v20  }
0x485: {  	v2 =	vmin.f32 v2, v47;
	v45 =	vperm.xlane v7, v31;
	v15 =	vclamp.gez.f32 v15, v42  }
0x486: {  	v5 =	vmin.f32 v5, v22;
	v52 =	vperm.xlane v2, v29;
	v15 =	vadd.f32 v15, v48  }
0x487: {  	v55 =	vperm.xlane v5, v29;
	v3 =	vmin.f32 v3, v49;
	v7 =	vclamp.gez.f32 v7, v45  }
0x488: {  	v21 =	vperm.xlane v3, v31;
	v7 =	vadd.f32 v7, v15;
	v15 =	vmin.f32 v18, v54  }
0x489: {  	v59 =	vperm.xlane v4, v25;
	v2 =	vmin.f32 v2, v52;
	v57 =	vperm.xlane v15, v25  }
0x48a: {  	v5 =	vmin.f32 v5, v55;
	v19 =	vperm.xlane v2, v31;
	v3 =	vclamp.gez.f32 v3, v21  }
0x48b: {  	v58 =	vperm.xlane v5, v31;
	v3 =	vadd.f32 v3, v7;
	v7 =	vmin.f32 v15, v57  }
0x48c: {  	v1 =	vmin.f32 v1, v32;
	v2 =	vclamp.gez.f32 v2, v19;
	v60 =	vperm.xlane v7, v29  }
0x48d: {  	v34 =	vperm.xlane v1, v25;
	v43 =	vperm.xlane v40, v25;
	v2 =	vadd.f32 v2, v3  }
0x48e: {  	v4 =	vmin.f32 v4, v59;
	v3 =	vclamp.gez.f32 v5, v58;
	v62 =	vmin.f32 v7, v60  }
0x48f: {  	v22 =	vperm.xlane v53, v30;
	v2 =	vadd.f32 v3, v2;
	v3 =	vperm.xlane v62, v31  }
0x490: {  	v1 =	vmin.f32 v1, v34;
	v44 =	vmin.f32 v14, v28;
	v21 =	vperm.xlane v6, v25  }
0x491: {  	v63 =	vperm.xlane v4, v29;
	v7 =	vmin.f32 v53, v22;
	v3 =	vclamp.gez.f32 v62, v3  }
0x492: {  	v6 =	vmin.f32 v6, v21;
	v2 =	vadd.f32 v3, v2;
	v3 =	vperm.xlane v7, v25  }
0x493: {  	v35 =	vld [tilespmem:$0x1F330];
	v47 =	vmin.f32 v13, v0;
	v4 =	vmin.f32 v4, v63;
	v15 =	vperm.xlane v6, v29  }
0x494: {  	v39 =	vperm.xlane v1, v29;
	v23 =	vperm.xlane v4, v31;
	v3 =	vmin.f32 v7, v3  }
0x495: {  	v14 =	vperm.xlane v44, v30;
	v45 =	vld [tilespmem:$0x1F340];
	v33 =	vmin.f32 v6, v15;
	v36 =	vperm.xlane v3, v29  }
0x496: {  	v1 =	vmin.f32 v1, v39;
	v4 =	vclamp.gez.f32 v4, v23;
	v6 =	vperm.xlane v33, v31  }
0x497: {  	v46 =	vld [tilespmem:$0x1F350];
	v5 =	vperm.xlane v1, v31;
	v2 =	vadd.f32 v4, v2;
	v3 =	vmin.f32 v3, v36  }
0x498: {  	v15 =	vadd.f32 v27, v35;
	v38 =	vclamp.gez.f32 v33, v6;
	v42 =	vperm.xlane v3, v31  }
0x499: {  	v1 =	vclamp.gez.f32 v1, v5;
	v6 =	vmin.f32 v40, v43;
	v2 =	vadd.f32 v38, v2  }
0x49a: {  	v8 =	vadd.f32 v24, v45;
	v9 =	vperm.xlane v6, v29;
	v3 =	vclamp.gez.f32 v3, v42  }
0x49b: {  	v12 =	vmin.f32 v12, v15;
	v4 =	vmin.f32 v44, v14;
	v2 =	vadd.f32 v3, v2  }
0x49c: {  	v7 =	vadd.f32 v41, v46;
	v48 =	vperm.xlane v4, v25;
	v3 =	vmin.f32 v6, v9  }
0x49d: {  	v6 =	vperm.xlane v3, v31;
	v1 =	vadd.f32 v1, v2;
	v2 =	vperm.xlane v47, v30  }
0x49e: {  	v11 =	vmin.f32 v11, v8;
	v50 =	vperm.xlane v12, v30;
	v51 =	vmin.f32 v10, v7  }
0x49f: {  	v4 =	vmin.f32 v4, v48;
	v3 =	vclamp.gez.f32 v3, v6;
	v2 =	vmin.f32 v47, v2  }
0x4a0: {  	v49 =	vperm.xlane v4, v29;
	v1 =	vadd.f32 v3, v1;
	v3 =	vperm.xlane v2, v25  }
0x4a1: {  	v52 =	vperm.xlane v11, v30;
	v5 =	vmin.f32 v12, v50;
	v55 =	vperm.xlane v51, v30  }
0x4a2: {  	v4 =	vmin.f32 v4, v49;
	v2 =	vmin.f32 v2, v3;
	v3 =	vperm.xlane v5, v25  }
0x4a3: {  	v53 =	vperm.xlane v4, v31;
	v6 =	vmin.f32 v11, v52;
	v54 =	vperm.xlane v2, v29  }
0x4a4: {  	v9 =	vmin.f32 v51, v55;
	v56 =	vperm.xlane v6, v25;
	v3 =	vmin.f32 v5, v3  }
0x4a5: {  	v59 =	vperm.xlane v9, v25;
	v2 =	vmin.f32 v2, v54;
	v57 =	vperm.xlane v3, v29  }
0x4a6: {  	v4 =	vclamp.gez.f32 v4, v53;
	v5 =	vmin.f32 v6, v56;
	v58 =	vperm.xlane v2, v31  }
0x4a7: {  	v1 =	vadd.f32 v4, v1;
	v60 =	vperm.xlane v5, v29;
	v3 =	vmin.f32 v3, v57  }
0x4a8: {  	v6 =	vmin.f32 v9, v59;
	v2 =	vclamp.gez.f32 v2, v58;
	v61 =	vperm.xlane v3, v31  }
0x4a9: {  	s23 =	sadd.s32 $0x1, s23;
	v62 =	vperm.xlane v6, v29;
	v4 =	vmin.f32 v5, v60;
	v1 =	vadd.f32 v2, v1;
	v2 =	vld [tilespmem:s24+$0x4200]  }
0x4aa: {  	p0 =	sne.s32 s23, $0x8;
	v0 =	vmin.f32 v16, v0;
	v63 =	vperm.xlane v4, v31;
	v3 =	vclamp.gez.f32 v3, v61  }
.Ltmp11:
0x4ab: {  	v0 =	vmin.f32 v0, v15;
	v1 =	vadd.f32 v3, v1;
	v3 =	vmin.f32 v6, v62;
	(pc) =	sbr.rel @p0 .LBB2_22-.Ltmp11, $4  }
0x4ac: {  	v0 =	vmin.f32 v0, v8;
	v4 =	vclamp.gez.f32 v4, v63;
	v5 =	vperm.xlane v3, v31  }
0x4ad: {  	v0 =	vmin.f32 v0, v7;
	v1 =	vadd.f32 v4, v1  }
0x4ae: {  	v0 =	vmin.f32 v2, v0;
	v2 =	vclamp.gez.f32 v3, v5  }
0x4af: {  	[tilespmem:s24+$0x4200] =	vst v0;
	v1 =	vadd.f32 v2, v1  }
0x4b0: {  	[hbm4b:s8+s19] =	stream.strided.scatter [tilespmem:s21], [sflag:$0x1], $0x1000, s20, s19, $0x38;
	[tilespmem:$0x5280] =	vst v63  }
0x4b1: {  	_ =	swait.ge [sflag:s11], $0x1000  }
0x4b2: {  	s22 =	sadd.s32 $0x1, s22;
	[sflag:s11] =	ssyncset.done $0x0  }
0x4b3: {  	p0 =	sne.s32 s22, s10;
	[sflag:s11] =	ssyncadd.s32 $0xFFFFF000  }
.Ltmp12:
0x4b4: {  	s23 =	simm.s32 $0x5200;
	[tilespmem:$0x5200] =	vst v1;
	(pc) =	sbr.rel @p0 .LBB2_1-.Ltmp12, $4  }
0x4b5: {  	[hbm4b:s9+s2] =	stream.linear.scatter [tilespmem:s23], [sflag:$0x1], $0x80, $0x38;
	[tilespmem:$0x5280] =	vst v63  }
0x4b6: {  	_ =	swait.ge [sflag:s11], $0x80  }
0x4b7: {  	[sflag:s11] =	ssyncset.done $0x0  }
0x4b8: {  	v5 =	vimm.f32 $+Inf;
	[sflag:s11] =	ssyncadd.s32 $0xFFFFFF80  }
0x4b9: {  	_ =	sfence.sel $0x180000  }
0x4ba: {  	[bflag:$0x0] =	sbarrier.arrive $0xFFFF  }
0x4bb: {  	_ =	strace $0x90000047  }
0x4bc: {  	s0 =	stileid.u32;
	[bflag:$0x2] =	sbarrier.arrive $0xFFFF  }
0x4bd: {  	p0 =	sne.s32 s0, $0x0;
	s0 =	rddreg [dreg:$0x1]  }
0x4be: {  	s0 =	sadd.s32 @!p0 $0x100000, s0  }
0x4bf: {  	[sflag:s0] =	ssyncadd.tile.s32 @!p0 $0x1;
	_ =	shalt  }
.Lfunc_end2:
_tile_overlayer_lowered:
.L_overlay_start_2:
0x4c0: {  	(tag) =	ssettag $0x2  }
0x4c1: {  	s0 =	rddreg [dreg:$0x0];
	s2 =	stileid.u32  }
0x4c2: {  	s1 =	rddreg [dreg:$0x1];
	p0 =	sne.s32 s2, $0x0  }
0x4c3: {  	s3 =	rddreg [dreg:$0x2];
	[bflag:$0x3] =	sbarrier.arrive $0xFFFF;
	s2 =	simm.s32 @!p0 $0x1C01  }
0x4c4: {  	[timem:s3], [sflag:s2] =	dma.local @!p0 [hbm:s0], s1  }
0x4c5: {  	s0 =	simm.s32 @!p0 $0x1  }
0x4c6: {  	_ =	swait.ge @!p0 [sflag:s0], s1  }
0x4c7: {  	s1 =	ssub.s32 @!p0 $0x0, s1;
	[sflag:s0] =	ssyncset.done @!p0 $0x0  }
0x4c8: {  	[sflag:s0] =	ssyncadd.s32 @!p0 s1  }
0x4c9: {  	[bflag:$0x3] =	sbarrier.arrive $0xFFFF  }
0x4ca: {  	_ =	shalt  }

</sc_bundles>
